<compile_context>
chip_gen: v7x
topology: tpu7x:2x2x1
jax: 0.10.2.dev20260603
libtpu: 0.0.44.dev20260713+nightly
codegen_flags: <defaults>
</compile_context>

<pallas_src>
import functools
import numpy as np
import jax
import jax.numpy as jnp
from jax import lax
from jax.experimental import pallas as pl
from jax.experimental.pallas import tpu as pltpu
from jax.experimental.pallas import tpu_sc as plsc

NH = 8
CUTOFF = 5.0

NC = 2
NS = 16
NW = NC * NS


def _silu(a):
    return a * jax.nn.sigmoid(a)


def _pack_slab(x128):
    u = lax.bitcast_convert_type(x128.astype(jnp.bfloat16), jnp.uint16)
    u = u.astype(jnp.uint32)
    p = u[:, :64] | (u[:, 64:] << 16)
    return lax.bitcast_convert_type(p, jnp.float32)


def _unpack_slab(p64):
    w = lax.bitcast_convert_type(p64, jnp.int32)
    lo = lax.bitcast_convert_type(w << 16, jnp.float32)
    hi = lax.bitcast_convert_type(w & jnp.int32(-65536), jnp.float32)
    return jnp.concatenate([lo, hi], axis=1)


def _tc1a_body(xb, tb, nab, vc0, vc1, vc2, wxT, wtr, wnT, b1, w2T, b2, g, bb,
               qwT, qb, kwT, kb, vwT, vb, wv1T, wv2T, wv3T,
               q_o, sp_o, vdot_o, v3o0, v3o1, v3o2):
    f32 = jnp.float32
    h1 = _silu(jnp.dot(xb[...], wxT[...], preferred_element_type=f32)
               + tb[...] * wtr[...]
               + jnp.dot(nab[...], wnT[...], preferred_element_type=f32)
               + b1[...])
    h2 = jnp.dot(h1, w2T[...], preferred_element_type=f32) + b2[...]
    mu = jnp.mean(h2, axis=-1, keepdims=True)
    var = jnp.mean((h2 - mu) ** 2, axis=-1, keepdims=True)
    h = (h2 - mu) * jax.lax.rsqrt(var + 1e-5) * g[...] + bb[...]
    q_o[...] = jnp.dot(h, qwT[...], preferred_element_type=f32) + qb[...]
    sp_o[:, 0:64] = _pack_slab(jnp.dot(h, kwT[...], preferred_element_type=f32) + kb[...])
    v = jnp.dot(h, vwT[...], preferred_element_type=f32) + vb[...]
    sp_o[:, 64:128] = _pack_slab(v[:, 0:128])
    sp_o[:, 128:192] = _pack_slab(v[:, 128:256])
    sp_o[:, 192:256] = _pack_slab(v[:, 256:384])
    sp_o[:, 256:320] = _pack_slab(vc0[...])
    sp_o[:, 320:384] = _pack_slab(vc1[...])
    sp_o[:, 384:448] = _pack_slab(vc2[...])
    sp_o[:, 448:512] = jnp.zeros_like(v[:, 0:64])
    w1 = wv1T[...]
    w2v = wv2T[...]
    w3 = wv3T[...]
    vdot = None
    for vc, v3o in ((vc0, v3o0), (vc1, v3o1), (vc2, v3o2)):
        vcb = vc[...]
        p1 = jnp.dot(vcb, w1, preferred_element_type=f32)
        p2 = jnp.dot(vcb, w2v, preferred_element_type=f32)
        v3o[...] = jnp.dot(vcb, w3, preferred_element_type=f32)
        vdot = p1 * p2 if vdot is None else vdot + p1 * p2
    vdot_o[...] = vdot


def _tc2_body(fb, wd, bd, qg_r, spg,
              rb, d0, d1, d2, xm_o, vm0_o, vm1_o, vm2_o):
    f32 = jnp.float32
    dkv = _silu(jnp.dot(fb[...], wd[...], preferred_element_type=f32) + bd[...])
    dk = dkv[:, 0:128]
    dvx = dkv[:, 128:256]
    dv1 = dkv[:, 256:384]
    dv2 = dkv[:, 384:512]
    sg = spg[...]
    qg = qg_r[...]
    kg = _unpack_slab(sg[:, 0:64])
    vx = _unpack_slab(sg[:, 64:128])
    vm1 = _unpack_slab(sg[:, 128:192])
    vm2 = _unpack_slab(sg[:, 192:256])
    vc0 = _unpack_slab(sg[:, 256:320])
    vc1 = _unpack_slab(sg[:, 320:384])
    vc2 = _unpack_slab(sg[:, 384:448])
    hs = (lax.broadcasted_iota(jnp.int32, (128, NH), 0) // 16
          == lax.broadcasted_iota(jnp.int32, (128, NH), 1)).astype(f32)
    p = qg * kg * dk
    attn = jnp.dot(p, hs, preferred_element_type=f32)
    r = rb[...]
    cut = 0.5 * (jnp.cos(r * (np.pi / CUTOFF)) + 1.0)
    cut = jnp.where(r < CUTOFF, cut, 0.0)
    a8 = _silu(attn) * cut
    ab = jnp.dot(a8, hs.T, preferred_element_type=f32)
    xm_o[...] = vx * dvx * ab
    m1 = vm1 * dv1
    m2 = vm2 * dv2
    vm0_o[...] = vc0 * m1 + m2 * d0[...]
    vm1_o[...] = vc1 * m1 + m2 * d1[...]
    vm2_o[...] = vc2 * m1 + m2 * d2[...]


def _tc3_body(xp, vp0, vp1, vp2, v30, v31, v32, vdotb, owT, obr,
              dx_o, dvec_o):
    f32 = jnp.float32
    xa = xp[0] + xp[1]
    o = jnp.dot(xa, owT[...], preferred_element_type=f32) + obr[...]
    o1 = o[:, 0:128]
    o2 = o[:, 128:256]
    o3 = o[:, 256:384]
    dvec_o[:, 0, :] = v30[...] * o1 + (vp0[0] + vp0[1])
    dvec_o[:, 1, :] = v31[...] * o1 + (vp1[0] + vp1[1])
    dvec_o[:, 2, :] = v32[...] * o1 + (vp2[0] + vp2[1])
    dx_o[...] = vdotb[...] * o2 + o3


def _make_sc_gather(E, Bg):
    EW = E // NW
    nch = EW // Bg
    mesh = plsc.VectorSubcoreMesh(core_axis_name="c", subcore_axis_name="s",
                                  num_cores=NC, num_subcores=NS)

    @functools.partial(
        pl.kernel,
        out_type=[
            jax.ShapeDtypeStruct((E, 128), jnp.float32),
            jax.ShapeDtypeStruct((E, 512), jnp.float32),
        ],
        mesh=mesh,
        scratch_types=[
            pltpu.VMEM((EW,), jnp.int32),
            pltpu.VMEM((EW,), jnp.int32),
            pltpu.VMEM((2, Bg, 128), jnp.float32),
            pltpu.VMEM((2, Bg, 512), jnp.float32),
            pltpu.SemaphoreType.DMA,
            pltpu.SemaphoreType.DMA,
            pltpu.SemaphoreType.DMA,
            pltpu.SemaphoreType.DMA,
        ],
    )
    def sc_gather(q_hbm, sp_hbm, src_v, dst_v,
                  qg_o, spg_o, idxs, idxd, bq, bsp,
                  gsem0, gsem1, wsem0, wsem1):
        c = lax.axis_index("c")
        s = lax.axis_index("s")
        wid = s * NC + c
        ebase = wid * EW

        def fire_gathers(j, p, gsem):
            ds_d = idxd.at[pl.ds(j * Bg, Bg)]
            ds_s = idxs.at[pl.ds(j * Bg, Bg)]
            pltpu.async_copy(q_hbm.at[ds_d], bq.at[p], gsem)
            pltpu.async_copy(sp_hbm.at[ds_s], bsp.at[p], gsem)

        def wait_gathers(j, p, gsem):
            ds_d = idxd.at[pl.ds(j * Bg, Bg)]
            ds_s = idxs.at[pl.ds(j * Bg, Bg)]
            pltpu.make_async_copy(q_hbm.at[ds_d], bq.at[p], gsem).wait()
            pltpu.make_async_copy(sp_hbm.at[ds_s], bsp.at[p], gsem).wait()

        def fire_writebacks(j, p, wsem):
            gb = ebase + j * Bg
            pltpu.async_copy(bq.at[p], qg_o.at[pl.ds(gb, Bg)], wsem)
            pltpu.async_copy(bsp.at[p], spg_o.at[pl.ds(gb, Bg)], wsem)

        def drain_writebacks(j, p, wsem):
            gb = ebase + j * Bg
            pltpu.make_async_copy(bq.at[p], qg_o.at[pl.ds(gb, Bg)], wsem).wait()
            pltpu.make_async_copy(bsp.at[p], spg_o.at[pl.ds(gb, Bg)], wsem).wait()

        pltpu.sync_copy(src_v.at[pl.ds(ebase, EW)], idxs)
        pltpu.sync_copy(dst_v.at[pl.ds(ebase, EW)], idxd)
        fire_gathers(0, 0, gsem0)

        def it(i, carry):
            j0 = 2 * i
            j1 = j0 + 1

            @pl.when(i > 0)
            def _():
                drain_writebacks(j0 - 1, 1, wsem1)

            fire_gathers(j1, 1, gsem1)
            wait_gathers(j0, 0, gsem0)
            fire_writebacks(j0, 0, wsem0)

            drain_writebacks(j0, 0, wsem0)

            @pl.when(j1 + 1 < nch)
            def _():
                fire_gathers(j1 + 1, 0, gsem0)

            wait_gathers(j1, 1, gsem1)
            fire_writebacks(j1, 1, wsem1)
            return carry

        lax.fori_loop(0, nch // 2, it, 0)
        if nch % 2 == 1:
            jlast = nch - 1
            wait_gathers(jlast, 0, gsem0)
            fire_writebacks(jlast, 0, wsem0)
            drain_writebacks(jlast, 0, wsem0)
            drain_writebacks(nch - 2, 1, wsem1)
        else:
            drain_writebacks(nch - 1, 1, wsem1)

    return sc_gather


def _make_sc_scatter(E, N_PAD, Bs):
    EW = E // NW
    nch = EW // Bs
    rows_per_sub = N_PAD // NS
    mesh = plsc.VectorSubcoreMesh(core_axis_name="c", subcore_axis_name="s",
                                  num_cores=NC, num_subcores=NS)
    out_sh = jax.ShapeDtypeStruct((NC, N_PAD, 128), jnp.float32)

    @functools.partial(
        pl.kernel,
        out_type=[out_sh, out_sh, out_sh, out_sh],
        mesh=mesh,
        scratch_types=[
            pltpu.VMEM((nch, Bs), jnp.int32),
            pltpu.VMEM((2, Bs, 128), jnp.float32),
            pltpu.VMEM_SHARED((N_PAD, 128), jnp.float32),
            pltpu.SemaphoreType.DMA,
            pltpu.SemaphoreType.DMA,
            pltpu.SemaphoreType.DMA,
            pltpu.SemaphoreType.DMA,
        ],
    )
    def sc_scatter(m0, m1, m2, m3, dst_w, zeros_hbm,
                   o0, o1, o2, o3, idxa, msgb, acc,
                   lsem0, lsem1, ssem0, ssem1):
        c = lax.axis_index("c")
        s = lax.axis_index("s")
        wid = s * NC + c
        ebase = wid * EW
        row0 = s * rows_per_sub
        msgs = (m0, m1, m2, m3)
        outs = (o0, o1, o2, o3)
        pltpu.sync_copy(dst_w.at[wid], idxa)

        def accumulate(mg, idxr):
            def load(j, p, lsem):
                pltpu.async_copy(mg.at[pl.ds(ebase + j * Bs, Bs)],
                                 msgb.at[p], lsem)

            def wait_load(j, p, lsem):
                pltpu.make_async_copy(mg.at[pl.ds(ebase + j * Bs, Bs)],
                                      msgb.at[p], lsem).wait()

            def fire_add(j, p, ssem):
                pltpu.async_copy(msgb.at[p], acc.at[idxr.at[j]], ssem,
                                 add=True)

            def drain_add(j, p, ssem):
                pltpu.make_async_copy(msgb.at[p], acc.at[idxr.at[j]],
                                      ssem).wait()

            load(0, 0, lsem0)

            def it(i, carry):
                j0 = 2 * i
                j1 = j0 + 1

                @pl.when(i > 0)
                def _():
                    drain_add(j0 - 1, 1, ssem1)

                load(j1, 1, lsem1)
                wait_load(j0, 0, lsem0)
                fire_add(j0, 0, ssem0)

                drain_add(j0, 0, ssem0)

                @pl.when(j1 + 1 < nch)
                def _():
                    load(j1 + 1, 0, lsem0)

                wait_load(j1, 1, lsem1)
                fire_add(j1, 1, ssem1)
                return carry

            lax.fori_loop(0, nch // 2, it, 0)
            if nch % 2 == 1:
                jlast = nch - 1
                wait_load(jlast, 0, lsem0)
                fire_add(jlast, 0, ssem0)
                drain_add(jlast, 0, ssem0)
                drain_add(nch - 2, 1, ssem1)
            else:
                drain_add(nch - 1, 1, ssem1)

        for g in range(4):
            pltpu.sync_copy(zeros_hbm.at[pl.ds(row0, rows_per_sub)],
                            acc.at[pl.ds(row0, rows_per_sub)])
            plsc.subcore_barrier()
            accumulate(msgs[g], idxa)
            plsc.subcore_barrier()
            pltpu.sync_copy(acc.at[pl.ds(row0, rows_per_sub)],
                            outs[g].at[c, pl.ds(row0, rows_per_sub)])
            plsc.subcore_barrier()

    return sc_scatter


def kernel(x, vec, edge_index, r_ij, f_ij, d_ij, t, node_attr,
           mix_w1, mix_b1, mix_w2, mix_b2, ln_g, ln_b,
           q_w, q_b, k_w, k_b, v_w, v_b, o_w, o_b, vec_w,
           dk_w, dk_b, dv_w, dv_b):
    f32 = jnp.float32
    N, H = x.shape
    E = r_ij.shape[0]
    NRBF = f_ij.shape[1]
    TN = 1000
    TE = 1280
    Bg = 80
    Bs = 80

    idx = np.arange(3 * H)
    perm = (idx % H // 16) * 48 + (idx // H) * 16 + (idx % 16)
    v_wp = v_w[perm]
    v_bp = v_b[perm]
    dv_wp = dv_w[perm]
    dv_bp = dv_b[perm]

    row = lambda b: b.reshape(1, -1)
    wxT = mix_w1[:, :H].T
    wtr = mix_w1[:, H].reshape(1, H)
    wnT = mix_w1[:, H + 1:].T
    wd = jnp.concatenate([dk_w, dv_wp], axis=0).T
    bd = jnp.concatenate([dk_b, dv_bp]).reshape(1, 512)

    vec_c = [vec[:, c, :] for c in range(3)]
    src = edge_index[0]
    dst = edge_index[1]
    dst_w = dst.reshape(NW, E // (NW * Bs), Bs)
    N_PAD = ((N // NS + 7) // 8 * 8) * NS
    r2 = r_ij.reshape(E, 1)
    d0 = d_ij[:, 0].reshape(E, 1)
    d1 = d_ij[:, 1].reshape(E, 1)
    d2 = d_ij[:, 2].reshape(E, 1)

    full = lambda sh: pl.BlockSpec(sh, lambda i: (0,) * len(sh))
    nblk = lambda w: pl.BlockSpec((TN, w), lambda i: (i, 0))

    q, sp, vdot, v30, v31, v32 = pl.pallas_call(
        _tc1a_body,
        grid=(N // TN,),
        in_specs=[
            nblk(H), nblk(1), nblk(H), nblk(H), nblk(H), nblk(H),
            full((H, H)), full((1, H)), full((H, H)), full((1, H)),
            full((H, H)), full((1, H)), full((1, H)), full((1, H)),
            full((H, H)), full((1, H)), full((H, H)), full((1, H)),
            full((H, 3 * H)), full((1, 3 * H)),
            full((H, H)), full((H, H)), full((H, H)),
        ],
        out_specs=[nblk(H), nblk(512),
                   nblk(H), nblk(H), nblk(H), nblk(H)],
        out_shape=[
            jax.ShapeDtypeStruct((N, H), f32),
            jax.ShapeDtypeStruct((N, 512), f32),
            jax.ShapeDtypeStruct((N, H), f32),
            jax.ShapeDtypeStruct((N, H), f32),
            jax.ShapeDtypeStruct((N, H), f32),
            jax.ShapeDtypeStruct((N, H), f32),
        ],
    )(x, t, node_attr, vec_c[0], vec_c[1], vec_c[2],
      wxT, wtr, wnT, row(mix_b1), mix_w2.T, row(mix_b2), row(ln_g), row(ln_b),
      q_w.T, row(q_b), k_w.T, row(k_b), v_wp.T, row(v_bp),
      vec_w[:H].T, vec_w[H:2 * H].T, vec_w[2 * H:].T)

    qg, spg = _make_sc_gather(E, Bg)(q, sp, src, dst)

    eblk = lambda w: pl.BlockSpec((TE, w), lambda i: (i, 0))
    xm, vm0, vm1, vm2 = pl.pallas_call(
        _tc2_body,
        grid=(E // TE,),
        in_specs=[
            eblk(NRBF),
            full((NRBF, 512)), full((1, 512)),
            eblk(128), eblk(512),
            eblk(1), eblk(1), eblk(1), eblk(1),
        ],
        out_specs=[eblk(128)] * 4,
        out_shape=[jax.ShapeDtypeStruct((E, 128), f32)] * 4,
    )(f_ij, wd, bd, qg, spg, r2, d0, d1, d2)

    zeros_hbm = jnp.zeros((N_PAD, 128), dtype=f32)
    xp, vp0, vp1, vp2 = _make_sc_scatter(E, N_PAD, Bs)(
        xm, vm0, vm1, vm2, dst_w, zeros_hbm)

    pblk = pl.BlockSpec((NC, TN, 128), lambda i: (0, i, 0))
    dx, dvec = pl.pallas_call(
        _tc3_body,
        grid=(N // TN,),
        in_specs=[pblk, pblk, pblk, pblk, nblk(H), nblk(H), nblk(H), nblk(H),
                  full((H, 3 * H)), full((1, 3 * H))],
        out_specs=[nblk(H), pl.BlockSpec((TN, 3, H), lambda i: (i, 0, 0))],
        out_shape=[jax.ShapeDtypeStruct((N, H), f32),
                   jax.ShapeDtypeStruct((N, 3, H), f32)],
    )(xp, vp0, vp1, vp2, v30, v31, v32, vdot, o_w.T, row(o_b))

    return (dx, dvec)

# --- scband reference (transcript-rebuilt; emitter-appended) ---
"""Pipeline reference for scband-torch-md-et-dynamics-44641890075054 (READ-ONLY COPY).

The authoritative reference and input builder live on the scoring server;
editing this copy changes nothing except your own understanding.
"""

import jax, jax.numpy as jnp
import numpy as np

N = 10000
E = 320000
H = 128
NH = 8
HD = H // NH
NRBF = 50
CUTOFF = 5.0


def silu(a):
    return a * jax.nn.sigmoid(a)


def layernorm(a, g, b):
    mu = jnp.mean(a, axis=-1, keepdims=True)
    var = jnp.var(a, axis=-1, keepdims=True)
    return (a - mu) / jnp.sqrt(var + 1e-5) * g + b


def setup_inputs(seed: int = 0) -> dict:
    key = jax.random.key(seed)
    ks = jax.random.split(key, 32)
    d = jax.random.normal(ks[5], (E, 3), dtype=jnp.float32)
    d = d / (jnp.linalg.norm(d, axis=1, keepdims=True) + 1e-8)
    inp = {
        "x": jax.random.normal(ks[0], (N, H), dtype=jnp.float32),
        "vec": jax.random.normal(ks[1], (N, 3, H), dtype=jnp.float32),
        "edge_index": jax.random.randint(ks[2], (2, E), 0, N, dtype=jnp.int32),
        "r_ij": jax.random.uniform(ks[3], (E,), dtype=jnp.float32, minval=0.0, maxval=6.0),
        "f_ij": jax.random.normal(ks[4], (E, NRBF), dtype=jnp.float32),
        "d_ij": d,
        "t": jax.random.normal(ks[6], (N, 1), dtype=jnp.float32),
        "node_attr": jax.random.normal(ks[7], (N, H), dtype=jnp.float32),
        "mix_w1": jax.random.normal(ks[8], (H, 2 * H + 1), dtype=jnp.float32) * 0.05,
        "mix_b1": jnp.zeros((H,), dtype=jnp.float32),
        "mix_w2": jax.random.normal(ks[9], (H, H), dtype=jnp.float32) * 0.05,
        "mix_b2": jnp.zeros((H,), dtype=jnp.float32),
        "ln_g": jnp.ones((H,), dtype=jnp.float32),
        "ln_b": jnp.zeros((H,), dtype=jnp.float32),
        "q_w": jax.random.normal(ks[10], (H, H), dtype=jnp.float32) * 0.05,
        "q_b": jnp.zeros((H,), dtype=jnp.float32),
        "k_w": jax.random.normal(ks[11], (H, H), dtype=jnp.float32) * 0.05,
        "k_b": jnp.zeros((H,), dtype=jnp.float32),
        "v_w": jax.random.normal(ks[12], (3 * H, H), dtype=jnp.float32) * 0.05,
        "v_b": jnp.zeros((3 * H,), dtype=jnp.float32),
        "o_w": jax.random.normal(ks[13], (3 * H, H), dtype=jnp.float32) * 0.05,
        "o_b": jnp.zeros((3 * H,), dtype=jnp.float32),
        "vec_w": jax.random.normal(ks[14], (3 * H, H), dtype=jnp.float32) * 0.05,
        "dk_w": jax.random.normal(ks[15], (H, NRBF), dtype=jnp.float32) * 0.05,
        "dk_b": jnp.zeros((H,), dtype=jnp.float32),
        "dv_w": jax.random.normal(ks[16], (3 * H, NRBF), dtype=jnp.float32) * 0.05,
        "dv_b": jnp.zeros((3 * H,), dtype=jnp.float32),
    }
    return inp


def _forward(x, vec, r_ij, f_ij, d_ij, t, node_attr, mix_w1, mix_b1, mix_w2, mix_b2, ln_g, ln_b, q_w, q_b, k_w, k_b, v_w, v_b, o_w, o_b, vec_w, dk_w, dk_b, dv_w, dv_b, edge_index):
    # mixing MLP + layernorm
    h = jnp.concatenate([x, t, node_attr], axis=1)
    h = silu(h @ mix_w1.T + mix_b1) @ mix_w2.T + mix_b2
    h = layernorm(h, ln_g, ln_b)
    q = (h @ q_w.T + q_b).reshape(-1, NH, HD)
    k = (h @ k_w.T + k_b).reshape(-1, NH, HD)
    v = (h @ v_w.T + v_b).reshape(-1, NH, HD * 3)
    vp = vec @ vec_w.T  # [N,3,3H]
    vec1, vec2, vec3 = jnp.split(vp, 3, axis=-1)
    vec_r = vec.reshape(-1, 3, NH, HD)
    vec_dot = (vec1 * vec2).sum(axis=1)  # [N,H]
    dk = silu(f_ij @ dk_w.T + dk_b).reshape(-1, NH, HD)
    dv = silu(f_ij @ dv_w.T + dv_b).reshape(-1, NH, HD * 3)
    src = edge_index[0]
    dst = edge_index[1]
    # message
    q_i = q[dst]
    k_j = k[src]
    v_j = v[src]
    vec_j = vec_r[src]
    attn = (q_i * k_j * dk).sum(axis=-1)  # [E,NH]
    cut = 0.5 * (jnp.cos(r_ij * jnp.pi / CUTOFF) + 1.0) * (r_ij < CUTOFF).astype(jnp.float32)
    attn = silu(attn) * cut[:, None]
    v_j = v_j * dv
    xm, mv1, mv2 = jnp.split(v_j, 3, axis=2)
    xm = xm * attn[:, :, None]
    vm = vec_j * mv1[:, None] + mv2[:, None] * d_ij[:, :, None, None]
    # aggregate (scatter-add over dst)
    x_agg = jnp.zeros((N, NH, HD), dtype=xm.dtype).at[dst].add(xm)
    vec_agg = jnp.zeros((N, 3, NH, HD), dtype=vm.dtype).at[dst].add(vm)
    x_out = x_agg.reshape(-1, H)
    vec_out = vec_agg.reshape(-1, 3, H)
    # coors_norm is Identity (norm_coors=False)
    o = x_out @ o_w.T + o_b
    o1, o2, o3 = jnp.split(o, 3, axis=1)
    dvec = vec3 * o1[:, None, :] + vec_out
    dx = vec_dot * o2 + o3
    return (dx, dvec)


def reference(x, vec, edge_index, r_ij, f_ij, d_ij, t, node_attr, mix_w1, mix_b1, mix_w2, mix_b2, ln_g, ln_b, q_w, q_b, k_w, k_b, v_w, v_b, o_w, o_b, vec_w, dk_w, dk_b, dv_w, dv_b):
    return _forward(x, vec, r_ij, f_ij, d_ij, t, node_attr, mix_w1, mix_b1, mix_w2, mix_b2, ln_g, ln_b, q_w, q_b, k_w, k_b, v_w, v_b, o_w, o_b, vec_w, dk_w, dk_b, dv_w, dv_b, edge_index)

if __name__ == "__main__":
    import jax
    _d = setup_inputs()
    print(jax.jit(kernel)(*tuple(_d.values())))

</pallas_src>

<mosaic_0001>
#map = affine_map<(d0, d1) -> (0, 0)>
#map1 = affine_map<(d0, d1) -> (0, 0, 0)>
module attributes {stable_mosaic.version = 14 : i64} {
  func.func @sc_scatter(%arg0: i32, %arg1: i32, %arg2: memref<320000x128xf32, #tpu.memory_space<hbm>>, %arg3: memref<320000x128xf32, #tpu.memory_space<hbm>>, %arg4: memref<320000x128xf32, #tpu.memory_space<hbm>>, %arg5: memref<320000x128xf32, #tpu.memory_space<hbm>>, %arg6: memref<32x125x80xi32, #tpu.memory_space<hbm>>, %arg7: memref<10112x128xf32, #tpu.memory_space<hbm>>, %arg8: memref<2x10112x128xf32, #tpu.memory_space<hbm>>, %arg9: memref<2x10112x128xf32, #tpu.memory_space<hbm>>, %arg10: memref<2x10112x128xf32, #tpu.memory_space<hbm>>, %arg11: memref<2x10112x128xf32, #tpu.memory_space<hbm>>, %arg12: memref<125x80xi32, #tpu.memory_space<vmem>>, %arg13: memref<2x80x128xf32, #tpu.memory_space<vmem>>, %arg14: memref<10112x128xf32, #tpu.memory_space<vmem_shared>>, %arg15: memref<!tpu.dma_semaphore, #tpu.memory_space<semaphore_mem>>, %arg16: memref<!tpu.dma_semaphore, #tpu.memory_space<semaphore_mem>>, %arg17: memref<!tpu.dma_semaphore, #tpu.memory_space<semaphore_mem>>, %arg18: memref<!tpu.dma_semaphore, #tpu.memory_space<semaphore_mem>>) attributes {dimension_semantics = [#tpu.dimension_semantics<core_parallel>, #tpu.dimension_semantics<subcore_parallel>], iteration_bounds = array<i64: 2, 16>, scalar_prefetch = 0 : i64, scratch_operands = 7 : i64, tpu.core_type = #tpu.core_type<sc_vector_subcore>, window_params = [{transform_indices = #map}, {transform_indices = #map}, {transform_indices = #map}, {transform_indices = #map}, {transform_indices = #map1}, {transform_indices = #map}, {transform_indices = #map1}, {transform_indices = #map1}, {transform_indices = #map1}, {transform_indices = #map1}]} {
    %mul3A = arith.constant 2 : i32
    %mul3A_0 = arith.muli %arg1, %mul3A : i32
    %add3A = arith.addi %mul3A_0, %arg0 : i32
    %mul3A_1 = arith.constant 10000 : i32
    %mul3A_2 = arith.muli %add3A, %mul3A_1 : i32
    %mul3A_3 = arith.constant 632 : i32
    %mul3A_4 = arith.muli %arg1, %mul3A_3 : i32
    "tpu.region"() ({
      %run_scoped3A = tpu.sem_alloc : memref<!tpu.dma_semaphore, #tpu.memory_space<semaphore_mem>>
      %dma_start3A_301 = arith.constant 0 : i32
      %dma_start3A_302 = arith.constant 0 : i32
      %dma_start3A_303 = tpu.memref_slice %arg6[%add3A, %dma_start3A_301, %dma_start3A_302] : memref<32x125x80xi32, #tpu.memory_space<hbm>> -> memref<1x125x80xi32, #tpu.memory_space<hbm>>
      %dma_start3A_304 = tpu.memref_squeeze %dma_start3A_303 : memref<1x125x80xi32, #tpu.memory_space<hbm>> -> memref<125x80xi32, #tpu.memory_space<hbm>>
      %dma_start3A_305 = arith.constant 0 : i32
      %dma_start3A_306 = arith.constant 0 : i32
      %dma_start3A_307 = tpu.memref_slice %arg6[%add3A, %dma_start3A_305, %dma_start3A_306] : memref<32x125x80xi32, #tpu.memory_space<hbm>> -> memref<1x125x80xi32, #tpu.memory_space<hbm>>
      %dma_start3A_308 = tpu.memref_squeeze %dma_start3A_307 : memref<1x125x80xi32, #tpu.memory_space<hbm>> -> memref<125x80xi32, #tpu.memory_space<hbm>>
      tpu.enqueue_dma source(%dma_start3A_308 : memref<125x80xi32, #tpu.memory_space<hbm>>) target(%arg12 : memref<125x80xi32, #tpu.memory_space<vmem>>) target_semaphore(%run_scoped3A : memref<!tpu.dma_semaphore, #tpu.memory_space<semaphore_mem>>)
      %dma_wait3A_309 = arith.constant 0 : i32
      %dma_wait3A_310 = arith.constant 0 : i32
      %dma_wait3A_311 = tpu.memref_slice %arg6[%add3A, %dma_wait3A_309, %dma_wait3A_310] : memref<32x125x80xi32, #tpu.memory_space<hbm>> -> memref<1x125x80xi32, #tpu.memory_space<hbm>>
      %dma_wait3A_312 = tpu.memref_squeeze %dma_wait3A_311 : memref<1x125x80xi32, #tpu.memory_space<hbm>> -> memref<125x80xi32, #tpu.memory_space<hbm>>
      %dma_wait3A_313 = arith.constant 0 : i32
      %dma_wait3A_314 = arith.constant 0 : i32
      %dma_wait3A_315 = tpu.memref_slice %arg6[%add3A, %dma_wait3A_313, %dma_wait3A_314] : memref<32x125x80xi32, #tpu.memory_space<hbm>> -> memref<1x125x80xi32, #tpu.memory_space<hbm>>
      %dma_wait3A_316 = tpu.memref_squeeze %dma_wait3A_315 : memref<1x125x80xi32, #tpu.memory_space<hbm>> -> memref<125x80xi32, #tpu.memory_space<hbm>>
      tpu.wait_dma2 semaphore(%run_scoped3A : memref<!tpu.dma_semaphore, #tpu.memory_space<semaphore_mem>>) src(%dma_wait3A_316 : memref<125x80xi32, #tpu.memory_space<hbm>>) dst(%arg12 : memref<125x80xi32, #tpu.memory_space<vmem>>)
      tpu.yield
    }) : () -> ()
    "tpu.region"() ({
      %run_scoped3A = tpu.sem_alloc : memref<!tpu.dma_semaphore, #tpu.memory_space<semaphore_mem>>
      %dma_start3A_301 = arith.constant 0 : i32
      %dma_start3A_302 = tpu.memref_slice %arg14[%mul3A_4, %dma_start3A_301] : memref<10112x128xf32, #tpu.memory_space<vmem_shared>> -> memref<632x128xf32, #tpu.memory_space<vmem_shared>>
      %dma_start3A_303 = arith.constant 0 : i32
      %dma_start3A_304 = tpu.memref_slice %arg7[%mul3A_4, %dma_start3A_303] : memref<10112x128xf32, #tpu.memory_space<hbm>> -> memref<632x128xf32, #tpu.memory_space<hbm>>
      tpu.enqueue_dma source(%dma_start3A_304 : memref<632x128xf32, #tpu.memory_space<hbm>>) target(%dma_start3A_302 : memref<632x128xf32, #tpu.memory_space<vmem_shared>>) target_semaphore(%run_scoped3A : memref<!tpu.dma_semaphore, #tpu.memory_space<semaphore_mem>>)
      %dma_wait3A_305 = arith.constant 0 : i32
      %dma_wait3A_306 = tpu.memref_slice %arg14[%mul3A_4, %dma_wait3A_305] : memref<10112x128xf32, #tpu.memory_space<vmem_shared>> -> memref<632x128xf32, #tpu.memory_space<vmem_shared>>
      %dma_wait3A_307 = arith.constant 0 : i32
      %dma_wait3A_308 = tpu.memref_slice %arg7[%mul3A_4, %dma_wait3A_307] : memref<10112x128xf32, #tpu.memory_space<hbm>> -> memref<632x128xf32, #tpu.memory_space<hbm>>
      tpu.wait_dma2 semaphore(%run_scoped3A : memref<!tpu.dma_semaphore, #tpu.memory_space<semaphore_mem>>) src(%dma_wait3A_308 : memref<632x128xf32, #tpu.memory_space<hbm>>) dst(%dma_wait3A_306 : memref<632x128xf32, #tpu.memory_space<vmem_shared>>)
      tpu.yield
    }) : () -> ()
    %barrier3A = arith.constant 0 : index
    tpu.barrier barrier_id(%barrier3A)
    %add3A_5 = arith.constant 0 : i32
    %add3A_6 = arith.addi %mul3A_2, %add3A_5 : i32
    %dma_start3A = arith.constant 0 : i32
    %dma_start3A_7 = arith.constant 0 : i32
    %dma_start3A_8 = arith.constant 0 : i32
    %dma_start3A_9 = tpu.memref_slice %arg13[%dma_start3A, %dma_start3A_7, %dma_start3A_8] : memref<2x80x128xf32, #tpu.memory_space<vmem>> -> memref<1x80x128xf32, #tpu.memory_space<vmem>>
    %dma_start3A_10 = tpu.memref_squeeze %dma_start3A_9 : memref<1x80x128xf32, #tpu.memory_space<vmem>> -> memref<80x128xf32, #tpu.memory_space<vmem>>
    %dma_start3A_11 = arith.constant 0 : i32
    %dma_start3A_12 = tpu.memref_slice %arg2[%add3A_6, %dma_start3A_11] : memref<320000x128xf32, #tpu.memory_space<hbm>> -> memref<80x128xf32, #tpu.memory_space<hbm>>
    %dma_start3A_13 = arith.constant 0 : i32
    %dma_start3A_14 = arith.constant 0 : i32
    %dma_start3A_15 = tpu.memref_slice %arg13[%dma_start3A, %dma_start3A_13, %dma_start3A_14] : memref<2x80x128xf32, #tpu.memory_space<vmem>> -> memref<1x80x128xf32, #tpu.memory_space<vmem>>
    %dma_start3A_16 = tpu.memref_squeeze %dma_start3A_15 : memref<1x80x128xf32, #tpu.memory_space<vmem>> -> memref<80x128xf32, #tpu.memory_space<vmem>>
    %dma_start3A_17 = arith.constant 0 : i32
    %dma_start3A_18 = tpu.memref_slice %arg2[%add3A_6, %dma_start3A_17] : memref<320000x128xf32, #tpu.memory_space<hbm>> -> memref<80x128xf32, #tpu.memory_space<hbm>>
    tpu.enqueue_dma source(%dma_start3A_18 : memref<80x128xf32, #tpu.memory_space<hbm>>) target(%dma_start3A_16 : memref<80x128xf32, #tpu.memory_space<vmem>>) target_semaphore(%arg15 : memref<!tpu.dma_semaphore, #tpu.memory_space<semaphore_mem>>)
    %scan3A = arith.constant 0 : i32
    %scan3A_19 = arith.constant 0 : i32
    %scan3A_20 = arith.constant 62 : i32
    %scan3A_21 = arith.addi %scan3A_19, %scan3A_20 : i32
    %scan3A_22 = arith.constant 1 : i32
    scf.for %scan3A_301 = %scan3A_19 to %scan3A_21 step %scan3A_22  : i32 {
      %mul3A_302 = arith.constant 2 : i32
      %mul3A_303 = arith.muli %mul3A_302, %scan3A_301 : i32
      %add3A_304 = arith.constant 1 : i32
      %add3A_305 = arith.addi %mul3A_303, %add3A_304 : i32
      %gt3A = arith.constant 0 : i32
      %gt3A_306 = arith.cmpi sgt, %scan3A_301, %gt3A : i32
      %convert_element_type3A = arith.extui %gt3A_306 : i1 to i32
      %cond3A = arith.constant 0 : i32
      %cond3A_307 = arith.cmpi ne, %convert_element_type3A, %cond3A : i32
      scf.if %cond3A_307 {
        %sub3A = arith.constant 1 : i32
        %sub3A_395 = arith.subi %mul3A_303, %sub3A : i32
        %dma_wait3A_396 = arith.constant 1 : i32
        %dma_wait3A_397 = arith.constant 0 : i32
        %dma_wait3A_398 = arith.constant 0 : i32
        %dma_wait3A_399 = tpu.memref_slice %arg13[%dma_wait3A_396, %dma_wait3A_397, %dma_wait3A_398] : memref<2x80x128xf32, #tpu.memory_space<vmem>> -> memref<1x80x128xf32, #tpu.memory_space<vmem>>
        %dma_wait3A_400 = tpu.memref_squeeze %dma_wait3A_399 : memref<1x80x128xf32, #tpu.memory_space<vmem>> -> memref<80x128xf32, #tpu.memory_space<vmem>>
        %dma_wait3A_401 = arith.constant 0 : i32
        %dma_wait3A_402 = tpu.memref_slice %arg12[%sub3A_395, %dma_wait3A_401] : memref<125x80xi32, #tpu.memory_space<vmem>> -> memref<1x80xi32, #tpu.memory_space<vmem>>
        %dma_wait3A_403 = tpu.memref_squeeze %dma_wait3A_402 : memref<1x80xi32, #tpu.memory_space<vmem>> -> memref<80xi32, #tpu.memory_space<vmem>>
        %dma_wait3A_404 = arith.constant 0 : i32
        %dma_wait3A_405 = arith.constant 0 : i32
        %dma_wait3A_406 = tpu.memref_slice %arg14[%dma_wait3A_404, %dma_wait3A_405] : memref<10112x128xf32, #tpu.memory_space<vmem_shared>> -> memref<10112x128xf32, #tpu.memory_space<vmem_shared>>
        tpu.wait_indirect_dma semaphore(%arg18 : memref<!tpu.dma_semaphore, #tpu.memory_space<semaphore_mem>>) src(%dma_wait3A_400 : memref<80x128xf32, #tpu.memory_space<vmem>>) dst(%dma_wait3A_406 : memref<10112x128xf32, #tpu.memory_space<vmem_shared>>)
      } else {
      }
      %mul3A_308 = arith.constant 80 : i32
      %mul3A_309 = arith.muli %add3A_305, %mul3A_308 : i32
      %add3A_310 = arith.addi %mul3A_2, %mul3A_309 : i32
      %dma_start3A_311 = arith.constant 1 : i32
      %dma_start3A_312 = arith.constant 0 : i32
      %dma_start3A_313 = arith.constant 0 : i32
      %dma_start3A_314 = tpu.memref_slice %arg13[%dma_start3A_311, %dma_start3A_312, %dma_start3A_313] : memref<2x80x128xf32, #tpu.memory_space<vmem>> -> memref<1x80x128xf32, #tpu.memory_space<vmem>>
      %dma_start3A_315 = tpu.memref_squeeze %dma_start3A_314 : memref<1x80x128xf32, #tpu.memory_space<vmem>> -> memref<80x128xf32, #tpu.memory_space<vmem>>
      %dma_start3A_316 = arith.constant 0 : i32
      %dma_start3A_317 = tpu.memref_slice %arg2[%add3A_310, %dma_start3A_316] : memref<320000x128xf32, #tpu.memory_space<hbm>> -> memref<80x128xf32, #tpu.memory_space<hbm>>
      %dma_start3A_318 = arith.constant 0 : i32
      %dma_start3A_319 = arith.constant 0 : i32
      %dma_start3A_320 = tpu.memref_slice %arg13[%dma_start3A_311, %dma_start3A_318, %dma_start3A_319] : memref<2x80x128xf32, #tpu.memory_space<vmem>> -> memref<1x80x128xf32, #tpu.memory_space<vmem>>
      %dma_start3A_321 = tpu.memref_squeeze %dma_start3A_320 : memref<1x80x128xf32, #tpu.memory_space<vmem>> -> memref<80x128xf32, #tpu.memory_space<vmem>>
      %dma_start3A_322 = arith.constant 0 : i32
      %dma_start3A_323 = tpu.memref_slice %arg2[%add3A_310, %dma_start3A_322] : memref<320000x128xf32, #tpu.memory_space<hbm>> -> memref<80x128xf32, #tpu.memory_space<hbm>>
      tpu.enqueue_dma source(%dma_start3A_323 : memref<80x128xf32, #tpu.memory_space<hbm>>) target(%dma_start3A_321 : memref<80x128xf32, #tpu.memory_space<vmem>>) target_semaphore(%arg16 : memref<!tpu.dma_semaphore, #tpu.memory_space<semaphore_mem>>)
      %mul3A_324 = arith.constant 80 : i32
      %mul3A_325 = arith.muli %mul3A_303, %mul3A_324 : i32
      %add3A_326 = arith.addi %mul3A_2, %mul3A_325 : i32
      %dma_wait3A_327 = arith.constant 0 : i32
      %dma_wait3A_328 = arith.constant 0 : i32
      %dma_wait3A_329 = arith.constant 0 : i32
      %dma_wait3A_330 = tpu.memref_slice %arg13[%dma_wait3A_327, %dma_wait3A_328, %dma_wait3A_329] : memref<2x80x128xf32, #tpu.memory_space<vmem>> -> memref<1x80x128xf32, #tpu.memory_space<vmem>>
      %dma_wait3A_331 = tpu.memref_squeeze %dma_wait3A_330 : memref<1x80x128xf32, #tpu.memory_space<vmem>> -> memref<80x128xf32, #tpu.memory_space<vmem>>
      %dma_wait3A_332 = arith.constant 0 : i32
      %dma_wait3A_333 = tpu.memref_slice %arg2[%add3A_326, %dma_wait3A_332] : memref<320000x128xf32, #tpu.memory_space<hbm>> -> memref<80x128xf32, #tpu.memory_space<hbm>>
      %dma_wait3A_334 = arith.constant 0 : i32
      %dma_wait3A_335 = arith.constant 0 : i32
      %dma_wait3A_336 = tpu.memref_slice %arg13[%dma_wait3A_327, %dma_wait3A_334, %dma_wait3A_335] : memref<2x80x128xf32, #tpu.memory_space<vmem>> -> memref<1x80x128xf32, #tpu.memory_space<vmem>>
      %dma_wait3A_337 = tpu.memref_squeeze %dma_wait3A_336 : memref<1x80x128xf32, #tpu.memory_space<vmem>> -> memref<80x128xf32, #tpu.memory_space<vmem>>
      %dma_wait3A_338 = arith.constant 0 : i32
      %dma_wait3A_339 = tpu.memref_slice %arg2[%add3A_326, %dma_wait3A_338] : memref<320000x128xf32, #tpu.memory_space<hbm>> -> memref<80x128xf32, #tpu.memory_space<hbm>>
      tpu.wait_dma2 semaphore(%arg15 : memref<!tpu.dma_semaphore, #tpu.memory_space<semaphore_mem>>) src(%dma_wait3A_339 : memref<80x128xf32, #tpu.memory_space<hbm>>) dst(%dma_wait3A_337 : memref<80x128xf32, #tpu.memory_space<vmem>>)
      %dma_start3A_340 = arith.constant 0 : i32
      %dma_start3A_341 = arith.constant 0 : i32
      %dma_start3A_342 = arith.constant 0 : i32
      %dma_start3A_343 = tpu.memref_slice %arg13[%dma_start3A_340, %dma_start3A_341, %dma_start3A_342] : memref<2x80x128xf32, #tpu.memory_space<vmem>> -> memref<1x80x128xf32, #tpu.memory_space<vmem>>
      %dma_start3A_344 = tpu.memref_squeeze %dma_start3A_343 : memref<1x80x128xf32, #tpu.memory_space<vmem>> -> memref<80x128xf32, #tpu.memory_space<vmem>>
      %dma_start3A_345 = arith.constant 0 : i32
      %dma_start3A_346 = tpu.memref_slice %arg12[%mul3A_303, %dma_start3A_345] : memref<125x80xi32, #tpu.memory_space<vmem>> -> memref<1x80xi32, #tpu.memory_space<vmem>>
      %dma_start3A_347 = tpu.memref_squeeze %dma_start3A_346 : memref<1x80xi32, #tpu.memory_space<vmem>> -> memref<80xi32, #tpu.memory_space<vmem>>
      %dma_start3A_348 = arith.constant 0 : i32
      %dma_start3A_349 = arith.constant 0 : i32
      %dma_start3A_350 = tpu.memref_slice %arg14[%dma_start3A_348, %dma_start3A_349] : memref<10112x128xf32, #tpu.memory_space<vmem_shared>> -> memref<10112x128xf32, #tpu.memory_space<vmem_shared>>
      tpu.enqueue_indirect_dma source(%dma_start3A_344 : memref<80x128xf32, #tpu.memory_space<vmem>>) target(%dma_start3A_350 : memref<10112x128xf32, #tpu.memory_space<vmem_shared>>) offsets(%dma_start3A_347 : memref<80xi32, #tpu.memory_space<vmem>>) semaphore(%arg17 : memref<!tpu.dma_semaphore, #tpu.memory_space<semaphore_mem>>) {add = true}
      %dma_wait3A_351 = arith.constant 0 : i32
      %dma_wait3A_352 = arith.constant 0 : i32
      %dma_wait3A_353 = arith.constant 0 : i32
      %dma_wait3A_354 = tpu.memref_slice %arg13[%dma_wait3A_351, %dma_wait3A_352, %dma_wait3A_353] : memref<2x80x128xf32, #tpu.memory_space<vmem>> -> memref<1x80x128xf32, #tpu.memory_space<vmem>>
      %dma_wait3A_355 = tpu.memref_squeeze %dma_wait3A_354 : memref<1x80x128xf32, #tpu.memory_space<vmem>> -> memref<80x128xf32, #tpu.memory_space<vmem>>
      %dma_wait3A_356 = arith.constant 0 : i32
      %dma_wait3A_357 = tpu.memref_slice %arg12[%mul3A_303, %dma_wait3A_356] : memref<125x80xi32, #tpu.memory_space<vmem>> -> memref<1x80xi32, #tpu.memory_space<vmem>>
      %dma_wait3A_358 = tpu.memref_squeeze %dma_wait3A_357 : memref<1x80xi32, #tpu.memory_space<vmem>> -> memref<80xi32, #tpu.memory_space<vmem>>
      %dma_wait3A_359 = arith.constant 0 : i32
      %dma_wait3A_360 = arith.constant 0 : i32
      %dma_wait3A_361 = tpu.memref_slice %arg14[%dma_wait3A_359, %dma_wait3A_360] : memref<10112x128xf32, #tpu.memory_space<vmem_shared>> -> memref<10112x128xf32, #tpu.memory_space<vmem_shared>>
      tpu.wait_indirect_dma semaphore(%arg17 : memref<!tpu.dma_semaphore, #tpu.memory_space<semaphore_mem>>) src(%dma_wait3A_355 : memref<80x128xf32, #tpu.memory_space<vmem>>) dst(%dma_wait3A_361 : memref<10112x128xf32, #tpu.memory_space<vmem_shared>>)
      %add3A_362 = arith.constant 1 : i32
      %add3A_363 = arith.addi %add3A_305, %add3A_362 : i32
      %lt3A = arith.constant 125 : i32
      %lt3A_364 = arith.cmpi slt, %add3A_363, %lt3A : i32
      %convert_element_type3A_365 = arith.extui %lt3A_364 : i1 to i32
      %cond3A_366 = arith.constant 0 : i32
      %cond3A_367 = arith.cmpi ne, %convert_element_type3A_365, %cond3A_366 : i32
      scf.if %cond3A_367 {
        %add3A_395 = arith.constant 1 : i32
        %add3A_396 = arith.addi %add3A_305, %add3A_395 : i32
        %mul3A_397 = arith.constant 80 : i32
        %mul3A_398 = arith.muli %add3A_396, %mul3A_397 : i32
        %add3A_399 = arith.addi %mul3A_2, %mul3A_398 : i32
        %dma_start3A_400 = arith.constant 0 : i32
        %dma_start3A_401 = arith.constant 0 : i32
        %dma_start3A_402 = arith.constant 0 : i32
        %dma_start3A_403 = tpu.memref_slice %arg13[%dma_start3A_400, %dma_start3A_401, %dma_start3A_402] : memref<2x80x128xf32, #tpu.memory_space<vmem>> -> memref<1x80x128xf32, #tpu.memory_space<vmem>>
        %dma_start3A_404 = tpu.memref_squeeze %dma_start3A_403 : memref<1x80x128xf32, #tpu.memory_space<vmem>> -> memref<80x128xf32, #tpu.memory_space<vmem>>
        %dma_start3A_405 = arith.constant 0 : i32
        %dma_start3A_406 = tpu.memref_slice %arg2[%add3A_399, %dma_start3A_405] : memref<320000x128xf32, #tpu.memory_space<hbm>> -> memref<80x128xf32, #tpu.memory_space<hbm>>
        %dma_start3A_407 = arith.constant 0 : i32
        %dma_start3A_408 = arith.constant 0 : i32
        %dma_start3A_409 = tpu.memref_slice %arg13[%dma_start3A_400, %dma_start3A_407, %dma_start3A_408] : memref<2x80x128xf32, #tpu.memory_space<vmem>> -> memref<1x80x128xf32, #tpu.memory_space<vmem>>
        %dma_start3A_410 = tpu.memref_squeeze %dma_start3A_409 : memref<1x80x128xf32, #tpu.memory_space<vmem>> -> memref<80x128xf32, #tpu.memory_space<vmem>>
        %dma_start3A_411 = arith.constant 0 : i32
        %dma_start3A_412 = tpu.memref_slice %arg2[%add3A_399, %dma_start3A_411] : memref<320000x128xf32, #tpu.memory_space<hbm>> -> memref<80x128xf32, #tpu.memory_space<hbm>>
        tpu.enqueue_dma source(%dma_start3A_412 : memref<80x128xf32, #tpu.memory_space<hbm>>) target(%dma_start3A_410 : memref<80x128xf32, #tpu.memory_space<vmem>>) target_semaphore(%arg15 : memref<!tpu.dma_semaphore, #tpu.memory_space<semaphore_mem>>)
      } else {
      }
      %mul3A_368 = arith.constant 80 : i32
      %mul3A_369 = arith.muli %add3A_305, %mul3A_368 : i32
      %add3A_370 = arith.addi %mul3A_2, %mul3A_369 : i32
      %dma_wait3A_371 = arith.constant 1 : i32
      %dma_wait3A_372 = arith.constant 0 : i32
      %dma_wait3A_373 = arith.constant 0 : i32
      %dma_wait3A_374 = tpu.memref_slice %arg13[%dma_wait3A_371, %dma_wait3A_372, %dma_wait3A_373] : memref<2x80x128xf32, #tpu.memory_space<vmem>> -> memref<1x80x128xf32, #tpu.memory_space<vmem>>
      %dma_wait3A_375 = tpu.memref_squeeze %dma_wait3A_374 : memref<1x80x128xf32, #tpu.memory_space<vmem>> -> memref<80x128xf32, #tpu.memory_space<vmem>>
      %dma_wait3A_376 = arith.constant 0 : i32
      %dma_wait3A_377 = tpu.memref_slice %arg2[%add3A_370, %dma_wait3A_376] : memref<320000x128xf32, #tpu.memory_space<hbm>> -> memref<80x128xf32, #tpu.memory_space<hbm>>
      %dma_wait3A_378 = arith.constant 0 : i32
      %dma_wait3A_379 = arith.constant 0 : i32
      %dma_wait3A_380 = tpu.memref_slice %arg13[%dma_wait3A_371, %dma_wait3A_378, %dma_wait3A_379] : memref<2x80x128xf32, #tpu.memory_space<vmem>> -> memref<1x80x128xf32, #tpu.memory_space<vmem>>
      %dma_wait3A_381 = tpu.memref_squeeze %dma_wait3A_380 : memref<1x80x128xf32, #tpu.memory_space<vmem>> -> memref<80x128xf32, #tpu.memory_space<vmem>>
      %dma_wait3A_382 = arith.constant 0 : i32
      %dma_wait3A_383 = tpu.memref_slice %arg2[%add3A_370, %dma_wait3A_382] : memref<320000x128xf32, #tpu.memory_space<hbm>> -> memref<80x128xf32, #tpu.memory_space<hbm>>
      tpu.wait_dma2 semaphore(%arg16 : memref<!tpu.dma_semaphore, #tpu.memory_space<semaphore_mem>>) src(%dma_wait3A_383 : memref<80x128xf32, #tpu.memory_space<hbm>>) dst(%dma_wait3A_381 : memref<80x128xf32, #tpu.memory_space<vmem>>)
      %dma_start3A_384 = arith.constant 1 : i32
      %dma_start3A_385 = arith.constant 0 : i32
      %dma_start3A_386 = arith.constant 0 : i32
      %dma_start3A_387 = tpu.memref_slice %arg13[%dma_start3A_384, %dma_start3A_385, %dma_start3A_386] : memref<2x80x128xf32, #tpu.memory_space<vmem>> -> memref<1x80x128xf32, #tpu.memory_space<vmem>>
      %dma_start3A_388 = tpu.memref_squeeze %dma_start3A_387 : memref<1x80x128xf32, #tpu.memory_space<vmem>> -> memref<80x128xf32, #tpu.memory_space<vmem>>
      %dma_start3A_389 = arith.constant 0 : i32
      %dma_start3A_390 = tpu.memref_slice %arg12[%add3A_305, %dma_start3A_389] : memref<125x80xi32, #tpu.memory_space<vmem>> -> memref<1x80xi32, #tpu.memory_space<vmem>>
      %dma_start3A_391 = tpu.memref_squeeze %dma_start3A_390 : memref<1x80xi32, #tpu.memory_space<vmem>> -> memref<80xi32, #tpu.memory_space<vmem>>
      %dma_start3A_392 = arith.constant 0 : i32
      %dma_start3A_393 = arith.constant 0 : i32
      %dma_start3A_394 = tpu.memref_slice %arg14[%dma_start3A_392, %dma_start3A_393] : memref<10112x128xf32, #tpu.memory_space<vmem_shared>> -> memref<10112x128xf32, #tpu.memory_space<vmem_shared>>
      tpu.enqueue_indirect_dma source(%dma_start3A_388 : memref<80x128xf32, #tpu.memory_space<vmem>>) target(%dma_start3A_394 : memref<10112x128xf32, #tpu.memory_space<vmem_shared>>) offsets(%dma_start3A_391 : memref<80xi32, #tpu.memory_space<vmem>>) semaphore(%arg18 : memref<!tpu.dma_semaphore, #tpu.memory_space<semaphore_mem>>) {add = true}
    }
    %scan3A_23 = arith.constant 62 : i32
    %add3A_24 = arith.constant 9920 : i32
    %add3A_25 = arith.addi %mul3A_2, %add3A_24 : i32
    %dma_wait3A = arith.constant 0 : i32
    %dma_wait3A_26 = arith.constant 0 : i32
    %dma_wait3A_27 = arith.constant 0 : i32
    %dma_wait3A_28 = tpu.memref_slice %arg13[%dma_wait3A, %dma_wait3A_26, %dma_wait3A_27] : memref<2x80x128xf32, #tpu.memory_space<vmem>> -> memref<1x80x128xf32, #tpu.memory_space<vmem>>
    %dma_wait3A_29 = tpu.memref_squeeze %dma_wait3A_28 : memref<1x80x128xf32, #tpu.memory_space<vmem>> -> memref<80x128xf32, #tpu.memory_space<vmem>>
    %dma_wait3A_30 = arith.constant 0 : i32
    %dma_wait3A_31 = tpu.memref_slice %arg2[%add3A_25, %dma_wait3A_30] : memref<320000x128xf32, #tpu.memory_space<hbm>> -> memref<80x128xf32, #tpu.memory_space<hbm>>
    %dma_wait3A_32 = arith.constant 0 : i32
    %dma_wait3A_33 = arith.constant 0 : i32
    %dma_wait3A_34 = tpu.memref_slice %arg13[%dma_wait3A, %dma_wait3A_32, %dma_wait3A_33] : memref<2x80x128xf32, #tpu.memory_space<vmem>> -> memref<1x80x128xf32, #tpu.memory_space<vmem>>
    %dma_wait3A_35 = tpu.memref_squeeze %dma_wait3A_34 : memref<1x80x128xf32, #tpu.memory_space<vmem>> -> memref<80x128xf32, #tpu.memory_space<vmem>>
    %dma_wait3A_36 = arith.constant 0 : i32
    %dma_wait3A_37 = tpu.memref_slice %arg2[%add3A_25, %dma_wait3A_36] : memref<320000x128xf32, #tpu.memory_space<hbm>> -> memref<80x128xf32, #tpu.memory_space<hbm>>
    tpu.wait_dma2 semaphore(%arg15 : memref<!tpu.dma_semaphore, #tpu.memory_space<semaphore_mem>>) src(%dma_wait3A_37 : memref<80x128xf32, #tpu.memory_space<hbm>>) dst(%dma_wait3A_35 : memref<80x128xf32, #tpu.memory_space<vmem>>)
    %dma_start3A_38 = arith.constant 0 : i32
    %dma_start3A_39 = arith.constant 124 : i32
    %dma_start3A_40 = arith.constant 0 : i32
    %dma_start3A_41 = arith.constant 0 : i32
    %dma_start3A_42 = tpu.memref_slice %arg13[%dma_start3A_38, %dma_start3A_40, %dma_start3A_41] : memref<2x80x128xf32, #tpu.memory_space<vmem>> -> memref<1x80x128xf32, #tpu.memory_space<vmem>>
    %dma_start3A_43 = tpu.memref_squeeze %dma_start3A_42 : memref<1x80x128xf32, #tpu.memory_space<vmem>> -> memref<80x128xf32, #tpu.memory_space<vmem>>
    %dma_start3A_44 = arith.constant 0 : i32
    %dma_start3A_45 = tpu.memref_slice %arg12[%dma_start3A_39, %dma_start3A_44] : memref<125x80xi32, #tpu.memory_space<vmem>> -> memref<1x80xi32, #tpu.memory_space<vmem>>
    %dma_start3A_46 = tpu.memref_squeeze %dma_start3A_45 : memref<1x80xi32, #tpu.memory_space<vmem>> -> memref<80xi32, #tpu.memory_space<vmem>>
    %dma_start3A_47 = arith.constant 0 : i32
    %dma_start3A_48 = arith.constant 0 : i32
    %dma_start3A_49 = tpu.memref_slice %arg14[%dma_start3A_47, %dma_start3A_48] : memref<10112x128xf32, #tpu.memory_space<vmem_shared>> -> memref<10112x128xf32, #tpu.memory_space<vmem_shared>>
    tpu.enqueue_indirect_dma source(%dma_start3A_43 : memref<80x128xf32, #tpu.memory_space<vmem>>) target(%dma_start3A_49 : memref<10112x128xf32, #tpu.memory_space<vmem_shared>>) offsets(%dma_start3A_46 : memref<80xi32, #tpu.memory_space<vmem>>) semaphore(%arg17 : memref<!tpu.dma_semaphore, #tpu.memory_space<semaphore_mem>>) {add = true}
    %dma_wait3A_50 = arith.constant 0 : i32
    %dma_wait3A_51 = arith.constant 124 : i32
    %dma_wait3A_52 = arith.constant 0 : i32
    %dma_wait3A_53 = arith.constant 0 : i32
    %dma_wait3A_54 = tpu.memref_slice %arg13[%dma_wait3A_50, %dma_wait3A_52, %dma_wait3A_53] : memref<2x80x128xf32, #tpu.memory_space<vmem>> -> memref<1x80x128xf32, #tpu.memory_space<vmem>>
    %dma_wait3A_55 = tpu.memref_squeeze %dma_wait3A_54 : memref<1x80x128xf32, #tpu.memory_space<vmem>> -> memref<80x128xf32, #tpu.memory_space<vmem>>
    %dma_wait3A_56 = arith.constant 0 : i32
    %dma_wait3A_57 = tpu.memref_slice %arg12[%dma_wait3A_51, %dma_wait3A_56] : memref<125x80xi32, #tpu.memory_space<vmem>> -> memref<1x80xi32, #tpu.memory_space<vmem>>
    %dma_wait3A_58 = tpu.memref_squeeze %dma_wait3A_57 : memref<1x80xi32, #tpu.memory_space<vmem>> -> memref<80xi32, #tpu.memory_space<vmem>>
    %dma_wait3A_59 = arith.constant 0 : i32
    %dma_wait3A_60 = arith.constant 0 : i32
    %dma_wait3A_61 = tpu.memref_slice %arg14[%dma_wait3A_59, %dma_wait3A_60] : memref<10112x128xf32, #tpu.memory_space<vmem_shared>> -> memref<10112x128xf32, #tpu.memory_space<vmem_shared>>
    tpu.wait_indirect_dma semaphore(%arg17 : memref<!tpu.dma_semaphore, #tpu.memory_space<semaphore_mem>>) src(%dma_wait3A_55 : memref<80x128xf32, #tpu.memory_space<vmem>>) dst(%dma_wait3A_61 : memref<10112x128xf32, #tpu.memory_space<vmem_shared>>)
    %dma_wait3A_62 = arith.constant 1 : i32
    %dma_wait3A_63 = arith.constant 123 : i32
    %dma_wait3A_64 = arith.constant 0 : i32
    %dma_wait3A_65 = arith.constant 0 : i32
    %dma_wait3A_66 = tpu.memref_slice %arg13[%dma_wait3A_62, %dma_wait3A_64, %dma_wait3A_65] : memref<2x80x128xf32, #tpu.memory_space<vmem>> -> memref<1x80x128xf32, #tpu.memory_space<vmem>>
    %dma_wait3A_67 = tpu.memref_squeeze %dma_wait3A_66 : memref<1x80x128xf32, #tpu.memory_space<vmem>> -> memref<80x128xf32, #tpu.memory_space<vmem>>
    %dma_wait3A_68 = arith.constant 0 : i32
    %dma_wait3A_69 = tpu.memref_slice %arg12[%dma_wait3A_63, %dma_wait3A_68] : memref<125x80xi32, #tpu.memory_space<vmem>> -> memref<1x80xi32, #tpu.memory_space<vmem>>
    %dma_wait3A_70 = tpu.memref_squeeze %dma_wait3A_69 : memref<1x80xi32, #tpu.memory_space<vmem>> -> memref<80xi32, #tpu.memory_space<vmem>>
    %dma_wait3A_71 = arith.constant 0 : i32
    %dma_wait3A_72 = arith.constant 0 : i32
    %dma_wait3A_73 = tpu.memref_slice %arg14[%dma_wait3A_71, %dma_wait3A_72] : memref<10112x128xf32, #tpu.memory_space<vmem_shared>> -> memref<10112x128xf32, #tpu.memory_space<vmem_shared>>
    tpu.wait_indirect_dma semaphore(%arg18 : memref<!tpu.dma_semaphore, #tpu.memory_space<semaphore_mem>>) src(%dma_wait3A_67 : memref<80x128xf32, #tpu.memory_space<vmem>>) dst(%dma_wait3A_73 : memref<10112x128xf32, #tpu.memory_space<vmem_shared>>)
    %barrier3A_74 = arith.constant 0 : index
    tpu.barrier barrier_id(%barrier3A_74)
    "tpu.region"() ({
      %run_scoped3A = tpu.sem_alloc : memref<!tpu.dma_semaphore, #tpu.memory_space<semaphore_mem>>
      %dma_start3A_301 = arith.constant 0 : i32
      %dma_start3A_302 = tpu.memref_slice %arg8[%arg0, %mul3A_4, %dma_start3A_301] : memref<2x10112x128xf32, #tpu.memory_space<hbm>> -> memref<1x632x128xf32, #tpu.memory_space<hbm>>
      %dma_start3A_303 = tpu.memref_squeeze %dma_start3A_302 : memref<1x632x128xf32, #tpu.memory_space<hbm>> -> memref<632x128xf32, #tpu.memory_space<hbm>>
      %dma_start3A_304 = arith.constant 0 : i32
      %dma_start3A_305 = tpu.memref_slice %arg14[%mul3A_4, %dma_start3A_304] : memref<10112x128xf32, #tpu.memory_space<vmem_shared>> -> memref<632x128xf32, #tpu.memory_space<vmem_shared>>
      tpu.enqueue_dma source(%dma_start3A_305 : memref<632x128xf32, #tpu.memory_space<vmem_shared>>) target(%dma_start3A_303 : memref<632x128xf32, #tpu.memory_space<hbm>>) target_semaphore(%run_scoped3A : memref<!tpu.dma_semaphore, #tpu.memory_space<semaphore_mem>>)
      %dma_wait3A_306 = arith.constant 0 : i32
      %dma_wait3A_307 = tpu.memref_slice %arg8[%arg0, %mul3A_4, %dma_wait3A_306] : memref<2x10112x128xf32, #tpu.memory_space<hbm>> -> memref<1x632x128xf32, #tpu.memory_space<hbm>>
      %dma_wait3A_308 = tpu.memref_squeeze %dma_wait3A_307 : memref<1x632x128xf32, #tpu.memory_space<hbm>> -> memref<632x128xf32, #tpu.memory_space<hbm>>
      %dma_wait3A_309 = arith.constant 0 : i32
      %dma_wait3A_310 = tpu.memref_slice %arg14[%mul3A_4, %dma_wait3A_309] : memref<10112x128xf32, #tpu.memory_space<vmem_shared>> -> memref<632x128xf32, #tpu.memory_space<vmem_shared>>
      tpu.wait_dma2 semaphore(%run_scoped3A : memref<!tpu.dma_semaphore, #tpu.memory_space<semaphore_mem>>) src(%dma_wait3A_310 : memref<632x128xf32, #tpu.memory_space<vmem_shared>>) dst(%dma_wait3A_308 : memref<632x128xf32, #tpu.memory_space<hbm>>)
      tpu.yield
    }) : () -> ()
    %barrier3A_75 = arith.constant 0 : index
    tpu.barrier barrier_id(%barrier3A_75)
    "tpu.region"() ({
      %run_scoped3A = tpu.sem_alloc : memref<!tpu.dma_semaphore, #tpu.memory_space<semaphore_mem>>
      %dma_start3A_301 = arith.constant 0 : i32
      %dma_start3A_302 = tpu.memref_slice %arg14[%mul3A_4, %dma_start3A_301] : memref<10112x128xf32, #tpu.memory_space<vmem_shared>> -> memref<632x128xf32, #tpu.memory_space<vmem_shared>>
      %dma_start3A_303 = arith.constant 0 : i32
      %dma_start3A_304 = tpu.memref_slice %arg7[%mul3A_4, %dma_start3A_303] : memref<10112x128xf32, #tpu.memory_space<hbm>> -> memref<632x128xf32, #tpu.memory_space<hbm>>
      tpu.enqueue_dma source(%dma_start3A_304 : memref<632x128xf32, #tpu.memory_space<hbm>>) target(%dma_start3A_302 : memref<632x128xf32, #tpu.memory_space<vmem_shared>>) target_semaphore(%run_scoped3A : memref<!tpu.dma_semaphore, #tpu.memory_space<semaphore_mem>>)
      %dma_wait3A_305 = arith.constant 0 : i32
      %dma_wait3A_306 = tpu.memref_slice %arg14[%mul3A_4, %dma_wait3A_305] : memref<10112x128xf32, #tpu.memory_space<vmem_shared>> -> memref<632x128xf32, #tpu.memory_space<vmem_shared>>
      %dma_wait3A_307 = arith.constant 0 : i32
      %dma_wait3A_308 = tpu.memref_slice %arg7[%mul3A_4, %dma_wait3A_307] : memref<10112x128xf32, #tpu.memory_space<hbm>> -> memref<632x128xf32, #tpu.memory_space<hbm>>
      tpu.wait_dma2 semaphore(%run_scoped3A : memref<!tpu.dma_semaphore, #tpu.memory_space<semaphore_mem>>) src(%dma_wait3A_308 : memref<632x128xf32, #tpu.memory_space<hbm>>) dst(%dma_wait3A_306 : memref<632x128xf32, #tpu.memory_space<vmem_shared>>)
      tpu.yield
    }) : () -> ()
    %barrier3A_76 = arith.constant 0 : index
    tpu.barrier barrier_id(%barrier3A_76)
    %add3A_77 = arith.constant 0 : i32
    %add3A_78 = arith.addi %mul3A_2, %add3A_77 : i32
    %dma_start3A_79 = arith.constant 0 : i32
    %dma_start3A_80 = arith.constant 0 : i32
    %dma_start3A_81 = arith.constant 0 : i32
    %dma_start3A_82 = tpu.memref_slice %arg13[%dma_start3A_79, %dma_start3A_80, %dma_start3A_81] : memref<2x80x128xf32, #tpu.memory_space<vmem>> -> memref<1x80x128xf32, #tpu.memory_space<vmem>>
    %dma_start3A_83 = tpu.memref_squeeze %dma_start3A_82 : memref<1x80x128xf32, #tpu.memory_space<vmem>> -> memref<80x128xf32, #tpu.memory_space<vmem>>
    %dma_start3A_84 = arith.constant 0 : i32
    %dma_start3A_85 = tpu.memref_slice %arg3[%add3A_78, %dma_start3A_84] : memref<320000x128xf32, #tpu.memory_space<hbm>> -> memref<80x128xf32, #tpu.memory_space<hbm>>
    %dma_start3A_86 = arith.constant 0 : i32
    %dma_start3A_87 = arith.constant 0 : i32
    %dma_start3A_88 = tpu.memref_slice %arg13[%dma_start3A_79, %dma_start3A_86, %dma_start3A_87] : memref<2x80x128xf32, #tpu.memory_space<vmem>> -> memref<1x80x128xf32, #tpu.memory_space<vmem>>
    %dma_start3A_89 = tpu.memref_squeeze %dma_start3A_88 : memref<1x80x128xf32, #tpu.memory_space<vmem>> -> memref<80x128xf32, #tpu.memory_space<vmem>>
    %dma_start3A_90 = arith.constant 0 : i32
    %dma_start3A_91 = tpu.memref_slice %arg3[%add3A_78, %dma_start3A_90] : memref<320000x128xf32, #tpu.memory_space<hbm>> -> memref<80x128xf32, #tpu.memory_space<hbm>>
    tpu.enqueue_dma source(%dma_start3A_91 : memref<80x128xf32, #tpu.memory_space<hbm>>) target(%dma_start3A_89 : memref<80x128xf32, #tpu.memory_space<vmem>>) target_semaphore(%arg15 : memref<!tpu.dma_semaphore, #tpu.memory_space<semaphore_mem>>)
    %scan3A_92 = arith.constant 0 : i32
    %scan3A_93 = arith.constant 0 : i32
    %scan3A_94 = arith.constant 62 : i32
    %scan3A_95 = arith.addi %scan3A_93, %scan3A_94 : i32
    %scan3A_96 = arith.constant 1 : i32
    scf.for %scan3A_301 = %scan3A_93 to %scan3A_95 step %scan3A_96  : i32 {
      %mul3A_302 = arith.constant 2 : i32
      %mul3A_303 = arith.muli %mul3A_302, %scan3A_301 : i32
      %add3A_304 = arith.constant 1 : i32
      %add3A_305 = arith.addi %mul3A_303, %add3A_304 : i32
      %gt3A = arith.constant 0 : i32
      %gt3A_306 = arith.cmpi sgt, %scan3A_301, %gt3A : i32
      %convert_element_type3A = arith.extui %gt3A_306 : i1 to i32
      %cond3A = arith.constant 0 : i32
      %cond3A_307 = arith.cmpi ne, %convert_element_type3A, %cond3A : i32
      scf.if %cond3A_307 {
        %sub3A = arith.constant 1 : i32
        %sub3A_395 = arith.subi %mul3A_303, %sub3A : i32
        %dma_wait3A_396 = arith.constant 1 : i32
        %dma_wait3A_397 = arith.constant 0 : i32
        %dma_wait3A_398 = arith.constant 0 : i32
        %dma_wait3A_399 = tpu.memref_slice %arg13[%dma_wait3A_396, %dma_wait3A_397, %dma_wait3A_398] : memref<2x80x128xf32, #tpu.memory_space<vmem>> -> memref<1x80x128xf32, #tpu.memory_space<vmem>>
        %dma_wait3A_400 = tpu.memref_squeeze %dma_wait3A_399 : memref<1x80x128xf32, #tpu.memory_space<vmem>> -> memref<80x128xf32, #tpu.memory_space<vmem>>
        %dma_wait3A_401 = arith.constant 0 : i32
        %dma_wait3A_402 = tpu.memref_slice %arg12[%sub3A_395, %dma_wait3A_401] : memref<125x80xi32, #tpu.memory_space<vmem>> -> memref<1x80xi32, #tpu.memory_space<vmem>>
        %dma_wait3A_403 = tpu.memref_squeeze %dma_wait3A_402 : memref<1x80xi32, #tpu.memory_space<vmem>> -> memref<80xi32, #tpu.memory_space<vmem>>
        %dma_wait3A_404 = arith.constant 0 : i32
        %dma_wait3A_405 = arith.constant 0 : i32
        %dma_wait3A_406 = tpu.memref_slice %arg14[%dma_wait3A_404, %dma_wait3A_405] : memref<10112x128xf32, #tpu.memory_space<vmem_shared>> -> memref<10112x128xf32, #tpu.memory_space<vmem_shared>>
        tpu.wait_indirect_dma semaphore(%arg18 : memref<!tpu.dma_semaphore, #tpu.memory_space<semaphore_mem>>) src(%dma_wait3A_400 : memref<80x128xf32, #tpu.memory_space<vmem>>) dst(%dma_wait3A_406 : memref<10112x128xf32, #tpu.memory_space<vmem_shared>>)
      } else {
      }
      %mul3A_308 = arith.constant 80 : i32
      %mul3A_309 = arith.muli %add3A_305, %mul3A_308 : i32
      %add3A_310 = arith.addi %mul3A_2, %mul3A_309 : i32
      %dma_start3A_311 = arith.constant 1 : i32
      %dma_start3A_312 = arith.constant 0 : i32
      %dma_start3A_313 = arith.constant 0 : i32
      %dma_start3A_314 = tpu.memref_slice %arg13[%dma_start3A_311, %dma_start3A_312, %dma_start3A_313] : memref<2x80x128xf32, #tpu.memory_space<vmem>> -> memref<1x80x128xf32, #tpu.memory_space<vmem>>
      %dma_start3A_315 = tpu.memref_squeeze %dma_start3A_314 : memref<1x80x128xf32, #tpu.memory_space<vmem>> -> memref<80x128xf32, #tpu.memory_space<vmem>>
      %dma_start3A_316 = arith.constant 0 : i32
      %dma_start3A_317 = tpu.memref_slice %arg3[%add3A_310, %dma_start3A_316] : memref<320000x128xf32, #tpu.memory_space<hbm>> -> memref<80x128xf32, #tpu.memory_space<hbm>>
      %dma_start3A_318 = arith.constant 0 : i32
      %dma_start3A_319 = arith.constant 0 : i32
      %dma_start3A_320 = tpu.memref_slice %arg13[%dma_start3A_311, %dma_start3A_318, %dma_start3A_319] : memref<2x80x128xf32, #tpu.memory_space<vmem>> -> memref<1x80x128xf32, #tpu.memory_space<vmem>>
      %dma_start3A_321 = tpu.memref_squeeze %dma_start3A_320 : memref<1x80x128xf32, #tpu.memory_space<vmem>> -> memref<80x128xf32, #tpu.memory_space<vmem>>
      %dma_start3A_322 = arith.constant 0 : i32
      %dma_start3A_323 = tpu.memref_slice %arg3[%add3A_310, %dma_start3A_322] : memref<320000x128xf32, #tpu.memory_space<hbm>> -> memref<80x128xf32, #tpu.memory_space<hbm>>
      tpu.enqueue_dma source(%dma_start3A_323 : memref<80x128xf32, #tpu.memory_space<hbm>>) target(%dma_start3A_321 : memref<80x128xf32, #tpu.memory_space<vmem>>) target_semaphore(%arg16 : memref<!tpu.dma_semaphore, #tpu.memory_space<semaphore_mem>>)
      %mul3A_324 = arith.constant 80 : i32
      %mul3A_325 = arith.muli %mul3A_303, %mul3A_324 : i32
      %add3A_326 = arith.addi %mul3A_2, %mul3A_325 : i32
      %dma_wait3A_327 = arith.constant 0 : i32
      %dma_wait3A_328 = arith.constant 0 : i32
      %dma_wait3A_329 = arith.constant 0 : i32
      %dma_wait3A_330 = tpu.memref_slice %arg13[%dma_wait3A_327, %dma_wait3A_328, %dma_wait3A_329] : memref<2x80x128xf32, #tpu.memory_space<vmem>> -> memref<1x80x128xf32, #tpu.memory_space<vmem>>
      %dma_wait3A_331 = tpu.memref_squeeze %dma_wait3A_330 : memref<1x80x128xf32, #tpu.memory_space<vmem>> -> memref<80x128xf32, #tpu.memory_space<vmem>>
      %dma_wait3A_332 = arith.constant 0 : i32
      %dma_wait3A_333 = tpu.memref_slice %arg3[%add3A_326, %dma_wait3A_332] : memref<320000x128xf32, #tpu.memory_space<hbm>> -> memref<80x128xf32, #tpu.memory_space<hbm>>
      %dma_wait3A_334 = arith.constant 0 : i32
      %dma_wait3A_335 = arith.constant 0 : i32
      %dma_wait3A_336 = tpu.memref_slice %arg13[%dma_wait3A_327, %dma_wait3A_334, %dma_wait3A_335] : memref<2x80x128xf32, #tpu.memory_space<vmem>> -> memref<1x80x128xf32, #tpu.memory_space<vmem>>
      %dma_wait3A_337 = tpu.memref_squeeze %dma_wait3A_336 : memref<1x80x128xf32, #tpu.memory_space<vmem>> -> memref<80x128xf32, #tpu.memory_space<vmem>>
      %dma_wait3A_338 = arith.constant 0 : i32
      %dma_wait3A_339 = tpu.memref_slice %arg3[%add3A_326, %dma_wait3A_338] : memref<320000x128xf32, #tpu.memory_space<hbm>> -> memref<80x128xf32, #tpu.memory_space<hbm>>
      tpu.wait_dma2 semaphore(%arg15 : memref<!tpu.dma_semaphore, #tpu.memory_space<semaphore_mem>>) src(%dma_wait3A_339 : memref<80x128xf32, #tpu.memory_space<hbm>>) dst(%dma_wait3A_337 : memref<80x128xf32, #tpu.memory_space<vmem>>)
      %dma_start3A_340 = arith.constant 0 : i32
      %dma_start3A_341 = arith.constant 0 : i32
      %dma_start3A_342 = arith.constant 0 : i32
      %dma_start3A_343 = tpu.memref_slice %arg13[%dma_start3A_340, %dma_start3A_341, %dma_start3A_342] : memref<2x80x128xf32, #tpu.memory_space<vmem>> -> memref<1x80x128xf32, #tpu.memory_space<vmem>>
      %dma_start3A_344 = tpu.memref_squeeze %dma_start3A_343 : memref<1x80x128xf32, #tpu.memory_space<vmem>> -> memref<80x128xf32, #tpu.memory_space<vmem>>
      %dma_start3A_345 = arith.constant 0 : i32
      %dma_start3A_346 = tpu.memref_slice %arg12[%mul3A_303, %dma_start3A_345] : memref<125x80xi32, #tpu.memory_space<vmem>> -> memref<1x80xi32, #tpu.memory_space<vmem>>
      %dma_start3A_347 = tpu.memref_squeeze %dma_start3A_346 : memref<1x80xi32, #tpu.memory_space<vmem>> -> memref<80xi32, #tpu.memory_space<vmem>>
      %dma_start3A_348 = arith.constant 0 : i32
      %dma_start3A_349 = arith.constant 0 : i32
      %dma_start3A_350 = tpu.memref_slice %arg14[%dma_start3A_348, %dma_start3A_349] : memref<10112x128xf32, #tpu.memory_space<vmem_shared>> -> memref<10112x128xf32, #tpu.memory_space<vmem_shared>>
      tpu.enqueue_indirect_dma source(%dma_start3A_344 : memref<80x128xf32, #tpu.memory_space<vmem>>) target(%dma_start3A_350 : memref<10112x128xf32, #tpu.memory_space<vmem_shared>>) offsets(%dma_start3A_347 : memref<80xi32, #tpu.memory_space<vmem>>) semaphore(%arg17 : memref<!tpu.dma_semaphore, #tpu.memory_space<semaphore_mem>>) {add = true}
      %dma_wait3A_351 = arith.constant 0 : i32
      %dma_wait3A_352 = arith.constant 0 : i32
      %dma_wait3A_353 = arith.constant 0 : i32
      %dma_wait3A_354 = tpu.memref_slice %arg13[%dma_wait3A_351, %dma_wait3A_352, %dma_wait3A_353] : memref<2x80x128xf32, #tpu.memory_space<vmem>> -> memref<1x80x128xf32, #tpu.memory_space<vmem>>
      %dma_wait3A_355 = tpu.memref_squeeze %dma_wait3A_354 : memref<1x80x128xf32, #tpu.memory_space<vmem>> -> memref<80x128xf32, #tpu.memory_space<vmem>>
      %dma_wait3A_356 = arith.constant 0 : i32
      %dma_wait3A_357 = tpu.memref_slice %arg12[%mul3A_303, %dma_wait3A_356] : memref<125x80xi32, #tpu.memory_space<vmem>> -> memref<1x80xi32, #tpu.memory_space<vmem>>
      %dma_wait3A_358 = tpu.memref_squeeze %dma_wait3A_357 : memref<1x80xi32, #tpu.memory_space<vmem>> -> memref<80xi32, #tpu.memory_space<vmem>>
      %dma_wait3A_359 = arith.constant 0 : i32
      %dma_wait3A_360 = arith.constant 0 : i32
      %dma_wait3A_361 = tpu.memref_slice %arg14[%dma_wait3A_359, %dma_wait3A_360] : memref<10112x128xf32, #tpu.memory_space<vmem_shared>> -> memref<10112x128xf32, #tpu.memory_space<vmem_shared>>
      tpu.wait_indirect_dma semaphore(%arg17 : memref<!tpu.dma_semaphore, #tpu.memory_space<semaphore_mem>>) src(%dma_wait3A_355 : memref<80x128xf32, #tpu.memory_space<vmem>>) dst(%dma_wait3A_361 : memref<10112x128xf32, #tpu.memory_space<vmem_shared>>)
      %add3A_362 = arith.constant 1 : i32
      %add3A_363 = arith.addi %add3A_305, %add3A_362 : i32
      %lt3A = arith.constant 125 : i32
      %lt3A_364 = arith.cmpi slt, %add3A_363, %lt3A : i32
      %convert_element_type3A_365 = arith.extui %lt3A_364 : i1 to i32
      %cond3A_366 = arith.constant 0 : i32
      %cond3A_367 = arith.cmpi ne, %convert_element_type3A_365, %cond3A_366 : i32
      scf.if %cond3A_367 {
        %add3A_395 = arith.constant 1 : i32
        %add3A_396 = arith.addi %add3A_305, %add3A_395 : i32
        %mul3A_397 = arith.constant 80 : i32
        %mul3A_398 = arith.muli %add3A_396, %mul3A_397 : i32
        %add3A_399 = arith.addi %mul3A_2, %mul3A_398 : i32
        %dma_start3A_400 = arith.constant 0 : i32
        %dma_start3A_401 = arith.constant 0 : i32
        %dma_start3A_402 = arith.constant 0 : i32
        %dma_start3A_403 = tpu.memref_slice %arg13[%dma_start3A_400, %dma_start3A_401, %dma_start3A_402] : memref<2x80x128xf32, #tpu.memory_space<vmem>> -> memref<1x80x128xf32, #tpu.memory_space<vmem>>
        %dma_start3A_404 = tpu.memref_squeeze %dma_start3A_403 : memref<1x80x128xf32, #tpu.memory_space<vmem>> -> memref<80x128xf32, #tpu.memory_space<vmem>>
        %dma_start3A_405 = arith.constant 0 : i32
        %dma_start3A_406 = tpu.memref_slice %arg3[%add3A_399, %dma_start3A_405] : memref<320000x128xf32, #tpu.memory_space<hbm>> -> memref<80x128xf32, #tpu.memory_space<hbm>>
        %dma_start3A_407 = arith.constant 0 : i32
        %dma_start3A_408 = arith.constant 0 : i32
        %dma_start3A_409 = tpu.memref_slice %arg13[%dma_start3A_400, %dma_start3A_407, %dma_start3A_408] : memref<2x80x128xf32, #tpu.memory_space<vmem>> -> memref<1x80x128xf32, #tpu.memory_space<vmem>>
        %dma_start3A_410 = tpu.memref_squeeze %dma_start3A_409 : memref<1x80x128xf32, #tpu.memory_space<vmem>> -> memref<80x128xf32, #tpu.memory_space<vmem>>
        %dma_start3A_411 = arith.constant 0 : i32
        %dma_start3A_412 = tpu.memref_slice %arg3[%add3A_399, %dma_start3A_411] : memref<320000x128xf32, #tpu.memory_space<hbm>> -> memref<80x128xf32, #tpu.memory_space<hbm>>
        tpu.enqueue_dma source(%dma_start3A_412 : memref<80x128xf32, #tpu.memory_space<hbm>>) target(%dma_start3A_410 : memref<80x128xf32, #tpu.memory_space<vmem>>) target_semaphore(%arg15 : memref<!tpu.dma_semaphore, #tpu.memory_space<semaphore_mem>>)
      } else {
      }
      %mul3A_368 = arith.constant 80 : i32
      %mul3A_369 = arith.muli %add3A_305, %mul3A_368 : i32
      %add3A_370 = arith.addi %mul3A_2, %mul3A_369 : i32
      %dma_wait3A_371 = arith.constant 1 : i32
      %dma_wait3A_372 = arith.constant 0 : i32
      %dma_wait3A_373 = arith.constant 0 : i32
      %dma_wait3A_374 = tpu.memref_slice %arg13[%dma_wait3A_371, %dma_wait3A_372, %dma_wait3A_373] : memref<2x80x128xf32, #tpu.memory_space<vmem>> -> memref<1x80x128xf32, #tpu.memory_space<vmem>>
      %dma_wait3A_375 = tpu.memref_squeeze %dma_wait3A_374 : memref<1x80x128xf32, #tpu.memory_space<vmem>> -> memref<80x128xf32, #tpu.memory_space<vmem>>
      %dma_wait3A_376 = arith.constant 0 : i32
      %dma_wait3A_377 = tpu.memref_slice %arg3[%add3A_370, %dma_wait3A_376] : memref<320000x128xf32, #tpu.memory_space<hbm>> -> memref<80x128xf32, #tpu.memory_space<hbm>>
      %dma_wait3A_378 = arith.constant 0 : i32
      %dma_wait3A_379 = arith.constant 0 : i32
      %dma_wait3A_380 = tpu.memref_slice %arg13[%dma_wait3A_371, %dma_wait3A_378, %dma_wait3A_379] : memref<2x80x128xf32, #tpu.memory_space<vmem>> -> memref<1x80x128xf32, #tpu.memory_space<vmem>>
      %dma_wait3A_381 = tpu.memref_squeeze %dma_wait3A_380 : memref<1x80x128xf32, #tpu.memory_space<vmem>> -> memref<80x128xf32, #tpu.memory_space<vmem>>
      %dma_wait3A_382 = arith.constant 0 : i32
      %dma_wait3A_383 = tpu.memref_slice %arg3[%add3A_370, %dma_wait3A_382] : memref<320000x128xf32, #tpu.memory_space<hbm>> -> memref<80x128xf32, #tpu.memory_space<hbm>>
      tpu.wait_dma2 semaphore(%arg16 : memref<!tpu.dma_semaphore, #tpu.memory_space<semaphore_mem>>) src(%dma_wait3A_383 : memref<80x128xf32, #tpu.memory_space<hbm>>) dst(%dma_wait3A_381 : memref<80x128xf32, #tpu.memory_space<vmem>>)
      %dma_start3A_384 = arith.constant 1 : i32
      %dma_start3A_385 = arith.constant 0 : i32
      %dma_start3A_386 = arith.constant 0 : i32
      %dma_start3A_387 = tpu.memref_slice %arg13[%dma_start3A_384, %dma_start3A_385, %dma_start3A_386] : memref<2x80x128xf32, #tpu.memory_space<vmem>> -> memref<1x80x128xf32, #tpu.memory_space<vmem>>
      %dma_start3A_388 = tpu.memref_squeeze %dma_start3A_387 : memref<1x80x128xf32, #tpu.memory_space<vmem>> -> memref<80x128xf32, #tpu.memory_space<vmem>>
      %dma_start3A_389 = arith.constant 0 : i32
      %dma_start3A_390 = tpu.memref_slice %arg12[%add3A_305, %dma_start3A_389] : memref<125x80xi32, #tpu.memory_space<vmem>> -> memref<1x80xi32, #tpu.memory_space<vmem>>
      %dma_start3A_391 = tpu.memref_squeeze %dma_start3A_390 : memref<1x80xi32, #tpu.memory_space<vmem>> -> memref<80xi32, #tpu.memory_space<vmem>>
      %dma_start3A_392 = arith.constant 0 : i32
      %dma_start3A_393 = arith.constant 0 : i32
      %dma_start3A_394 = tpu.memref_slice %arg14[%dma_start3A_392, %dma_start3A_393] : memref<10112x128xf32, #tpu.memory_space<vmem_shared>> -> memref<10112x128xf32, #tpu.memory_space<vmem_shared>>
      tpu.enqueue_indirect_dma source(%dma_start3A_388 : memref<80x128xf32, #tpu.memory_space<vmem>>) target(%dma_start3A_394 : memref<10112x128xf32, #tpu.memory_space<vmem_shared>>) offsets(%dma_start3A_391 : memref<80xi32, #tpu.memory_space<vmem>>) semaphore(%arg18 : memref<!tpu.dma_semaphore, #tpu.memory_space<semaphore_mem>>) {add = true}
    }
    %scan3A_97 = arith.constant 62 : i32
    %add3A_98 = arith.constant 9920 : i32
    %add3A_99 = arith.addi %mul3A_2, %add3A_98 : i32
    %dma_wait3A_100 = arith.constant 0 : i32
    %dma_wait3A_101 = arith.constant 0 : i32
    %dma_wait3A_102 = arith.constant 0 : i32
    %dma_wait3A_103 = tpu.memref_slice %arg13[%dma_wait3A_100, %dma_wait3A_101, %dma_wait3A_102] : memref<2x80x128xf32, #tpu.memory_space<vmem>> -> memref<1x80x128xf32, #tpu.memory_space<vmem>>
    %dma_wait3A_104 = tpu.memref_squeeze %dma_wait3A_103 : memref<1x80x128xf32, #tpu.memory_space<vmem>> -> memref<80x128xf32, #tpu.memory_space<vmem>>
    %dma_wait3A_105 = arith.constant 0 : i32
    %dma_wait3A_106 = tpu.memref_slice %arg3[%add3A_99, %dma_wait3A_105] : memref<320000x128xf32, #tpu.memory_space<hbm>> -> memref<80x128xf32, #tpu.memory_space<hbm>>
    %dma_wait3A_107 = arith.constant 0 : i32
    %dma_wait3A_108 = arith.constant 0 : i32
    %dma_wait3A_109 = tpu.memref_slice %arg13[%dma_wait3A_100, %dma_wait3A_107, %dma_wait3A_108] : memref<2x80x128xf32, #tpu.memory_space<vmem>> -> memref<1x80x128xf32, #tpu.memory_space<vmem>>
    %dma_wait3A_110 = tpu.memref_squeeze %dma_wait3A_109 : memref<1x80x128xf32, #tpu.memory_space<vmem>> -> memref<80x128xf32, #tpu.memory_space<vmem>>
    %dma_wait3A_111 = arith.constant 0 : i32
    %dma_wait3A_112 = tpu.memref_slice %arg3[%add3A_99, %dma_wait3A_111] : memref<320000x128xf32, #tpu.memory_space<hbm>> -> memref<80x128xf32, #tpu.memory_space<hbm>>
    tpu.wait_dma2 semaphore(%arg15 : memref<!tpu.dma_semaphore, #tpu.memory_space<semaphore_mem>>) src(%dma_wait3A_112 : memref<80x128xf32, #tpu.memory_space<hbm>>) dst(%dma_wait3A_110 : memref<80x128xf32, #tpu.memory_space<vmem>>)
    %dma_start3A_113 = arith.constant 0 : i32
    %dma_start3A_114 = arith.constant 124 : i32
    %dma_start3A_115 = arith.constant 0 : i32
    %dma_start3A_116 = arith.constant 0 : i32
    %dma_start3A_117 = tpu.memref_slice %arg13[%dma_start3A_113, %dma_start3A_115, %dma_start3A_116] : memref<2x80x128xf32, #tpu.memory_space<vmem>> -> memref<1x80x128xf32, #tpu.memory_space<vmem>>
    %dma_start3A_118 = tpu.memref_squeeze %dma_start3A_117 : memref<1x80x128xf32, #tpu.memory_space<vmem>> -> memref<80x128xf32, #tpu.memory_space<vmem>>
    %dma_start3A_119 = arith.constant 0 : i32
    %dma_start3A_120 = tpu.memref_slice %arg12[%dma_start3A_114, %dma_start3A_119] : memref<125x80xi32, #tpu.memory_space<vmem>> -> memref<1x80xi32, #tpu.memory_space<vmem>>
    %dma_start3A_121 = tpu.memref_squeeze %dma_start3A_120 : memref<1x80xi32, #tpu.memory_space<vmem>> -> memref<80xi32, #tpu.memory_space<vmem>>
    %dma_start3A_122 = arith.constant 0 : i32
    %dma_start3A_123 = arith.constant 0 : i32
    %dma_start3A_124 = tpu.memref_slice %arg14[%dma_start3A_122, %dma_start3A_123] : memref<10112x128xf32, #tpu.memory_space<vmem_shared>> -> memref<10112x128xf32, #tpu.memory_space<vmem_shared>>
    tpu.enqueue_indirect_dma source(%dma_start3A_118 : memref<80x128xf32, #tpu.memory_space<vmem>>) target(%dma_start3A_124 : memref<10112x128xf32, #tpu.memory_space<vmem_shared>>) offsets(%dma_start3A_121 : memref<80xi32, #tpu.memory_space<vmem>>) semaphore(%arg17 : memref<!tpu.dma_semaphore, #tpu.memory_space<semaphore_mem>>) {add = true}
    %dma_wait3A_125 = arith.constant 0 : i32
    %dma_wait3A_126 = arith.constant 124 : i32
    %dma_wait3A_127 = arith.constant 0 : i32
    %dma_wait3A_128 = arith.constant 0 : i32
    %dma_wait3A_129 = tpu.memref_slice %arg13[%dma_wait3A_125, %dma_wait3A_127, %dma_wait3A_128] : memref<2x80x128xf32, #tpu.memory_space<vmem>> -> memref<1x80x128xf32, #tpu.memory_space<vmem>>
    %dma_wait3A_130 = tpu.memref_squeeze %dma_wait3A_129 : memref<1x80x128xf32, #tpu.memory_space<vmem>> -> memref<80x128xf32, #tpu.memory_space<vmem>>
    %dma_wait3A_131 = arith.constant 0 : i32
    %dma_wait3A_132 = tpu.memref_slice %arg12[%dma_wait3A_126, %dma_wait3A_131] : memref<125x80xi32, #tpu.memory_space<vmem>> -> memref<1x80xi32, #tpu.memory_space<vmem>>
    %dma_wait3A_133 = tpu.memref_squeeze %dma_wait3A_132 : memref<1x80xi32, #tpu.memory_space<vmem>> -> memref<80xi32, #tpu.memory_space<vmem>>
    %dma_wait3A_134 = arith.constant 0 : i32
    %dma_wait3A_135 = arith.constant 0 : i32
    %dma_wait3A_136 = tpu.memref_slice %arg14[%dma_wait3A_134, %dma_wait3A_135] : memref<10112x128xf32, #tpu.memory_space<vmem_shared>> -> memref<10112x128xf32, #tpu.memory_space<vmem_shared>>
    tpu.wait_indirect_dma semaphore(%arg17 : memref<!tpu.dma_semaphore, #tpu.memory_space<semaphore_mem>>) src(%dma_wait3A_130 : memref<80x128xf32, #tpu.memory_space<vmem>>) dst(%dma_wait3A_136 : memref<10112x128xf32, #tpu.memory_space<vmem_shared>>)
    %dma_wait3A_137 = arith.constant 1 : i32
    %dma_wait3A_138 = arith.constant 123 : i32
    %dma_wait3A_139 = arith.constant 0 : i32
    %dma_wait3A_140 = arith.constant 0 : i32
    %dma_wait3A_141 = tpu.memref_slice %arg13[%dma_wait3A_137, %dma_wait3A_139, %dma_wait3A_140] : memref<2x80x128xf32, #tpu.memory_space<vmem>> -> memref<1x80x128xf32, #tpu.memory_space<vmem>>
    %dma_wait3A_142 = tpu.memref_squeeze %dma_wait3A_141 : memref<1x80x128xf32, #tpu.memory_space<vmem>> -> memref<80x128xf32, #tpu.memory_space<vmem>>
    %dma_wait3A_143 = arith.constant 0 : i32
    %dma_wait3A_144 = tpu.memref_slice %arg12[%dma_wait3A_138, %dma_wait3A_143] : memref<125x80xi32, #tpu.memory_space<vmem>> -> memref<1x80xi32, #tpu.memory_space<vmem>>
    %dma_wait3A_145 = tpu.memref_squeeze %dma_wait3A_144 : memref<1x80xi32, #tpu.memory_space<vmem>> -> memref<80xi32, #tpu.memory_space<vmem>>
    %dma_wait3A_146 = arith.constant 0 : i32
    %dma_wait3A_147 = arith.constant 0 : i32
    %dma_wait3A_148 = tpu.memref_slice %arg14[%dma_wait3A_146, %dma_wait3A_147] : memref<10112x128xf32, #tpu.memory_space<vmem_shared>> -> memref<10112x128xf32, #tpu.memory_space<vmem_shared>>
    tpu.wait_indirect_dma semaphore(%arg18 : memref<!tpu.dma_semaphore, #tpu.memory_space<semaphore_mem>>) src(%dma_wait3A_142 : memref<80x128xf32, #tpu.memory_space<vmem>>) dst(%dma_wait3A_148 : memref<10112x128xf32, #tpu.memory_space<vmem_shared>>)
    %barrier3A_149 = arith.constant 0 : index
    tpu.barrier barrier_id(%barrier3A_149)
    "tpu.region"() ({
      %run_scoped3A = tpu.sem_alloc : memref<!tpu.dma_semaphore, #tpu.memory_space<semaphore_mem>>
      %dma_start3A_301 = arith.constant 0 : i32
      %dma_start3A_302 = tpu.memref_slice %arg9[%arg0, %mul3A_4, %dma_start3A_301] : memref<2x10112x128xf32, #tpu.memory_space<hbm>> -> memref<1x632x128xf32, #tpu.memory_space<hbm>>
      %dma_start3A_303 = tpu.memref_squeeze %dma_start3A_302 : memref<1x632x128xf32, #tpu.memory_space<hbm>> -> memref<632x128xf32, #tpu.memory_space<hbm>>
      %dma_start3A_304 = arith.constant 0 : i32
      %dma_start3A_305 = tpu.memref_slice %arg14[%mul3A_4, %dma_start3A_304] : memref<10112x128xf32, #tpu.memory_space<vmem_shared>> -> memref<632x128xf32, #tpu.memory_space<vmem_shared>>
      tpu.enqueue_dma source(%dma_start3A_305 : memref<632x128xf32, #tpu.memory_space<vmem_shared>>) target(%dma_start3A_303 : memref<632x128xf32, #tpu.memory_space<hbm>>) target_semaphore(%run_scoped3A : memref<!tpu.dma_semaphore, #tpu.memory_space<semaphore_mem>>)
      %dma_wait3A_306 = arith.constant 0 : i32
      %dma_wait3A_307 = tpu.memref_slice %arg9[%arg0, %mul3A_4, %dma_wait3A_306] : memref<2x10112x128xf32, #tpu.memory_space<hbm>> -> memref<1x632x128xf32, #tpu.memory_space<hbm>>
      %dma_wait3A_308 = tpu.memref_squeeze %dma_wait3A_307 : memref<1x632x128xf32, #tpu.memory_space<hbm>> -> memref<632x128xf32, #tpu.memory_space<hbm>>
      %dma_wait3A_309 = arith.constant 0 : i32
      %dma_wait3A_310 = tpu.memref_slice %arg14[%mul3A_4, %dma_wait3A_309] : memref<10112x128xf32, #tpu.memory_space<vmem_shared>> -> memref<632x128xf32, #tpu.memory_space<vmem_shared>>
      tpu.wait_dma2 semaphore(%run_scoped3A : memref<!tpu.dma_semaphore, #tpu.memory_space<semaphore_mem>>) src(%dma_wait3A_310 : memref<632x128xf32, #tpu.memory_space<vmem_shared>>) dst(%dma_wait3A_308 : memref<632x128xf32, #tpu.memory_space<hbm>>)
      tpu.yield
    }) : () -> ()
    %barrier3A_150 = arith.constant 0 : index
    tpu.barrier barrier_id(%barrier3A_150)
    "tpu.region"() ({
      %run_scoped3A = tpu.sem_alloc : memref<!tpu.dma_semaphore, #tpu.memory_space<semaphore_mem>>
      %dma_start3A_301 = arith.constant 0 : i32
      %dma_start3A_302 = tpu.memref_slice %arg14[%mul3A_4, %dma_start3A_301] : memref<10112x128xf32, #tpu.memory_space<vmem_shared>> -> memref<632x128xf32, #tpu.memory_space<vmem_shared>>
      %dma_start3A_303 = arith.constant 0 : i32
      %dma_start3A_304 = tpu.memref_slice %arg7[%mul3A_4, %dma_start3A_303] : memref<10112x128xf32, #tpu.memory_space<hbm>> -> memref<632x128xf32, #tpu.memory_space<hbm>>
      tpu.enqueue_dma source(%dma_start3A_304 : memref<632x128xf32, #tpu.memory_space<hbm>>) target(%dma_start3A_302 : memref<632x128xf32, #tpu.memory_space<vmem_shared>>) target_semaphore(%run_scoped3A : memref<!tpu.dma_semaphore, #tpu.memory_space<semaphore_mem>>)
      %dma_wait3A_305 = arith.constant 0 : i32
      %dma_wait3A_306 = tpu.memref_slice %arg14[%mul3A_4, %dma_wait3A_305] : memref<10112x128xf32, #tpu.memory_space<vmem_shared>> -> memref<632x128xf32, #tpu.memory_space<vmem_shared>>
      %dma_wait3A_307 = arith.constant 0 : i32
      %dma_wait3A_308 = tpu.memref_slice %arg7[%mul3A_4, %dma_wait3A_307] : memref<10112x128xf32, #tpu.memory_space<hbm>> -> memref<632x128xf32, #tpu.memory_space<hbm>>
      tpu.wait_dma2 semaphore(%run_scoped3A : memref<!tpu.dma_semaphore, #tpu.memory_space<semaphore_mem>>) src(%dma_wait3A_308 : memref<632x128xf32, #tpu.memory_space<hbm>>) dst(%dma_wait3A_306 : memref<632x128xf32, #tpu.memory_space<vmem_shared>>)
      tpu.yield
    }) : () -> ()
    %barrier3A_151 = arith.constant 0 : index
    tpu.barrier barrier_id(%barrier3A_151)
    %add3A_152 = arith.constant 0 : i32
    %add3A_153 = arith.addi %mul3A_2, %add3A_152 : i32
    %dma_start3A_154 = arith.constant 0 : i32
    %dma_start3A_155 = arith.constant 0 : i32
    %dma_start3A_156 = arith.constant 0 : i32
    %dma_start3A_157 = tpu.memref_slice %arg13[%dma_start3A_154, %dma_start3A_155, %dma_start3A_156] : memref<2x80x128xf32, #tpu.memory_space<vmem>> -> memref<1x80x128xf32, #tpu.memory_space<vmem>>
    %dma_start3A_158 = tpu.memref_squeeze %dma_start3A_157 : memref<1x80x128xf32, #tpu.memory_space<vmem>> -> memref<80x128xf32, #tpu.memory_space<vmem>>
    %dma_start3A_159 = arith.constant 0 : i32
    %dma_start3A_160 = tpu.memref_slice %arg4[%add3A_153, %dma_start3A_159] : memref<320000x128xf32, #tpu.memory_space<hbm>> -> memref<80x128xf32, #tpu.memory_space<hbm>>
    %dma_start3A_161 = arith.constant 0 : i32
    %dma_start3A_162 = arith.constant 0 : i32
    %dma_start3A_163 = tpu.memref_slice %arg13[%dma_start3A_154, %dma_start3A_161, %dma_start3A_162] : memref<2x80x128xf32, #tpu.memory_space<vmem>> -> memref<1x80x128xf32, #tpu.memory_space<vmem>>
    %dma_start3A_164 = tpu.memref_squeeze %dma_start3A_163 : memref<1x80x128xf32, #tpu.memory_space<vmem>> -> memref<80x128xf32, #tpu.memory_space<vmem>>
    %dma_start3A_165 = arith.constant 0 : i32
    %dma_start3A_166 = tpu.memref_slice %arg4[%add3A_153, %dma_start3A_165] : memref<320000x128xf32, #tpu.memory_space<hbm>> -> memref<80x128xf32, #tpu.memory_space<hbm>>
    tpu.enqueue_dma source(%dma_start3A_166 : memref<80x128xf32, #tpu.memory_space<hbm>>) target(%dma_start3A_164 : memref<80x128xf32, #tpu.memory_space<vmem>>) target_semaphore(%arg15 : memref<!tpu.dma_semaphore, #tpu.memory_space<semaphore_mem>>)
    %scan3A_167 = arith.constant 0 : i32
    %scan3A_168 = arith.constant 0 : i32
    %scan3A_169 = arith.constant 62 : i32
    %scan3A_170 = arith.addi %scan3A_168, %scan3A_169 : i32
    %scan3A_171 = arith.constant 1 : i32
    scf.for %scan3A_301 = %scan3A_168 to %scan3A_170 step %scan3A_171  : i32 {
      %mul3A_302 = arith.constant 2 : i32
      %mul3A_303 = arith.muli %mul3A_302, %scan3A_301 : i32
      %add3A_304 = arith.constant 1 : i32
      %add3A_305 = arith.addi %mul3A_303, %add3A_304 : i32
      %gt3A = arith.constant 0 : i32
      %gt3A_306 = arith.cmpi sgt, %scan3A_301, %gt3A : i32
      %convert_element_type3A = arith.extui %gt3A_306 : i1 to i32
      %cond3A = arith.constant 0 : i32
      %cond3A_307 = arith.cmpi ne, %convert_element_type3A, %cond3A : i32
      scf.if %cond3A_307 {
        %sub3A = arith.constant 1 : i32
        %sub3A_395 = arith.subi %mul3A_303, %sub3A : i32
        %dma_wait3A_396 = arith.constant 1 : i32
        %dma_wait3A_397 = arith.constant 0 : i32
        %dma_wait3A_398 = arith.constant 0 : i32
        %dma_wait3A_399 = tpu.memref_slice %arg13[%dma_wait3A_396, %dma_wait3A_397, %dma_wait3A_398] : memref<2x80x128xf32, #tpu.memory_space<vmem>> -> memref<1x80x128xf32, #tpu.memory_space<vmem>>
        %dma_wait3A_400 = tpu.memref_squeeze %dma_wait3A_399 : memref<1x80x128xf32, #tpu.memory_space<vmem>> -> memref<80x128xf32, #tpu.memory_space<vmem>>
        %dma_wait3A_401 = arith.constant 0 : i32
        %dma_wait3A_402 = tpu.memref_slice %arg12[%sub3A_395, %dma_wait3A_401] : memref<125x80xi32, #tpu.memory_space<vmem>> -> memref<1x80xi32, #tpu.memory_space<vmem>>
        %dma_wait3A_403 = tpu.memref_squeeze %dma_wait3A_402 : memref<1x80xi32, #tpu.memory_space<vmem>> -> memref<80xi32, #tpu.memory_space<vmem>>
        %dma_wait3A_404 = arith.constant 0 : i32
        %dma_wait3A_405 = arith.constant 0 : i32
        %dma_wait3A_406 = tpu.memref_slice %arg14[%dma_wait3A_404, %dma_wait3A_405] : memref<10112x128xf32, #tpu.memory_space<vmem_shared>> -> memref<10112x128xf32, #tpu.memory_space<vmem_shared>>
        tpu.wait_indirect_dma semaphore(%arg18 : memref<!tpu.dma_semaphore, #tpu.memory_space<semaphore_mem>>) src(%dma_wait3A_400 : memref<80x128xf32, #tpu.memory_space<vmem>>) dst(%dma_wait3A_406 : memref<10112x128xf32, #tpu.memory_space<vmem_shared>>)
      } else {
      }
      %mul3A_308 = arith.constant 80 : i32
      %mul3A_309 = arith.muli %add3A_305, %mul3A_308 : i32
      %add3A_310 = arith.addi %mul3A_2, %mul3A_309 : i32
      %dma_start3A_311 = arith.constant 1 : i32
      %dma_start3A_312 = arith.constant 0 : i32
      %dma_start3A_313 = arith.constant 0 : i32
      %dma_start3A_314 = tpu.memref_slice %arg13[%dma_start3A_311, %dma_start3A_312, %dma_start3A_313] : memref<2x80x128xf32, #tpu.memory_space<vmem>> -> memref<1x80x128xf32, #tpu.memory_space<vmem>>
      %dma_start3A_315 = tpu.memref_squeeze %dma_start3A_314 : memref<1x80x128xf32, #tpu.memory_space<vmem>> -> memref<80x128xf32, #tpu.memory_space<vmem>>
      %dma_start3A_316 = arith.constant 0 : i32
      %dma_start3A_317 = tpu.memref_slice %arg4[%add3A_310, %dma_start3A_316] : memref<320000x128xf32, #tpu.memory_space<hbm>> -> memref<80x128xf32, #tpu.memory_space<hbm>>
      %dma_start3A_318 = arith.constant 0 : i32
      %dma_start3A_319 = arith.constant 0 : i32
      %dma_start3A_320 = tpu.memref_slice %arg13[%dma_start3A_311, %dma_start3A_318, %dma_start3A_319] : memref<2x80x128xf32, #tpu.memory_space<vmem>> -> memref<1x80x128xf32, #tpu.memory_space<vmem>>
      %dma_start3A_321 = tpu.memref_squeeze %dma_start3A_320 : memref<1x80x128xf32, #tpu.memory_space<vmem>> -> memref<80x128xf32, #tpu.memory_space<vmem>>
      %dma_start3A_322 = arith.constant 0 : i32
      %dma_start3A_323 = tpu.memref_slice %arg4[%add3A_310, %dma_start3A_322] : memref<320000x128xf32, #tpu.memory_space<hbm>> -> memref<80x128xf32, #tpu.memory_space<hbm>>
      tpu.enqueue_dma source(%dma_start3A_323 : memref<80x128xf32, #tpu.memory_space<hbm>>) target(%dma_start3A_321 : memref<80x128xf32, #tpu.memory_space<vmem>>) target_semaphore(%arg16 : memref<!tpu.dma_semaphore, #tpu.memory_space<semaphore_mem>>)
      %mul3A_324 = arith.constant 80 : i32
      %mul3A_325 = arith.muli %mul3A_303, %mul3A_324 : i32
      %add3A_326 = arith.addi %mul3A_2, %mul3A_325 : i32
      %dma_wait3A_327 = arith.constant 0 : i32
      %dma_wait3A_328 = arith.constant 0 : i32
      %dma_wait3A_329 = arith.constant 0 : i32
      %dma_wait3A_330 = tpu.memref_slice %arg13[%dma_wait3A_327, %dma_wait3A_328, %dma_wait3A_329] : memref<2x80x128xf32, #tpu.memory_space<vmem>> -> memref<1x80x128xf32, #tpu.memory_space<vmem>>
      %dma_wait3A_331 = tpu.memref_squeeze %dma_wait3A_330 : memref<1x80x128xf32, #tpu.memory_space<vmem>> -> memref<80x128xf32, #tpu.memory_space<vmem>>
      %dma_wait3A_332 = arith.constant 0 : i32
      %dma_wait3A_333 = tpu.memref_slice %arg4[%add3A_326, %dma_wait3A_332] : memref<320000x128xf32, #tpu.memory_space<hbm>> -> memref<80x128xf32, #tpu.memory_space<hbm>>
      %dma_wait3A_334 = arith.constant 0 : i32
      %dma_wait3A_335 = arith.constant 0 : i32
      %dma_wait3A_336 = tpu.memref_slice %arg13[%dma_wait3A_327, %dma_wait3A_334, %dma_wait3A_335] : memref<2x80x128xf32, #tpu.memory_space<vmem>> -> memref<1x80x128xf32, #tpu.memory_space<vmem>>
      %dma_wait3A_337 = tpu.memref_squeeze %dma_wait3A_336 : memref<1x80x128xf32, #tpu.memory_space<vmem>> -> memref<80x128xf32, #tpu.memory_space<vmem>>
      %dma_wait3A_338 = arith.constant 0 : i32
      %dma_wait3A_339 = tpu.memref_slice %arg4[%add3A_326, %dma_wait3A_338] : memref<320000x128xf32, #tpu.memory_space<hbm>> -> memref<80x128xf32, #tpu.memory_space<hbm>>
      tpu.wait_dma2 semaphore(%arg15 : memref<!tpu.dma_semaphore, #tpu.memory_space<semaphore_mem>>) src(%dma_wait3A_339 : memref<80x128xf32, #tpu.memory_space<hbm>>) dst(%dma_wait3A_337 : memref<80x128xf32, #tpu.memory_space<vmem>>)
      %dma_start3A_340 = arith.constant 0 : i32
      %dma_start3A_341 = arith.constant 0 : i32
      %dma_start3A_342 = arith.constant 0 : i32
      %dma_start3A_343 = tpu.memref_slice %arg13[%dma_start3A_340, %dma_start3A_341, %dma_start3A_342] : memref<2x80x128xf32, #tpu.memory_space<vmem>> -> memref<1x80x128xf32, #tpu.memory_space<vmem>>
      %dma_start3A_344 = tpu.memref_squeeze %dma_start3A_343 : memref<1x80x128xf32, #tpu.memory_space<vmem>> -> memref<80x128xf32, #tpu.memory_space<vmem>>
      %dma_start3A_345 = arith.constant 0 : i32
      %dma_start3A_346 = tpu.memref_slice %arg12[%mul3A_303, %dma_start3A_345] : memref<125x80xi32, #tpu.memory_space<vmem>> -> memref<1x80xi32, #tpu.memory_space<vmem>>
      %dma_start3A_347 = tpu.memref_squeeze %dma_start3A_346 : memref<1x80xi32, #tpu.memory_space<vmem>> -> memref<80xi32, #tpu.memory_space<vmem>>
      %dma_start3A_348 = arith.constant 0 : i32
      %dma_start3A_349 = arith.constant 0 : i32
      %dma_start3A_350 = tpu.memref_slice %arg14[%dma_start3A_348, %dma_start3A_349] : memref<10112x128xf32, #tpu.memory_space<vmem_shared>> -> memref<10112x128xf32, #tpu.memory_space<vmem_shared>>
      tpu.enqueue_indirect_dma source(%dma_start3A_344 : memref<80x128xf32, #tpu.memory_space<vmem>>) target(%dma_start3A_350 : memref<10112x128xf32, #tpu.memory_space<vmem_shared>>) offsets(%dma_start3A_347 : memref<80xi32, #tpu.memory_space<vmem>>) semaphore(%arg17 : memref<!tpu.dma_semaphore, #tpu.memory_space<semaphore_mem>>) {add = true}
      %dma_wait3A_351 = arith.constant 0 : i32
      %dma_wait3A_352 = arith.constant 0 : i32
      %dma_wait3A_353 = arith.constant 0 : i32
      %dma_wait3A_354 = tpu.memref_slice %arg13[%dma_wait3A_351, %dma_wait3A_352, %dma_wait3A_353] : memref<2x80x128xf32, #tpu.memory_space<vmem>> -> memref<1x80x128xf32, #tpu.memory_space<vmem>>
      %dma_wait3A_355 = tpu.memref_squeeze %dma_wait3A_354 : memref<1x80x128xf32, #tpu.memory_space<vmem>> -> memref<80x128xf32, #tpu.memory_space<vmem>>
      %dma_wait3A_356 = arith.constant 0 : i32
      %dma_wait3A_357 = tpu.memref_slice %arg12[%mul3A_303, %dma_wait3A_356] : memref<125x80xi32, #tpu.memory_space<vmem>> -> memref<1x80xi32, #tpu.memory_space<vmem>>
      %dma_wait3A_358 = tpu.memref_squeeze %dma_wait3A_357 : memref<1x80xi32, #tpu.memory_space<vmem>> -> memref<80xi32, #tpu.memory_space<vmem>>
      %dma_wait3A_359 = arith.constant 0 : i32
      %dma_wait3A_360 = arith.constant 0 : i32
      %dma_wait3A_361 = tpu.memref_slice %arg14[%dma_wait3A_359, %dma_wait3A_360] : memref<10112x128xf32, #tpu.memory_space<vmem_shared>> -> memref<10112x128xf32, #tpu.memory_space<vmem_shared>>
      tpu.wait_indirect_dma semaphore(%arg17 : memref<!tpu.dma_semaphore, #tpu.memory_space<semaphore_mem>>) src(%dma_wait3A_355 : memref<80x128xf32, #tpu.memory_space<vmem>>) dst(%dma_wait3A_361 : memref<10112x128xf32, #tpu.memory_space<vmem_shared>>)
      %add3A_362 = arith.constant 1 : i32
      %add3A_363 = arith.addi %add3A_305, %add3A_362 : i32
      %lt3A = arith.constant 125 : i32
      %lt3A_364 = arith.cmpi slt, %add3A_363, %lt3A : i32
      %convert_element_type3A_365 = arith.extui %lt3A_364 : i1 to i32
      %cond3A_366 = arith.constant 0 : i32
      %cond3A_367 = arith.cmpi ne, %convert_element_type3A_365, %cond3A_366 : i32
      scf.if %cond3A_367 {
        %add3A_395 = arith.constant 1 : i32
        %add3A_396 = arith.addi %add3A_305, %add3A_395 : i32
        %mul3A_397 = arith.constant 80 : i32
        %mul3A_398 = arith.muli %add3A_396, %mul3A_397 : i32
        %add3A_399 = arith.addi %mul3A_2, %mul3A_398 : i32
        %dma_start3A_400 = arith.constant 0 : i32
        %dma_start3A_401 = arith.constant 0 : i32
        %dma_start3A_402 = arith.constant 0 : i32
        %dma_start3A_403 = tpu.memref_slice %arg13[%dma_start3A_400, %dma_start3A_401, %dma_start3A_402] : memref<2x80x128xf32, #tpu.memory_space<vmem>> -> memref<1x80x128xf32, #tpu.memory_space<vmem>>
        %dma_start3A_404 = tpu.memref_squeeze %dma_start3A_403 : memref<1x80x128xf32, #tpu.memory_space<vmem>> -> memref<80x128xf32, #tpu.memory_space<vmem>>
        %dma_start3A_405 = arith.constant 0 : i32
        %dma_start3A_406 = tpu.memref_slice %arg4[%add3A_399, %dma_start3A_405] : memref<320000x128xf32, #tpu.memory_space<hbm>> -> memref<80x128xf32, #tpu.memory_space<hbm>>
        %dma_start3A_407 = arith.constant 0 : i32
        %dma_start3A_408 = arith.constant 0 : i32
        %dma_start3A_409 = tpu.memref_slice %arg13[%dma_start3A_400, %dma_start3A_407, %dma_start3A_408] : memref<2x80x128xf32, #tpu.memory_space<vmem>> -> memref<1x80x128xf32, #tpu.memory_space<vmem>>
        %dma_start3A_410 = tpu.memref_squeeze %dma_start3A_409 : memref<1x80x128xf32, #tpu.memory_space<vmem>> -> memref<80x128xf32, #tpu.memory_space<vmem>>
        %dma_start3A_411 = arith.constant 0 : i32
        %dma_start3A_412 = tpu.memref_slice %arg4[%add3A_399, %dma_start3A_411] : memref<320000x128xf32, #tpu.memory_space<hbm>> -> memref<80x128xf32, #tpu.memory_space<hbm>>
        tpu.enqueue_dma source(%dma_start3A_412 : memref<80x128xf32, #tpu.memory_space<hbm>>) target(%dma_start3A_410 : memref<80x128xf32, #tpu.memory_space<vmem>>) target_semaphore(%arg15 : memref<!tpu.dma_semaphore, #tpu.memory_space<semaphore_mem>>)
      } else {
      }
      %mul3A_368 = arith.constant 80 : i32
      %mul3A_369 = arith.muli %add3A_305, %mul3A_368 : i32
      %add3A_370 = arith.addi %mul3A_2, %mul3A_369 : i32
      %dma_wait3A_371 = arith.constant 1 : i32
      %dma_wait3A_372 = arith.constant 0 : i32
      %dma_wait3A_373 = arith.constant 0 : i32
      %dma_wait3A_374 = tpu.memref_slice %arg13[%dma_wait3A_371, %dma_wait3A_372, %dma_wait3A_373] : memref<2x80x128xf32, #tpu.memory_space<vmem>> -> memref<1x80x128xf32, #tpu.memory_space<vmem>>
      %dma_wait3A_375 = tpu.memref_squeeze %dma_wait3A_374 : memref<1x80x128xf32, #tpu.memory_space<vmem>> -> memref<80x128xf32, #tpu.memory_space<vmem>>
      %dma_wait3A_376 = arith.constant 0 : i32
      %dma_wait3A_377 = tpu.memref_slice %arg4[%add3A_370, %dma_wait3A_376] : memref<320000x128xf32, #tpu.memory_space<hbm>> -> memref<80x128xf32, #tpu.memory_space<hbm>>
      %dma_wait3A_378 = arith.constant 0 : i32
      %dma_wait3A_379 = arith.constant 0 : i32
      %dma_wait3A_380 = tpu.memref_slice %arg13[%dma_wait3A_371, %dma_wait3A_378, %dma_wait3A_379] : memref<2x80x128xf32, #tpu.memory_space<vmem>> -> memref<1x80x128xf32, #tpu.memory_space<vmem>>
      %dma_wait3A_381 = tpu.memref_squeeze %dma_wait3A_380 : memref<1x80x128xf32, #tpu.memory_space<vmem>> -> memref<80x128xf32, #tpu.memory_space<vmem>>
      %dma_wait3A_382 = arith.constant 0 : i32
      %dma_wait3A_383 = tpu.memref_slice %arg4[%add3A_370, %dma_wait3A_382] : memref<320000x128xf32, #tpu.memory_space<hbm>> -> memref<80x128xf32, #tpu.memory_space<hbm>>
      tpu.wait_dma2 semaphore(%arg16 : memref<!tpu.dma_semaphore, #tpu.memory_space<semaphore_mem>>) src(%dma_wait3A_383 : memref<80x128xf32, #tpu.memory_space<hbm>>) dst(%dma_wait3A_381 : memref<80x128xf32, #tpu.memory_space<vmem>>)
      %dma_start3A_384 = arith.constant 1 : i32
      %dma_start3A_385 = arith.constant 0 : i32
      %dma_start3A_386 = arith.constant 0 : i32
      %dma_start3A_387 = tpu.memref_slice %arg13[%dma_start3A_384, %dma_start3A_385, %dma_start3A_386] : memref<2x80x128xf32, #tpu.memory_space<vmem>> -> memref<1x80x128xf32, #tpu.memory_space<vmem>>
      %dma_start3A_388 = tpu.memref_squeeze %dma_start3A_387 : memref<1x80x128xf32, #tpu.memory_space<vmem>> -> memref<80x128xf32, #tpu.memory_space<vmem>>
      %dma_start3A_389 = arith.constant 0 : i32
      %dma_start3A_390 = tpu.memref_slice %arg12[%add3A_305, %dma_start3A_389] : memref<125x80xi32, #tpu.memory_space<vmem>> -> memref<1x80xi32, #tpu.memory_space<vmem>>
      %dma_start3A_391 = tpu.memref_squeeze %dma_start3A_390 : memref<1x80xi32, #tpu.memory_space<vmem>> -> memref<80xi32, #tpu.memory_space<vmem>>
      %dma_start3A_392 = arith.constant 0 : i32
      %dma_start3A_393 = arith.constant 0 : i32
      %dma_start3A_394 = tpu.memref_slice %arg14[%dma_start3A_392, %dma_start3A_393] : memref<10112x128xf32, #tpu.memory_space<vmem_shared>> -> memref<10112x128xf32, #tpu.memory_space<vmem_shared>>
      tpu.enqueue_indirect_dma source(%dma_start3A_388 : memref<80x128xf32, #tpu.memory_space<vmem>>) target(%dma_start3A_394 : memref<10112x128xf32, #tpu.memory_space<vmem_shared>>) offsets(%dma_start3A_391 : memref<80xi32, #tpu.memory_space<vmem>>) semaphore(%arg18 : memref<!tpu.dma_semaphore, #tpu.memory_space<semaphore_mem>>) {add = true}
    }
    %scan3A_172 = arith.constant 62 : i32
    %add3A_173 = arith.constant 9920 : i32
    %add3A_174 = arith.addi %mul3A_2, %add3A_173 : i32
    %dma_wait3A_175 = arith.constant 0 : i32
    %dma_wait3A_176 = arith.constant 0 : i32
    %dma_wait3A_177 = arith.constant 0 : i32
    %dma_wait3A_178 = tpu.memref_slice %arg13[%dma_wait3A_175, %dma_wait3A_176, %dma_wait3A_177] : memref<2x80x128xf32, #tpu.memory_space<vmem>> -> memref<1x80x128xf32, #tpu.memory_space<vmem>>
    %dma_wait3A_179 = tpu.memref_squeeze %dma_wait3A_178 : memref<1x80x128xf32, #tpu.memory_space<vmem>> -> memref<80x128xf32, #tpu.memory_space<vmem>>
    %dma_wait3A_180 = arith.constant 0 : i32
    %dma_wait3A_181 = tpu.memref_slice %arg4[%add3A_174, %dma_wait3A_180] : memref<320000x128xf32, #tpu.memory_space<hbm>> -> memref<80x128xf32, #tpu.memory_space<hbm>>
    %dma_wait3A_182 = arith.constant 0 : i32
    %dma_wait3A_183 = arith.constant 0 : i32
    %dma_wait3A_184 = tpu.memref_slice %arg13[%dma_wait3A_175, %dma_wait3A_182, %dma_wait3A_183] : memref<2x80x128xf32, #tpu.memory_space<vmem>> -> memref<1x80x128xf32, #tpu.memory_space<vmem>>
    %dma_wait3A_185 = tpu.memref_squeeze %dma_wait3A_184 : memref<1x80x128xf32, #tpu.memory_space<vmem>> -> memref<80x128xf32, #tpu.memory_space<vmem>>
    %dma_wait3A_186 = arith.constant 0 : i32
    %dma_wait3A_187 = tpu.memref_slice %arg4[%add3A_174, %dma_wait3A_186] : memref<320000x128xf32, #tpu.memory_space<hbm>> -> memref<80x128xf32, #tpu.memory_space<hbm>>
    tpu.wait_dma2 semaphore(%arg15 : memref<!tpu.dma_semaphore, #tpu.memory_space<semaphore_mem>>) src(%dma_wait3A_187 : memref<80x128xf32, #tpu.memory_space<hbm>>) dst(%dma_wait3A_185 : memref<80x128xf32, #tpu.memory_space<vmem>>)
    %dma_start3A_188 = arith.constant 0 : i32
    %dma_start3A_189 = arith.constant 124 : i32
    %dma_start3A_190 = arith.constant 0 : i32
    %dma_start3A_191 = arith.constant 0 : i32
    %dma_start3A_192 = tpu.memref_slice %arg13[%dma_start3A_188, %dma_start3A_190, %dma_start3A_191] : memref<2x80x128xf32, #tpu.memory_space<vmem>> -> memref<1x80x128xf32, #tpu.memory_space<vmem>>
    %dma_start3A_193 = tpu.memref_squeeze %dma_start3A_192 : memref<1x80x128xf32, #tpu.memory_space<vmem>> -> memref<80x128xf32, #tpu.memory_space<vmem>>
    %dma_start3A_194 = arith.constant 0 : i32
    %dma_start3A_195 = tpu.memref_slice %arg12[%dma_start3A_189, %dma_start3A_194] : memref<125x80xi32, #tpu.memory_space<vmem>> -> memref<1x80xi32, #tpu.memory_space<vmem>>
    %dma_start3A_196 = tpu.memref_squeeze %dma_start3A_195 : memref<1x80xi32, #tpu.memory_space<vmem>> -> memref<80xi32, #tpu.memory_space<vmem>>
    %dma_start3A_197 = arith.constant 0 : i32
    %dma_start3A_198 = arith.constant 0 : i32
    %dma_start3A_199 = tpu.memref_slice %arg14[%dma_start3A_197, %dma_start3A_198] : memref<10112x128xf32, #tpu.memory_space<vmem_shared>> -> memref<10112x128xf32, #tpu.memory_space<vmem_shared>>
    tpu.enqueue_indirect_dma source(%dma_start3A_193 : memref<80x128xf32, #tpu.memory_space<vmem>>) target(%dma_start3A_199 : memref<10112x128xf32, #tpu.memory_space<vmem_shared>>) offsets(%dma_start3A_196 : memref<80xi32, #tpu.memory_space<vmem>>) semaphore(%arg17 : memref<!tpu.dma_semaphore, #tpu.memory_space<semaphore_mem>>) {add = true}
    %dma_wait3A_200 = arith.constant 0 : i32
    %dma_wait3A_201 = arith.constant 124 : i32
    %dma_wait3A_202 = arith.constant 0 : i32
    %dma_wait3A_203 = arith.constant 0 : i32
    %dma_wait3A_204 = tpu.memref_slice %arg13[%dma_wait3A_200, %dma_wait3A_202, %dma_wait3A_203] : memref<2x80x128xf32, #tpu.memory_space<vmem>> -> memref<1x80x128xf32, #tpu.memory_space<vmem>>
    %dma_wait3A_205 = tpu.memref_squeeze %dma_wait3A_204 : memref<1x80x128xf32, #tpu.memory_space<vmem>> -> memref<80x128xf32, #tpu.memory_space<vmem>>
    %dma_wait3A_206 = arith.constant 0 : i32
    %dma_wait3A_207 = tpu.memref_slice %arg12[%dma_wait3A_201, %dma_wait3A_206] : memref<125x80xi32, #tpu.memory_space<vmem>> -> memref<1x80xi32, #tpu.memory_space<vmem>>
    %dma_wait3A_208 = tpu.memref_squeeze %dma_wait3A_207 : memref<1x80xi32, #tpu.memory_space<vmem>> -> memref<80xi32, #tpu.memory_space<vmem>>
    %dma_wait3A_209 = arith.constant 0 : i32
    %dma_wait3A_210 = arith.constant 0 : i32
    %dma_wait3A_211 = tpu.memref_slice %arg14[%dma_wait3A_209, %dma_wait3A_210] : memref<10112x128xf32, #tpu.memory_space<vmem_shared>> -> memref<10112x128xf32, #tpu.memory_space<vmem_shared>>
    tpu.wait_indirect_dma semaphore(%arg17 : memref<!tpu.dma_semaphore, #tpu.memory_space<semaphore_mem>>) src(%dma_wait3A_205 : memref<80x128xf32, #tpu.memory_space<vmem>>) dst(%dma_wait3A_211 : memref<10112x128xf32, #tpu.memory_space<vmem_shared>>)
    %dma_wait3A_212 = arith.constant 1 : i32
    %dma_wait3A_213 = arith.constant 123 : i32
    %dma_wait3A_214 = arith.constant 0 : i32
    %dma_wait3A_215 = arith.constant 0 : i32
    %dma_wait3A_216 = tpu.memref_slice %arg13[%dma_wait3A_212, %dma_wait3A_214, %dma_wait3A_215] : memref<2x80x128xf32, #tpu.memory_space<vmem>> -> memref<1x80x128xf32, #tpu.memory_space<vmem>>
    %dma_wait3A_217 = tpu.memref_squeeze %dma_wait3A_216 : memref<1x80x128xf32, #tpu.memory_space<vmem>> -> memref<80x128xf32, #tpu.memory_space<vmem>>
    %dma_wait3A_218 = arith.constant 0 : i32
    %dma_wait3A_219 = tpu.memref_slice %arg12[%dma_wait3A_213, %dma_wait3A_218] : memref<125x80xi32, #tpu.memory_space<vmem>> -> memref<1x80xi32, #tpu.memory_space<vmem>>
    %dma_wait3A_220 = tpu.memref_squeeze %dma_wait3A_219 : memref<1x80xi32, #tpu.memory_space<vmem>> -> memref<80xi32, #tpu.memory_space<vmem>>
    %dma_wait3A_221 = arith.constant 0 : i32
    %dma_wait3A_222 = arith.constant 0 : i32
    %dma_wait3A_223 = tpu.memref_slice %arg14[%dma_wait3A_221, %dma_wait3A_222] : memref<10112x128xf32, #tpu.memory_space<vmem_shared>> -> memref<10112x128xf32, #tpu.memory_space<vmem_shared>>
    tpu.wait_indirect_dma semaphore(%arg18 : memref<!tpu.dma_semaphore, #tpu.memory_space<semaphore_mem>>) src(%dma_wait3A_217 : memref<80x128xf32, #tpu.memory_space<vmem>>) dst(%dma_wait3A_223 : memref<10112x128xf32, #tpu.memory_space<vmem_shared>>)
    %barrier3A_224 = arith.constant 0 : index
    tpu.barrier barrier_id(%barrier3A_224)
    "tpu.region"() ({
      %run_scoped3A = tpu.sem_alloc : memref<!tpu.dma_semaphore, #tpu.memory_space<semaphore_mem>>
      %dma_start3A_301 = arith.constant 0 : i32
      %dma_start3A_302 = tpu.memref_slice %arg10[%arg0, %mul3A_4, %dma_start3A_301] : memref<2x10112x128xf32, #tpu.memory_space<hbm>> -> memref<1x632x128xf32, #tpu.memory_space<hbm>>
      %dma_start3A_303 = tpu.memref_squeeze %dma_start3A_302 : memref<1x632x128xf32, #tpu.memory_space<hbm>> -> memref<632x128xf32, #tpu.memory_space<hbm>>
      %dma_start3A_304 = arith.constant 0 : i32
      %dma_start3A_305 = tpu.memref_slice %arg14[%mul3A_4, %dma_start3A_304] : memref<10112x128xf32, #tpu.memory_space<vmem_shared>> -> memref<632x128xf32, #tpu.memory_space<vmem_shared>>
      tpu.enqueue_dma source(%dma_start3A_305 : memref<632x128xf32, #tpu.memory_space<vmem_shared>>) target(%dma_start3A_303 : memref<632x128xf32, #tpu.memory_space<hbm>>) target_semaphore(%run_scoped3A : memref<!tpu.dma_semaphore, #tpu.memory_space<semaphore_mem>>)
      %dma_wait3A_306 = arith.constant 0 : i32
      %dma_wait3A_307 = tpu.memref_slice %arg10[%arg0, %mul3A_4, %dma_wait3A_306] : memref<2x10112x128xf32, #tpu.memory_space<hbm>> -> memref<1x632x128xf32, #tpu.memory_space<hbm>>
      %dma_wait3A_308 = tpu.memref_squeeze %dma_wait3A_307 : memref<1x632x128xf32, #tpu.memory_space<hbm>> -> memref<632x128xf32, #tpu.memory_space<hbm>>
      %dma_wait3A_309 = arith.constant 0 : i32
      %dma_wait3A_310 = tpu.memref_slice %arg14[%mul3A_4, %dma_wait3A_309] : memref<10112x128xf32, #tpu.memory_space<vmem_shared>> -> memref<632x128xf32, #tpu.memory_space<vmem_shared>>
      tpu.wait_dma2 semaphore(%run_scoped3A : memref<!tpu.dma_semaphore, #tpu.memory_space<semaphore_mem>>) src(%dma_wait3A_310 : memref<632x128xf32, #tpu.memory_space<vmem_shared>>) dst(%dma_wait3A_308 : memref<632x128xf32, #tpu.memory_space<hbm>>)
      tpu.yield
    }) : () -> ()
    %barrier3A_225 = arith.constant 0 : index
    tpu.barrier barrier_id(%barrier3A_225)
    "tpu.region"() ({
      %run_scoped3A = tpu.sem_alloc : memref<!tpu.dma_semaphore, #tpu.memory_space<semaphore_mem>>
      %dma_start3A_301 = arith.constant 0 : i32
      %dma_start3A_302 = tpu.memref_slice %arg14[%mul3A_4, %dma_start3A_301] : memref<10112x128xf32, #tpu.memory_space<vmem_shared>> -> memref<632x128xf32, #tpu.memory_space<vmem_shared>>
      %dma_start3A_303 = arith.constant 0 : i32
      %dma_start3A_304 = tpu.memref_slice %arg7[%mul3A_4, %dma_start3A_303] : memref<10112x128xf32, #tpu.memory_space<hbm>> -> memref<632x128xf32, #tpu.memory_space<hbm>>
      tpu.enqueue_dma source(%dma_start3A_304 : memref<632x128xf32, #tpu.memory_space<hbm>>) target(%dma_start3A_302 : memref<632x128xf32, #tpu.memory_space<vmem_shared>>) target_semaphore(%run_scoped3A : memref<!tpu.dma_semaphore, #tpu.memory_space<semaphore_mem>>)
      %dma_wait3A_305 = arith.constant 0 : i32
      %dma_wait3A_306 = tpu.memref_slice %arg14[%mul3A_4, %dma_wait3A_305] : memref<10112x128xf32, #tpu.memory_space<vmem_shared>> -> memref<632x128xf32, #tpu.memory_space<vmem_shared>>
      %dma_wait3A_307 = arith.constant 0 : i32
      %dma_wait3A_308 = tpu.memref_slice %arg7[%mul3A_4, %dma_wait3A_307] : memref<10112x128xf32, #tpu.memory_space<hbm>> -> memref<632x128xf32, #tpu.memory_space<hbm>>
      tpu.wait_dma2 semaphore(%run_scoped3A : memref<!tpu.dma_semaphore, #tpu.memory_space<semaphore_mem>>) src(%dma_wait3A_308 : memref<632x128xf32, #tpu.memory_space<hbm>>) dst(%dma_wait3A_306 : memref<632x128xf32, #tpu.memory_space<vmem_shared>>)
      tpu.yield
    }) : () -> ()
    %barrier3A_226 = arith.constant 0 : index
    tpu.barrier barrier_id(%barrier3A_226)
    %add3A_227 = arith.constant 0 : i32
    %add3A_228 = arith.addi %mul3A_2, %add3A_227 : i32
    %dma_start3A_229 = arith.constant 0 : i32
    %dma_start3A_230 = arith.constant 0 : i32
    %dma_start3A_231 = arith.constant 0 : i32
    %dma_start3A_232 = tpu.memref_slice %arg13[%dma_start3A_229, %dma_start3A_230, %dma_start3A_231] : memref<2x80x128xf32, #tpu.memory_space<vmem>> -> memref<1x80x128xf32, #tpu.memory_space<vmem>>
    %dma_start3A_233 = tpu.memref_squeeze %dma_start3A_232 : memref<1x80x128xf32, #tpu.memory_space<vmem>> -> memref<80x128xf32, #tpu.memory_space<vmem>>
    %dma_start3A_234 = arith.constant 0 : i32
    %dma_start3A_235 = tpu.memref_slice %arg5[%add3A_228, %dma_start3A_234] : memref<320000x128xf32, #tpu.memory_space<hbm>> -> memref<80x128xf32, #tpu.memory_space<hbm>>
    %dma_start3A_236 = arith.constant 0 : i32
    %dma_start3A_237 = arith.constant 0 : i32
    %dma_start3A_238 = tpu.memref_slice %arg13[%dma_start3A_229, %dma_start3A_236, %dma_start3A_237] : memref<2x80x128xf32, #tpu.memory_space<vmem>> -> memref<1x80x128xf32, #tpu.memory_space<vmem>>
    %dma_start3A_239 = tpu.memref_squeeze %dma_start3A_238 : memref<1x80x128xf32, #tpu.memory_space<vmem>> -> memref<80x128xf32, #tpu.memory_space<vmem>>
    %dma_start3A_240 = arith.constant 0 : i32
    %dma_start3A_241 = tpu.memref_slice %arg5[%add3A_228, %dma_start3A_240] : memref<320000x128xf32, #tpu.memory_space<hbm>> -> memref<80x128xf32, #tpu.memory_space<hbm>>
    tpu.enqueue_dma source(%dma_start3A_241 : memref<80x128xf32, #tpu.memory_space<hbm>>) target(%dma_start3A_239 : memref<80x128xf32, #tpu.memory_space<vmem>>) target_semaphore(%arg15 : memref<!tpu.dma_semaphore, #tpu.memory_space<semaphore_mem>>)
    %scan3A_242 = arith.constant 0 : i32
    %scan3A_243 = arith.constant 0 : i32
    %scan3A_244 = arith.constant 62 : i32
    %scan3A_245 = arith.addi %scan3A_243, %scan3A_244 : i32
    %scan3A_246 = arith.constant 1 : i32
    scf.for %scan3A_301 = %scan3A_243 to %scan3A_245 step %scan3A_246  : i32 {
      %mul3A_302 = arith.constant 2 : i32
      %mul3A_303 = arith.muli %mul3A_302, %scan3A_301 : i32
      %add3A_304 = arith.constant 1 : i32
      %add3A_305 = arith.addi %mul3A_303, %add3A_304 : i32
      %gt3A = arith.constant 0 : i32
      %gt3A_306 = arith.cmpi sgt, %scan3A_301, %gt3A : i32
      %convert_element_type3A = arith.extui %gt3A_306 : i1 to i32
      %cond3A = arith.constant 0 : i32
      %cond3A_307 = arith.cmpi ne, %convert_element_type3A, %cond3A : i32
      scf.if %cond3A_307 {
        %sub3A = arith.constant 1 : i32
        %sub3A_395 = arith.subi %mul3A_303, %sub3A : i32
        %dma_wait3A_396 = arith.constant 1 : i32
        %dma_wait3A_397 = arith.constant 0 : i32
        %dma_wait3A_398 = arith.constant 0 : i32
        %dma_wait3A_399 = tpu.memref_slice %arg13[%dma_wait3A_396, %dma_wait3A_397, %dma_wait3A_398] : memref<2x80x128xf32, #tpu.memory_space<vmem>> -> memref<1x80x128xf32, #tpu.memory_space<vmem>>
        %dma_wait3A_400 = tpu.memref_squeeze %dma_wait3A_399 : memref<1x80x128xf32, #tpu.memory_space<vmem>> -> memref<80x128xf32, #tpu.memory_space<vmem>>
        %dma_wait3A_401 = arith.constant 0 : i32
        %dma_wait3A_402 = tpu.memref_slice %arg12[%sub3A_395, %dma_wait3A_401] : memref<125x80xi32, #tpu.memory_space<vmem>> -> memref<1x80xi32, #tpu.memory_space<vmem>>
        %dma_wait3A_403 = tpu.memref_squeeze %dma_wait3A_402 : memref<1x80xi32, #tpu.memory_space<vmem>> -> memref<80xi32, #tpu.memory_space<vmem>>
        %dma_wait3A_404 = arith.constant 0 : i32
        %dma_wait3A_405 = arith.constant 0 : i32
        %dma_wait3A_406 = tpu.memref_slice %arg14[%dma_wait3A_404, %dma_wait3A_405] : memref<10112x128xf32, #tpu.memory_space<vmem_shared>> -> memref<10112x128xf32, #tpu.memory_space<vmem_shared>>
        tpu.wait_indirect_dma semaphore(%arg18 : memref<!tpu.dma_semaphore, #tpu.memory_space<semaphore_mem>>) src(%dma_wait3A_400 : memref<80x128xf32, #tpu.memory_space<vmem>>) dst(%dma_wait3A_406 : memref<10112x128xf32, #tpu.memory_space<vmem_shared>>)
      } else {
      }
      %mul3A_308 = arith.constant 80 : i32
      %mul3A_309 = arith.muli %add3A_305, %mul3A_308 : i32
      %add3A_310 = arith.addi %mul3A_2, %mul3A_309 : i32
      %dma_start3A_311 = arith.constant 1 : i32
      %dma_start3A_312 = arith.constant 0 : i32
      %dma_start3A_313 = arith.constant 0 : i32
      %dma_start3A_314 = tpu.memref_slice %arg13[%dma_start3A_311, %dma_start3A_312, %dma_start3A_313] : memref<2x80x128xf32, #tpu.memory_space<vmem>> -> memref<1x80x128xf32, #tpu.memory_space<vmem>>
      %dma_start3A_315 = tpu.memref_squeeze %dma_start3A_314 : memref<1x80x128xf32, #tpu.memory_space<vmem>> -> memref<80x128xf32, #tpu.memory_space<vmem>>
      %dma_start3A_316 = arith.constant 0 : i32
      %dma_start3A_317 = tpu.memref_slice %arg5[%add3A_310, %dma_start3A_316] : memref<320000x128xf32, #tpu.memory_space<hbm>> -> memref<80x128xf32, #tpu.memory_space<hbm>>
      %dma_start3A_318 = arith.constant 0 : i32
      %dma_start3A_319 = arith.constant 0 : i32
      %dma_start3A_320 = tpu.memref_slice %arg13[%dma_start3A_311, %dma_start3A_318, %dma_start3A_319] : memref<2x80x128xf32, #tpu.memory_space<vmem>> -> memref<1x80x128xf32, #tpu.memory_space<vmem>>
      %dma_start3A_321 = tpu.memref_squeeze %dma_start3A_320 : memref<1x80x128xf32, #tpu.memory_space<vmem>> -> memref<80x128xf32, #tpu.memory_space<vmem>>
      %dma_start3A_322 = arith.constant 0 : i32
      %dma_start3A_323 = tpu.memref_slice %arg5[%add3A_310, %dma_start3A_322] : memref<320000x128xf32, #tpu.memory_space<hbm>> -> memref<80x128xf32, #tpu.memory_space<hbm>>
      tpu.enqueue_dma source(%dma_start3A_323 : memref<80x128xf32, #tpu.memory_space<hbm>>) target(%dma_start3A_321 : memref<80x128xf32, #tpu.memory_space<vmem>>) target_semaphore(%arg16 : memref<!tpu.dma_semaphore, #tpu.memory_space<semaphore_mem>>)
      %mul3A_324 = arith.constant 80 : i32
      %mul3A_325 = arith.muli %mul3A_303, %mul3A_324 : i32
      %add3A_326 = arith.addi %mul3A_2, %mul3A_325 : i32
      %dma_wait3A_327 = arith.constant 0 : i32
      %dma_wait3A_328 = arith.constant 0 : i32
      %dma_wait3A_329 = arith.constant 0 : i32
      %dma_wait3A_330 = tpu.memref_slice %arg13[%dma_wait3A_327, %dma_wait3A_328, %dma_wait3A_329] : memref<2x80x128xf32, #tpu.memory_space<vmem>> -> memref<1x80x128xf32, #tpu.memory_space<vmem>>
      %dma_wait3A_331 = tpu.memref_squeeze %dma_wait3A_330 : memref<1x80x128xf32, #tpu.memory_space<vmem>> -> memref<80x128xf32, #tpu.memory_space<vmem>>
      %dma_wait3A_332 = arith.constant 0 : i32
      %dma_wait3A_333 = tpu.memref_slice %arg5[%add3A_326, %dma_wait3A_332] : memref<320000x128xf32, #tpu.memory_space<hbm>> -> memref<80x128xf32, #tpu.memory_space<hbm>>
      %dma_wait3A_334 = arith.constant 0 : i32
      %dma_wait3A_335 = arith.constant 0 : i32
      %dma_wait3A_336 = tpu.memref_slice %arg13[%dma_wait3A_327, %dma_wait3A_334, %dma_wait3A_335] : memref<2x80x128xf32, #tpu.memory_space<vmem>> -> memref<1x80x128xf32, #tpu.memory_space<vmem>>
      %dma_wait3A_337 = tpu.memref_squeeze %dma_wait3A_336 : memref<1x80x128xf32, #tpu.memory_space<vmem>> -> memref<80x128xf32, #tpu.memory_space<vmem>>
      %dma_wait3A_338 = arith.constant 0 : i32
      %dma_wait3A_339 = tpu.memref_slice %arg5[%add3A_326, %dma_wait3A_338] : memref<320000x128xf32, #tpu.memory_space<hbm>> -> memref<80x128xf32, #tpu.memory_space<hbm>>
      tpu.wait_dma2 semaphore(%arg15 : memref<!tpu.dma_semaphore, #tpu.memory_space<semaphore_mem>>) src(%dma_wait3A_339 : memref<80x128xf32, #tpu.memory_space<hbm>>) dst(%dma_wait3A_337 : memref<80x128xf32, #tpu.memory_space<vmem>>)
      %dma_start3A_340 = arith.constant 0 : i32
      %dma_start3A_341 = arith.constant 0 : i32
      %dma_start3A_342 = arith.constant 0 : i32
      %dma_start3A_343 = tpu.memref_slice %arg13[%dma_start3A_340, %dma_start3A_341, %dma_start3A_342] : memref<2x80x128xf32, #tpu.memory_space<vmem>> -> memref<1x80x128xf32, #tpu.memory_space<vmem>>
      %dma_start3A_344 = tpu.memref_squeeze %dma_start3A_343 : memref<1x80x128xf32, #tpu.memory_space<vmem>> -> memref<80x128xf32, #tpu.memory_space<vmem>>
      %dma_start3A_345 = arith.constant 0 : i32
      %dma_start3A_346 = tpu.memref_slice %arg12[%mul3A_303, %dma_start3A_345] : memref<125x80xi32, #tpu.memory_space<vmem>> -> memref<1x80xi32, #tpu.memory_space<vmem>>
      %dma_start3A_347 = tpu.memref_squeeze %dma_start3A_346 : memref<1x80xi32, #tpu.memory_space<vmem>> -> memref<80xi32, #tpu.memory_space<vmem>>
      %dma_start3A_348 = arith.constant 0 : i32
      %dma_start3A_349 = arith.constant 0 : i32
      %dma_start3A_350 = tpu.memref_slice %arg14[%dma_start3A_348, %dma_start3A_349] : memref<10112x128xf32, #tpu.memory_space<vmem_shared>> -> memref<10112x128xf32, #tpu.memory_space<vmem_shared>>
      tpu.enqueue_indirect_dma source(%dma_start3A_344 : memref<80x128xf32, #tpu.memory_space<vmem>>) target(%dma_start3A_350 : memref<10112x128xf32, #tpu.memory_space<vmem_shared>>) offsets(%dma_start3A_347 : memref<80xi32, #tpu.memory_space<vmem>>) semaphore(%arg17 : memref<!tpu.dma_semaphore, #tpu.memory_space<semaphore_mem>>) {add = true}
      %dma_wait3A_351 = arith.constant 0 : i32
      %dma_wait3A_352 = arith.constant 0 : i32
      %dma_wait3A_353 = arith.constant 0 : i32
      %dma_wait3A_354 = tpu.memref_slice %arg13[%dma_wait3A_351, %dma_wait3A_352, %dma_wait3A_353] : memref<2x80x128xf32, #tpu.memory_space<vmem>> -> memref<1x80x128xf32, #tpu.memory_space<vmem>>
      %dma_wait3A_355 = tpu.memref_squeeze %dma_wait3A_354 : memref<1x80x128xf32, #tpu.memory_space<vmem>> -> memref<80x128xf32, #tpu.memory_space<vmem>>
      %dma_wait3A_356 = arith.constant 0 : i32
      %dma_wait3A_357 = tpu.memref_slice %arg12[%mul3A_303, %dma_wait3A_356] : memref<125x80xi32, #tpu.memory_space<vmem>> -> memref<1x80xi32, #tpu.memory_space<vmem>>
      %dma_wait3A_358 = tpu.memref_squeeze %dma_wait3A_357 : memref<1x80xi32, #tpu.memory_space<vmem>> -> memref<80xi32, #tpu.memory_space<vmem>>
      %dma_wait3A_359 = arith.constant 0 : i32
      %dma_wait3A_360 = arith.constant 0 : i32
      %dma_wait3A_361 = tpu.memref_slice %arg14[%dma_wait3A_359, %dma_wait3A_360] : memref<10112x128xf32, #tpu.memory_space<vmem_shared>> -> memref<10112x128xf32, #tpu.memory_space<vmem_shared>>
      tpu.wait_indirect_dma semaphore(%arg17 : memref<!tpu.dma_semaphore, #tpu.memory_space<semaphore_mem>>) src(%dma_wait3A_355 : memref<80x128xf32, #tpu.memory_space<vmem>>) dst(%dma_wait3A_361 : memref<10112x128xf32, #tpu.memory_space<vmem_shared>>)
      %add3A_362 = arith.constant 1 : i32
      %add3A_363 = arith.addi %add3A_305, %add3A_362 : i32
      %lt3A = arith.constant 125 : i32
      %lt3A_364 = arith.cmpi slt, %add3A_363, %lt3A : i32
      %convert_element_type3A_365 = arith.extui %lt3A_364 : i1 to i32
      %cond3A_366 = arith.constant 0 : i32
      %cond3A_367 = arith.cmpi ne, %convert_element_type3A_365, %cond3A_366 : i32
      scf.if %cond3A_367 {
        %add3A_395 = arith.constant 1 : i32
        %add3A_396 = arith.addi %add3A_305, %add3A_395 : i32
        %mul3A_397 = arith.constant 80 : i32
        %mul3A_398 = arith.muli %add3A_396, %mul3A_397 : i32
        %add3A_399 = arith.addi %mul3A_2, %mul3A_398 : i32
        %dma_start3A_400 = arith.constant 0 : i32
        %dma_start3A_401 = arith.constant 0 : i32
        %dma_start3A_402 = arith.constant 0 : i32
        %dma_start3A_403 = tpu.memref_slice %arg13[%dma_start3A_400, %dma_start3A_401, %dma_start3A_402] : memref<2x80x128xf32, #tpu.memory_space<vmem>> -> memref<1x80x128xf32, #tpu.memory_space<vmem>>
        %dma_start3A_404 = tpu.memref_squeeze %dma_start3A_403 : memref<1x80x128xf32, #tpu.memory_space<vmem>> -> memref<80x128xf32, #tpu.memory_space<vmem>>
        %dma_start3A_405 = arith.constant 0 : i32
        %dma_start3A_406 = tpu.memref_slice %arg5[%add3A_399, %dma_start3A_405] : memref<320000x128xf32, #tpu.memory_space<hbm>> -> memref<80x128xf32, #tpu.memory_space<hbm>>
        %dma_start3A_407 = arith.constant 0 : i32
        %dma_start3A_408 = arith.constant 0 : i32
        %dma_start3A_409 = tpu.memref_slice %arg13[%dma_start3A_400, %dma_start3A_407, %dma_start3A_408] : memref<2x80x128xf32, #tpu.memory_space<vmem>> -> memref<1x80x128xf32, #tpu.memory_space<vmem>>
        %dma_start3A_410 = tpu.memref_squeeze %dma_start3A_409 : memref<1x80x128xf32, #tpu.memory_space<vmem>> -> memref<80x128xf32, #tpu.memory_space<vmem>>
        %dma_start3A_411 = arith.constant 0 : i32
        %dma_start3A_412 = tpu.memref_slice %arg5[%add3A_399, %dma_start3A_411] : memref<320000x128xf32, #tpu.memory_space<hbm>> -> memref<80x128xf32, #tpu.memory_space<hbm>>
        tpu.enqueue_dma source(%dma_start3A_412 : memref<80x128xf32, #tpu.memory_space<hbm>>) target(%dma_start3A_410 : memref<80x128xf32, #tpu.memory_space<vmem>>) target_semaphore(%arg15 : memref<!tpu.dma_semaphore, #tpu.memory_space<semaphore_mem>>)
      } else {
      }
      %mul3A_368 = arith.constant 80 : i32
      %mul3A_369 = arith.muli %add3A_305, %mul3A_368 : i32
      %add3A_370 = arith.addi %mul3A_2, %mul3A_369 : i32
      %dma_wait3A_371 = arith.constant 1 : i32
      %dma_wait3A_372 = arith.constant 0 : i32
      %dma_wait3A_373 = arith.constant 0 : i32
      %dma_wait3A_374 = tpu.memref_slice %arg13[%dma_wait3A_371, %dma_wait3A_372, %dma_wait3A_373] : memref<2x80x128xf32, #tpu.memory_space<vmem>> -> memref<1x80x128xf32, #tpu.memory_space<vmem>>
      %dma_wait3A_375 = tpu.memref_squeeze %dma_wait3A_374 : memref<1x80x128xf32, #tpu.memory_space<vmem>> -> memref<80x128xf32, #tpu.memory_space<vmem>>
      %dma_wait3A_376 = arith.constant 0 : i32
      %dma_wait3A_377 = tpu.memref_slice %arg5[%add3A_370, %dma_wait3A_376] : memref<320000x128xf32, #tpu.memory_space<hbm>> -> memref<80x128xf32, #tpu.memory_space<hbm>>
      %dma_wait3A_378 = arith.constant 0 : i32
      %dma_wait3A_379 = arith.constant 0 : i32
      %dma_wait3A_380 = tpu.memref_slice %arg13[%dma_wait3A_371, %dma_wait3A_378, %dma_wait3A_379] : memref<2x80x128xf32, #tpu.memory_space<vmem>> -> memref<1x80x128xf32, #tpu.memory_space<vmem>>
      %dma_wait3A_381 = tpu.memref_squeeze %dma_wait3A_380 : memref<1x80x128xf32, #tpu.memory_space<vmem>> -> memref<80x128xf32, #tpu.memory_space<vmem>>
      %dma_wait3A_382 = arith.constant 0 : i32
      %dma_wait3A_383 = tpu.memref_slice %arg5[%add3A_370, %dma_wait3A_382] : memref<320000x128xf32, #tpu.memory_space<hbm>> -> memref<80x128xf32, #tpu.memory_space<hbm>>
      tpu.wait_dma2 semaphore(%arg16 : memref<!tpu.dma_semaphore, #tpu.memory_space<semaphore_mem>>) src(%dma_wait3A_383 : memref<80x128xf32, #tpu.memory_space<hbm>>) dst(%dma_wait3A_381 : memref<80x128xf32, #tpu.memory_space<vmem>>)
      %dma_start3A_384 = arith.constant 1 : i32
      %dma_start3A_385 = arith.constant 0 : i32
      %dma_start3A_386 = arith.constant 0 : i32
      %dma_start3A_387 = tpu.memref_slice %arg13[%dma_start3A_384, %dma_start3A_385, %dma_start3A_386] : memref<2x80x128xf32, #tpu.memory_space<vmem>> -> memref<1x80x128xf32, #tpu.memory_space<vmem>>
      %dma_start3A_388 = tpu.memref_squeeze %dma_start3A_387 : memref<1x80x128xf32, #tpu.memory_space<vmem>> -> memref<80x128xf32, #tpu.memory_space<vmem>>
      %dma_start3A_389 = arith.constant 0 : i32
      %dma_start3A_390 = tpu.memref_slice %arg12[%add3A_305, %dma_start3A_389] : memref<125x80xi32, #tpu.memory_space<vmem>> -> memref<1x80xi32, #tpu.memory_space<vmem>>
      %dma_start3A_391 = tpu.memref_squeeze %dma_start3A_390 : memref<1x80xi32, #tpu.memory_space<vmem>> -> memref<80xi32, #tpu.memory_space<vmem>>
      %dma_start3A_392 = arith.constant 0 : i32
      %dma_start3A_393 = arith.constant 0 : i32
      %dma_start3A_394 = tpu.memref_slice %arg14[%dma_start3A_392, %dma_start3A_393] : memref<10112x128xf32, #tpu.memory_space<vmem_shared>> -> memref<10112x128xf32, #tpu.memory_space<vmem_shared>>
      tpu.enqueue_indirect_dma source(%dma_start3A_388 : memref<80x128xf32, #tpu.memory_space<vmem>>) target(%dma_start3A_394 : memref<10112x128xf32, #tpu.memory_space<vmem_shared>>) offsets(%dma_start3A_391 : memref<80xi32, #tpu.memory_space<vmem>>) semaphore(%arg18 : memref<!tpu.dma_semaphore, #tpu.memory_space<semaphore_mem>>) {add = true}
    }
    %scan3A_247 = arith.constant 62 : i32
    %add3A_248 = arith.constant 9920 : i32
    %add3A_249 = arith.addi %mul3A_2, %add3A_248 : i32
    %dma_wait3A_250 = arith.constant 0 : i32
    %dma_wait3A_251 = arith.constant 0 : i32
    %dma_wait3A_252 = arith.constant 0 : i32
    %dma_wait3A_253 = tpu.memref_slice %arg13[%dma_wait3A_250, %dma_wait3A_251, %dma_wait3A_252] : memref<2x80x128xf32, #tpu.memory_space<vmem>> -> memref<1x80x128xf32, #tpu.memory_space<vmem>>
    %dma_wait3A_254 = tpu.memref_squeeze %dma_wait3A_253 : memref<1x80x128xf32, #tpu.memory_space<vmem>> -> memref<80x128xf32, #tpu.memory_space<vmem>>
    %dma_wait3A_255 = arith.constant 0 : i32
    %dma_wait3A_256 = tpu.memref_slice %arg5[%add3A_249, %dma_wait3A_255] : memref<320000x128xf32, #tpu.memory_space<hbm>> -> memref<80x128xf32, #tpu.memory_space<hbm>>
    %dma_wait3A_257 = arith.constant 0 : i32
    %dma_wait3A_258 = arith.constant 0 : i32
    %dma_wait3A_259 = tpu.memref_slice %arg13[%dma_wait3A_250, %dma_wait3A_257, %dma_wait3A_258] : memref<2x80x128xf32, #tpu.memory_space<vmem>> -> memref<1x80x128xf32, #tpu.memory_space<vmem>>
    %dma_wait3A_260 = tpu.memref_squeeze %dma_wait3A_259 : memref<1x80x128xf32, #tpu.memory_space<vmem>> -> memref<80x128xf32, #tpu.memory_space<vmem>>
    %dma_wait3A_261 = arith.constant 0 : i32
    %dma_wait3A_262 = tpu.memref_slice %arg5[%add3A_249, %dma_wait3A_261] : memref<320000x128xf32, #tpu.memory_space<hbm>> -> memref<80x128xf32, #tpu.memory_space<hbm>>
    tpu.wait_dma2 semaphore(%arg15 : memref<!tpu.dma_semaphore, #tpu.memory_space<semaphore_mem>>) src(%dma_wait3A_262 : memref<80x128xf32, #tpu.memory_space<hbm>>) dst(%dma_wait3A_260 : memref<80x128xf32, #tpu.memory_space<vmem>>)
    %dma_start3A_263 = arith.constant 0 : i32
    %dma_start3A_264 = arith.constant 124 : i32
    %dma_start3A_265 = arith.constant 0 : i32
    %dma_start3A_266 = arith.constant 0 : i32
    %dma_start3A_267 = tpu.memref_slice %arg13[%dma_start3A_263, %dma_start3A_265, %dma_start3A_266] : memref<2x80x128xf32, #tpu.memory_space<vmem>> -> memref<1x80x128xf32, #tpu.memory_space<vmem>>
    %dma_start3A_268 = tpu.memref_squeeze %dma_start3A_267 : memref<1x80x128xf32, #tpu.memory_space<vmem>> -> memref<80x128xf32, #tpu.memory_space<vmem>>
    %dma_start3A_269 = arith.constant 0 : i32
    %dma_start3A_270 = tpu.memref_slice %arg12[%dma_start3A_264, %dma_start3A_269] : memref<125x80xi32, #tpu.memory_space<vmem>> -> memref<1x80xi32, #tpu.memory_space<vmem>>
    %dma_start3A_271 = tpu.memref_squeeze %dma_start3A_270 : memref<1x80xi32, #tpu.memory_space<vmem>> -> memref<80xi32, #tpu.memory_space<vmem>>
    %dma_start3A_272 = arith.constant 0 : i32
    %dma_start3A_273 = arith.constant 0 : i32
    %dma_start3A_274 = tpu.memref_slice %arg14[%dma_start3A_272, %dma_start3A_273] : memref<10112x128xf32, #tpu.memory_space<vmem_shared>> -> memref<10112x128xf32, #tpu.memory_space<vmem_shared>>
    tpu.enqueue_indirect_dma source(%dma_start3A_268 : memref<80x128xf32, #tpu.memory_space<vmem>>) target(%dma_start3A_274 : memref<10112x128xf32, #tpu.memory_space<vmem_shared>>) offsets(%dma_start3A_271 : memref<80xi32, #tpu.memory_space<vmem>>) semaphore(%arg17 : memref<!tpu.dma_semaphore, #tpu.memory_space<semaphore_mem>>) {add = true}
    %dma_wait3A_275 = arith.constant 0 : i32
    %dma_wait3A_276 = arith.constant 124 : i32
    %dma_wait3A_277 = arith.constant 0 : i32
    %dma_wait3A_278 = arith.constant 0 : i32
    %dma_wait3A_279 = tpu.memref_slice %arg13[%dma_wait3A_275, %dma_wait3A_277, %dma_wait3A_278] : memref<2x80x128xf32, #tpu.memory_space<vmem>> -> memref<1x80x128xf32, #tpu.memory_space<vmem>>
    %dma_wait3A_280 = tpu.memref_squeeze %dma_wait3A_279 : memref<1x80x128xf32, #tpu.memory_space<vmem>> -> memref<80x128xf32, #tpu.memory_space<vmem>>
    %dma_wait3A_281 = arith.constant 0 : i32
    %dma_wait3A_282 = tpu.memref_slice %arg12[%dma_wait3A_276, %dma_wait3A_281] : memref<125x80xi32, #tpu.memory_space<vmem>> -> memref<1x80xi32, #tpu.memory_space<vmem>>
    %dma_wait3A_283 = tpu.memref_squeeze %dma_wait3A_282 : memref<1x80xi32, #tpu.memory_space<vmem>> -> memref<80xi32, #tpu.memory_space<vmem>>
    %dma_wait3A_284 = arith.constant 0 : i32
    %dma_wait3A_285 = arith.constant 0 : i32
    %dma_wait3A_286 = tpu.memref_slice %arg14[%dma_wait3A_284, %dma_wait3A_285] : memref<10112x128xf32, #tpu.memory_space<vmem_shared>> -> memref<10112x128xf32, #tpu.memory_space<vmem_shared>>
    tpu.wait_indirect_dma semaphore(%arg17 : memref<!tpu.dma_semaphore, #tpu.memory_space<semaphore_mem>>) src(%dma_wait3A_280 : memref<80x128xf32, #tpu.memory_space<vmem>>) dst(%dma_wait3A_286 : memref<10112x128xf32, #tpu.memory_space<vmem_shared>>)
    %dma_wait3A_287 = arith.constant 1 : i32
    %dma_wait3A_288 = arith.constant 123 : i32
    %dma_wait3A_289 = arith.constant 0 : i32
    %dma_wait3A_290 = arith.constant 0 : i32
    %dma_wait3A_291 = tpu.memref_slice %arg13[%dma_wait3A_287, %dma_wait3A_289, %dma_wait3A_290] : memref<2x80x128xf32, #tpu.memory_space<vmem>> -> memref<1x80x128xf32, #tpu.memory_space<vmem>>
    %dma_wait3A_292 = tpu.memref_squeeze %dma_wait3A_291 : memref<1x80x128xf32, #tpu.memory_space<vmem>> -> memref<80x128xf32, #tpu.memory_space<vmem>>
    %dma_wait3A_293 = arith.constant 0 : i32
    %dma_wait3A_294 = tpu.memref_slice %arg12[%dma_wait3A_288, %dma_wait3A_293] : memref<125x80xi32, #tpu.memory_space<vmem>> -> memref<1x80xi32, #tpu.memory_space<vmem>>
    %dma_wait3A_295 = tpu.memref_squeeze %dma_wait3A_294 : memref<1x80xi32, #tpu.memory_space<vmem>> -> memref<80xi32, #tpu.memory_space<vmem>>
    %dma_wait3A_296 = arith.constant 0 : i32
    %dma_wait3A_297 = arith.constant 0 : i32
    %dma_wait3A_298 = tpu.memref_slice %arg14[%dma_wait3A_296, %dma_wait3A_297] : memref<10112x128xf32, #tpu.memory_space<vmem_shared>> -> memref<10112x128xf32, #tpu.memory_space<vmem_shared>>
    tpu.wait_indirect_dma semaphore(%arg18 : memref<!tpu.dma_semaphore, #tpu.memory_space<semaphore_mem>>) src(%dma_wait3A_292 : memref<80x128xf32, #tpu.memory_space<vmem>>) dst(%dma_wait3A_298 : memref<10112x128xf32, #tpu.memory_space<vmem_shared>>)
    %barrier3A_299 = arith.constant 0 : index
    tpu.barrier barrier_id(%barrier3A_299)
    "tpu.region"() ({
      %run_scoped3A = tpu.sem_alloc : memref<!tpu.dma_semaphore, #tpu.memory_space<semaphore_mem>>
      %dma_start3A_301 = arith.constant 0 : i32
      %dma_start3A_302 = tpu.memref_slice %arg11[%arg0, %mul3A_4, %dma_start3A_301] : memref<2x10112x128xf32, #tpu.memory_space<hbm>> -> memref<1x632x128xf32, #tpu.memory_space<hbm>>
      %dma_start3A_303 = tpu.memref_squeeze %dma_start3A_302 : memref<1x632x128xf32, #tpu.memory_space<hbm>> -> memref<632x128xf32, #tpu.memory_space<hbm>>
      %dma_start3A_304 = arith.constant 0 : i32
      %dma_start3A_305 = tpu.memref_slice %arg14[%mul3A_4, %dma_start3A_304] : memref<10112x128xf32, #tpu.memory_space<vmem_shared>> -> memref<632x128xf32, #tpu.memory_space<vmem_shared>>
      tpu.enqueue_dma source(%dma_start3A_305 : memref<632x128xf32, #tpu.memory_space<vmem_shared>>) target(%dma_start3A_303 : memref<632x128xf32, #tpu.memory_space<hbm>>) target_semaphore(%run_scoped3A : memref<!tpu.dma_semaphore, #tpu.memory_space<semaphore_mem>>)
      %dma_wait3A_306 = arith.constant 0 : i32
      %dma_wait3A_307 = tpu.memref_slice %arg11[%arg0, %mul3A_4, %dma_wait3A_306] : memref<2x10112x128xf32, #tpu.memory_space<hbm>> -> memref<1x632x128xf32, #tpu.memory_space<hbm>>
      %dma_wait3A_308 = tpu.memref_squeeze %dma_wait3A_307 : memref<1x632x128xf32, #tpu.memory_space<hbm>> -> memref<632x128xf32, #tpu.memory_space<hbm>>
      %dma_wait3A_309 = arith.constant 0 : i32
      %dma_wait3A_310 = tpu.memref_slice %arg14[%mul3A_4, %dma_wait3A_309] : memref<10112x128xf32, #tpu.memory_space<vmem_shared>> -> memref<632x128xf32, #tpu.memory_space<vmem_shared>>
      tpu.wait_dma2 semaphore(%run_scoped3A : memref<!tpu.dma_semaphore, #tpu.memory_space<semaphore_mem>>) src(%dma_wait3A_310 : memref<632x128xf32, #tpu.memory_space<vmem_shared>>) dst(%dma_wait3A_308 : memref<632x128xf32, #tpu.memory_space<hbm>>)
      tpu.yield
    }) : () -> ()
    %barrier3A_300 = arith.constant 0 : index
    tpu.barrier barrier_id(%barrier3A_300)
    return
  }
}

#map = affine_map<(d0, d1) -> (0, 0)>
#map1 = affine_map<(d0, d1) -> (0)>
module attributes {stable_mosaic.version = 14 : i64} {
  func.func @sc_gather(%arg0: i32, %arg1: i32, %arg2: memref<10000x128xf32, #tpu.memory_space<hbm>>, %arg3: memref<10000x512xf32, #tpu.memory_space<hbm>>, %arg4: memref<320000xi32, #tpu.memory_space<hbm>>, %arg5: memref<320000xi32, #tpu.memory_space<hbm>>, %arg6: memref<320000x128xf32, #tpu.memory_space<hbm>>, %arg7: memref<320000x512xf32, #tpu.memory_space<hbm>>, %arg8: memref<10000xi32, #tpu.memory_space<vmem>>, %arg9: memref<10000xi32, #tpu.memory_space<vmem>>, %arg10: memref<2x80x128xf32, #tpu.memory_space<vmem>>, %arg11: memref<2x80x512xf32, #tpu.memory_space<vmem>>, %arg12: memref<!tpu.dma_semaphore, #tpu.memory_space<semaphore_mem>>, %arg13: memref<!tpu.dma_semaphore, #tpu.memory_space<semaphore_mem>>, %arg14: memref<!tpu.dma_semaphore, #tpu.memory_space<semaphore_mem>>, %arg15: memref<!tpu.dma_semaphore, #tpu.memory_space<semaphore_mem>>) attributes {dimension_semantics = [#tpu.dimension_semantics<core_parallel>, #tpu.dimension_semantics<subcore_parallel>], iteration_bounds = array<i64: 2, 16>, scalar_prefetch = 0 : i64, scratch_operands = 8 : i64, tpu.core_type = #tpu.core_type<sc_vector_subcore>, window_params = [{transform_indices = #map}, {transform_indices = #map}, {transform_indices = #map1}, {transform_indices = #map1}, {transform_indices = #map}, {transform_indices = #map}]} {
    %mul3A = arith.constant 2 : i32
    %mul3A_0 = arith.muli %arg1, %mul3A : i32
    %add3A = arith.addi %mul3A_0, %arg0 : i32
    %mul3A_1 = arith.constant 10000 : i32
    %mul3A_2 = arith.muli %add3A, %mul3A_1 : i32
    "tpu.region"() ({
      %run_scoped3A = tpu.sem_alloc : memref<!tpu.dma_semaphore, #tpu.memory_space<semaphore_mem>>
      %dma_start3A_130 = tpu.memref_slice %arg4[%mul3A_2] : memref<320000xi32, #tpu.memory_space<hbm>> -> memref<10000xi32, #tpu.memory_space<hbm>>
      %dma_start3A_131 = tpu.memref_slice %arg4[%mul3A_2] : memref<320000xi32, #tpu.memory_space<hbm>> -> memref<10000xi32, #tpu.memory_space<hbm>>
      tpu.enqueue_dma source(%dma_start3A_131 : memref<10000xi32, #tpu.memory_space<hbm>>) target(%arg8 : memref<10000xi32, #tpu.memory_space<vmem>>) target_semaphore(%run_scoped3A : memref<!tpu.dma_semaphore, #tpu.memory_space<semaphore_mem>>)
      %dma_wait3A_132 = tpu.memref_slice %arg4[%mul3A_2] : memref<320000xi32, #tpu.memory_space<hbm>> -> memref<10000xi32, #tpu.memory_space<hbm>>
      %dma_wait3A_133 = tpu.memref_slice %arg4[%mul3A_2] : memref<320000xi32, #tpu.memory_space<hbm>> -> memref<10000xi32, #tpu.memory_space<hbm>>
      tpu.wait_dma2 semaphore(%run_scoped3A : memref<!tpu.dma_semaphore, #tpu.memory_space<semaphore_mem>>) src(%dma_wait3A_133 : memref<10000xi32, #tpu.memory_space<hbm>>) dst(%arg8 : memref<10000xi32, #tpu.memory_space<vmem>>)
      tpu.yield
    }) : () -> ()
    "tpu.region"() ({
      %run_scoped3A = tpu.sem_alloc : memref<!tpu.dma_semaphore, #tpu.memory_space<semaphore_mem>>
      %dma_start3A_130 = tpu.memref_slice %arg5[%mul3A_2] : memref<320000xi32, #tpu.memory_space<hbm>> -> memref<10000xi32, #tpu.memory_space<hbm>>
      %dma_start3A_131 = tpu.memref_slice %arg5[%mul3A_2] : memref<320000xi32, #tpu.memory_space<hbm>> -> memref<10000xi32, #tpu.memory_space<hbm>>
      tpu.enqueue_dma source(%dma_start3A_131 : memref<10000xi32, #tpu.memory_space<hbm>>) target(%arg9 : memref<10000xi32, #tpu.memory_space<vmem>>) target_semaphore(%run_scoped3A : memref<!tpu.dma_semaphore, #tpu.memory_space<semaphore_mem>>)
      %dma_wait3A_132 = tpu.memref_slice %arg5[%mul3A_2] : memref<320000xi32, #tpu.memory_space<hbm>> -> memref<10000xi32, #tpu.memory_space<hbm>>
      %dma_wait3A_133 = tpu.memref_slice %arg5[%mul3A_2] : memref<320000xi32, #tpu.memory_space<hbm>> -> memref<10000xi32, #tpu.memory_space<hbm>>
      tpu.wait_dma2 semaphore(%run_scoped3A : memref<!tpu.dma_semaphore, #tpu.memory_space<semaphore_mem>>) src(%dma_wait3A_133 : memref<10000xi32, #tpu.memory_space<hbm>>) dst(%arg9 : memref<10000xi32, #tpu.memory_space<vmem>>)
      tpu.yield
    }) : () -> ()
    %dma_start3A = arith.constant 0 : i32
    %dma_start3A_3 = arith.constant 0 : i32
    %dma_start3A_4 = arith.constant 0 : i32
    %dma_start3A_5 = tpu.memref_slice %arg10[%dma_start3A, %dma_start3A_3, %dma_start3A_4] : memref<2x80x128xf32, #tpu.memory_space<vmem>> -> memref<1x80x128xf32, #tpu.memory_space<vmem>>
    %dma_start3A_6 = tpu.memref_squeeze %dma_start3A_5 : memref<1x80x128xf32, #tpu.memory_space<vmem>> -> memref<80x128xf32, #tpu.memory_space<vmem>>
    %dma_start3A_7 = arith.constant 0 : i32
    %dma_start3A_8 = tpu.memref_slice %arg9[%dma_start3A_7] : memref<10000xi32, #tpu.memory_space<vmem>> -> memref<80xi32, #tpu.memory_space<vmem>>
    %dma_start3A_9 = arith.constant 0 : i32
    %dma_start3A_10 = arith.constant 0 : i32
    %dma_start3A_11 = tpu.memref_slice %arg2[%dma_start3A_9, %dma_start3A_10] : memref<10000x128xf32, #tpu.memory_space<hbm>> -> memref<10000x128xf32, #tpu.memory_space<hbm>>
    tpu.enqueue_indirect_dma source(%dma_start3A_11 : memref<10000x128xf32, #tpu.memory_space<hbm>>) target(%dma_start3A_6 : memref<80x128xf32, #tpu.memory_space<vmem>>) offsets(%dma_start3A_8 : memref<80xi32, #tpu.memory_space<vmem>>) semaphore(%arg12 : memref<!tpu.dma_semaphore, #tpu.memory_space<semaphore_mem>>)
    %dma_start3A_12 = arith.constant 0 : i32
    %dma_start3A_13 = arith.constant 0 : i32
    %dma_start3A_14 = arith.constant 0 : i32
    %dma_start3A_15 = tpu.memref_slice %arg11[%dma_start3A_12, %dma_start3A_13, %dma_start3A_14] : memref<2x80x512xf32, #tpu.memory_space<vmem>> -> memref<1x80x512xf32, #tpu.memory_space<vmem>>
    %dma_start3A_16 = tpu.memref_squeeze %dma_start3A_15 : memref<1x80x512xf32, #tpu.memory_space<vmem>> -> memref<80x512xf32, #tpu.memory_space<vmem>>
    %dma_start3A_17 = arith.constant 0 : i32
    %dma_start3A_18 = tpu.memref_slice %arg8[%dma_start3A_17] : memref<10000xi32, #tpu.memory_space<vmem>> -> memref<80xi32, #tpu.memory_space<vmem>>
    %dma_start3A_19 = arith.constant 0 : i32
    %dma_start3A_20 = arith.constant 0 : i32
    %dma_start3A_21 = tpu.memref_slice %arg3[%dma_start3A_19, %dma_start3A_20] : memref<10000x512xf32, #tpu.memory_space<hbm>> -> memref<10000x512xf32, #tpu.memory_space<hbm>>
    tpu.enqueue_indirect_dma source(%dma_start3A_21 : memref<10000x512xf32, #tpu.memory_space<hbm>>) target(%dma_start3A_16 : memref<80x512xf32, #tpu.memory_space<vmem>>) offsets(%dma_start3A_18 : memref<80xi32, #tpu.memory_space<vmem>>) semaphore(%arg12 : memref<!tpu.dma_semaphore, #tpu.memory_space<semaphore_mem>>)
    %scan3A = arith.constant 0 : i32
    %scan3A_22 = arith.constant 0 : i32
    %scan3A_23 = arith.constant 62 : i32
    %scan3A_24 = arith.addi %scan3A_22, %scan3A_23 : i32
    %scan3A_25 = arith.constant 1 : i32
    scf.for %scan3A_130 = %scan3A_22 to %scan3A_24 step %scan3A_25  : i32 {
      %mul3A_131 = arith.constant 2 : i32
      %mul3A_132 = arith.muli %mul3A_131, %scan3A_130 : i32
      %add3A_133 = arith.constant 1 : i32
      %add3A_134 = arith.addi %mul3A_132, %add3A_133 : i32
      %gt3A = arith.constant 0 : i32
      %gt3A_135 = arith.cmpi sgt, %scan3A_130, %gt3A : i32
      %convert_element_type3A = arith.extui %gt3A_135 : i1 to i32
      %cond3A = arith.constant 0 : i32
      %cond3A_136 = arith.cmpi ne, %convert_element_type3A, %cond3A : i32
      scf.if %cond3A_136 {
        %sub3A = arith.constant 1 : i32
        %sub3A_296 = arith.subi %mul3A_132, %sub3A : i32
        %mul3A_297 = arith.constant 80 : i32
        %mul3A_298 = arith.muli %sub3A_296, %mul3A_297 : i32
        %add3A_299 = arith.addi %mul3A_2, %mul3A_298 : i32
        %dma_wait3A_300 = arith.constant 1 : i32
        %dma_wait3A_301 = arith.constant 0 : i32
        %dma_wait3A_302 = arith.constant 0 : i32
        %dma_wait3A_303 = tpu.memref_slice %arg10[%dma_wait3A_300, %dma_wait3A_301, %dma_wait3A_302] : memref<2x80x128xf32, #tpu.memory_space<vmem>> -> memref<1x80x128xf32, #tpu.memory_space<vmem>>
        %dma_wait3A_304 = tpu.memref_squeeze %dma_wait3A_303 : memref<1x80x128xf32, #tpu.memory_space<vmem>> -> memref<80x128xf32, #tpu.memory_space<vmem>>
        %dma_wait3A_305 = arith.constant 0 : i32
        %dma_wait3A_306 = tpu.memref_slice %arg6[%add3A_299, %dma_wait3A_305] : memref<320000x128xf32, #tpu.memory_space<hbm>> -> memref<80x128xf32, #tpu.memory_space<hbm>>
        %dma_wait3A_307 = arith.constant 0 : i32
        %dma_wait3A_308 = tpu.memref_slice %arg6[%add3A_299, %dma_wait3A_307] : memref<320000x128xf32, #tpu.memory_space<hbm>> -> memref<80x128xf32, #tpu.memory_space<hbm>>
        %dma_wait3A_309 = arith.constant 0 : i32
        %dma_wait3A_310 = arith.constant 0 : i32
        %dma_wait3A_311 = tpu.memref_slice %arg10[%dma_wait3A_300, %dma_wait3A_309, %dma_wait3A_310] : memref<2x80x128xf32, #tpu.memory_space<vmem>> -> memref<1x80x128xf32, #tpu.memory_space<vmem>>
        %dma_wait3A_312 = tpu.memref_squeeze %dma_wait3A_311 : memref<1x80x128xf32, #tpu.memory_space<vmem>> -> memref<80x128xf32, #tpu.memory_space<vmem>>
        tpu.wait_dma2 semaphore(%arg15 : memref<!tpu.dma_semaphore, #tpu.memory_space<semaphore_mem>>) src(%dma_wait3A_312 : memref<80x128xf32, #tpu.memory_space<vmem>>) dst(%dma_wait3A_308 : memref<80x128xf32, #tpu.memory_space<hbm>>)
        %dma_wait3A_313 = arith.constant 1 : i32
        %dma_wait3A_314 = arith.constant 0 : i32
        %dma_wait3A_315 = arith.constant 0 : i32
        %dma_wait3A_316 = tpu.memref_slice %arg11[%dma_wait3A_313, %dma_wait3A_314, %dma_wait3A_315] : memref<2x80x512xf32, #tpu.memory_space<vmem>> -> memref<1x80x512xf32, #tpu.memory_space<vmem>>
        %dma_wait3A_317 = tpu.memref_squeeze %dma_wait3A_316 : memref<1x80x512xf32, #tpu.memory_space<vmem>> -> memref<80x512xf32, #tpu.memory_space<vmem>>
        %dma_wait3A_318 = arith.constant 0 : i32
        %dma_wait3A_319 = tpu.memref_slice %arg7[%add3A_299, %dma_wait3A_318] : memref<320000x512xf32, #tpu.memory_space<hbm>> -> memref<80x512xf32, #tpu.memory_space<hbm>>
        %dma_wait3A_320 = arith.constant 0 : i32
        %dma_wait3A_321 = tpu.memref_slice %arg7[%add3A_299, %dma_wait3A_320] : memref<320000x512xf32, #tpu.memory_space<hbm>> -> memref<80x512xf32, #tpu.memory_space<hbm>>
        %dma_wait3A_322 = arith.constant 0 : i32
        %dma_wait3A_323 = arith.constant 0 : i32
        %dma_wait3A_324 = tpu.memref_slice %arg11[%dma_wait3A_313, %dma_wait3A_322, %dma_wait3A_323] : memref<2x80x512xf32, #tpu.memory_space<vmem>> -> memref<1x80x512xf32, #tpu.memory_space<vmem>>
        %dma_wait3A_325 = tpu.memref_squeeze %dma_wait3A_324 : memref<1x80x512xf32, #tpu.memory_space<vmem>> -> memref<80x512xf32, #tpu.memory_space<vmem>>
        tpu.wait_dma2 semaphore(%arg15 : memref<!tpu.dma_semaphore, #tpu.memory_space<semaphore_mem>>) src(%dma_wait3A_325 : memref<80x512xf32, #tpu.memory_space<vmem>>) dst(%dma_wait3A_321 : memref<80x512xf32, #tpu.memory_space<hbm>>)
      } else {
      }
      %mul3A_137 = arith.constant 80 : i32
      %mul3A_138 = arith.muli %add3A_134, %mul3A_137 : i32
      %mul3A_139 = arith.constant 80 : i32
      %mul3A_140 = arith.muli %add3A_134, %mul3A_139 : i32
      %dma_start3A_141 = arith.constant 1 : i32
      %dma_start3A_142 = arith.constant 0 : i32
      %dma_start3A_143 = arith.constant 0 : i32
      %dma_start3A_144 = tpu.memref_slice %arg10[%dma_start3A_141, %dma_start3A_142, %dma_start3A_143] : memref<2x80x128xf32, #tpu.memory_space<vmem>> -> memref<1x80x128xf32, #tpu.memory_space<vmem>>
      %dma_start3A_145 = tpu.memref_squeeze %dma_start3A_144 : memref<1x80x128xf32, #tpu.memory_space<vmem>> -> memref<80x128xf32, #tpu.memory_space<vmem>>
      %dma_start3A_146 = tpu.memref_slice %arg9[%mul3A_138] : memref<10000xi32, #tpu.memory_space<vmem>> -> memref<80xi32, #tpu.memory_space<vmem>>
      %dma_start3A_147 = arith.constant 0 : i32
      %dma_start3A_148 = arith.constant 0 : i32
      %dma_start3A_149 = tpu.memref_slice %arg2[%dma_start3A_147, %dma_start3A_148] : memref<10000x128xf32, #tpu.memory_space<hbm>> -> memref<10000x128xf32, #tpu.memory_space<hbm>>
      tpu.enqueue_indirect_dma source(%dma_start3A_149 : memref<10000x128xf32, #tpu.memory_space<hbm>>) target(%dma_start3A_145 : memref<80x128xf32, #tpu.memory_space<vmem>>) offsets(%dma_start3A_146 : memref<80xi32, #tpu.memory_space<vmem>>) semaphore(%arg13 : memref<!tpu.dma_semaphore, #tpu.memory_space<semaphore_mem>>)
      %dma_start3A_150 = arith.constant 1 : i32
      %dma_start3A_151 = arith.constant 0 : i32
      %dma_start3A_152 = arith.constant 0 : i32
      %dma_start3A_153 = tpu.memref_slice %arg11[%dma_start3A_150, %dma_start3A_151, %dma_start3A_152] : memref<2x80x512xf32, #tpu.memory_space<vmem>> -> memref<1x80x512xf32, #tpu.memory_space<vmem>>
      %dma_start3A_154 = tpu.memref_squeeze %dma_start3A_153 : memref<1x80x512xf32, #tpu.memory_space<vmem>> -> memref<80x512xf32, #tpu.memory_space<vmem>>
      %dma_start3A_155 = tpu.memref_slice %arg8[%mul3A_140] : memref<10000xi32, #tpu.memory_space<vmem>> -> memref<80xi32, #tpu.memory_space<vmem>>
      %dma_start3A_156 = arith.constant 0 : i32
      %dma_start3A_157 = arith.constant 0 : i32
      %dma_start3A_158 = tpu.memref_slice %arg3[%dma_start3A_156, %dma_start3A_157] : memref<10000x512xf32, #tpu.memory_space<hbm>> -> memref<10000x512xf32, #tpu.memory_space<hbm>>
      tpu.enqueue_indirect_dma source(%dma_start3A_158 : memref<10000x512xf32, #tpu.memory_space<hbm>>) target(%dma_start3A_154 : memref<80x512xf32, #tpu.memory_space<vmem>>) offsets(%dma_start3A_155 : memref<80xi32, #tpu.memory_space<vmem>>) semaphore(%arg13 : memref<!tpu.dma_semaphore, #tpu.memory_space<semaphore_mem>>)
      %mul3A_159 = arith.constant 80 : i32
      %mul3A_160 = arith.muli %mul3A_132, %mul3A_159 : i32
      %mul3A_161 = arith.constant 80 : i32
      %mul3A_162 = arith.muli %mul3A_132, %mul3A_161 : i32
      %dma_wait3A_163 = arith.constant 0 : i32
      %dma_wait3A_164 = arith.constant 0 : i32
      %dma_wait3A_165 = arith.constant 0 : i32
      %dma_wait3A_166 = tpu.memref_slice %arg10[%dma_wait3A_163, %dma_wait3A_164, %dma_wait3A_165] : memref<2x80x128xf32, #tpu.memory_space<vmem>> -> memref<1x80x128xf32, #tpu.memory_space<vmem>>
      %dma_wait3A_167 = tpu.memref_squeeze %dma_wait3A_166 : memref<1x80x128xf32, #tpu.memory_space<vmem>> -> memref<80x128xf32, #tpu.memory_space<vmem>>
      %dma_wait3A_168 = tpu.memref_slice %arg9[%mul3A_160] : memref<10000xi32, #tpu.memory_space<vmem>> -> memref<80xi32, #tpu.memory_space<vmem>>
      %dma_wait3A_169 = arith.constant 0 : i32
      %dma_wait3A_170 = arith.constant 0 : i32
      %dma_wait3A_171 = tpu.memref_slice %arg2[%dma_wait3A_169, %dma_wait3A_170] : memref<10000x128xf32, #tpu.memory_space<hbm>> -> memref<10000x128xf32, #tpu.memory_space<hbm>>
      tpu.wait_indirect_dma semaphore(%arg12 : memref<!tpu.dma_semaphore, #tpu.memory_space<semaphore_mem>>) src(%dma_wait3A_171 : memref<10000x128xf32, #tpu.memory_space<hbm>>) dst(%dma_wait3A_167 : memref<80x128xf32, #tpu.memory_space<vmem>>)
      %dma_wait3A_172 = arith.constant 0 : i32
      %dma_wait3A_173 = arith.constant 0 : i32
      %dma_wait3A_174 = arith.constant 0 : i32
      %dma_wait3A_175 = tpu.memref_slice %arg11[%dma_wait3A_172, %dma_wait3A_173, %dma_wait3A_174] : memref<2x80x512xf32, #tpu.memory_space<vmem>> -> memref<1x80x512xf32, #tpu.memory_space<vmem>>
      %dma_wait3A_176 = tpu.memref_squeeze %dma_wait3A_175 : memref<1x80x512xf32, #tpu.memory_space<vmem>> -> memref<80x512xf32, #tpu.memory_space<vmem>>
      %dma_wait3A_177 = tpu.memref_slice %arg8[%mul3A_162] : memref<10000xi32, #tpu.memory_space<vmem>> -> memref<80xi32, #tpu.memory_space<vmem>>
      %dma_wait3A_178 = arith.constant 0 : i32
      %dma_wait3A_179 = arith.constant 0 : i32
      %dma_wait3A_180 = tpu.memref_slice %arg3[%dma_wait3A_178, %dma_wait3A_179] : memref<10000x512xf32, #tpu.memory_space<hbm>> -> memref<10000x512xf32, #tpu.memory_space<hbm>>
      tpu.wait_indirect_dma semaphore(%arg12 : memref<!tpu.dma_semaphore, #tpu.memory_space<semaphore_mem>>) src(%dma_wait3A_180 : memref<10000x512xf32, #tpu.memory_space<hbm>>) dst(%dma_wait3A_176 : memref<80x512xf32, #tpu.memory_space<vmem>>)
      %mul3A_181 = arith.constant 80 : i32
      %mul3A_182 = arith.muli %mul3A_132, %mul3A_181 : i32
      %add3A_183 = arith.addi %mul3A_2, %mul3A_182 : i32
      %dma_start3A_184 = arith.constant 0 : i32
      %dma_start3A_185 = arith.constant 0 : i32
      %dma_start3A_186 = arith.constant 0 : i32
      %dma_start3A_187 = tpu.memref_slice %arg10[%dma_start3A_184, %dma_start3A_185, %dma_start3A_186] : memref<2x80x128xf32, #tpu.memory_space<vmem>> -> memref<1x80x128xf32, #tpu.memory_space<vmem>>
      %dma_start3A_188 = tpu.memref_squeeze %dma_start3A_187 : memref<1x80x128xf32, #tpu.memory_space<vmem>> -> memref<80x128xf32, #tpu.memory_space<vmem>>
      %dma_start3A_189 = arith.constant 0 : i32
      %dma_start3A_190 = tpu.memref_slice %arg6[%add3A_183, %dma_start3A_189] : memref<320000x128xf32, #tpu.memory_space<hbm>> -> memref<80x128xf32, #tpu.memory_space<hbm>>
      %dma_start3A_191 = arith.constant 0 : i32
      %dma_start3A_192 = tpu.memref_slice %arg6[%add3A_183, %dma_start3A_191] : memref<320000x128xf32, #tpu.memory_space<hbm>> -> memref<80x128xf32, #tpu.memory_space<hbm>>
      %dma_start3A_193 = arith.constant 0 : i32
      %dma_start3A_194 = arith.constant 0 : i32
      %dma_start3A_195 = tpu.memref_slice %arg10[%dma_start3A_184, %dma_start3A_193, %dma_start3A_194] : memref<2x80x128xf32, #tpu.memory_space<vmem>> -> memref<1x80x128xf32, #tpu.memory_space<vmem>>
      %dma_start3A_196 = tpu.memref_squeeze %dma_start3A_195 : memref<1x80x128xf32, #tpu.memory_space<vmem>> -> memref<80x128xf32, #tpu.memory_space<vmem>>
      tpu.enqueue_dma source(%dma_start3A_196 : memref<80x128xf32, #tpu.memory_space<vmem>>) target(%dma_start3A_192 : memref<80x128xf32, #tpu.memory_space<hbm>>) target_semaphore(%arg14 : memref<!tpu.dma_semaphore, #tpu.memory_space<semaphore_mem>>)
      %dma_start3A_197 = arith.constant 0 : i32
      %dma_start3A_198 = arith.constant 0 : i32
      %dma_start3A_199 = arith.constant 0 : i32
      %dma_start3A_200 = tpu.memref_slice %arg11[%dma_start3A_197, %dma_start3A_198, %dma_start3A_199] : memref<2x80x512xf32, #tpu.memory_space<vmem>> -> memref<1x80x512xf32, #tpu.memory_space<vmem>>
      %dma_start3A_201 = tpu.memref_squeeze %dma_start3A_200 : memref<1x80x512xf32, #tpu.memory_space<vmem>> -> memref<80x512xf32, #tpu.memory_space<vmem>>
      %dma_start3A_202 = arith.constant 0 : i32
      %dma_start3A_203 = tpu.memref_slice %arg7[%add3A_183, %dma_start3A_202] : memref<320000x512xf32, #tpu.memory_space<hbm>> -> memref<80x512xf32, #tpu.memory_space<hbm>>
      %dma_start3A_204 = arith.constant 0 : i32
      %dma_start3A_205 = tpu.memref_slice %arg7[%add3A_183, %dma_start3A_204] : memref<320000x512xf32, #tpu.memory_space<hbm>> -> memref<80x512xf32, #tpu.memory_space<hbm>>
      %dma_start3A_206 = arith.constant 0 : i32
      %dma_start3A_207 = arith.constant 0 : i32
      %dma_start3A_208 = tpu.memref_slice %arg11[%dma_start3A_197, %dma_start3A_206, %dma_start3A_207] : memref<2x80x512xf32, #tpu.memory_space<vmem>> -> memref<1x80x512xf32, #tpu.memory_space<vmem>>
      %dma_start3A_209 = tpu.memref_squeeze %dma_start3A_208 : memref<1x80x512xf32, #tpu.memory_space<vmem>> -> memref<80x512xf32, #tpu.memory_space<vmem>>
      tpu.enqueue_dma source(%dma_start3A_209 : memref<80x512xf32, #tpu.memory_space<vmem>>) target(%dma_start3A_205 : memref<80x512xf32, #tpu.memory_space<hbm>>) target_semaphore(%arg14 : memref<!tpu.dma_semaphore, #tpu.memory_space<semaphore_mem>>)
      %mul3A_210 = arith.constant 80 : i32
      %mul3A_211 = arith.muli %mul3A_132, %mul3A_210 : i32
      %add3A_212 = arith.addi %mul3A_2, %mul3A_211 : i32
      %dma_wait3A_213 = arith.constant 0 : i32
      %dma_wait3A_214 = arith.constant 0 : i32
      %dma_wait3A_215 = arith.constant 0 : i32
      %dma_wait3A_216 = tpu.memref_slice %arg10[%dma_wait3A_213, %dma_wait3A_214, %dma_wait3A_215] : memref<2x80x128xf32, #tpu.memory_space<vmem>> -> memref<1x80x128xf32, #tpu.memory_space<vmem>>
      %dma_wait3A_217 = tpu.memref_squeeze %dma_wait3A_216 : memref<1x80x128xf32, #tpu.memory_space<vmem>> -> memref<80x128xf32, #tpu.memory_space<vmem>>
      %dma_wait3A_218 = arith.constant 0 : i32
      %dma_wait3A_219 = tpu.memref_slice %arg6[%add3A_212, %dma_wait3A_218] : memref<320000x128xf32, #tpu.memory_space<hbm>> -> memref<80x128xf32, #tpu.memory_space<hbm>>
      %dma_wait3A_220 = arith.constant 0 : i32
      %dma_wait3A_221 = tpu.memref_slice %arg6[%add3A_212, %dma_wait3A_220] : memref<320000x128xf32, #tpu.memory_space<hbm>> -> memref<80x128xf32, #tpu.memory_space<hbm>>
      %dma_wait3A_222 = arith.constant 0 : i32
      %dma_wait3A_223 = arith.constant 0 : i32
      %dma_wait3A_224 = tpu.memref_slice %arg10[%dma_wait3A_213, %dma_wait3A_222, %dma_wait3A_223] : memref<2x80x128xf32, #tpu.memory_space<vmem>> -> memref<1x80x128xf32, #tpu.memory_space<vmem>>
      %dma_wait3A_225 = tpu.memref_squeeze %dma_wait3A_224 : memref<1x80x128xf32, #tpu.memory_space<vmem>> -> memref<80x128xf32, #tpu.memory_space<vmem>>
      tpu.wait_dma2 semaphore(%arg14 : memref<!tpu.dma_semaphore, #tpu.memory_space<semaphore_mem>>) src(%dma_wait3A_225 : memref<80x128xf32, #tpu.memory_space<vmem>>) dst(%dma_wait3A_221 : memref<80x128xf32, #tpu.memory_space<hbm>>)
      %dma_wait3A_226 = arith.constant 0 : i32
      %dma_wait3A_227 = arith.constant 0 : i32
      %dma_wait3A_228 = arith.constant 0 : i32
      %dma_wait3A_229 = tpu.memref_slice %arg11[%dma_wait3A_226, %dma_wait3A_227, %dma_wait3A_228] : memref<2x80x512xf32, #tpu.memory_space<vmem>> -> memref<1x80x512xf32, #tpu.memory_space<vmem>>
      %dma_wait3A_230 = tpu.memref_squeeze %dma_wait3A_229 : memref<1x80x512xf32, #tpu.memory_space<vmem>> -> memref<80x512xf32, #tpu.memory_space<vmem>>
      %dma_wait3A_231 = arith.constant 0 : i32
      %dma_wait3A_232 = tpu.memref_slice %arg7[%add3A_212, %dma_wait3A_231] : memref<320000x512xf32, #tpu.memory_space<hbm>> -> memref<80x512xf32, #tpu.memory_space<hbm>>
      %dma_wait3A_233 = arith.constant 0 : i32
      %dma_wait3A_234 = tpu.memref_slice %arg7[%add3A_212, %dma_wait3A_233] : memref<320000x512xf32, #tpu.memory_space<hbm>> -> memref<80x512xf32, #tpu.memory_space<hbm>>
      %dma_wait3A_235 = arith.constant 0 : i32
      %dma_wait3A_236 = arith.constant 0 : i32
      %dma_wait3A_237 = tpu.memref_slice %arg11[%dma_wait3A_226, %dma_wait3A_235, %dma_wait3A_236] : memref<2x80x512xf32, #tpu.memory_space<vmem>> -> memref<1x80x512xf32, #tpu.memory_space<vmem>>
      %dma_wait3A_238 = tpu.memref_squeeze %dma_wait3A_237 : memref<1x80x512xf32, #tpu.memory_space<vmem>> -> memref<80x512xf32, #tpu.memory_space<vmem>>
      tpu.wait_dma2 semaphore(%arg14 : memref<!tpu.dma_semaphore, #tpu.memory_space<semaphore_mem>>) src(%dma_wait3A_238 : memref<80x512xf32, #tpu.memory_space<vmem>>) dst(%dma_wait3A_234 : memref<80x512xf32, #tpu.memory_space<hbm>>)
      %add3A_239 = arith.constant 1 : i32
      %add3A_240 = arith.addi %add3A_134, %add3A_239 : i32
      %lt3A = arith.constant 125 : i32
      %lt3A_241 = arith.cmpi slt, %add3A_240, %lt3A : i32
      %convert_element_type3A_242 = arith.extui %lt3A_241 : i1 to i32
      %cond3A_243 = arith.constant 0 : i32
      %cond3A_244 = arith.cmpi ne, %convert_element_type3A_242, %cond3A_243 : i32
      scf.if %cond3A_244 {
        %add3A_296 = arith.constant 1 : i32
        %add3A_297 = arith.addi %add3A_134, %add3A_296 : i32
        %mul3A_298 = arith.constant 80 : i32
        %mul3A_299 = arith.muli %add3A_297, %mul3A_298 : i32
        %mul3A_300 = arith.constant 80 : i32
        %mul3A_301 = arith.muli %add3A_297, %mul3A_300 : i32
        %dma_start3A_302 = arith.constant 0 : i32
        %dma_start3A_303 = arith.constant 0 : i32
        %dma_start3A_304 = arith.constant 0 : i32
        %dma_start3A_305 = tpu.memref_slice %arg10[%dma_start3A_302, %dma_start3A_303, %dma_start3A_304] : memref<2x80x128xf32, #tpu.memory_space<vmem>> -> memref<1x80x128xf32, #tpu.memory_space<vmem>>
        %dma_start3A_306 = tpu.memref_squeeze %dma_start3A_305 : memref<1x80x128xf32, #tpu.memory_space<vmem>> -> memref<80x128xf32, #tpu.memory_space<vmem>>
        %dma_start3A_307 = tpu.memref_slice %arg9[%mul3A_299] : memref<10000xi32, #tpu.memory_space<vmem>> -> memref<80xi32, #tpu.memory_space<vmem>>
        %dma_start3A_308 = arith.constant 0 : i32
        %dma_start3A_309 = arith.constant 0 : i32
        %dma_start3A_310 = tpu.memref_slice %arg2[%dma_start3A_308, %dma_start3A_309] : memref<10000x128xf32, #tpu.memory_space<hbm>> -> memref<10000x128xf32, #tpu.memory_space<hbm>>
        tpu.enqueue_indirect_dma source(%dma_start3A_310 : memref<10000x128xf32, #tpu.memory_space<hbm>>) target(%dma_start3A_306 : memref<80x128xf32, #tpu.memory_space<vmem>>) offsets(%dma_start3A_307 : memref<80xi32, #tpu.memory_space<vmem>>) semaphore(%arg12 : memref<!tpu.dma_semaphore, #tpu.memory_space<semaphore_mem>>)
        %dma_start3A_311 = arith.constant 0 : i32
        %dma_start3A_312 = arith.constant 0 : i32
        %dma_start3A_313 = arith.constant 0 : i32
        %dma_start3A_314 = tpu.memref_slice %arg11[%dma_start3A_311, %dma_start3A_312, %dma_start3A_313] : memref<2x80x512xf32, #tpu.memory_space<vmem>> -> memref<1x80x512xf32, #tpu.memory_space<vmem>>
        %dma_start3A_315 = tpu.memref_squeeze %dma_start3A_314 : memref<1x80x512xf32, #tpu.memory_space<vmem>> -> memref<80x512xf32, #tpu.memory_space<vmem>>
        %dma_start3A_316 = tpu.memref_slice %arg8[%mul3A_301] : memref<10000xi32, #tpu.memory_space<vmem>> -> memref<80xi32, #tpu.memory_space<vmem>>
        %dma_start3A_317 = arith.constant 0 : i32
        %dma_start3A_318 = arith.constant 0 : i32
        %dma_start3A_319 = tpu.memref_slice %arg3[%dma_start3A_317, %dma_start3A_318] : memref<10000x512xf32, #tpu.memory_space<hbm>> -> memref<10000x512xf32, #tpu.memory_space<hbm>>
        tpu.enqueue_indirect_dma source(%dma_start3A_319 : memref<10000x512xf32, #tpu.memory_space<hbm>>) target(%dma_start3A_315 : memref<80x512xf32, #tpu.memory_space<vmem>>) offsets(%dma_start3A_316 : memref<80xi32, #tpu.memory_space<vmem>>) semaphore(%arg12 : memref<!tpu.dma_semaphore, #tpu.memory_space<semaphore_mem>>)
      } else {
      }
      %mul3A_245 = arith.constant 80 : i32
      %mul3A_246 = arith.muli %add3A_134, %mul3A_245 : i32
      %mul3A_247 = arith.constant 80 : i32
      %mul3A_248 = arith.muli %add3A_134, %mul3A_247 : i32
      %dma_wait3A_249 = arith.constant 1 : i32
      %dma_wait3A_250 = arith.constant 0 : i32
      %dma_wait3A_251 = arith.constant 0 : i32
      %dma_wait3A_252 = tpu.memref_slice %arg10[%dma_wait3A_249, %dma_wait3A_250, %dma_wait3A_251] : memref<2x80x128xf32, #tpu.memory_space<vmem>> -> memref<1x80x128xf32, #tpu.memory_space<vmem>>
      %dma_wait3A_253 = tpu.memref_squeeze %dma_wait3A_252 : memref<1x80x128xf32, #tpu.memory_space<vmem>> -> memref<80x128xf32, #tpu.memory_space<vmem>>
      %dma_wait3A_254 = tpu.memref_slice %arg9[%mul3A_246] : memref<10000xi32, #tpu.memory_space<vmem>> -> memref<80xi32, #tpu.memory_space<vmem>>
      %dma_wait3A_255 = arith.constant 0 : i32
      %dma_wait3A_256 = arith.constant 0 : i32
      %dma_wait3A_257 = tpu.memref_slice %arg2[%dma_wait3A_255, %dma_wait3A_256] : memref<10000x128xf32, #tpu.memory_space<hbm>> -> memref<10000x128xf32, #tpu.memory_space<hbm>>
      tpu.wait_indirect_dma semaphore(%arg13 : memref<!tpu.dma_semaphore, #tpu.memory_space<semaphore_mem>>) src(%dma_wait3A_257 : memref<10000x128xf32, #tpu.memory_space<hbm>>) dst(%dma_wait3A_253 : memref<80x128xf32, #tpu.memory_space<vmem>>)
      %dma_wait3A_258 = arith.constant 1 : i32
      %dma_wait3A_259 = arith.constant 0 : i32
      %dma_wait3A_260 = arith.constant 0 : i32
      %dma_wait3A_261 = tpu.memref_slice %arg11[%dma_wait3A_258, %dma_wait3A_259, %dma_wait3A_260] : memref<2x80x512xf32, #tpu.memory_space<vmem>> -> memref<1x80x512xf32, #tpu.memory_space<vmem>>
      %dma_wait3A_262 = tpu.memref_squeeze %dma_wait3A_261 : memref<1x80x512xf32, #tpu.memory_space<vmem>> -> memref<80x512xf32, #tpu.memory_space<vmem>>
      %dma_wait3A_263 = tpu.memref_slice %arg8[%mul3A_248] : memref<10000xi32, #tpu.memory_space<vmem>> -> memref<80xi32, #tpu.memory_space<vmem>>
      %dma_wait3A_264 = arith.constant 0 : i32
      %dma_wait3A_265 = arith.constant 0 : i32
      %dma_wait3A_266 = tpu.memref_slice %arg3[%dma_wait3A_264, %dma_wait3A_265] : memref<10000x512xf32, #tpu.memory_space<hbm>> -> memref<10000x512xf32, #tpu.memory_space<hbm>>
      tpu.wait_indirect_dma semaphore(%arg13 : memref<!tpu.dma_semaphore, #tpu.memory_space<semaphore_mem>>) src(%dma_wait3A_266 : memref<10000x512xf32, #tpu.memory_space<hbm>>) dst(%dma_wait3A_262 : memref<80x512xf32, #tpu.memory_space<vmem>>)
      %mul3A_267 = arith.constant 80 : i32
      %mul3A_268 = arith.muli %add3A_134, %mul3A_267 : i32
      %add3A_269 = arith.addi %mul3A_2, %mul3A_268 : i32
      %dma_start3A_270 = arith.constant 1 : i32
      %dma_start3A_271 = arith.constant 0 : i32
      %dma_start3A_272 = arith.constant 0 : i32
      %dma_start3A_273 = tpu.memref_slice %arg10[%dma_start3A_270, %dma_start3A_271, %dma_start3A_272] : memref<2x80x128xf32, #tpu.memory_space<vmem>> -> memref<1x80x128xf32, #tpu.memory_space<vmem>>
      %dma_start3A_274 = tpu.memref_squeeze %dma_start3A_273 : memref<1x80x128xf32, #tpu.memory_space<vmem>> -> memref<80x128xf32, #tpu.memory_space<vmem>>
      %dma_start3A_275 = arith.constant 0 : i32
      %dma_start3A_276 = tpu.memref_slice %arg6[%add3A_269, %dma_start3A_275] : memref<320000x128xf32, #tpu.memory_space<hbm>> -> memref<80x128xf32, #tpu.memory_space<hbm>>
      %dma_start3A_277 = arith.constant 0 : i32
      %dma_start3A_278 = tpu.memref_slice %arg6[%add3A_269, %dma_start3A_277] : memref<320000x128xf32, #tpu.memory_space<hbm>> -> memref<80x128xf32, #tpu.memory_space<hbm>>
      %dma_start3A_279 = arith.constant 0 : i32
      %dma_start3A_280 = arith.constant 0 : i32
      %dma_start3A_281 = tpu.memref_slice %arg10[%dma_start3A_270, %dma_start3A_279, %dma_start3A_280] : memref<2x80x128xf32, #tpu.memory_space<vmem>> -> memref<1x80x128xf32, #tpu.memory_space<vmem>>
      %dma_start3A_282 = tpu.memref_squeeze %dma_start3A_281 : memref<1x80x128xf32, #tpu.memory_space<vmem>> -> memref<80x128xf32, #tpu.memory_space<vmem>>
      tpu.enqueue_dma source(%dma_start3A_282 : memref<80x128xf32, #tpu.memory_space<vmem>>) target(%dma_start3A_278 : memref<80x128xf32, #tpu.memory_space<hbm>>) target_semaphore(%arg15 : memref<!tpu.dma_semaphore, #tpu.memory_space<semaphore_mem>>)
      %dma_start3A_283 = arith.constant 1 : i32
      %dma_start3A_284 = arith.constant 0 : i32
      %dma_start3A_285 = arith.constant 0 : i32
      %dma_start3A_286 = tpu.memref_slice %arg11[%dma_start3A_283, %dma_start3A_284, %dma_start3A_285] : memref<2x80x512xf32, #tpu.memory_space<vmem>> -> memref<1x80x512xf32, #tpu.memory_space<vmem>>
      %dma_start3A_287 = tpu.memref_squeeze %dma_start3A_286 : memref<1x80x512xf32, #tpu.memory_space<vmem>> -> memref<80x512xf32, #tpu.memory_space<vmem>>
      %dma_start3A_288 = arith.constant 0 : i32
      %dma_start3A_289 = tpu.memref_slice %arg7[%add3A_269, %dma_start3A_288] : memref<320000x512xf32, #tpu.memory_space<hbm>> -> memref<80x512xf32, #tpu.memory_space<hbm>>
      %dma_start3A_290 = arith.constant 0 : i32
      %dma_start3A_291 = tpu.memref_slice %arg7[%add3A_269, %dma_start3A_290] : memref<320000x512xf32, #tpu.memory_space<hbm>> -> memref<80x512xf32, #tpu.memory_space<hbm>>
      %dma_start3A_292 = arith.constant 0 : i32
      %dma_start3A_293 = arith.constant 0 : i32
      %dma_start3A_294 = tpu.memref_slice %arg11[%dma_start3A_283, %dma_start3A_292, %dma_start3A_293] : memref<2x80x512xf32, #tpu.memory_space<vmem>> -> memref<1x80x512xf32, #tpu.memory_space<vmem>>
      %dma_start3A_295 = tpu.memref_squeeze %dma_start3A_294 : memref<1x80x512xf32, #tpu.memory_space<vmem>> -> memref<80x512xf32, #tpu.memory_space<vmem>>
      tpu.enqueue_dma source(%dma_start3A_295 : memref<80x512xf32, #tpu.memory_space<vmem>>) target(%dma_start3A_291 : memref<80x512xf32, #tpu.memory_space<hbm>>) target_semaphore(%arg15 : memref<!tpu.dma_semaphore, #tpu.memory_space<semaphore_mem>>)
    }
    %scan3A_26 = arith.constant 62 : i32
    %dma_wait3A = arith.constant 0 : i32
    %dma_wait3A_27 = arith.constant 0 : i32
    %dma_wait3A_28 = arith.constant 0 : i32
    %dma_wait3A_29 = tpu.memref_slice %arg10[%dma_wait3A, %dma_wait3A_27, %dma_wait3A_28] : memref<2x80x128xf32, #tpu.memory_space<vmem>> -> memref<1x80x128xf32, #tpu.memory_space<vmem>>
    %dma_wait3A_30 = tpu.memref_squeeze %dma_wait3A_29 : memref<1x80x128xf32, #tpu.memory_space<vmem>> -> memref<80x128xf32, #tpu.memory_space<vmem>>
    %dma_wait3A_31 = arith.constant 9920 : i32
    %dma_wait3A_32 = tpu.memref_slice %arg9[%dma_wait3A_31] : memref<10000xi32, #tpu.memory_space<vmem>> -> memref<80xi32, #tpu.memory_space<vmem>>
    %dma_wait3A_33 = arith.constant 0 : i32
    %dma_wait3A_34 = arith.constant 0 : i32
    %dma_wait3A_35 = tpu.memref_slice %arg2[%dma_wait3A_33, %dma_wait3A_34] : memref<10000x128xf32, #tpu.memory_space<hbm>> -> memref<10000x128xf32, #tpu.memory_space<hbm>>
    tpu.wait_indirect_dma semaphore(%arg12 : memref<!tpu.dma_semaphore, #tpu.memory_space<semaphore_mem>>) src(%dma_wait3A_35 : memref<10000x128xf32, #tpu.memory_space<hbm>>) dst(%dma_wait3A_30 : memref<80x128xf32, #tpu.memory_space<vmem>>)
    %dma_wait3A_36 = arith.constant 0 : i32
    %dma_wait3A_37 = arith.constant 0 : i32
    %dma_wait3A_38 = arith.constant 0 : i32
    %dma_wait3A_39 = tpu.memref_slice %arg11[%dma_wait3A_36, %dma_wait3A_37, %dma_wait3A_38] : memref<2x80x512xf32, #tpu.memory_space<vmem>> -> memref<1x80x512xf32, #tpu.memory_space<vmem>>
    %dma_wait3A_40 = tpu.memref_squeeze %dma_wait3A_39 : memref<1x80x512xf32, #tpu.memory_space<vmem>> -> memref<80x512xf32, #tpu.memory_space<vmem>>
    %dma_wait3A_41 = arith.constant 9920 : i32
    %dma_wait3A_42 = tpu.memref_slice %arg8[%dma_wait3A_41] : memref<10000xi32, #tpu.memory_space<vmem>> -> memref<80xi32, #tpu.memory_space<vmem>>
    %dma_wait3A_43 = arith.constant 0 : i32
    %dma_wait3A_44 = arith.constant 0 : i32
    %dma_wait3A_45 = tpu.memref_slice %arg3[%dma_wait3A_43, %dma_wait3A_44] : memref<10000x512xf32, #tpu.memory_space<hbm>> -> memref<10000x512xf32, #tpu.memory_space<hbm>>
    tpu.wait_indirect_dma semaphore(%arg12 : memref<!tpu.dma_semaphore, #tpu.memory_space<semaphore_mem>>) src(%dma_wait3A_45 : memref<10000x512xf32, #tpu.memory_space<hbm>>) dst(%dma_wait3A_40 : memref<80x512xf32, #tpu.memory_space<vmem>>)
    %add3A_46 = arith.constant 9920 : i32
    %add3A_47 = arith.addi %mul3A_2, %add3A_46 : i32
    %dma_start3A_48 = arith.constant 0 : i32
    %dma_start3A_49 = arith.constant 0 : i32
    %dma_start3A_50 = arith.constant 0 : i32
    %dma_start3A_51 = tpu.memref_slice %arg10[%dma_start3A_48, %dma_start3A_49, %dma_start3A_50] : memref<2x80x128xf32, #tpu.memory_space<vmem>> -> memref<1x80x128xf32, #tpu.memory_space<vmem>>
    %dma_start3A_52 = tpu.memref_squeeze %dma_start3A_51 : memref<1x80x128xf32, #tpu.memory_space<vmem>> -> memref<80x128xf32, #tpu.memory_space<vmem>>
    %dma_start3A_53 = arith.constant 0 : i32
    %dma_start3A_54 = tpu.memref_slice %arg6[%add3A_47, %dma_start3A_53] : memref<320000x128xf32, #tpu.memory_space<hbm>> -> memref<80x128xf32, #tpu.memory_space<hbm>>
    %dma_start3A_55 = arith.constant 0 : i32
    %dma_start3A_56 = tpu.memref_slice %arg6[%add3A_47, %dma_start3A_55] : memref<320000x128xf32, #tpu.memory_space<hbm>> -> memref<80x128xf32, #tpu.memory_space<hbm>>
    %dma_start3A_57 = arith.constant 0 : i32
    %dma_start3A_58 = arith.constant 0 : i32
    %dma_start3A_59 = tpu.memref_slice %arg10[%dma_start3A_48, %dma_start3A_57, %dma_start3A_58] : memref<2x80x128xf32, #tpu.memory_space<vmem>> -> memref<1x80x128xf32, #tpu.memory_space<vmem>>
    %dma_start3A_60 = tpu.memref_squeeze %dma_start3A_59 : memref<1x80x128xf32, #tpu.memory_space<vmem>> -> memref<80x128xf32, #tpu.memory_space<vmem>>
    tpu.enqueue_dma source(%dma_start3A_60 : memref<80x128xf32, #tpu.memory_space<vmem>>) target(%dma_start3A_56 : memref<80x128xf32, #tpu.memory_space<hbm>>) target_semaphore(%arg14 : memref<!tpu.dma_semaphore, #tpu.memory_space<semaphore_mem>>)
    %dma_start3A_61 = arith.constant 0 : i32
    %dma_start3A_62 = arith.constant 0 : i32
    %dma_start3A_63 = arith.constant 0 : i32
    %dma_start3A_64 = tpu.memref_slice %arg11[%dma_start3A_61, %dma_start3A_62, %dma_start3A_63] : memref<2x80x512xf32, #tpu.memory_space<vmem>> -> memref<1x80x512xf32, #tpu.memory_space<vmem>>
    %dma_start3A_65 = tpu.memref_squeeze %dma_start3A_64 : memref<1x80x512xf32, #tpu.memory_space<vmem>> -> memref<80x512xf32, #tpu.memory_space<vmem>>
    %dma_start3A_66 = arith.constant 0 : i32
    %dma_start3A_67 = tpu.memref_slice %arg7[%add3A_47, %dma_start3A_66] : memref<320000x512xf32, #tpu.memory_space<hbm>> -> memref<80x512xf32, #tpu.memory_space<hbm>>
    %dma_start3A_68 = arith.constant 0 : i32
    %dma_start3A_69 = tpu.memref_slice %arg7[%add3A_47, %dma_start3A_68] : memref<320000x512xf32, #tpu.memory_space<hbm>> -> memref<80x512xf32, #tpu.memory_space<hbm>>
    %dma_start3A_70 = arith.constant 0 : i32
    %dma_start3A_71 = arith.constant 0 : i32
    %dma_start3A_72 = tpu.memref_slice %arg11[%dma_start3A_61, %dma_start3A_70, %dma_start3A_71] : memref<2x80x512xf32, #tpu.memory_space<vmem>> -> memref<1x80x512xf32, #tpu.memory_space<vmem>>
    %dma_start3A_73 = tpu.memref_squeeze %dma_start3A_72 : memref<1x80x512xf32, #tpu.memory_space<vmem>> -> memref<80x512xf32, #tpu.memory_space<vmem>>
    tpu.enqueue_dma source(%dma_start3A_73 : memref<80x512xf32, #tpu.memory_space<vmem>>) target(%dma_start3A_69 : memref<80x512xf32, #tpu.memory_space<hbm>>) target_semaphore(%arg14 : memref<!tpu.dma_semaphore, #tpu.memory_space<semaphore_mem>>)
    %add3A_74 = arith.constant 9920 : i32
    %add3A_75 = arith.addi %mul3A_2, %add3A_74 : i32
    %dma_wait3A_76 = arith.constant 0 : i32
    %dma_wait3A_77 = arith.constant 0 : i32
    %dma_wait3A_78 = arith.constant 0 : i32
    %dma_wait3A_79 = tpu.memref_slice %arg10[%dma_wait3A_76, %dma_wait3A_77, %dma_wait3A_78] : memref<2x80x128xf32, #tpu.memory_space<vmem>> -> memref<1x80x128xf32, #tpu.memory_space<vmem>>
    %dma_wait3A_80 = tpu.memref_squeeze %dma_wait3A_79 : memref<1x80x128xf32, #tpu.memory_space<vmem>> -> memref<80x128xf32, #tpu.memory_space<vmem>>
    %dma_wait3A_81 = arith.constant 0 : i32
    %dma_wait3A_82 = tpu.memref_slice %arg6[%add3A_75, %dma_wait3A_81] : memref<320000x128xf32, #tpu.memory_space<hbm>> -> memref<80x128xf32, #tpu.memory_space<hbm>>
    %dma_wait3A_83 = arith.constant 0 : i32
    %dma_wait3A_84 = tpu.memref_slice %arg6[%add3A_75, %dma_wait3A_83] : memref<320000x128xf32, #tpu.memory_space<hbm>> -> memref<80x128xf32, #tpu.memory_space<hbm>>
    %dma_wait3A_85 = arith.constant 0 : i32
    %dma_wait3A_86 = arith.constant 0 : i32
    %dma_wait3A_87 = tpu.memref_slice %arg10[%dma_wait3A_76, %dma_wait3A_85, %dma_wait3A_86] : memref<2x80x128xf32, #tpu.memory_space<vmem>> -> memref<1x80x128xf32, #tpu.memory_space<vmem>>
    %dma_wait3A_88 = tpu.memref_squeeze %dma_wait3A_87 : memref<1x80x128xf32, #tpu.memory_space<vmem>> -> memref<80x128xf32, #tpu.memory_space<vmem>>
    tpu.wait_dma2 semaphore(%arg14 : memref<!tpu.dma_semaphore, #tpu.memory_space<semaphore_mem>>) src(%dma_wait3A_88 : memref<80x128xf32, #tpu.memory_space<vmem>>) dst(%dma_wait3A_84 : memref<80x128xf32, #tpu.memory_space<hbm>>)
    %dma_wait3A_89 = arith.constant 0 : i32
    %dma_wait3A_90 = arith.constant 0 : i32
    %dma_wait3A_91 = arith.constant 0 : i32
    %dma_wait3A_92 = tpu.memref_slice %arg11[%dma_wait3A_89, %dma_wait3A_90, %dma_wait3A_91] : memref<2x80x512xf32, #tpu.memory_space<vmem>> -> memref<1x80x512xf32, #tpu.memory_space<vmem>>
    %dma_wait3A_93 = tpu.memref_squeeze %dma_wait3A_92 : memref<1x80x512xf32, #tpu.memory_space<vmem>> -> memref<80x512xf32, #tpu.memory_space<vmem>>
    %dma_wait3A_94 = arith.constant 0 : i32
    %dma_wait3A_95 = tpu.memref_slice %arg7[%add3A_75, %dma_wait3A_94] : memref<320000x512xf32, #tpu.memory_space<hbm>> -> memref<80x512xf32, #tpu.memory_space<hbm>>
    %dma_wait3A_96 = arith.constant 0 : i32
    %dma_wait3A_97 = tpu.memref_slice %arg7[%add3A_75, %dma_wait3A_96] : memref<320000x512xf32, #tpu.memory_space<hbm>> -> memref<80x512xf32, #tpu.memory_space<hbm>>
    %dma_wait3A_98 = arith.constant 0 : i32
    %dma_wait3A_99 = arith.constant 0 : i32
    %dma_wait3A_100 = tpu.memref_slice %arg11[%dma_wait3A_89, %dma_wait3A_98, %dma_wait3A_99] : memref<2x80x512xf32, #tpu.memory_space<vmem>> -> memref<1x80x512xf32, #tpu.memory_space<vmem>>
    %dma_wait3A_101 = tpu.memref_squeeze %dma_wait3A_100 : memref<1x80x512xf32, #tpu.memory_space<vmem>> -> memref<80x512xf32, #tpu.memory_space<vmem>>
    tpu.wait_dma2 semaphore(%arg14 : memref<!tpu.dma_semaphore, #tpu.memory_space<semaphore_mem>>) src(%dma_wait3A_101 : memref<80x512xf32, #tpu.memory_space<vmem>>) dst(%dma_wait3A_97 : memref<80x512xf32, #tpu.memory_space<hbm>>)
    %add3A_102 = arith.constant 9840 : i32
    %add3A_103 = arith.addi %mul3A_2, %add3A_102 : i32
    %dma_wait3A_104 = arith.constant 1 : i32
    %dma_wait3A_105 = arith.constant 0 : i32
    %dma_wait3A_106 = arith.constant 0 : i32
    %dma_wait3A_107 = tpu.memref_slice %arg10[%dma_wait3A_104, %dma_wait3A_105, %dma_wait3A_106] : memref<2x80x128xf32, #tpu.memory_space<vmem>> -> memref<1x80x128xf32, #tpu.memory_space<vmem>>
    %dma_wait3A_108 = tpu.memref_squeeze %dma_wait3A_107 : memref<1x80x128xf32, #tpu.memory_space<vmem>> -> memref<80x128xf32, #tpu.memory_space<vmem>>
    %dma_wait3A_109 = arith.constant 0 : i32
    %dma_wait3A_110 = tpu.memref_slice %arg6[%add3A_103, %dma_wait3A_109] : memref<320000x128xf32, #tpu.memory_space<hbm>> -> memref<80x128xf32, #tpu.memory_space<hbm>>
    %dma_wait3A_111 = arith.constant 0 : i32
    %dma_wait3A_112 = tpu.memref_slice %arg6[%add3A_103, %dma_wait3A_111] : memref<320000x128xf32, #tpu.memory_space<hbm>> -> memref<80x128xf32, #tpu.memory_space<hbm>>
    %dma_wait3A_113 = arith.constant 0 : i32
    %dma_wait3A_114 = arith.constant 0 : i32
    %dma_wait3A_115 = tpu.memref_slice %arg10[%dma_wait3A_104, %dma_wait3A_113, %dma_wait3A_114] : memref<2x80x128xf32, #tpu.memory_space<vmem>> -> memref<1x80x128xf32, #tpu.memory_space<vmem>>
    %dma_wait3A_116 = tpu.memref_squeeze %dma_wait3A_115 : memref<1x80x128xf32, #tpu.memory_space<vmem>> -> memref<80x128xf32, #tpu.memory_space<vmem>>
    tpu.wait_dma2 semaphore(%arg15 : memref<!tpu.dma_semaphore, #tpu.memory_space<semaphore_mem>>) src(%dma_wait3A_116 : memref<80x128xf32, #tpu.memory_space<vmem>>) dst(%dma_wait3A_112 : memref<80x128xf32, #tpu.memory_space<hbm>>)
    %dma_wait3A_117 = arith.constant 1 : i32
    %dma_wait3A_118 = arith.constant 0 : i32
    %dma_wait3A_119 = arith.constant 0 : i32
    %dma_wait3A_120 = tpu.memref_slice %arg11[%dma_wait3A_117, %dma_wait3A_118, %dma_wait3A_119] : memref<2x80x512xf32, #tpu.memory_space<vmem>> -> memref<1x80x512xf32, #tpu.memory_space<vmem>>
    %dma_wait3A_121 = tpu.memref_squeeze %dma_wait3A_120 : memref<1x80x512xf32, #tpu.memory_space<vmem>> -> memref<80x512xf32, #tpu.memory_space<vmem>>
    %dma_wait3A_122 = arith.constant 0 : i32
    %dma_wait3A_123 = tpu.memref_slice %arg7[%add3A_103, %dma_wait3A_122] : memref<320000x512xf32, #tpu.memory_space<hbm>> -> memref<80x512xf32, #tpu.memory_space<hbm>>
    %dma_wait3A_124 = arith.constant 0 : i32
    %dma_wait3A_125 = tpu.memref_slice %arg7[%add3A_103, %dma_wait3A_124] : memref<320000x512xf32, #tpu.memory_space<hbm>> -> memref<80x512xf32, #tpu.memory_space<hbm>>
    %dma_wait3A_126 = arith.constant 0 : i32
    %dma_wait3A_127 = arith.constant 0 : i32
    %dma_wait3A_128 = tpu.memref_slice %arg11[%dma_wait3A_117, %dma_wait3A_126, %dma_wait3A_127] : memref<2x80x512xf32, #tpu.memory_space<vmem>> -> memref<1x80x512xf32, #tpu.memory_space<vmem>>
    %dma_wait3A_129 = tpu.memref_squeeze %dma_wait3A_128 : memref<1x80x512xf32, #tpu.memory_space<vmem>> -> memref<80x512xf32, #tpu.memory_space<vmem>>
    tpu.wait_dma2 semaphore(%arg15 : memref<!tpu.dma_semaphore, #tpu.memory_space<semaphore_mem>>) src(%dma_wait3A_129 : memref<80x512xf32, #tpu.memory_space<vmem>>) dst(%dma_wait3A_125 : memref<80x512xf32, #tpu.memory_space<hbm>>)
    return
  }
}

module attributes {stable_mosaic.version = 14 : i64} {
  func.func @_tc1a_body(%arg0: i32, %arg1: memref<1000x128xf32, #tpu.memory_space<vmem>>, %arg2: memref<1000x1xf32, #tpu.memory_space<vmem>>, %arg3: memref<1000x128xf32, #tpu.memory_space<vmem>>, %arg4: memref<1000x128xf32, #tpu.memory_space<vmem>>, %arg5: memref<1000x128xf32, #tpu.memory_space<vmem>>, %arg6: memref<1000x128xf32, #tpu.memory_space<vmem>>, %arg7: memref<128x128xf32, #tpu.memory_space<vmem>>, %arg8: memref<1x128xf32, #tpu.memory_space<vmem>>, %arg9: memref<128x128xf32, #tpu.memory_space<vmem>>, %arg10: memref<1x128xf32, #tpu.memory_space<vmem>>, %arg11: memref<128x128xf32, #tpu.memory_space<vmem>>, %arg12: memref<1x128xf32, #tpu.memory_space<vmem>>, %arg13: memref<1x128xf32, #tpu.memory_space<vmem>>, %arg14: memref<1x128xf32, #tpu.memory_space<vmem>>, %arg15: memref<128x128xf32, #tpu.memory_space<vmem>>, %arg16: memref<1x128xf32, #tpu.memory_space<vmem>>, %arg17: memref<128x128xf32, #tpu.memory_space<vmem>>, %arg18: memref<1x128xf32, #tpu.memory_space<vmem>>, %arg19: memref<128x384xf32, #tpu.memory_space<vmem>>, %arg20: memref<1x384xf32, #tpu.memory_space<vmem>>, %arg21: memref<128x128xf32, #tpu.memory_space<vmem>>, %arg22: memref<128x128xf32, #tpu.memory_space<vmem>>, %arg23: memref<128x128xf32, #tpu.memory_space<vmem>>, %arg24: memref<1000x128xf32, #tpu.memory_space<vmem>>, %arg25: memref<1000x512xf32, #tpu.memory_space<vmem>>, %arg26: memref<1000x128xf32, #tpu.memory_space<vmem>>, %arg27: memref<1000x128xf32, #tpu.memory_space<vmem>>, %arg28: memref<1000x128xf32, #tpu.memory_space<vmem>>, %arg29: memref<1000x128xf32, #tpu.memory_space<vmem>>) attributes {dimension_semantics = [#tpu.dimension_semantics<arbitrary>], iteration_bounds = array<i64: 10>, scalar_prefetch = 0 : i64, scratch_operands = 0 : i64, tpu.core_type = #tpu.core_type<tc>, window_params = [{transform_indices = @transform_0, window_bounds = array<i64: 1000, 128>}, {transform_indices = @transform_1, window_bounds = array<i64: 1000, 1>}, {transform_indices = @transform_2, window_bounds = array<i64: 1000, 128>}, {transform_indices = @transform_3, window_bounds = array<i64: 1000, 128>}, {transform_indices = @transform_4, window_bounds = array<i64: 1000, 128>}, {transform_indices = @transform_5, window_bounds = array<i64: 1000, 128>}, {pipeline_mode = #tpu.pipeline_mode<synchronous>, transform_indices = @transform_6, window_bounds = array<i64: 128, 128>}, {pipeline_mode = #tpu.pipeline_mode<synchronous>, transform_indices = @transform_7, window_bounds = array<i64: 1, 128>}, {pipeline_mode = #tpu.pipeline_mode<synchronous>, transform_indices = @transform_8, window_bounds = array<i64: 128, 128>}, {pipeline_mode = #tpu.pipeline_mode<synchronous>, transform_indices = @transform_9, window_bounds = array<i64: 1, 128>}, {pipeline_mode = #tpu.pipeline_mode<synchronous>, transform_indices = @transform_10, window_bounds = array<i64: 128, 128>}, {pipeline_mode = #tpu.pipeline_mode<synchronous>, transform_indices = @transform_11, window_bounds = array<i64: 1, 128>}, {pipeline_mode = #tpu.pipeline_mode<synchronous>, transform_indices = @transform_12, window_bounds = array<i64: 1, 128>}, {pipeline_mode = #tpu.pipeline_mode<synchronous>, transform_indices = @transform_13, window_bounds = array<i64: 1, 128>}, {pipeline_mode = #tpu.pipeline_mode<synchronous>, transform_indices = @transform_14, window_bounds = array<i64: 128, 128>}, {pipeline_mode = #tpu.pipeline_mode<synchronous>, transform_indices = @transform_15, window_bounds = array<i64: 1, 128>}, {pipeline_mode = #tpu.pipeline_mode<synchronous>, transform_indices = @transform_16, window_bounds = array<i64: 128, 128>}, {pipeline_mode = #tpu.pipeline_mode<synchronous>, transform_indices = @transform_17, window_bounds = array<i64: 1, 128>}, {pipeline_mode = #tpu.pipeline_mode<synchronous>, transform_indices = @transform_18, window_bounds = array<i64: 128, 384>}, {pipeline_mode = #tpu.pipeline_mode<synchronous>, transform_indices = @transform_19, window_bounds = array<i64: 1, 384>}, {pipeline_mode = #tpu.pipeline_mode<synchronous>, transform_indices = @transform_20, window_bounds = array<i64: 128, 128>}, {pipeline_mode = #tpu.pipeline_mode<synchronous>, transform_indices = @transform_21, window_bounds = array<i64: 128, 128>}, {pipeline_mode = #tpu.pipeline_mode<synchronous>, transform_indices = @transform_22, window_bounds = array<i64: 128, 128>}, {transform_indices = @transform_23, window_bounds = array<i64: 1000, 128>}, {transform_indices = @transform_24, window_bounds = array<i64: 1000, 512>}, {transform_indices = @transform_25, window_bounds = array<i64: 1000, 128>}, {transform_indices = @transform_26, window_bounds = array<i64: 1000, 128>}, {transform_indices = @transform_27, window_bounds = array<i64: 1000, 128>}, {transform_indices = @transform_28, window_bounds = array<i64: 1000, 128>}]} {
    %get3A = arith.constant 0 : index
    %get3A_0 = arith.constant 0 : index
    %get3A_1 = vector.load %arg1[%get3A, %get3A_0] : memref<1000x128xf32, #tpu.memory_space<vmem>>, vector<1000x128xf32>
    %get3A_2 = arith.constant 0 : index
    %get3A_3 = arith.constant 0 : index
    %get3A_4 = vector.load %arg7[%get3A_2, %get3A_3] : memref<128x128xf32, #tpu.memory_space<vmem>>, vector<128x128xf32>
    %dot_general3A = arith.constant dense<0.000000e+00> : vector<1000x128xf32>
    %dot_general3A_5 = tpu.matmul %get3A_1, %get3A_4, %dot_general3A {dimension_numbers = #tpu.dot_dimension_numbers<[1], [0], [0], [1], [0, 0, 1, 1], [], []>, transpose_lhs_hint = false} : vector<1000x128xf32>, vector<128x128xf32>, vector<1000x128xf32> -> vector<1000x128xf32>
    %get3A_6 = arith.constant 0 : index
    %get3A_7 = arith.constant 0 : index
    %get3A_8 = vector.load %arg2[%get3A_6, %get3A_7] : memref<1000x1xf32, #tpu.memory_space<vmem>>, vector<1000x1xf32>
    %get3A_9 = arith.constant 0 : index
    %get3A_10 = arith.constant 0 : index
    %get3A_11 = vector.load %arg8[%get3A_9, %get3A_10] : memref<1x128xf32, #tpu.memory_space<vmem>>, vector<1x128xf32>
    %mul3A = vector.broadcast %get3A_8 : vector<1000x1xf32> to vector<1000x128xf32>
    %mul3A_12 = vector.broadcast %get3A_11 : vector<1x128xf32> to vector<1000x128xf32>
    %mul3A_13 = arith.mulf %mul3A, %mul3A_12 : vector<1000x128xf32>
    %add3A = arith.addf %dot_general3A_5, %mul3A_13 : vector<1000x128xf32>
    %get3A_14 = arith.constant 0 : index
    %get3A_15 = arith.constant 0 : index
    %get3A_16 = vector.load %arg3[%get3A_14, %get3A_15] : memref<1000x128xf32, #tpu.memory_space<vmem>>, vector<1000x128xf32>
    %get3A_17 = arith.constant 0 : index
    %get3A_18 = arith.constant 0 : index
    %get3A_19 = vector.load %arg9[%get3A_17, %get3A_18] : memref<128x128xf32, #tpu.memory_space<vmem>>, vector<128x128xf32>
    %dot_general3A_20 = arith.constant dense<0.000000e+00> : vector<1000x128xf32>
    %dot_general3A_21 = tpu.matmul %get3A_16, %get3A_19, %dot_general3A_20 {dimension_numbers = #tpu.dot_dimension_numbers<[1], [0], [0], [1], [0, 0, 1, 1], [], []>, transpose_lhs_hint = false} : vector<1000x128xf32>, vector<128x128xf32>, vector<1000x128xf32> -> vector<1000x128xf32>
    %add3A_22 = arith.addf %add3A, %dot_general3A_21 : vector<1000x128xf32>
    %get3A_23 = arith.constant 0 : index
    %get3A_24 = arith.constant 0 : index
    %get3A_25 = vector.load %arg10[%get3A_23, %get3A_24] : memref<1x128xf32, #tpu.memory_space<vmem>>, vector<1x128xf32>
    %add3A_26 = vector.broadcast %get3A_25 : vector<1x128xf32> to vector<1000x128xf32>
    %add3A_27 = arith.addf %add3A_22, %add3A_26 : vector<1000x128xf32>
    %logistic3A = arith.negf %add3A_27 : vector<1000x128xf32>
    %logistic3A_28 = math.exp %logistic3A : vector<1000x128xf32>
    %logistic3A_29 = arith.constant 1.000000e+00 : f32
    %logistic3A_30 = vector.broadcast %logistic3A_29 : f32 to vector<1000x128xf32>
    %logistic3A_31 = arith.addf %logistic3A_30, %logistic3A_28 : vector<1000x128xf32>
    %logistic3A_32 = arith.divf %logistic3A_30, %logistic3A_31 : vector<1000x128xf32>
    %mul3A_33 = arith.mulf %add3A_27, %logistic3A_32 : vector<1000x128xf32>
    %get3A_34 = arith.constant 0 : index
    %get3A_35 = arith.constant 0 : index
    %get3A_36 = vector.load %arg11[%get3A_34, %get3A_35] : memref<128x128xf32, #tpu.memory_space<vmem>>, vector<128x128xf32>
    %dot_general3A_37 = arith.constant dense<0.000000e+00> : vector<1000x128xf32>
    %dot_general3A_38 = tpu.matmul %mul3A_33, %get3A_36, %dot_general3A_37 {dimension_numbers = #tpu.dot_dimension_numbers<[1], [0], [0], [1], [0, 0, 1, 1], [], []>, transpose_lhs_hint = false} : vector<1000x128xf32>, vector<128x128xf32>, vector<1000x128xf32> -> vector<1000x128xf32>
    %get3A_39 = arith.constant 0 : index
    %get3A_40 = arith.constant 0 : index
    %get3A_41 = vector.load %arg12[%get3A_39, %get3A_40] : memref<1x128xf32, #tpu.memory_space<vmem>>, vector<1x128xf32>
    %add3A_42 = vector.broadcast %get3A_41 : vector<1x128xf32> to vector<1000x128xf32>
    %add3A_43 = arith.addf %dot_general3A_38, %add3A_42 : vector<1000x128xf32>
    %reduce_sum3A = arith.constant dense<0.000000e+00> : vector<1000xf32>
    %reduce_sum3A_44 = vector.multi_reduction <add>, %add3A_43, %reduce_sum3A [1] : vector<1000x128xf32> to vector<1000xf32>
    %broadcast_in_dim3A = vector.shape_cast %reduce_sum3A_44 : vector<1000xf32> to vector<1000x1xf32>
    %div3A = arith.constant 1.280000e+02 : f32
    %div3A_45 = vector.broadcast %div3A : f32 to vector<1000x1xf32>
    %div3A_46 = arith.divf %broadcast_in_dim3A, %div3A_45 : vector<1000x1xf32>
    %sub3A = vector.broadcast %div3A_46 : vector<1000x1xf32> to vector<1000x128xf32>
    %sub3A_47 = arith.subf %add3A_43, %sub3A : vector<1000x128xf32>
    %integer_pow3A = arith.mulf %sub3A_47, %sub3A_47 : vector<1000x128xf32>
    %reduce_sum3A_48 = arith.constant dense<0.000000e+00> : vector<1000xf32>
    %reduce_sum3A_49 = vector.multi_reduction <add>, %integer_pow3A, %reduce_sum3A_48 [1] : vector<1000x128xf32> to vector<1000xf32>
    %broadcast_in_dim3A_50 = vector.shape_cast %reduce_sum3A_49 : vector<1000xf32> to vector<1000x1xf32>
    %div3A_51 = arith.constant 1.280000e+02 : f32
    %div3A_52 = vector.broadcast %div3A_51 : f32 to vector<1000x1xf32>
    %div3A_53 = arith.divf %broadcast_in_dim3A_50, %div3A_52 : vector<1000x1xf32>
    %sub3A_54 = vector.broadcast %div3A_46 : vector<1000x1xf32> to vector<1000x128xf32>
    %sub3A_55 = arith.subf %add3A_43, %sub3A_54 : vector<1000x128xf32>
    %add3A_56 = arith.constant 9.99999974E-6 : f32
    %add3A_57 = vector.broadcast %add3A_56 : f32 to vector<1000x1xf32>
    %add3A_58 = arith.addf %div3A_53, %add3A_57 : vector<1000x1xf32>
    %rsqrt3A = math.rsqrt %add3A_58 : vector<1000x1xf32>
    %mul3A_59 = vector.broadcast %rsqrt3A : vector<1000x1xf32> to vector<1000x128xf32>
    %mul3A_60 = arith.mulf %sub3A_55, %mul3A_59 : vector<1000x128xf32>
    %get3A_61 = arith.constant 0 : index
    %get3A_62 = arith.constant 0 : index
    %get3A_63 = vector.load %arg13[%get3A_61, %get3A_62] : memref<1x128xf32, #tpu.memory_space<vmem>>, vector<1x128xf32>
    %mul3A_64 = vector.broadcast %get3A_63 : vector<1x128xf32> to vector<1000x128xf32>
    %mul3A_65 = arith.mulf %mul3A_60, %mul3A_64 : vector<1000x128xf32>
    %get3A_66 = arith.constant 0 : index
    %get3A_67 = arith.constant 0 : index
    %get3A_68 = vector.load %arg14[%get3A_66, %get3A_67] : memref<1x128xf32, #tpu.memory_space<vmem>>, vector<1x128xf32>
    %add3A_69 = vector.broadcast %get3A_68 : vector<1x128xf32> to vector<1000x128xf32>
    %add3A_70 = arith.addf %mul3A_65, %add3A_69 : vector<1000x128xf32>
    %get3A_71 = arith.constant 0 : index
    %get3A_72 = arith.constant 0 : index
    %get3A_73 = vector.load %arg15[%get3A_71, %get3A_72] : memref<128x128xf32, #tpu.memory_space<vmem>>, vector<128x128xf32>
    %dot_general3A_74 = arith.constant dense<0.000000e+00> : vector<1000x128xf32>
    %dot_general3A_75 = tpu.matmul %add3A_70, %get3A_73, %dot_general3A_74 {dimension_numbers = #tpu.dot_dimension_numbers<[1], [0], [0], [1], [0, 0, 1, 1], [], []>, transpose_lhs_hint = false} : vector<1000x128xf32>, vector<128x128xf32>, vector<1000x128xf32> -> vector<1000x128xf32>
    %get3A_76 = arith.constant 0 : index
    %get3A_77 = arith.constant 0 : index
    %get3A_78 = vector.load %arg16[%get3A_76, %get3A_77] : memref<1x128xf32, #tpu.memory_space<vmem>>, vector<1x128xf32>
    %add3A_79 = vector.broadcast %get3A_78 : vector<1x128xf32> to vector<1000x128xf32>
    %add3A_80 = arith.addf %dot_general3A_75, %add3A_79 : vector<1000x128xf32>
    %swap3A = arith.constant 0 : index
    %swap3A_81 = arith.constant 0 : index
    %swap3A_82 = vector.load %arg24[%swap3A, %swap3A_81] : memref<1000x128xf32, #tpu.memory_space<vmem>>, vector<1000x128xf32>
    tpu.vector_store %arg24[%swap3A, %swap3A_81], %add3A_80 {strides = array<i32>} : memref<1000x128xf32, #tpu.memory_space<vmem>>, vector<1000x128xf32>,
    %get3A_83 = arith.constant 0 : index
    %get3A_84 = arith.constant 0 : index
    %get3A_85 = vector.load %arg17[%get3A_83, %get3A_84] : memref<128x128xf32, #tpu.memory_space<vmem>>, vector<128x128xf32>
    %dot_general3A_86 = arith.constant dense<0.000000e+00> : vector<1000x128xf32>
    %dot_general3A_87 = tpu.matmul %add3A_70, %get3A_85, %dot_general3A_86 {dimension_numbers = #tpu.dot_dimension_numbers<[1], [0], [0], [1], [0, 0, 1, 1], [], []>, transpose_lhs_hint = false} : vector<1000x128xf32>, vector<128x128xf32>, vector<1000x128xf32> -> vector<1000x128xf32>
    %get3A_88 = arith.constant 0 : index
    %get3A_89 = arith.constant 0 : index
    %get3A_90 = vector.load %arg18[%get3A_88, %get3A_89] : memref<1x128xf32, #tpu.memory_space<vmem>>, vector<1x128xf32>
    %add3A_91 = vector.broadcast %get3A_90 : vector<1x128xf32> to vector<1000x128xf32>
    %add3A_92 = arith.addf %dot_general3A_87, %add3A_91 : vector<1000x128xf32>
    %convert_element_type3A = arith.truncf %add3A_92 : vector<1000x128xf32> to vector<1000x128xbf16>
    %bitcast_convert_type3A = tpu.bitcast %convert_element_type3A : vector<1000x128xbf16> -> vector<1000x128xi16>
    %convert_element_type3A_93 = arith.extui %bitcast_convert_type3A : vector<1000x128xi16> to vector<1000x128xi32>
    %slice3A = vector.extract_strided_slice %convert_element_type3A_93 {offsets = [0, 0], sizes = [1000, 64], strides = [1, 1]} : vector<1000x128xi32> to vector<1000x64xi32>
    %slice3A_94 = vector.extract_strided_slice %convert_element_type3A_93 {offsets = [0, 64], sizes = [1000, 64], strides = [1, 1]} : vector<1000x128xi32> to vector<1000x64xi32>
    %shift_left3A = arith.constant 16 : i32
    %shift_left3A_95 = vector.broadcast %shift_left3A : i32 to vector<1000x64xi32>
    %shift_left3A_96 = arith.shli %slice3A_94, %shift_left3A_95 : vector<1000x64xi32>
    %or3A = arith.ori %slice3A, %shift_left3A_96 : vector<1000x64xi32>
    %bitcast_convert_type3A_97 = tpu.bitcast %or3A : vector<1000x64xi32> -> vector<1000x64xf32>
    %swap3A_98 = arith.constant 0 : index
    %swap3A_99 = arith.constant 0 : index
    %swap3A_100 = vector.load %arg25[%swap3A_98, %swap3A_99] : memref<1000x512xf32, #tpu.memory_space<vmem>>, vector<1000x64xf32>
    tpu.vector_store %arg25[%swap3A_98, %swap3A_99], %bitcast_convert_type3A_97 {strides = array<i32>} : memref<1000x512xf32, #tpu.memory_space<vmem>>, vector<1000x64xf32>,
    %get3A_101 = arith.constant 0 : index
    %get3A_102 = arith.constant 0 : index
    %get3A_103 = vector.load %arg19[%get3A_101, %get3A_102] : memref<128x384xf32, #tpu.memory_space<vmem>>, vector<128x384xf32>
    %dot_general3A_104 = arith.constant dense<0.000000e+00> : vector<1000x384xf32>
    %dot_general3A_105 = tpu.matmul %add3A_70, %get3A_103, %dot_general3A_104 {dimension_numbers = #tpu.dot_dimension_numbers<[1], [0], [0], [1], [0, 0, 1, 1], [], []>, transpose_lhs_hint = false} : vector<1000x128xf32>, vector<128x384xf32>, vector<1000x384xf32> -> vector<1000x384xf32>
    %get3A_106 = arith.constant 0 : index
    %get3A_107 = arith.constant 0 : index
    %get3A_108 = vector.load %arg20[%get3A_106, %get3A_107] : memref<1x384xf32, #tpu.memory_space<vmem>>, vector<1x384xf32>
    %add3A_109 = vector.broadcast %get3A_108 : vector<1x384xf32> to vector<1000x384xf32>
    %add3A_110 = arith.addf %dot_general3A_105, %add3A_109 : vector<1000x384xf32>
    %slice3A_111 = vector.extract_strided_slice %add3A_110 {offsets = [0, 0], sizes = [1000, 128], strides = [1, 1]} : vector<1000x384xf32> to vector<1000x128xf32>
    %convert_element_type3A_112 = arith.truncf %slice3A_111 : vector<1000x128xf32> to vector<1000x128xbf16>
    %bitcast_convert_type3A_113 = tpu.bitcast %convert_element_type3A_112 : vector<1000x128xbf16> -> vector<1000x128xi16>
    %convert_element_type3A_114 = arith.extui %bitcast_convert_type3A_113 : vector<1000x128xi16> to vector<1000x128xi32>
    %slice3A_115 = vector.extract_strided_slice %convert_element_type3A_114 {offsets = [0, 0], sizes = [1000, 64], strides = [1, 1]} : vector<1000x128xi32> to vector<1000x64xi32>
    %slice3A_116 = vector.extract_strided_slice %convert_element_type3A_114 {offsets = [0, 64], sizes = [1000, 64], strides = [1, 1]} : vector<1000x128xi32> to vector<1000x64xi32>
    %shift_left3A_117 = arith.constant 16 : i32
    %shift_left3A_118 = vector.broadcast %shift_left3A_117 : i32 to vector<1000x64xi32>
    %shift_left3A_119 = arith.shli %slice3A_116, %shift_left3A_118 : vector<1000x64xi32>
    %or3A_120 = arith.ori %slice3A_115, %shift_left3A_119 : vector<1000x64xi32>
    %bitcast_convert_type3A_121 = tpu.bitcast %or3A_120 : vector<1000x64xi32> -> vector<1000x64xf32>
    %swap3A_122 = arith.constant 0 : index
    %swap3A_123 = arith.constant 64 : index
    %swap3A_124 = vector.load %arg25[%swap3A_122, %swap3A_123] : memref<1000x512xf32, #tpu.memory_space<vmem>>, vector<1000x64xf32>
    tpu.vector_store %arg25[%swap3A_122, %swap3A_123], %bitcast_convert_type3A_121 {strides = array<i32>} : memref<1000x512xf32, #tpu.memory_space<vmem>>, vector<1000x64xf32>,
    %slice3A_125 = vector.extract_strided_slice %add3A_110 {offsets = [0, 128], sizes = [1000, 128], strides = [1, 1]} : vector<1000x384xf32> to vector<1000x128xf32>
    %convert_element_type3A_126 = arith.truncf %slice3A_125 : vector<1000x128xf32> to vector<1000x128xbf16>
    %bitcast_convert_type3A_127 = tpu.bitcast %convert_element_type3A_126 : vector<1000x128xbf16> -> vector<1000x128xi16>
    %convert_element_type3A_128 = arith.extui %bitcast_convert_type3A_127 : vector<1000x128xi16> to vector<1000x128xi32>
    %slice3A_129 = vector.extract_strided_slice %convert_element_type3A_128 {offsets = [0, 0], sizes = [1000, 64], strides = [1, 1]} : vector<1000x128xi32> to vector<1000x64xi32>
    %slice3A_130 = vector.extract_strided_slice %convert_element_type3A_128 {offsets = [0, 64], sizes = [1000, 64], strides = [1, 1]} : vector<1000x128xi32> to vector<1000x64xi32>
    %shift_left3A_131 = arith.constant 16 : i32
    %shift_left3A_132 = vector.broadcast %shift_left3A_131 : i32 to vector<1000x64xi32>
    %shift_left3A_133 = arith.shli %slice3A_130, %shift_left3A_132 : vector<1000x64xi32>
    %or3A_134 = arith.ori %slice3A_129, %shift_left3A_133 : vector<1000x64xi32>
    %bitcast_convert_type3A_135 = tpu.bitcast %or3A_134 : vector<1000x64xi32> -> vector<1000x64xf32>
    %swap3A_136 = arith.constant 0 : index
    %swap3A_137 = arith.constant 128 : index
    %swap3A_138 = vector.load %arg25[%swap3A_136, %swap3A_137] : memref<1000x512xf32, #tpu.memory_space<vmem>>, vector<1000x64xf32>
    tpu.vector_store %arg25[%swap3A_136, %swap3A_137], %bitcast_convert_type3A_135 {strides = array<i32>} : memref<1000x512xf32, #tpu.memory_space<vmem>>, vector<1000x64xf32>,
    %slice3A_139 = vector.extract_strided_slice %add3A_110 {offsets = [0, 256], sizes = [1000, 128], strides = [1, 1]} : vector<1000x384xf32> to vector<1000x128xf32>
    %convert_element_type3A_140 = arith.truncf %slice3A_139 : vector<1000x128xf32> to vector<1000x128xbf16>
    %bitcast_convert_type3A_141 = tpu.bitcast %convert_element_type3A_140 : vector<1000x128xbf16> -> vector<1000x128xi16>
    %convert_element_type3A_142 = arith.extui %bitcast_convert_type3A_141 : vector<1000x128xi16> to vector<1000x128xi32>
    %slice3A_143 = vector.extract_strided_slice %convert_element_type3A_142 {offsets = [0, 0], sizes = [1000, 64], strides = [1, 1]} : vector<1000x128xi32> to vector<1000x64xi32>
    %slice3A_144 = vector.extract_strided_slice %convert_element_type3A_142 {offsets = [0, 64], sizes = [1000, 64], strides = [1, 1]} : vector<1000x128xi32> to vector<1000x64xi32>
    %shift_left3A_145 = arith.constant 16 : i32
    %shift_left3A_146 = vector.broadcast %shift_left3A_145 : i32 to vector<1000x64xi32>
    %shift_left3A_147 = arith.shli %slice3A_144, %shift_left3A_146 : vector<1000x64xi32>
    %or3A_148 = arith.ori %slice3A_143, %shift_left3A_147 : vector<1000x64xi32>
    %bitcast_convert_type3A_149 = tpu.bitcast %or3A_148 : vector<1000x64xi32> -> vector<1000x64xf32>
    %swap3A_150 = arith.constant 0 : index
    %swap3A_151 = arith.constant 192 : index
    %swap3A_152 = vector.load %arg25[%swap3A_150, %swap3A_151] : memref<1000x512xf32, #tpu.memory_space<vmem>>, vector<1000x64xf32>
    tpu.vector_store %arg25[%swap3A_150, %swap3A_151], %bitcast_convert_type3A_149 {strides = array<i32>} : memref<1000x512xf32, #tpu.memory_space<vmem>>, vector<1000x64xf32>,
    %get3A_153 = arith.constant 0 : index
    %get3A_154 = arith.constant 0 : index
    %get3A_155 = vector.load %arg4[%get3A_153, %get3A_154] : memref<1000x128xf32, #tpu.memory_space<vmem>>, vector<1000x128xf32>
    %convert_element_type3A_156 = arith.truncf %get3A_155 : vector<1000x128xf32> to vector<1000x128xbf16>
    %bitcast_convert_type3A_157 = tpu.bitcast %convert_element_type3A_156 : vector<1000x128xbf16> -> vector<1000x128xi16>
    %convert_element_type3A_158 = arith.extui %bitcast_convert_type3A_157 : vector<1000x128xi16> to vector<1000x128xi32>
    %slice3A_159 = vector.extract_strided_slice %convert_element_type3A_158 {offsets = [0, 0], sizes = [1000, 64], strides = [1, 1]} : vector<1000x128xi32> to vector<1000x64xi32>
    %slice3A_160 = vector.extract_strided_slice %convert_element_type3A_158 {offsets = [0, 64], sizes = [1000, 64], strides = [1, 1]} : vector<1000x128xi32> to vector<1000x64xi32>
    %shift_left3A_161 = arith.constant 16 : i32
    %shift_left3A_162 = vector.broadcast %shift_left3A_161 : i32 to vector<1000x64xi32>
    %shift_left3A_163 = arith.shli %slice3A_160, %shift_left3A_162 : vector<1000x64xi32>
    %or3A_164 = arith.ori %slice3A_159, %shift_left3A_163 : vector<1000x64xi32>
    %bitcast_convert_type3A_165 = tpu.bitcast %or3A_164 : vector<1000x64xi32> -> vector<1000x64xf32>
    %swap3A_166 = arith.constant 0 : index
    %swap3A_167 = arith.constant 256 : index
    %swap3A_168 = vector.load %arg25[%swap3A_166, %swap3A_167] : memref<1000x512xf32, #tpu.memory_space<vmem>>, vector<1000x64xf32>
    tpu.vector_store %arg25[%swap3A_166, %swap3A_167], %bitcast_convert_type3A_165 {strides = array<i32>} : memref<1000x512xf32, #tpu.memory_space<vmem>>, vector<1000x64xf32>,
    %get3A_169 = arith.constant 0 : index
    %get3A_170 = arith.constant 0 : index
    %get3A_171 = vector.load %arg5[%get3A_169, %get3A_170] : memref<1000x128xf32, #tpu.memory_space<vmem>>, vector<1000x128xf32>
    %convert_element_type3A_172 = arith.truncf %get3A_171 : vector<1000x128xf32> to vector<1000x128xbf16>
    %bitcast_convert_type3A_173 = tpu.bitcast %convert_element_type3A_172 : vector<1000x128xbf16> -> vector<1000x128xi16>
    %convert_element_type3A_174 = arith.extui %bitcast_convert_type3A_173 : vector<1000x128xi16> to vector<1000x128xi32>
    %slice3A_175 = vector.extract_strided_slice %convert_element_type3A_174 {offsets = [0, 0], sizes = [1000, 64], strides = [1, 1]} : vector<1000x128xi32> to vector<1000x64xi32>
    %slice3A_176 = vector.extract_strided_slice %convert_element_type3A_174 {offsets = [0, 64], sizes = [1000, 64], strides = [1, 1]} : vector<1000x128xi32> to vector<1000x64xi32>
    %shift_left3A_177 = arith.constant 16 : i32
    %shift_left3A_178 = vector.broadcast %shift_left3A_177 : i32 to vector<1000x64xi32>
    %shift_left3A_179 = arith.shli %slice3A_176, %shift_left3A_178 : vector<1000x64xi32>
    %or3A_180 = arith.ori %slice3A_175, %shift_left3A_179 : vector<1000x64xi32>
    %bitcast_convert_type3A_181 = tpu.bitcast %or3A_180 : vector<1000x64xi32> -> vector<1000x64xf32>
    %swap3A_182 = arith.constant 0 : index
    %swap3A_183 = arith.constant 320 : index
    %swap3A_184 = vector.load %arg25[%swap3A_182, %swap3A_183] : memref<1000x512xf32, #tpu.memory_space<vmem>>, vector<1000x64xf32>
    tpu.vector_store %arg25[%swap3A_182, %swap3A_183], %bitcast_convert_type3A_181 {strides = array<i32>} : memref<1000x512xf32, #tpu.memory_space<vmem>>, vector<1000x64xf32>,
    %get3A_185 = arith.constant 0 : index
    %get3A_186 = arith.constant 0 : index
    %get3A_187 = vector.load %arg6[%get3A_185, %get3A_186] : memref<1000x128xf32, #tpu.memory_space<vmem>>, vector<1000x128xf32>
    %convert_element_type3A_188 = arith.truncf %get3A_187 : vector<1000x128xf32> to vector<1000x128xbf16>
    %bitcast_convert_type3A_189 = tpu.bitcast %convert_element_type3A_188 : vector<1000x128xbf16> -> vector<1000x128xi16>
    %convert_element_type3A_190 = arith.extui %bitcast_convert_type3A_189 : vector<1000x128xi16> to vector<1000x128xi32>
    %slice3A_191 = vector.extract_strided_slice %convert_element_type3A_190 {offsets = [0, 0], sizes = [1000, 64], strides = [1, 1]} : vector<1000x128xi32> to vector<1000x64xi32>
    %slice3A_192 = vector.extract_strided_slice %convert_element_type3A_190 {offsets = [0, 64], sizes = [1000, 64], strides = [1, 1]} : vector<1000x128xi32> to vector<1000x64xi32>
    %shift_left3A_193 = arith.constant 16 : i32
    %shift_left3A_194 = vector.broadcast %shift_left3A_193 : i32 to vector<1000x64xi32>
    %shift_left3A_195 = arith.shli %slice3A_192, %shift_left3A_194 : vector<1000x64xi32>
    %or3A_196 = arith.ori %slice3A_191, %shift_left3A_195 : vector<1000x64xi32>
    %bitcast_convert_type3A_197 = tpu.bitcast %or3A_196 : vector<1000x64xi32> -> vector<1000x64xf32>
    %swap3A_198 = arith.constant 0 : index
    %swap3A_199 = arith.constant 384 : index
    %swap3A_200 = vector.load %arg25[%swap3A_198, %swap3A_199] : memref<1000x512xf32, #tpu.memory_space<vmem>>, vector<1000x64xf32>
    tpu.vector_store %arg25[%swap3A_198, %swap3A_199], %bitcast_convert_type3A_197 {strides = array<i32>} : memref<1000x512xf32, #tpu.memory_space<vmem>>, vector<1000x64xf32>,
    %broadcast_in_dim3A_201 = arith.constant 0.000000e+00 : f32
    %broadcast_in_dim3A_202 = vector.broadcast %broadcast_in_dim3A_201 : f32 to vector<1000x64xf32>
    %swap3A_203 = arith.constant 0 : index
    %swap3A_204 = arith.constant 448 : index
    %swap3A_205 = vector.load %arg25[%swap3A_203, %swap3A_204] : memref<1000x512xf32, #tpu.memory_space<vmem>>, vector<1000x64xf32>
    tpu.vector_store %arg25[%swap3A_203, %swap3A_204], %broadcast_in_dim3A_202 {strides = array<i32>} : memref<1000x512xf32, #tpu.memory_space<vmem>>, vector<1000x64xf32>,
    %get3A_206 = arith.constant 0 : index
    %get3A_207 = arith.constant 0 : index
    %get3A_208 = vector.load %arg21[%get3A_206, %get3A_207] : memref<128x128xf32, #tpu.memory_space<vmem>>, vector<128x128xf32>
    %get3A_209 = arith.constant 0 : index
    %get3A_210 = arith.constant 0 : index
    %get3A_211 = vector.load %arg22[%get3A_209, %get3A_210] : memref<128x128xf32, #tpu.memory_space<vmem>>, vector<128x128xf32>
    %get3A_212 = arith.constant 0 : index
    %get3A_213 = arith.constant 0 : index
    %get3A_214 = vector.load %arg23[%get3A_212, %get3A_213] : memref<128x128xf32, #tpu.memory_space<vmem>>, vector<128x128xf32>
    %get3A_215 = arith.constant 0 : index
    %get3A_216 = arith.constant 0 : index
    %get3A_217 = vector.load %arg4[%get3A_215, %get3A_216] : memref<1000x128xf32, #tpu.memory_space<vmem>>, vector<1000x128xf32>
    %dot_general3A_218 = arith.constant dense<0.000000e+00> : vector<1000x128xf32>
    %dot_general3A_219 = tpu.matmul %get3A_217, %get3A_208, %dot_general3A_218 {dimension_numbers = #tpu.dot_dimension_numbers<[1], [0], [0], [1], [0, 0, 1, 1], [], []>, transpose_lhs_hint = false} : vector<1000x128xf32>, vector<128x128xf32>, vector<1000x128xf32> -> vector<1000x128xf32>
    %dot_general3A_220 = arith.constant dense<0.000000e+00> : vector<1000x128xf32>
    %dot_general3A_221 = tpu.matmul %get3A_217, %get3A_211, %dot_general3A_220 {dimension_numbers = #tpu.dot_dimension_numbers<[1], [0], [0], [1], [0, 0, 1, 1], [], []>, transpose_lhs_hint = false} : vector<1000x128xf32>, vector<128x128xf32>, vector<1000x128xf32> -> vector<1000x128xf32>
    %dot_general3A_222 = arith.constant dense<0.000000e+00> : vector<1000x128xf32>
    %dot_general3A_223 = tpu.matmul %get3A_217, %get3A_214, %dot_general3A_222 {dimension_numbers = #tpu.dot_dimension_numbers<[1], [0], [0], [1], [0, 0, 1, 1], [], []>, transpose_lhs_hint = false} : vector<1000x128xf32>, vector<128x128xf32>, vector<1000x128xf32> -> vector<1000x128xf32>
    %swap3A_224 = arith.constant 0 : index
    %swap3A_225 = arith.constant 0 : index
    %swap3A_226 = vector.load %arg27[%swap3A_224, %swap3A_225] : memref<1000x128xf32, #tpu.memory_space<vmem>>, vector<1000x128xf32>
    tpu.vector_store %arg27[%swap3A_224, %swap3A_225], %dot_general3A_223 {strides = array<i32>} : memref<1000x128xf32, #tpu.memory_space<vmem>>, vector<1000x128xf32>,
    %mul3A_227 = arith.mulf %dot_general3A_219, %dot_general3A_221 : vector<1000x128xf32>
    %get3A_228 = arith.constant 0 : index
    %get3A_229 = arith.constant 0 : index
    %get3A_230 = vector.load %arg5[%get3A_228, %get3A_229] : memref<1000x128xf32, #tpu.memory_space<vmem>>, vector<1000x128xf32>
    %dot_general3A_231 = arith.constant dense<0.000000e+00> : vector<1000x128xf32>
    %dot_general3A_232 = tpu.matmul %get3A_230, %get3A_208, %dot_general3A_231 {dimension_numbers = #tpu.dot_dimension_numbers<[1], [0], [0], [1], [0, 0, 1, 1], [], []>, transpose_lhs_hint = false} : vector<1000x128xf32>, vector<128x128xf32>, vector<1000x128xf32> -> vector<1000x128xf32>
    %dot_general3A_233 = arith.constant dense<0.000000e+00> : vector<1000x128xf32>
    %dot_general3A_234 = tpu.matmul %get3A_230, %get3A_211, %dot_general3A_233 {dimension_numbers = #tpu.dot_dimension_numbers<[1], [0], [0], [1], [0, 0, 1, 1], [], []>, transpose_lhs_hint = false} : vector<1000x128xf32>, vector<128x128xf32>, vector<1000x128xf32> -> vector<1000x128xf32>
    %dot_general3A_235 = arith.constant dense<0.000000e+00> : vector<1000x128xf32>
    %dot_general3A_236 = tpu.matmul %get3A_230, %get3A_214, %dot_general3A_235 {dimension_numbers = #tpu.dot_dimension_numbers<[1], [0], [0], [1], [0, 0, 1, 1], [], []>, transpose_lhs_hint = false} : vector<1000x128xf32>, vector<128x128xf32>, vector<1000x128xf32> -> vector<1000x128xf32>
    %swap3A_237 = arith.constant 0 : index
    %swap3A_238 = arith.constant 0 : index
    %swap3A_239 = vector.load %arg28[%swap3A_237, %swap3A_238] : memref<1000x128xf32, #tpu.memory_space<vmem>>, vector<1000x128xf32>
    tpu.vector_store %arg28[%swap3A_237, %swap3A_238], %dot_general3A_236 {strides = array<i32>} : memref<1000x128xf32, #tpu.memory_space<vmem>>, vector<1000x128xf32>,
    %mul3A_240 = arith.mulf %dot_general3A_232, %dot_general3A_234 : vector<1000x128xf32>
    %add3A_241 = arith.addf %mul3A_227, %mul3A_240 : vector<1000x128xf32>
    %get3A_242 = arith.constant 0 : index
    %get3A_243 = arith.constant 0 : index
    %get3A_244 = vector.load %arg6[%get3A_242, %get3A_243] : memref<1000x128xf32, #tpu.memory_space<vmem>>, vector<1000x128xf32>
    %dot_general3A_245 = arith.constant dense<0.000000e+00> : vector<1000x128xf32>
    %dot_general3A_246 = tpu.matmul %get3A_244, %get3A_208, %dot_general3A_245 {dimension_numbers = #tpu.dot_dimension_numbers<[1], [0], [0], [1], [0, 0, 1, 1], [], []>, transpose_lhs_hint = false} : vector<1000x128xf32>, vector<128x128xf32>, vector<1000x128xf32> -> vector<1000x128xf32>
    %dot_general3A_247 = arith.constant dense<0.000000e+00> : vector<1000x128xf32>
    %dot_general3A_248 = tpu.matmul %get3A_244, %get3A_211, %dot_general3A_247 {dimension_numbers = #tpu.dot_dimension_numbers<[1], [0], [0], [1], [0, 0, 1, 1], [], []>, transpose_lhs_hint = false} : vector<1000x128xf32>, vector<128x128xf32>, vector<1000x128xf32> -> vector<1000x128xf32>
    %dot_general3A_249 = arith.constant dense<0.000000e+00> : vector<1000x128xf32>
    %dot_general3A_250 = tpu.matmul %get3A_244, %get3A_214, %dot_general3A_249 {dimension_numbers = #tpu.dot_dimension_numbers<[1], [0], [0], [1], [0, 0, 1, 1], [], []>, transpose_lhs_hint = false} : vector<1000x128xf32>, vector<128x128xf32>, vector<1000x128xf32> -> vector<1000x128xf32>
    %swap3A_251 = arith.constant 0 : index
    %swap3A_252 = arith.constant 0 : index
    %swap3A_253 = vector.load %arg29[%swap3A_251, %swap3A_252] : memref<1000x128xf32, #tpu.memory_space<vmem>>, vector<1000x128xf32>
    tpu.vector_store %arg29[%swap3A_251, %swap3A_252], %dot_general3A_250 {strides = array<i32>} : memref<1000x128xf32, #tpu.memory_space<vmem>>, vector<1000x128xf32>,
    %mul3A_254 = arith.mulf %dot_general3A_246, %dot_general3A_248 : vector<1000x128xf32>
    %add3A_255 = arith.addf %add3A_241, %mul3A_254 : vector<1000x128xf32>
    %swap3A_256 = arith.constant 0 : index
    %swap3A_257 = arith.constant 0 : index
    %swap3A_258 = vector.load %arg26[%swap3A_256, %swap3A_257] : memref<1000x128xf32, #tpu.memory_space<vmem>>, vector<1000x128xf32>
    tpu.vector_store %arg26[%swap3A_256, %swap3A_257], %add3A_255 {strides = array<i32>} : memref<1000x128xf32, #tpu.memory_space<vmem>>, vector<1000x128xf32>,
    return
  }
  func.func @transform_0(%arg0: i32) -> (i32, i32) {
    %c0_i32 = arith.constant 0 : i32
    %c0_i32_0 = arith.constant 0 : i32
    return %arg0, %c0_i32 : i32, i32
  }
  func.func @transform_1(%arg0: i32) -> (i32, i32) {
    %c0_i32 = arith.constant 0 : i32
    %c0_i32_0 = arith.constant 0 : i32
    return %arg0, %c0_i32 : i32, i32
  }
  func.func @transform_2(%arg0: i32) -> (i32, i32) {
    %c0_i32 = arith.constant 0 : i32
    %c0_i32_0 = arith.constant 0 : i32
    return %arg0, %c0_i32 : i32, i32
  }
  func.func @transform_3(%arg0: i32) -> (i32, i32) {
    %c0_i32 = arith.constant 0 : i32
    %c0_i32_0 = arith.constant 0 : i32
    return %arg0, %c0_i32 : i32, i32
  }
  func.func @transform_4(%arg0: i32) -> (i32, i32) {
    %c0_i32 = arith.constant 0 : i32
    %c0_i32_0 = arith.constant 0 : i32
    return %arg0, %c0_i32 : i32, i32
  }
  func.func @transform_5(%arg0: i32) -> (i32, i32) {
    %c0_i32 = arith.constant 0 : i32
    %c0_i32_0 = arith.constant 0 : i32
    return %arg0, %c0_i32 : i32, i32
  }
  func.func @transform_6(%arg0: i32) -> (i32, i32) {
    %c0_i32 = arith.constant 0 : i32
    %c0_i32_0 = arith.constant 0 : i32
    %c0_i32_1 = arith.constant 0 : i32
    return %c0_i32, %c0_i32_0 : i32, i32
  }
  func.func @transform_7(%arg0: i32) -> (i32, i32) {
    %c0_i32 = arith.constant 0 : i32
    %c0_i32_0 = arith.constant 0 : i32
    %c0_i32_1 = arith.constant 0 : i32
    return %c0_i32, %c0_i32_0 : i32, i32
  }
  func.func @transform_8(%arg0: i32) -> (i32, i32) {
    %c0_i32 = arith.constant 0 : i32
    %c0_i32_0 = arith.constant 0 : i32
    %c0_i32_1 = arith.constant 0 : i32
    return %c0_i32, %c0_i32_0 : i32, i32
  }
  func.func @transform_9(%arg0: i32) -> (i32, i32) {
    %c0_i32 = arith.constant 0 : i32
    %c0_i32_0 = arith.constant 0 : i32
    %c0_i32_1 = arith.constant 0 : i32
    return %c0_i32, %c0_i32_0 : i32, i32
  }
  func.func @transform_10(%arg0: i32) -> (i32, i32) {
    %c0_i32 = arith.constant 0 : i32
    %c0_i32_0 = arith.constant 0 : i32
    %c0_i32_1 = arith.constant 0 : i32
    return %c0_i32, %c0_i32_0 : i32, i32
  }
  func.func @transform_11(%arg0: i32) -> (i32, i32) {
    %c0_i32 = arith.constant 0 : i32
    %c0_i32_0 = arith.constant 0 : i32
    %c0_i32_1 = arith.constant 0 : i32
    return %c0_i32, %c0_i32_0 : i32, i32
  }
  func.func @transform_12(%arg0: i32) -> (i32, i32) {
    %c0_i32 = arith.constant 0 : i32
    %c0_i32_0 = arith.constant 0 : i32
    %c0_i32_1 = arith.constant 0 : i32
    return %c0_i32, %c0_i32_0 : i32, i32
  }
  func.func @transform_13(%arg0: i32) -> (i32, i32) {
    %c0_i32 = arith.constant 0 : i32
    %c0_i32_0 = arith.constant 0 : i32
    %c0_i32_1 = arith.constant 0 : i32
    return %c0_i32, %c0_i32_0 : i32, i32
  }
  func.func @transform_14(%arg0: i32) -> (i32, i32) {
    %c0_i32 = arith.constant 0 : i32
    %c0_i32_0 = arith.constant 0 : i32
    %c0_i32_1 = arith.constant 0 : i32
    return %c0_i32, %c0_i32_0 : i32, i32
  }
  func.func @transform_15(%arg0: i32) -> (i32, i32) {
    %c0_i32 = arith.constant 0 : i32
    %c0_i32_0 = arith.constant 0 : i32
    %c0_i32_1 = arith.constant 0 : i32
    return %c0_i32, %c0_i32_0 : i32, i32
  }
  func.func @transform_16(%arg0: i32) -> (i32, i32) {
    %c0_i32 = arith.constant 0 : i32
    %c0_i32_0 = arith.constant 0 : i32
    %c0_i32_1 = arith.constant 0 : i32
    return %c0_i32, %c0_i32_0 : i32, i32
  }
  func.func @transform_17(%arg0: i32) -> (i32, i32) {
    %c0_i32 = arith.constant 0 : i32
    %c0_i32_0 = arith.constant 0 : i32
    %c0_i32_1 = arith.constant 0 : i32
    return %c0_i32, %c0_i32_0 : i32, i32
  }
  func.func @transform_18(%arg0: i32) -> (i32, i32) {
    %c0_i32 = arith.constant 0 : i32
    %c0_i32_0 = arith.constant 0 : i32
    %c0_i32_1 = arith.constant 0 : i32
    return %c0_i32, %c0_i32_0 : i32, i32
  }
  func.func @transform_19(%arg0: i32) -> (i32, i32) {
    %c0_i32 = arith.constant 0 : i32
    %c0_i32_0 = arith.constant 0 : i32
    %c0_i32_1 = arith.constant 0 : i32
    return %c0_i32, %c0_i32_0 : i32, i32
  }
  func.func @transform_20(%arg0: i32) -> (i32, i32) {
    %c0_i32 = arith.constant 0 : i32
    %c0_i32_0 = arith.constant 0 : i32
    %c0_i32_1 = arith.constant 0 : i32
    return %c0_i32, %c0_i32_0 : i32, i32
  }
  func.func @transform_21(%arg0: i32) -> (i32, i32) {
    %c0_i32 = arith.constant 0 : i32
    %c0_i32_0 = arith.constant 0 : i32
    %c0_i32_1 = arith.constant 0 : i32
    return %c0_i32, %c0_i32_0 : i32, i32
  }
  func.func @transform_22(%arg0: i32) -> (i32, i32) {
    %c0_i32 = arith.constant 0 : i32
    %c0_i32_0 = arith.constant 0 : i32
    %c0_i32_1 = arith.constant 0 : i32
    return %c0_i32, %c0_i32_0 : i32, i32
  }
  func.func @transform_23(%arg0: i32) -> (i32, i32) {
    %c0_i32 = arith.constant 0 : i32
    %c0_i32_0 = arith.constant 0 : i32
    return %arg0, %c0_i32 : i32, i32
  }
  func.func @transform_24(%arg0: i32) -> (i32, i32) {
    %c0_i32 = arith.constant 0 : i32
    %c0_i32_0 = arith.constant 0 : i32
    return %arg0, %c0_i32 : i32, i32
  }
  func.func @transform_25(%arg0: i32) -> (i32, i32) {
    %c0_i32 = arith.constant 0 : i32
    %c0_i32_0 = arith.constant 0 : i32
    return %arg0, %c0_i32 : i32, i32
  }
  func.func @transform_26(%arg0: i32) -> (i32, i32) {
    %c0_i32 = arith.constant 0 : i32
    %c0_i32_0 = arith.constant 0 : i32
    return %arg0, %c0_i32 : i32, i32
  }
  func.func @transform_27(%arg0: i32) -> (i32, i32) {
    %c0_i32 = arith.constant 0 : i32
    %c0_i32_0 = arith.constant 0 : i32
    return %arg0, %c0_i32 : i32, i32
  }
  func.func @transform_28(%arg0: i32) -> (i32, i32) {
    %c0_i32 = arith.constant 0 : i32
    %c0_i32_0 = arith.constant 0 : i32
    return %arg0, %c0_i32 : i32, i32
  }
}

module attributes {stable_mosaic.version = 14 : i64} {
  func.func @_tc2_body(%arg0: i32, %arg1: memref<1280x50xf32, #tpu.memory_space<vmem>>, %arg2: memref<50x512xf32, #tpu.memory_space<vmem>>, %arg3: memref<1x512xf32, #tpu.memory_space<vmem>>, %arg4: memref<1280x128xf32, #tpu.memory_space<vmem>>, %arg5: memref<1280x512xf32, #tpu.memory_space<vmem>>, %arg6: memref<1280x1xf32, #tpu.memory_space<vmem>>, %arg7: memref<1280x1xf32, #tpu.memory_space<vmem>>, %arg8: memref<1280x1xf32, #tpu.memory_space<vmem>>, %arg9: memref<1280x1xf32, #tpu.memory_space<vmem>>, %arg10: memref<1280x128xf32, #tpu.memory_space<vmem>>, %arg11: memref<1280x128xf32, #tpu.memory_space<vmem>>, %arg12: memref<1280x128xf32, #tpu.memory_space<vmem>>, %arg13: memref<1280x128xf32, #tpu.memory_space<vmem>>) attributes {dimension_semantics = [#tpu.dimension_semantics<arbitrary>], iteration_bounds = array<i64: 250>, scalar_prefetch = 0 : i64, scratch_operands = 0 : i64, tpu.core_type = #tpu.core_type<tc>, window_params = [{transform_indices = @transform_0, window_bounds = array<i64: 1280, 50>}, {pipeline_mode = #tpu.pipeline_mode<synchronous>, transform_indices = @transform_1, window_bounds = array<i64: 50, 512>}, {pipeline_mode = #tpu.pipeline_mode<synchronous>, transform_indices = @transform_2, window_bounds = array<i64: 1, 512>}, {transform_indices = @transform_3, window_bounds = array<i64: 1280, 128>}, {transform_indices = @transform_4, window_bounds = array<i64: 1280, 512>}, {transform_indices = @transform_5, window_bounds = array<i64: 1280, 1>}, {transform_indices = @transform_6, window_bounds = array<i64: 1280, 1>}, {transform_indices = @transform_7, window_bounds = array<i64: 1280, 1>}, {transform_indices = @transform_8, window_bounds = array<i64: 1280, 1>}, {transform_indices = @transform_9, window_bounds = array<i64: 1280, 128>}, {transform_indices = @transform_10, window_bounds = array<i64: 1280, 128>}, {transform_indices = @transform_11, window_bounds = array<i64: 1280, 128>}, {transform_indices = @transform_12, window_bounds = array<i64: 1280, 128>}]} {
    %get3A = arith.constant 0 : index
    %get3A_0 = arith.constant 0 : index
    %get3A_1 = vector.load %arg1[%get3A, %get3A_0] : memref<1280x50xf32, #tpu.memory_space<vmem>>, vector<1280x50xf32>
    %get3A_2 = arith.constant 0 : index
    %get3A_3 = arith.constant 0 : index
    %get3A_4 = vector.load %arg2[%get3A_2, %get3A_3] : memref<50x512xf32, #tpu.memory_space<vmem>>, vector<50x512xf32>
    %dot_general3A = arith.constant dense<0.000000e+00> : vector<1280x512xf32>
    %dot_general3A_5 = tpu.matmul %get3A_1, %get3A_4, %dot_general3A {dimension_numbers = #tpu.dot_dimension_numbers<[1], [0], [0], [1], [0, 0, 1, 1], [], []>, transpose_lhs_hint = false} : vector<1280x50xf32>, vector<50x512xf32>, vector<1280x512xf32> -> vector<1280x512xf32>
    %get3A_6 = arith.constant 0 : index
    %get3A_7 = arith.constant 0 : index
    %get3A_8 = vector.load %arg3[%get3A_6, %get3A_7] : memref<1x512xf32, #tpu.memory_space<vmem>>, vector<1x512xf32>
    %add3A = vector.broadcast %get3A_8 : vector<1x512xf32> to vector<1280x512xf32>
    %add3A_9 = arith.addf %dot_general3A_5, %add3A : vector<1280x512xf32>
    %logistic3A = arith.negf %add3A_9 : vector<1280x512xf32>
    %logistic3A_10 = math.exp %logistic3A : vector<1280x512xf32>
    %logistic3A_11 = arith.constant 1.000000e+00 : f32
    %logistic3A_12 = vector.broadcast %logistic3A_11 : f32 to vector<1280x512xf32>
    %logistic3A_13 = arith.addf %logistic3A_12, %logistic3A_10 : vector<1280x512xf32>
    %logistic3A_14 = arith.divf %logistic3A_12, %logistic3A_13 : vector<1280x512xf32>
    %mul3A = arith.mulf %add3A_9, %logistic3A_14 : vector<1280x512xf32>
    %slice3A = vector.extract_strided_slice %mul3A {offsets = [0, 0], sizes = [1280, 128], strides = [1, 1]} : vector<1280x512xf32> to vector<1280x128xf32>
    %slice3A_15 = vector.extract_strided_slice %mul3A {offsets = [0, 128], sizes = [1280, 128], strides = [1, 1]} : vector<1280x512xf32> to vector<1280x128xf32>
    %slice3A_16 = vector.extract_strided_slice %mul3A {offsets = [0, 256], sizes = [1280, 128], strides = [1, 1]} : vector<1280x512xf32> to vector<1280x128xf32>
    %slice3A_17 = vector.extract_strided_slice %mul3A {offsets = [0, 384], sizes = [1280, 128], strides = [1, 1]} : vector<1280x512xf32> to vector<1280x128xf32>
    %get3A_18 = arith.constant 0 : index
    %get3A_19 = arith.constant 0 : index
    %get3A_20 = vector.load %arg5[%get3A_18, %get3A_19] : memref<1280x512xf32, #tpu.memory_space<vmem>>, vector<1280x512xf32>
    %get3A_21 = arith.constant 0 : index
    %get3A_22 = arith.constant 0 : index
    %get3A_23 = vector.load %arg4[%get3A_21, %get3A_22] : memref<1280x128xf32, #tpu.memory_space<vmem>>, vector<1280x128xf32>
    %slice3A_24 = vector.extract_strided_slice %get3A_20 {offsets = [0, 0], sizes = [1280, 64], strides = [1, 1]} : vector<1280x512xf32> to vector<1280x64xf32>
    %bitcast_convert_type3A = tpu.bitcast %slice3A_24 : vector<1280x64xf32> -> vector<1280x64xi32>
    %shift_left3A = arith.constant 16 : i32
    %shift_left3A_25 = vector.broadcast %shift_left3A : i32 to vector<1280x64xi32>
    %shift_left3A_26 = arith.shli %bitcast_convert_type3A, %shift_left3A_25 : vector<1280x64xi32>
    %bitcast_convert_type3A_27 = tpu.bitcast %shift_left3A_26 : vector<1280x64xi32> -> vector<1280x64xf32>
    %and3A = arith.constant -65536 : i32
    %and3A_28 = vector.broadcast %and3A : i32 to vector<1280x64xi32>
    %and3A_29 = arith.andi %bitcast_convert_type3A, %and3A_28 : vector<1280x64xi32>
    %bitcast_convert_type3A_30 = tpu.bitcast %and3A_29 : vector<1280x64xi32> -> vector<1280x64xf32>
    %concatenate3A = tpu.concatenate %bitcast_convert_type3A_27, %bitcast_convert_type3A_30 in 1 : vector<1280x64xf32>, vector<1280x64xf32> -> vector<1280x128xf32>
    %slice3A_31 = vector.extract_strided_slice %get3A_20 {offsets = [0, 64], sizes = [1280, 64], strides = [1, 1]} : vector<1280x512xf32> to vector<1280x64xf32>
    %bitcast_convert_type3A_32 = tpu.bitcast %slice3A_31 : vector<1280x64xf32> -> vector<1280x64xi32>
    %shift_left3A_33 = arith.constant 16 : i32
    %shift_left3A_34 = vector.broadcast %shift_left3A_33 : i32 to vector<1280x64xi32>
    %shift_left3A_35 = arith.shli %bitcast_convert_type3A_32, %shift_left3A_34 : vector<1280x64xi32>
    %bitcast_convert_type3A_36 = tpu.bitcast %shift_left3A_35 : vector<1280x64xi32> -> vector<1280x64xf32>
    %and3A_37 = arith.constant -65536 : i32
    %and3A_38 = vector.broadcast %and3A_37 : i32 to vector<1280x64xi32>
    %and3A_39 = arith.andi %bitcast_convert_type3A_32, %and3A_38 : vector<1280x64xi32>
    %bitcast_convert_type3A_40 = tpu.bitcast %and3A_39 : vector<1280x64xi32> -> vector<1280x64xf32>
    %concatenate3A_41 = tpu.concatenate %bitcast_convert_type3A_36, %bitcast_convert_type3A_40 in 1 : vector<1280x64xf32>, vector<1280x64xf32> -> vector<1280x128xf32>
    %slice3A_42 = vector.extract_strided_slice %get3A_20 {offsets = [0, 128], sizes = [1280, 64], strides = [1, 1]} : vector<1280x512xf32> to vector<1280x64xf32>
    %bitcast_convert_type3A_43 = tpu.bitcast %slice3A_42 : vector<1280x64xf32> -> vector<1280x64xi32>
    %shift_left3A_44 = arith.constant 16 : i32
    %shift_left3A_45 = vector.broadcast %shift_left3A_44 : i32 to vector<1280x64xi32>
    %shift_left3A_46 = arith.shli %bitcast_convert_type3A_43, %shift_left3A_45 : vector<1280x64xi32>
    %bitcast_convert_type3A_47 = tpu.bitcast %shift_left3A_46 : vector<1280x64xi32> -> vector<1280x64xf32>
    %and3A_48 = arith.constant -65536 : i32
    %and3A_49 = vector.broadcast %and3A_48 : i32 to vector<1280x64xi32>
    %and3A_50 = arith.andi %bitcast_convert_type3A_43, %and3A_49 : vector<1280x64xi32>
    %bitcast_convert_type3A_51 = tpu.bitcast %and3A_50 : vector<1280x64xi32> -> vector<1280x64xf32>
    %concatenate3A_52 = tpu.concatenate %bitcast_convert_type3A_47, %bitcast_convert_type3A_51 in 1 : vector<1280x64xf32>, vector<1280x64xf32> -> vector<1280x128xf32>
    %slice3A_53 = vector.extract_strided_slice %get3A_20 {offsets = [0, 192], sizes = [1280, 64], strides = [1, 1]} : vector<1280x512xf32> to vector<1280x64xf32>
    %bitcast_convert_type3A_54 = tpu.bitcast %slice3A_53 : vector<1280x64xf32> -> vector<1280x64xi32>
    %shift_left3A_55 = arith.constant 16 : i32
    %shift_left3A_56 = vector.broadcast %shift_left3A_55 : i32 to vector<1280x64xi32>
    %shift_left3A_57 = arith.shli %bitcast_convert_type3A_54, %shift_left3A_56 : vector<1280x64xi32>
    %bitcast_convert_type3A_58 = tpu.bitcast %shift_left3A_57 : vector<1280x64xi32> -> vector<1280x64xf32>
    %and3A_59 = arith.constant -65536 : i32
    %and3A_60 = vector.broadcast %and3A_59 : i32 to vector<1280x64xi32>
    %and3A_61 = arith.andi %bitcast_convert_type3A_54, %and3A_60 : vector<1280x64xi32>
    %bitcast_convert_type3A_62 = tpu.bitcast %and3A_61 : vector<1280x64xi32> -> vector<1280x64xf32>
    %concatenate3A_63 = tpu.concatenate %bitcast_convert_type3A_58, %bitcast_convert_type3A_62 in 1 : vector<1280x64xf32>, vector<1280x64xf32> -> vector<1280x128xf32>
    %slice3A_64 = vector.extract_strided_slice %get3A_20 {offsets = [0, 256], sizes = [1280, 64], strides = [1, 1]} : vector<1280x512xf32> to vector<1280x64xf32>
    %bitcast_convert_type3A_65 = tpu.bitcast %slice3A_64 : vector<1280x64xf32> -> vector<1280x64xi32>
    %shift_left3A_66 = arith.constant 16 : i32
    %shift_left3A_67 = vector.broadcast %shift_left3A_66 : i32 to vector<1280x64xi32>
    %shift_left3A_68 = arith.shli %bitcast_convert_type3A_65, %shift_left3A_67 : vector<1280x64xi32>
    %bitcast_convert_type3A_69 = tpu.bitcast %shift_left3A_68 : vector<1280x64xi32> -> vector<1280x64xf32>
    %and3A_70 = arith.constant -65536 : i32
    %and3A_71 = vector.broadcast %and3A_70 : i32 to vector<1280x64xi32>
    %and3A_72 = arith.andi %bitcast_convert_type3A_65, %and3A_71 : vector<1280x64xi32>
    %bitcast_convert_type3A_73 = tpu.bitcast %and3A_72 : vector<1280x64xi32> -> vector<1280x64xf32>
    %concatenate3A_74 = tpu.concatenate %bitcast_convert_type3A_69, %bitcast_convert_type3A_73 in 1 : vector<1280x64xf32>, vector<1280x64xf32> -> vector<1280x128xf32>
    %slice3A_75 = vector.extract_strided_slice %get3A_20 {offsets = [0, 320], sizes = [1280, 64], strides = [1, 1]} : vector<1280x512xf32> to vector<1280x64xf32>
    %bitcast_convert_type3A_76 = tpu.bitcast %slice3A_75 : vector<1280x64xf32> -> vector<1280x64xi32>
    %shift_left3A_77 = arith.constant 16 : i32
    %shift_left3A_78 = vector.broadcast %shift_left3A_77 : i32 to vector<1280x64xi32>
    %shift_left3A_79 = arith.shli %bitcast_convert_type3A_76, %shift_left3A_78 : vector<1280x64xi32>
    %bitcast_convert_type3A_80 = tpu.bitcast %shift_left3A_79 : vector<1280x64xi32> -> vector<1280x64xf32>
    %and3A_81 = arith.constant -65536 : i32
    %and3A_82 = vector.broadcast %and3A_81 : i32 to vector<1280x64xi32>
    %and3A_83 = arith.andi %bitcast_convert_type3A_76, %and3A_82 : vector<1280x64xi32>
    %bitcast_convert_type3A_84 = tpu.bitcast %and3A_83 : vector<1280x64xi32> -> vector<1280x64xf32>
    %concatenate3A_85 = tpu.concatenate %bitcast_convert_type3A_80, %bitcast_convert_type3A_84 in 1 : vector<1280x64xf32>, vector<1280x64xf32> -> vector<1280x128xf32>
    %slice3A_86 = vector.extract_strided_slice %get3A_20 {offsets = [0, 384], sizes = [1280, 64], strides = [1, 1]} : vector<1280x512xf32> to vector<1280x64xf32>
    %bitcast_convert_type3A_87 = tpu.bitcast %slice3A_86 : vector<1280x64xf32> -> vector<1280x64xi32>
    %shift_left3A_88 = arith.constant 16 : i32
    %shift_left3A_89 = vector.broadcast %shift_left3A_88 : i32 to vector<1280x64xi32>
    %shift_left3A_90 = arith.shli %bitcast_convert_type3A_87, %shift_left3A_89 : vector<1280x64xi32>
    %bitcast_convert_type3A_91 = tpu.bitcast %shift_left3A_90 : vector<1280x64xi32> -> vector<1280x64xf32>
    %and3A_92 = arith.constant -65536 : i32
    %and3A_93 = vector.broadcast %and3A_92 : i32 to vector<1280x64xi32>
    %and3A_94 = arith.andi %bitcast_convert_type3A_87, %and3A_93 : vector<1280x64xi32>
    %bitcast_convert_type3A_95 = tpu.bitcast %and3A_94 : vector<1280x64xi32> -> vector<1280x64xf32>
    %concatenate3A_96 = tpu.concatenate %bitcast_convert_type3A_91, %bitcast_convert_type3A_95 in 1 : vector<1280x64xf32>, vector<1280x64xf32> -> vector<1280x128xf32>
    %iota3A = tpu.iota {dimensions = array<i32: 0>} : vector<128x8xi32>
    %jit3A = arith.constant 16 : i32
    %div3A = vector.broadcast %jit3A : i32 to vector<128x8xi32>
    %div3A_97 = arith.divsi %iota3A, %div3A : vector<128x8xi32>
    %sign3A = arith.constant 0 : i32
    %sign3A_98 = vector.broadcast %sign3A : i32 to vector<128x8xi32>
    %sign3A_99 = arith.cmpi sgt, %iota3A, %sign3A_98 : vector<128x8xi32>
    %sign3A_100 = arith.extui %sign3A_99 : vector<128x8xi1> to vector<128x8xi32>
    %sign3A_101 = arith.constant 0 : i32
    %sign3A_102 = vector.broadcast %sign3A_101 : i32 to vector<128x8xi32>
    %sign3A_103 = arith.cmpi slt, %iota3A, %sign3A_102 : vector<128x8xi32>
    %sign3A_104 = arith.extui %sign3A_103 : vector<128x8xi1> to vector<128x8xi32>
    %sign3A_105 = arith.subi %sign3A_100, %sign3A_104 : vector<128x8xi32>
    %sign3A_106 = arith.constant 0 : i32
    %sign3A_107 = arith.cmpi sgt, %jit3A, %sign3A_106 : i32
    %sign3A_108 = arith.extui %sign3A_107 : i1 to i32
    %sign3A_109 = arith.constant 0 : i32
    %sign3A_110 = arith.cmpi slt, %jit3A, %sign3A_109 : i32
    %sign3A_111 = arith.extui %sign3A_110 : i1 to i32
    %sign3A_112 = arith.subi %sign3A_108, %sign3A_111 : i32
    %ne3A = vector.broadcast %sign3A_112 : i32 to vector<128x8xi32>
    %ne3A_113 = arith.cmpi ne, %sign3A_105, %ne3A : vector<128x8xi32>
    %rem3A = vector.broadcast %jit3A : i32 to vector<128x8xi32>
    %rem3A_114 = arith.remsi %iota3A, %rem3A : vector<128x8xi32>
    %ne3A_115 = arith.constant 0 : i32
    %ne3A_116 = vector.broadcast %ne3A_115 : i32 to vector<128x8xi32>
    %ne3A_117 = arith.cmpi ne, %rem3A_114, %ne3A_116 : vector<128x8xi32>
    %and3A_118 = arith.andi %ne3A_113, %ne3A_117 : vector<128x8xi1>
    %sub3A = arith.constant 1 : i32
    %sub3A_119 = vector.broadcast %sub3A : i32 to vector<128x8xi32>
    %sub3A_120 = arith.subi %div3A_97, %sub3A_119 : vector<128x8xi32>
    %select_n3A = arith.select %and3A_118, %sub3A_120, %div3A_97 : vector<128x8xi1>, vector<128x8xi32>
    %iota3A_121 = tpu.iota {dimensions = array<i32: 1>} : vector<128x8xi32>
    %eq3A = arith.cmpi eq, %select_n3A, %iota3A_121 : vector<128x8xi32>
    %convert_element_type3A = arith.extui %eq3A : vector<128x8xi1> to vector<128x8xi32>
    %convert_element_type3A_122 = arith.sitofp %convert_element_type3A : vector<128x8xi32> to vector<128x8xf32>
    %mul3A_123 = arith.mulf %get3A_23, %concatenate3A : vector<1280x128xf32>
    %mul3A_124 = arith.mulf %mul3A_123, %slice3A : vector<1280x128xf32>
    %dot_general3A_125 = arith.constant dense<0.000000e+00> : vector<1280x8xf32>
    %dot_general3A_126 = tpu.matmul %mul3A_124, %convert_element_type3A_122, %dot_general3A_125 {dimension_numbers = #tpu.dot_dimension_numbers<[1], [0], [0], [1], [0, 0, 1, 1], [], []>, transpose_lhs_hint = false} : vector<1280x128xf32>, vector<128x8xf32>, vector<1280x8xf32> -> vector<1280x8xf32>
    %get3A_127 = arith.constant 0 : index
    %get3A_128 = arith.constant 0 : index
    %get3A_129 = vector.load %arg6[%get3A_127, %get3A_128] : memref<1280x1xf32, #tpu.memory_space<vmem>>, vector<1280x1xf32>
    %mul3A_130 = arith.constant 0.628318548 : f32
    %mul3A_131 = vector.broadcast %mul3A_130 : f32 to vector<1280x1xf32>
    %mul3A_132 = arith.mulf %get3A_129, %mul3A_131 : vector<1280x1xf32>
    %cos3A = math.cos %mul3A_132 : vector<1280x1xf32>
    %add3A_133 = arith.constant 1.000000e+00 : f32
    %add3A_134 = vector.broadcast %add3A_133 : f32 to vector<1280x1xf32>
    %add3A_135 = arith.addf %cos3A, %add3A_134 : vector<1280x1xf32>
    %mul3A_136 = arith.constant 5.000000e-01 : f32
    %mul3A_137 = vector.broadcast %mul3A_136 : f32 to vector<1280x1xf32>
    %mul3A_138 = arith.mulf %mul3A_137, %add3A_135 : vector<1280x1xf32>
    %lt3A = arith.constant 5.000000e+00 : f32
    %lt3A_139 = vector.broadcast %lt3A : f32 to vector<1280x1xf32>
    %lt3A_140 = arith.cmpf olt, %get3A_129, %lt3A_139 : vector<1280x1xf32>
    %jit3A_141 = arith.constant 0.000000e+00 : f32
    %broadcast_in_dim3A = vector.broadcast %jit3A_141 : f32 to vector<1280x1xf32>
    %select_n3A_142 = arith.select %lt3A_140, %mul3A_138, %broadcast_in_dim3A : vector<1280x1xi1>, vector<1280x1xf32>
    %logistic3A_143 = arith.negf %dot_general3A_126 : vector<1280x8xf32>
    %logistic3A_144 = math.exp %logistic3A_143 : vector<1280x8xf32>
    %logistic3A_145 = arith.constant 1.000000e+00 : f32
    %logistic3A_146 = vector.broadcast %logistic3A_145 : f32 to vector<1280x8xf32>
    %logistic3A_147 = arith.addf %logistic3A_146, %logistic3A_144 : vector<1280x8xf32>
    %logistic3A_148 = arith.divf %logistic3A_146, %logistic3A_147 : vector<1280x8xf32>
    %mul3A_149 = arith.mulf %dot_general3A_126, %logistic3A_148 : vector<1280x8xf32>
    %mul3A_150 = vector.broadcast %select_n3A_142 : vector<1280x1xf32> to vector<1280x8xf32>
    %mul3A_151 = arith.mulf %mul3A_149, %mul3A_150 : vector<1280x8xf32>
    %transpose3A = tpu.transpose %convert_element_type3A_122, [1, 0] : vector<128x8xf32> -> vector<8x128xf32>
    %dot_general3A_152 = arith.constant dense<0.000000e+00> : vector<1280x128xf32>
    %dot_general3A_153 = tpu.matmul %mul3A_151, %transpose3A, %dot_general3A_152 {dimension_numbers = #tpu.dot_dimension_numbers<[1], [0], [0], [1], [0, 0, 1, 1], [], []>, transpose_lhs_hint = false} : vector<1280x8xf32>, vector<8x128xf32>, vector<1280x128xf32> -> vector<1280x128xf32>
    %mul3A_154 = arith.mulf %concatenate3A_41, %slice3A_15 : vector<1280x128xf32>
    %mul3A_155 = arith.mulf %mul3A_154, %dot_general3A_153 : vector<1280x128xf32>
    %swap3A = arith.constant 0 : index
    %swap3A_156 = arith.constant 0 : index
    %swap3A_157 = vector.load %arg10[%swap3A, %swap3A_156] : memref<1280x128xf32, #tpu.memory_space<vmem>>, vector<1280x128xf32>
    tpu.vector_store %arg10[%swap3A, %swap3A_156], %mul3A_155 {strides = array<i32>} : memref<1280x128xf32, #tpu.memory_space<vmem>>, vector<1280x128xf32>,
    %mul3A_158 = arith.mulf %concatenate3A_52, %slice3A_16 : vector<1280x128xf32>
    %mul3A_159 = arith.mulf %concatenate3A_63, %slice3A_17 : vector<1280x128xf32>
    %mul3A_160 = arith.mulf %concatenate3A_74, %mul3A_158 : vector<1280x128xf32>
    %get3A_161 = arith.constant 0 : index
    %get3A_162 = arith.constant 0 : index
    %get3A_163 = vector.load %arg7[%get3A_161, %get3A_162] : memref<1280x1xf32, #tpu.memory_space<vmem>>, vector<1280x1xf32>
    %mul3A_164 = vector.broadcast %get3A_163 : vector<1280x1xf32> to vector<1280x128xf32>
    %mul3A_165 = arith.mulf %mul3A_159, %mul3A_164 : vector<1280x128xf32>
    %add3A_166 = arith.addf %mul3A_160, %mul3A_165 : vector<1280x128xf32>
    %swap3A_167 = arith.constant 0 : index
    %swap3A_168 = arith.constant 0 : index
    %swap3A_169 = vector.load %arg11[%swap3A_167, %swap3A_168] : memref<1280x128xf32, #tpu.memory_space<vmem>>, vector<1280x128xf32>
    tpu.vector_store %arg11[%swap3A_167, %swap3A_168], %add3A_166 {strides = array<i32>} : memref<1280x128xf32, #tpu.memory_space<vmem>>, vector<1280x128xf32>,
    %mul3A_170 = arith.mulf %concatenate3A_85, %mul3A_158 : vector<1280x128xf32>
    %get3A_171 = arith.constant 0 : index
    %get3A_172 = arith.constant 0 : index
    %get3A_173 = vector.load %arg8[%get3A_171, %get3A_172] : memref<1280x1xf32, #tpu.memory_space<vmem>>, vector<1280x1xf32>
    %mul3A_174 = vector.broadcast %get3A_173 : vector<1280x1xf32> to vector<1280x128xf32>
    %mul3A_175 = arith.mulf %mul3A_159, %mul3A_174 : vector<1280x128xf32>
    %add3A_176 = arith.addf %mul3A_170, %mul3A_175 : vector<1280x128xf32>
    %swap3A_177 = arith.constant 0 : index
    %swap3A_178 = arith.constant 0 : index
    %swap3A_179 = vector.load %arg12[%swap3A_177, %swap3A_178] : memref<1280x128xf32, #tpu.memory_space<vmem>>, vector<1280x128xf32>
    tpu.vector_store %arg12[%swap3A_177, %swap3A_178], %add3A_176 {strides = array<i32>} : memref<1280x128xf32, #tpu.memory_space<vmem>>, vector<1280x128xf32>,
    %mul3A_180 = arith.mulf %concatenate3A_96, %mul3A_158 : vector<1280x128xf32>
    %get3A_181 = arith.constant 0 : index
    %get3A_182 = arith.constant 0 : index
    %get3A_183 = vector.load %arg9[%get3A_181, %get3A_182] : memref<1280x1xf32, #tpu.memory_space<vmem>>, vector<1280x1xf32>
    %mul3A_184 = vector.broadcast %get3A_183 : vector<1280x1xf32> to vector<1280x128xf32>
    %mul3A_185 = arith.mulf %mul3A_159, %mul3A_184 : vector<1280x128xf32>
    %add3A_186 = arith.addf %mul3A_180, %mul3A_185 : vector<1280x128xf32>
    %swap3A_187 = arith.constant 0 : index
    %swap3A_188 = arith.constant 0 : index
    %swap3A_189 = vector.load %arg13[%swap3A_187, %swap3A_188] : memref<1280x128xf32, #tpu.memory_space<vmem>>, vector<1280x128xf32>
    tpu.vector_store %arg13[%swap3A_187, %swap3A_188], %add3A_186 {strides = array<i32>} : memref<1280x128xf32, #tpu.memory_space<vmem>>, vector<1280x128xf32>,
    return
  }
  func.func @transform_0(%arg0: i32) -> (i32, i32) {
    %c0_i32 = arith.constant 0 : i32
    %c0_i32_0 = arith.constant 0 : i32
    return %arg0, %c0_i32 : i32, i32
  }
  func.func @transform_1(%arg0: i32) -> (i32, i32) {
    %c0_i32 = arith.constant 0 : i32
    %c0_i32_0 = arith.constant 0 : i32
    %c0_i32_1 = arith.constant 0 : i32
    return %c0_i32, %c0_i32_0 : i32, i32
  }
  func.func @transform_2(%arg0: i32) -> (i32, i32) {
    %c0_i32 = arith.constant 0 : i32
    %c0_i32_0 = arith.constant 0 : i32
    %c0_i32_1 = arith.constant 0 : i32
    return %c0_i32, %c0_i32_0 : i32, i32
  }
  func.func @transform_3(%arg0: i32) -> (i32, i32) {
    %c0_i32 = arith.constant 0 : i32
    %c0_i32_0 = arith.constant 0 : i32
    return %arg0, %c0_i32 : i32, i32
  }
  func.func @transform_4(%arg0: i32) -> (i32, i32) {
    %c0_i32 = arith.constant 0 : i32
    %c0_i32_0 = arith.constant 0 : i32
    return %arg0, %c0_i32 : i32, i32
  }
  func.func @transform_5(%arg0: i32) -> (i32, i32) {
    %c0_i32 = arith.constant 0 : i32
    %c0_i32_0 = arith.constant 0 : i32
    return %arg0, %c0_i32 : i32, i32
  }
  func.func @transform_6(%arg0: i32) -> (i32, i32) {
    %c0_i32 = arith.constant 0 : i32
    %c0_i32_0 = arith.constant 0 : i32
    return %arg0, %c0_i32 : i32, i32
  }
  func.func @transform_7(%arg0: i32) -> (i32, i32) {
    %c0_i32 = arith.constant 0 : i32
    %c0_i32_0 = arith.constant 0 : i32
    return %arg0, %c0_i32 : i32, i32
  }
  func.func @transform_8(%arg0: i32) -> (i32, i32) {
    %c0_i32 = arith.constant 0 : i32
    %c0_i32_0 = arith.constant 0 : i32
    return %arg0, %c0_i32 : i32, i32
  }
  func.func @transform_9(%arg0: i32) -> (i32, i32) {
    %c0_i32 = arith.constant 0 : i32
    %c0_i32_0 = arith.constant 0 : i32
    return %arg0, %c0_i32 : i32, i32
  }
  func.func @transform_10(%arg0: i32) -> (i32, i32) {
    %c0_i32 = arith.constant 0 : i32
    %c0_i32_0 = arith.constant 0 : i32
    return %arg0, %c0_i32 : i32, i32
  }
  func.func @transform_11(%arg0: i32) -> (i32, i32) {
    %c0_i32 = arith.constant 0 : i32
    %c0_i32_0 = arith.constant 0 : i32
    return %arg0, %c0_i32 : i32, i32
  }
  func.func @transform_12(%arg0: i32) -> (i32, i32) {
    %c0_i32 = arith.constant 0 : i32
    %c0_i32_0 = arith.constant 0 : i32
    return %arg0, %c0_i32 : i32, i32
  }
}

module attributes {stable_mosaic.version = 14 : i64} {
  func.func @_tc3_body(%arg0: i32, %arg1: memref<2x1000x128xf32, #tpu.memory_space<vmem>>, %arg2: memref<2x1000x128xf32, #tpu.memory_space<vmem>>, %arg3: memref<2x1000x128xf32, #tpu.memory_space<vmem>>, %arg4: memref<2x1000x128xf32, #tpu.memory_space<vmem>>, %arg5: memref<1000x128xf32, #tpu.memory_space<vmem>>, %arg6: memref<1000x128xf32, #tpu.memory_space<vmem>>, %arg7: memref<1000x128xf32, #tpu.memory_space<vmem>>, %arg8: memref<1000x128xf32, #tpu.memory_space<vmem>>, %arg9: memref<128x384xf32, #tpu.memory_space<vmem>>, %arg10: memref<1x384xf32, #tpu.memory_space<vmem>>, %arg11: memref<1000x128xf32, #tpu.memory_space<vmem>>, %arg12: memref<1000x3x128xf32, #tpu.memory_space<vmem>>) attributes {dimension_semantics = [#tpu.dimension_semantics<arbitrary>], iteration_bounds = array<i64: 10>, scalar_prefetch = 0 : i64, scratch_operands = 0 : i64, tpu.core_type = #tpu.core_type<tc>, window_params = [{transform_indices = @transform_0, window_bounds = array<i64: 2, 1000, 128>}, {transform_indices = @transform_1, window_bounds = array<i64: 2, 1000, 128>}, {transform_indices = @transform_2, window_bounds = array<i64: 2, 1000, 128>}, {transform_indices = @transform_3, window_bounds = array<i64: 2, 1000, 128>}, {transform_indices = @transform_4, window_bounds = array<i64: 1000, 128>}, {transform_indices = @transform_5, window_bounds = array<i64: 1000, 128>}, {transform_indices = @transform_6, window_bounds = array<i64: 1000, 128>}, {transform_indices = @transform_7, window_bounds = array<i64: 1000, 128>}, {pipeline_mode = #tpu.pipeline_mode<synchronous>, transform_indices = @transform_8, window_bounds = array<i64: 128, 384>}, {pipeline_mode = #tpu.pipeline_mode<synchronous>, transform_indices = @transform_9, window_bounds = array<i64: 1, 384>}, {transform_indices = @transform_10, window_bounds = array<i64: 1000, 128>}, {transform_indices = @transform_11, window_bounds = array<i64: 1000, 3, 128>}]} {
    %get3A = arith.constant 0 : index
    %get3A_0 = arith.constant 0 : index
    %get3A_1 = arith.constant 0 : index
    %get3A_2 = vector.load %arg1[%get3A, %get3A_0, %get3A_1] : memref<2x1000x128xf32, #tpu.memory_space<vmem>>, vector<1x1000x128xf32>
    %get3A_3 = vector.shape_cast %get3A_2 : vector<1x1000x128xf32> to vector<1000x128xf32>
    %get3A_4 = arith.constant 1 : index
    %get3A_5 = arith.constant 0 : index
    %get3A_6 = arith.constant 0 : index
    %get3A_7 = vector.load %arg1[%get3A_4, %get3A_5, %get3A_6] : memref<2x1000x128xf32, #tpu.memory_space<vmem>>, vector<1x1000x128xf32>
    %get3A_8 = vector.shape_cast %get3A_7 : vector<1x1000x128xf32> to vector<1000x128xf32>
    %add3A = arith.addf %get3A_3, %get3A_8 : vector<1000x128xf32>
    %get3A_9 = arith.constant 0 : index
    %get3A_10 = arith.constant 0 : index
    %get3A_11 = vector.load %arg9[%get3A_9, %get3A_10] : memref<128x384xf32, #tpu.memory_space<vmem>>, vector<128x384xf32>
    %dot_general3A = arith.constant dense<0.000000e+00> : vector<1000x384xf32>
    %dot_general3A_12 = tpu.matmul %add3A, %get3A_11, %dot_general3A {dimension_numbers = #tpu.dot_dimension_numbers<[1], [0], [0], [1], [0, 0, 1, 1], [], []>, transpose_lhs_hint = false} : vector<1000x128xf32>, vector<128x384xf32>, vector<1000x384xf32> -> vector<1000x384xf32>
    %get3A_13 = arith.constant 0 : index
    %get3A_14 = arith.constant 0 : index
    %get3A_15 = vector.load %arg10[%get3A_13, %get3A_14] : memref<1x384xf32, #tpu.memory_space<vmem>>, vector<1x384xf32>
    %add3A_16 = vector.broadcast %get3A_15 : vector<1x384xf32> to vector<1000x384xf32>
    %add3A_17 = arith.addf %dot_general3A_12, %add3A_16 : vector<1000x384xf32>
    %slice3A = vector.extract_strided_slice %add3A_17 {offsets = [0, 0], sizes = [1000, 128], strides = [1, 1]} : vector<1000x384xf32> to vector<1000x128xf32>
    %slice3A_18 = vector.extract_strided_slice %add3A_17 {offsets = [0, 128], sizes = [1000, 128], strides = [1, 1]} : vector<1000x384xf32> to vector<1000x128xf32>
    %slice3A_19 = vector.extract_strided_slice %add3A_17 {offsets = [0, 256], sizes = [1000, 128], strides = [1, 1]} : vector<1000x384xf32> to vector<1000x128xf32>
    %get3A_20 = arith.constant 0 : index
    %get3A_21 = arith.constant 0 : index
    %get3A_22 = vector.load %arg5[%get3A_20, %get3A_21] : memref<1000x128xf32, #tpu.memory_space<vmem>>, vector<1000x128xf32>
    %mul3A = arith.mulf %get3A_22, %slice3A : vector<1000x128xf32>
    %get3A_23 = arith.constant 0 : index
    %get3A_24 = arith.constant 0 : index
    %get3A_25 = arith.constant 0 : index
    %get3A_26 = vector.load %arg2[%get3A_23, %get3A_24, %get3A_25] : memref<2x1000x128xf32, #tpu.memory_space<vmem>>, vector<1x1000x128xf32>
    %get3A_27 = vector.shape_cast %get3A_26 : vector<1x1000x128xf32> to vector<1000x128xf32>
    %get3A_28 = arith.constant 1 : index
    %get3A_29 = arith.constant 0 : index
    %get3A_30 = arith.constant 0 : index
    %get3A_31 = vector.load %arg2[%get3A_28, %get3A_29, %get3A_30] : memref<2x1000x128xf32, #tpu.memory_space<vmem>>, vector<1x1000x128xf32>
    %get3A_32 = vector.shape_cast %get3A_31 : vector<1x1000x128xf32> to vector<1000x128xf32>
    %add3A_33 = arith.addf %get3A_27, %get3A_32 : vector<1000x128xf32>
    %add3A_34 = arith.addf %mul3A, %add3A_33 : vector<1000x128xf32>
    %swap3A = arith.constant 0 : index
    %swap3A_35 = arith.constant 0 : index
    %swap3A_36 = arith.constant 0 : index
    %swap3A_37 = vector.load %arg12[%swap3A, %swap3A_35, %swap3A_36] : memref<1000x3x128xf32, #tpu.memory_space<vmem>>, vector<1000x1x128xf32>
    %swap3A_38 = vector.shape_cast %swap3A_37 : vector<1000x1x128xf32> to vector<1000x128xf32>
    %swap3A_39 = vector.shape_cast %add3A_34 : vector<1000x128xf32> to vector<1000x1x128xf32>
    tpu.vector_store %arg12[%swap3A, %swap3A_35, %swap3A_36], %swap3A_39 {strides = array<i32>} : memref<1000x3x128xf32, #tpu.memory_space<vmem>>, vector<1000x1x128xf32>,
    %get3A_40 = arith.constant 0 : index
    %get3A_41 = arith.constant 0 : index
    %get3A_42 = vector.load %arg6[%get3A_40, %get3A_41] : memref<1000x128xf32, #tpu.memory_space<vmem>>, vector<1000x128xf32>
    %mul3A_43 = arith.mulf %get3A_42, %slice3A : vector<1000x128xf32>
    %get3A_44 = arith.constant 0 : index
    %get3A_45 = arith.constant 0 : index
    %get3A_46 = arith.constant 0 : index
    %get3A_47 = vector.load %arg3[%get3A_44, %get3A_45, %get3A_46] : memref<2x1000x128xf32, #tpu.memory_space<vmem>>, vector<1x1000x128xf32>
    %get3A_48 = vector.shape_cast %get3A_47 : vector<1x1000x128xf32> to vector<1000x128xf32>
    %get3A_49 = arith.constant 1 : index
    %get3A_50 = arith.constant 0 : index
    %get3A_51 = arith.constant 0 : index
    %get3A_52 = vector.load %arg3[%get3A_49, %get3A_50, %get3A_51] : memref<2x1000x128xf32, #tpu.memory_space<vmem>>, vector<1x1000x128xf32>
    %get3A_53 = vector.shape_cast %get3A_52 : vector<1x1000x128xf32> to vector<1000x128xf32>
    %add3A_54 = arith.addf %get3A_48, %get3A_53 : vector<1000x128xf32>
    %add3A_55 = arith.addf %mul3A_43, %add3A_54 : vector<1000x128xf32>
    %swap3A_56 = arith.constant 0 : index
    %swap3A_57 = arith.constant 1 : index
    %swap3A_58 = arith.constant 0 : index
    %swap3A_59 = vector.load %arg12[%swap3A_56, %swap3A_57, %swap3A_58] : memref<1000x3x128xf32, #tpu.memory_space<vmem>>, vector<1000x1x128xf32>
    %swap3A_60 = vector.shape_cast %swap3A_59 : vector<1000x1x128xf32> to vector<1000x128xf32>
    %swap3A_61 = vector.shape_cast %add3A_55 : vector<1000x128xf32> to vector<1000x1x128xf32>
    tpu.vector_store %arg12[%swap3A_56, %swap3A_57, %swap3A_58], %swap3A_61 {strides = array<i32>} : memref<1000x3x128xf32, #tpu.memory_space<vmem>>, vector<1000x1x128xf32>,
    %get3A_62 = arith.constant 0 : index
    %get3A_63 = arith.constant 0 : index
    %get3A_64 = vector.load %arg7[%get3A_62, %get3A_63] : memref<1000x128xf32, #tpu.memory_space<vmem>>, vector<1000x128xf32>
    %mul3A_65 = arith.mulf %get3A_64, %slice3A : vector<1000x128xf32>
    %get3A_66 = arith.constant 0 : index
    %get3A_67 = arith.constant 0 : index
    %get3A_68 = arith.constant 0 : index
    %get3A_69 = vector.load %arg4[%get3A_66, %get3A_67, %get3A_68] : memref<2x1000x128xf32, #tpu.memory_space<vmem>>, vector<1x1000x128xf32>
    %get3A_70 = vector.shape_cast %get3A_69 : vector<1x1000x128xf32> to vector<1000x128xf32>
    %get3A_71 = arith.constant 1 : index
    %get3A_72 = arith.constant 0 : index
    %get3A_73 = arith.constant 0 : index
    %get3A_74 = vector.load %arg4[%get3A_71, %get3A_72, %get3A_73] : memref<2x1000x128xf32, #tpu.memory_space<vmem>>, vector<1x1000x128xf32>
    %get3A_75 = vector.shape_cast %get3A_74 : vector<1x1000x128xf32> to vector<1000x128xf32>
    %add3A_76 = arith.addf %get3A_70, %get3A_75 : vector<1000x128xf32>
    %add3A_77 = arith.addf %mul3A_65, %add3A_76 : vector<1000x128xf32>
    %swap3A_78 = arith.constant 0 : index
    %swap3A_79 = arith.constant 2 : index
    %swap3A_80 = arith.constant 0 : index
    %swap3A_81 = vector.load %arg12[%swap3A_78, %swap3A_79, %swap3A_80] : memref<1000x3x128xf32, #tpu.memory_space<vmem>>, vector<1000x1x128xf32>
    %swap3A_82 = vector.shape_cast %swap3A_81 : vector<1000x1x128xf32> to vector<1000x128xf32>
    %swap3A_83 = vector.shape_cast %add3A_77 : vector<1000x128xf32> to vector<1000x1x128xf32>
    tpu.vector_store %arg12[%swap3A_78, %swap3A_79, %swap3A_80], %swap3A_83 {strides = array<i32>} : memref<1000x3x128xf32, #tpu.memory_space<vmem>>, vector<1000x1x128xf32>,
    %get3A_84 = arith.constant 0 : index
    %get3A_85 = arith.constant 0 : index
    %get3A_86 = vector.load %arg8[%get3A_84, %get3A_85] : memref<1000x128xf32, #tpu.memory_space<vmem>>, vector<1000x128xf32>
    %mul3A_87 = arith.mulf %get3A_86, %slice3A_18 : vector<1000x128xf32>
    %add3A_88 = arith.addf %mul3A_87, %slice3A_19 : vector<1000x128xf32>
    %swap3A_89 = arith.constant 0 : index
    %swap3A_90 = arith.constant 0 : index
    %swap3A_91 = vector.load %arg11[%swap3A_89, %swap3A_90] : memref<1000x128xf32, #tpu.memory_space<vmem>>, vector<1000x128xf32>
    tpu.vector_store %arg11[%swap3A_89, %swap3A_90], %add3A_88 {strides = array<i32>} : memref<1000x128xf32, #tpu.memory_space<vmem>>, vector<1000x128xf32>,
    return
  }
  func.func @transform_0(%arg0: i32) -> (i32, i32, i32) {
    %c0_i32 = arith.constant 0 : i32
    %c0_i32_0 = arith.constant 0 : i32
    %c0_i32_1 = arith.constant 0 : i32
    return %c0_i32, %arg0, %c0_i32_0 : i32, i32, i32
  }
  func.func @transform_1(%arg0: i32) -> (i32, i32, i32) {
    %c0_i32 = arith.constant 0 : i32
    %c0_i32_0 = arith.constant 0 : i32
    %c0_i32_1 = arith.constant 0 : i32
    return %c0_i32, %arg0, %c0_i32_0 : i32, i32, i32
  }
  func.func @transform_2(%arg0: i32) -> (i32, i32, i32) {
    %c0_i32 = arith.constant 0 : i32
    %c0_i32_0 = arith.constant 0 : i32
    %c0_i32_1 = arith.constant 0 : i32
    return %c0_i32, %arg0, %c0_i32_0 : i32, i32, i32
  }
  func.func @transform_3(%arg0: i32) -> (i32, i32, i32) {
    %c0_i32 = arith.constant 0 : i32
    %c0_i32_0 = arith.constant 0 : i32
    %c0_i32_1 = arith.constant 0 : i32
    return %c0_i32, %arg0, %c0_i32_0 : i32, i32, i32
  }
  func.func @transform_4(%arg0: i32) -> (i32, i32) {
    %c0_i32 = arith.constant 0 : i32
    %c0_i32_0 = arith.constant 0 : i32
    return %arg0, %c0_i32 : i32, i32
  }
  func.func @transform_5(%arg0: i32) -> (i32, i32) {
    %c0_i32 = arith.constant 0 : i32
    %c0_i32_0 = arith.constant 0 : i32
    return %arg0, %c0_i32 : i32, i32
  }
  func.func @transform_6(%arg0: i32) -> (i32, i32) {
    %c0_i32 = arith.constant 0 : i32
    %c0_i32_0 = arith.constant 0 : i32
    return %arg0, %c0_i32 : i32, i32
  }
  func.func @transform_7(%arg0: i32) -> (i32, i32) {
    %c0_i32 = arith.constant 0 : i32
    %c0_i32_0 = arith.constant 0 : i32
    return %arg0, %c0_i32 : i32, i32
  }
  func.func @transform_8(%arg0: i32) -> (i32, i32) {
    %c0_i32 = arith.constant 0 : i32
    %c0_i32_0 = arith.constant 0 : i32
    %c0_i32_1 = arith.constant 0 : i32
    return %c0_i32, %c0_i32_0 : i32, i32
  }
  func.func @transform_9(%arg0: i32) -> (i32, i32) {
    %c0_i32 = arith.constant 0 : i32
    %c0_i32_0 = arith.constant 0 : i32
    %c0_i32_1 = arith.constant 0 : i32
    return %c0_i32, %c0_i32_0 : i32, i32
  }
  func.func @transform_10(%arg0: i32) -> (i32, i32) {
    %c0_i32 = arith.constant 0 : i32
    %c0_i32_0 = arith.constant 0 : i32
    return %arg0, %c0_i32 : i32, i32
  }
  func.func @transform_11(%arg0: i32) -> (i32, i32, i32) {
    %c0_i32 = arith.constant 0 : i32
    %c0_i32_0 = arith.constant 0 : i32
    %c0_i32_1 = arith.constant 0 : i32
    return %arg0, %c0_i32, %c0_i32_0 : i32, i32, i32
  }
}

</mosaic_0001>

<sc_bundles>
// kernel: kernel.10.cloned.1.call-start
scs
__scs_entry_jumppad:
0x0: {  	(pc) =	sbr.rel $0x88, $3  }
0x1: {  	(tag) =	ssettag $0x0;
	lr =	simm.s32 $0x1  }
0x2: {  	[smem:$0x3F86] =	sst lr;
	_ =	strace $0xD0000000  }
0x3: {  	_ = 	snop  }
0x4: {  	_ = 	snop  }
0x5: {  	_ = 	snop  }
0x6: {  	_ = 	snop  }
0x7: {  	_ = 	snop  }
__scs_overlays_trampoline_lowered:
0x8: {  	[smem:$0x3F95] =	sst s0  }
0x9: {  	[smem:$0x3F96] =	sst s1  }
0xa: {  	[smem:$0x3F97] =	sst s2  }
0xb: {  	[smem:$0x3F98] =	sst s3  }
0xc: {  	[smem:$0x3F99] =	sst s4  }
0xd: {  	[smem:$0x3F9A] =	sst s5  }
0xe: {  	[smem:$0x3F9B] =	sst s6  }
0xf: {  	[smem:$0x3F9C] =	sst s7  }
0x10: {  	[smem:$0x3F9D] =	sst s8  }
0x11: {  	[smem:$0x3F9E] =	sst s9;
	s0 =	simm.s32 @!p0 $0x0  }
0x12: {  	s1 =	sld [smem:$0x3F84];
	s0 =	simm.s32 @p0 $0x1  }
0x13: {  	[smem:$0x3F9F] =	sst s0;
	s0 =	simm.s32 @!p1 $0x0  }
0x14: {  	s2 =	sld [smem:$0x3F83];
	s0 =	simm.s32 @p1 $0x1  }
0x15: {  	[smem:$0x3FA0] =	sst s0;
	s0 =	simm.s32 @!p2 $0x0  }
0x16: {  	s3 =	sld [smem:$0x3FDB];
	s0 =	simm.s32 @p2 $0x1  }
0x17: {  	s4 =	simm.s32 $0x1BF5;
	[smem:$0x3FA2] =	sst s0  }
0x18: {  	s0 =	sld [smem:$0x3F85];
	_ =	swait.ge [sflag:s4], $0x0  }
0x19: {  	s7 =	sld [smem:$0x3F86]  }
0x1a: {  	s8 =	sadd.s32 $0xFFFFE003, lr  }
0x1b: {  	s9 =	sadd.s32 $0xFFFFFEF7, lr;
	s5 =	simm.s32 $0xFFFFFFFF;
	p2 =	slt.u32 s8, $0xFFFFF086  }
0x1c: {  	p1 =	slt.u32 s9, $0xF7A;
	s5 =	simm.s32 @!p2 $0x0  }
0x1d: {  	s5 =	simm.s32 @p1 $0x1;
	p0 =	seq.s32 s7, s2  }
0x1e: {  	s7 =	smul.u32 @!p0 $0xF7A, s2;
	p2 =	seq.s32 @!p0 s5, $0x0  }
0x1f: {  	s9 =	smul.u32 $0xF7A, s1;
	s8 =	simm.s32 @!p0 $0x1BF5;
	p2 =	por !p2, p0  }
0x20: {  	[sflag:s8] =	ssyncset.s32 @!p0 $0xFFFFF086;
	s6 =	sadd.s32 @!p0 s3, s7;
	s7 =	simm.s32 @!p0 $0x108  }
0x21: {  	s3 =	sadd.s32 s3, s9;
	s6 =	sadd.s32 @!p0 $0x88, s6;
	s7 =	simm.s32 @p2 $0x1082  }
0x22: {  	[simem:s7], [sflag:s8] =	dma.local @!p0 [hbm:s6], $0xF7A  }
0x23: {  	s9 =	sor.u32 $0xD0000000, s2;
	s6 =	simm.s32 $0x108;
	_ =	swait.ge @!p0 [sflag:s8], $0x0  }
0x24: {  	s3 =	sadd.s32 $0x88, s3;
	s6 =	simm.s32 @!p1 $0x1082;
	[sflag:s4] =	ssyncset.s32 $0xFFFFF086  }
0x25: {  	[simem:s6], [sflag:s4] =	dma.local [hbm:s3], $0xF7A  }
0x26: {  	[smem:$0x3F86] =	sst s1;
	(tag) =	ssettag s2;
	_ =	strace s9  }
0x27: {  	s1 =	sld [smem:$0x3F96]  }
0x28: {  	s2 =	sld [smem:$0x3F97]  }
0x29: {  	s4 =	sld [smem:$0x3F99]  }
0x2a: {  	p0 =	seq.s32 s5, $0x0;
	s5 =	sld [smem:$0x3F9A]  }
0x2b: {  	s6 =	sld [smem:$0x3F9B]  }
0x2c: {  	s7 =	sld [smem:$0x3F9C]  }
0x2d: {  	s3 =	simm.s32 $0x108;
	s8 =	sld [smem:$0x3F9D]  }
0x2e: {  	s3 =	simm.s32 @!p0 $0x1082;
	s9 =	sld [smem:$0x3F9E]  }
0x2f: {  	lr =	sadd.s32 s0, s3;
	s0 =	sld [smem:$0x3F95]  }
0x30: {  	s3 =	sld [smem:$0x3F98]  }
0x31: {  	[smem:$0x3FA1] =	sst s10  }
0x32: {  	s10 =	sld [smem:$0x3F9F];
	_ =	sdelay $0x3  }
0x33: {  	p0 =	seq.s32 s10, $0x1;
	s10 =	sld [smem:$0x3FA1];
	_ =	sdelay $0x3  }
0x34: {  	[smem:$0x3FA1] =	sst s10  }
0x35: {  	s10 =	sld [smem:$0x3FA0];
	_ =	sdelay $0x3  }
0x36: {  	p1 =	seq.s32 s10, $0x1;
	s10 =	sld [smem:$0x3FA1];
	_ =	sdelay $0x3  }
0x37: {  	[smem:$0x3FA1] =	sst s10  }
0x38: {  	s10 =	sld [smem:$0x3FA2]  }
0x39: {  	_ = 	snop;
	(pc) =	sbr.ind lr, $3  }
0x3a: {  	_ = 	snop  }
0x3b: {  	_ = 	snop  }
0x3c: {  	p2 =	seq.s32 s10, $0x1;
	s10 =	sld [smem:$0x3FA1]  }
0x3d: {  	_ =	shalt  }
0x3e: {  	_ =	shalt  }
0x3f: {  	_ =	shalt  }
0x40: {  	_ =	shalt  }
0x41: {  	_ =	shalt  }
0x42: {  	_ =	shalt  }
0x43: {  	_ =	shalt  }
0x44: {  	_ =	shalt  }
0x45: {  	_ =	shalt  }
0x46: {  	_ =	shalt  }
0x47: {  	_ =	shalt  }
0x48: {  	_ =	shalt  }
0x49: {  	_ =	shalt  }
0x4a: {  	_ =	shalt  }
0x4b: {  	_ =	shalt  }
0x4c: {  	_ =	shalt  }
0x4d: {  	_ =	shalt  }
0x4e: {  	_ =	shalt  }
0x4f: {  	_ =	shalt  }
0x50: {  	_ =	shalt  }
0x51: {  	_ =	shalt  }
0x52: {  	_ =	shalt  }
0x53: {  	_ =	shalt  }
0x54: {  	_ =	shalt  }
0x55: {  	_ =	shalt  }
0x56: {  	_ =	shalt  }
0x57: {  	_ =	shalt  }
0x58: {  	_ =	shalt  }
0x59: {  	_ =	shalt  }
0x5a: {  	_ =	shalt  }
0x5b: {  	_ =	shalt  }
0x5c: {  	_ =	shalt  }
0x5d: {  	_ =	shalt  }
0x5e: {  	_ =	shalt  }
0x5f: {  	_ =	shalt  }
0x60: {  	_ =	shalt  }
0x61: {  	_ =	shalt  }
0x62: {  	_ =	shalt  }
0x63: {  	_ =	shalt  }
0x64: {  	_ =	shalt  }
0x65: {  	_ =	shalt  }
0x66: {  	_ =	shalt  }
0x67: {  	_ =	shalt  }
0x68: {  	_ =	shalt  }
0x69: {  	_ =	shalt  }
0x6a: {  	_ =	shalt  }
0x6b: {  	_ =	shalt  }
0x6c: {  	_ =	shalt  }
0x6d: {  	_ =	shalt  }
0x6e: {  	_ =	shalt  }
0x6f: {  	_ =	shalt  }
0x70: {  	_ =	shalt  }
0x71: {  	_ =	shalt  }
0x72: {  	_ =	shalt  }
0x73: {  	_ =	shalt  }
0x74: {  	_ =	shalt  }
0x75: {  	_ =	shalt  }
0x76: {  	_ =	shalt  }
0x77: {  	_ =	shalt  }
0x78: {  	_ =	shalt  }
0x79: {  	_ =	shalt  }
0x7a: {  	_ =	shalt  }
0x7b: {  	_ =	shalt  }
0x7c: {  	_ =	shalt  }
0x7d: {  	_ =	shalt  }
0x7e: {  	_ =	shalt  }
0x7f: {  	_ =	shalt  }
0x80: {  	_ =	shalt  }
0x81: {  	_ =	shalt  }
0x82: {  	_ =	shalt  }
0x83: {  	_ =	shalt  }
0x84: {  	_ =	shalt  }
0x85: {  	_ =	shalt  }
0x86: {  	_ =	shalt  }
0x87: {  	_ =	shalt  }
.Lfunc_end0:
.L_simem_size_0:
called_computation.1_lowered:
.L_overlay_start_0:
0x88: {  	s2 =	sld [smem:$0x3FD9]  }
0x89: {  	s3 =	sld [smem:$0x3FFE];
	_ =	sdelay $0x1  }
0x8a: {  	s1 =	srdreg.scid  }
0x8b: {  	s0 =	sand.u32 $0x1, s1  }
0x8c: {  	s14 =	sshll.u32 s0, $0xA;
	s2 =	sadd.s32 s3, s2  }
0x8d: {  	s2 =	sadd.s32 s2, s14  }
0x8e: {  	[smem:$0x3FAD] =	sst s2  }
0x8f: {  	_ = 	snop  }
0x90: {  	s2 =	sld [smem:$0x3FD0];
	_ =	sdelay $0x2  }
0x91: {  	s15 =	simm.s32 $0xA;
	s4 =	simm.s32 $0x10  }
0x92: {  	[smem:s4], [sflag:s15] =	dma.local [hbm:s2], $0x1  }
0x93: {  	_ =	swait.eq [sflag:s15], $0x1  }
0x94: {  	[sflag:s15] =	ssyncset.done $0x0  }
0x95: {  	[sflag:s15] =	ssyncadd.s32 $0xFFFFFFFF  }
0x96: {  	s16 =	sld [smem:$0x11];
	(tm) =	ssettm $0x1  }
0x97: {  	s17 =	sld [smem:$0x3FFB];
	_ =	sdelay $0x3  }
0x98: {  	_ =	strace s17  }
0x99: {  	s3 =	sld [smem:$0x3FFC];
	_ =	sdelay $0x3  }
0x9a: {  	_ =	strace s3  }
0x9b: {  	s3 =	sld [smem:$0x3FFD];
	_ =	sdelay $0x3  }
0x9c: {  	_ =	strace s3  }
0x9d: {  	_ =	strace $0x8FFFFFFF  }
0x9e: {  	s18 =	sld [smem:$0x3FDB];
	_ =	sdelay $0x1  }
0x9f: {  	s19 =	simm.s32 $_scs_section_size  }
0xa0: {  	s5 =	simm.s32 $_size__tile_overlayer_lowered;
	s6 =	simm.s32 $_tile_overlayer_lowered  }
0xa1: {  	s22 =	simm.s32 $0x1BFF;
	s21 =	sshll.u32 s6, $0x1;
	s3 =	sadd.s32 s19, s18  }
0xa2: {  	s7 =	simm.s32 $0x0;
	s20 =	sshll.u32 s5, $0x1;
	s5 =	sadd.s32 s21, s3  }
0xa3: {  	[timem:s7], [sflag:s22] =	dma.local [hbm:s5], s20  }
0xa4: {  	_ =	swait.ge [sflag:s22], s20  }
0xa5: {  	s4 =	ssub.s32 $0x0, s20;
	[sflag:s22] =	ssyncset.done $0x0  }
0xa6: {  	[sflag:s22] =	ssyncadd.s32 s4;
	_ =	sdelay $0x1  }
0xa7: {  	s23 =	simm.s32 $0x1B8B  }
0xa8: {  	_ =	swait.ge [sflag:s23], $0x1  }
0xa9: {  	[sflag:s23] =	ssyncset.done $0x0  }
0xaa: {  	s25 =	simm.s32 $0x1B8E;
	s24 =	sld [smem:$0x3FFE];
	[sflag:s23] =	ssyncadd.s32 $0xFFFFFFFF  }
0xab: {  	s26 =	simm.s32 $execute0_lowered;
	[smem:$0x3FD2] =	sst s25  }
0xac: {  	s5 =	sshll.u32 s26, $0x1;
	_ =	strace $0x80000049;
	[dreg:$0x1] =	wrdreg $0xFFFFFFFF  }
0xad: {  	s28 =	simm.s32 $_size_execute0_lowered;
	s3 =	sadd.s32 s3, s5;
	[dreg:$0x0] =	wrdreg $0x0  }
0xae: {  	s5 =	sshll.u32 s28, $0x1;
	[dreg:$0x2] =	wrdreg s3  }
0xaf: {  	[dreg:$0x3] =	wrdreg s5  }
0xb0: {  	[dreg:$0x4] =	wrdreg $0xC0  }
0xb1: {  	_ =	task [dreg:s7], $0x5FFFF  }
0xb2: {  	[dreg:$0x1] =	wrdreg $0xFFFFFFFF  }
0xb3: {  	[dreg:$0x0] =	wrdreg $0x60  }
0xb4: {  	[dreg:$0x2] =	wrdreg s24  }
0xb5: {  	[dreg:$0x3] =	wrdreg s16  }
0xb6: {  	[dreg:$0x4] =	wrdreg $0x90000  }
0xb7: {  	[dreg:$0x5] =	wrdreg $0x9  }
0xb8: {  	_ =	task.clear_ibuf [dreg:s7], $0x6FFFF;
	_ =	strace $0x90000049  }
0xb9: {  	s29 =	simm.s32 $0x9;
	_ =	strace $0x8000004B  }
0xba: {  	_ =	swait.ge [sflag:s29], $0x1  }
0xbb: {  	[sflag:s29] =	ssyncadd.s32 $0xFFFFFFFF  }
0xbc: {  	_ =	strace $0x9000004B  }
0xbd: {  	_ =	sfence  }
0xbe: {  	s30 =	sld [smem:$0x0];
	_ =	sdelay $0x2  }
0xbf: {  	s31 =	sshll.u32 s1, $0xD;
	s1 =	sshrl.u32 s1, $0x2  }
0xc0: {  	s3 =	sand.u32 $0x4000, s31;
	s1 =	sadd.s32 s1, s30  }
0xc1: {  	s0 =	sor.u32 s3, s0;
	s1 =	sshll.u32 s1, $0x11  }
0xc2: {  	s0 =	sor.u32 s1, s0  }
0xc3: {  	s0 =	sadd.s32 $0x8F2B, s0  }
0xc4: {  	[sflag:s0] =	ssyncadd.remote.s32 $0x1  }
0xc5: {  	_ =	sfence.sel $0xFFFF  }
0xc6: {  	[dreg:$0x0] =	wrdreg $0xFFFFFFFF;
	(pc) =	sbr.abs _section_cstart, $3  }
0xc7: {  	[dreg:$0x1] =	wrdreg $0xFFFFFFFF  }
0xc8: {  	_ =	task.clear_ibuf [dreg:s7], $0x2FFFF;
	_ =	strace $0x9FFFFFFF  }
0xc9: {  	(tm) =	ssettm $0x7FFFFFFF  }
tec
execute0_lowered:
.L_overlay_start_1:
0x0: {  	(tag) =	ssettag $0x1  }
0x1: {  	s0 =	rddreg [dreg:$0x0]  }
0x2: {  	s1 =	rddreg [dreg:$0x1]  }
0x3: {  	s2 =	rddreg [dreg:$0x2]  }
0x4: {  	s3 =	srdreg.scid;
	s14 =	stileid.u32  }
0x5: {  	s29 =	simm.s32 $0x5;
	s30 =	simm.s32 $0x4000;
	s4 =	sadd.s32 $0x3236800, s0  }
0x6: {  	s31 =	simm.s32 $0x6800;
	s6 =	sadd.s32 $0x3718800, s0;
	s7 =	smul.u32 $0x13C00, s14  }
0x7: {  	s3 =	sand.u32 $0x1, s3;
	s8 =	sadd.s32 $0x3BFA800, s0;
	s19 =	smul.u32 $0x4E200, s14  }
0x8: {  	s5 =	sshll.u32 s14, $0x1;
	s11 =	sadd.s32 $0x40DC800, s0;
	s10 =	smul.u32 $0x13C000, s3  }
0x9: {  	s5 =	sor.u32 s3, s5;
	s21 =	ssub.s32 $0x2, s3;
	s3 =	smul.u32 $0x27100, s3  }
0xa: {  	s9 =	sshll.u32 s5, $0xB;
	s12 =	sshrl.u32 s7, $0x3;
	s5 =	smul.u32 $0x27100, s5  }
0xb: {  	s13 =	sshrl.u32 s21, $0x1;
	s9 =	sadd.s32 s9, s0;
	s7 =	sadd.s32 s7, s10  }
0xc: {  	s12 =	sadd.s32 s12, s0;
	s10 =	ssub.s32 s21, s13;
	s21 =	sadd.s32 s19, s4  }
0xd: {  	s7 =	sshrl.u32 s7, $0x3;
	s22 =	sadd.s32 s4, s5;
	s23 =	sadd.s32 s6, s5  }
0xe: {  	s24 =	sadd.s32 s8, s5;
	s25 =	sadd.s32 s11, s5;
	[dreg:$0x4] =	wrdreg s22  }
0xf: {  	s26 =	sadd.s32 $0x500, s5;
	s5 =	sadd.s32 $0xA00, s5;
	[dreg:$0x6] =	wrdreg s23  }
0x10: {  	s0 =	sadd.s32 s7, s0;
	s1 =	sadd.s32 s1, s7;
	[dreg:$0x7] =	wrdreg s24  }
0x11: {  	[dreg:$0x8] =	wrdreg s25;
	s13 =	sadd.s32 s4, s26;
	s15 =	sadd.s32 s4, s5  }
0x12: {  	s16 =	sadd.s32 s6, s26;
	s17 =	sadd.s32 s6, s5;
	[dreg:$0x5] =	wrdreg s1  }
0x13: {  	s18 =	sadd.s32 s8, s26;
	s20 =	sadd.s32 s8, s5;
	[dreg:$0x9] =	wrdreg s13  }
0x14: {  	s22 =	sadd.s32 s19, s6;
	s23 =	sadd.s32 s19, s8;
	[dreg:$0xa] =	wrdreg s15  }
0x15: {  	s24 =	sadd.s32 s19, s11;
	s25 =	smul.u32 $0x4F000, s14;
	[dreg:$0xb] =	wrdreg s16  }
0x16: {  	s19 =	sadd.s32 $0x54200, s12;
	s6 =	simm.s32 $0x4;
	[dreg:$0xc] =	wrdreg s17  }
0x17: {  	s7 =	simm.s32 $0x3E00;
	s8 =	simm.s32 $0x0;
	[dreg:$0xd] =	wrdreg s18  }
0x18: {  	[dreg:$0xe] =	wrdreg s20;
	s1 =	sadd.s32 s11, s26;
	s15 =	sadd.s32 s11, s5  }
0x19: {  	s16 =	simm.s32 $0x0;
	s4 =	sadd.s32 s3, s22;
	s17 =	sadd.s32 $0x19BC600, s9  }
0x1a: {  	s5 =	sadd.s32 s3, s23;
	s20 =	sadd.s32 $0x7BA00, s0;
	s22 =	sadd.s32 $0x1A1600, s0  }
0x1b: {  	s23 =	smax.u32 s10, $0x1;
	[dreg:$0xf] =	wrdreg s1;
	s1 =	sadd.s32 s3, s21  }
0x1c: {  	s3 =	sadd.s32 s3, s24;
	[smem:$0x7FF] =	sst s16;
	s26 =	sshrl.u32 s25, $0x2  }
0x1d: {  	s21 =	sadd.s32 $0x152600, s0;
	s25 =	sadd.s32 $0xF00, s4;
	s0 =	simm.s32 $0x1  }
0x1e: {  	s4 =	simm.s32 $0x2;
	_ =	strace $0x8000004A;
	s18 =	sadd.s32 s26, s2  }
0x1f: {  	s24 =	sadd.s32 $0xF00, s1;
	s26 =	sadd.s32 $0xF00, s5;
	s28 =	sadd.s32 $0xF00, s3  }
0x20: {  	s1 =	simm.s32 $0x50;
	s3 =	simm.s32 $0x3;
	s5 =	simm.s32 $0x80  }
.LBB2_1:
0x21: {  	[tilespmem:s16], [sflag:$0x5] =	stream.linear.gather [hbm4b:s17+s16], $0x3E80, $0x38;
	[tilespmem:$0x1CC00] =	vst v63  }
0x22: {  	s9 =	stileid.u32;
	_ =	swait.ge [sflag:s29], $0x3E80  }
0x23: {  	s9 =	sshll.u32 s9, $0x6;
	[sflag:s29] =	ssyncset.done $0x0  }
0x24: {  	s10 =	sshrl.u32 s18, $0x3;
	s9 =	sor.u32 $0x1C05, s9;
	[sflag:s29] =	ssyncadd.s32 $0xFFFFC180  }
0x25: {  	[spmem:s10], [sflag:s9] =	dma.local [hbm:s19], $0x2780  }
0x26: {  	_ =	swait.ge [sflag:s29], $0x2780  }
0x27: {  	[sflag:s29] =	ssyncset.done $0x0  }
0x28: {  	[sflag:s29] =	ssyncadd.s32 $0xFFFFD880  }
0x29: {  	[bflag:$0x0] =	sbarrier.arrive $0xFFFF  }
0x2a: {  	s11 =	rddreg [dreg:$0x4]  }
0x2b: {  	[tilespmem:s30], [sflag:$0x1] =	stream.linear.gather [hbm4b:s11+s16], $0x2800, $0x38;
	[tilespmem:$0x1CC00] =	vst v63  }
0x2c: {  	s14 =	rddreg [dreg:$0x9]  }
0x2d: {  	[tilespmem:s31], [sflag:$0x2] =	stream.linear.gather [hbm4b:s14+s16], $0x2800, $0x38;
	[tilespmem:$0x1CC00] =	vst v63  }
0x2e: {  	_ =	swait.ge [sflag:s0], $0x2800  }
0x2f: {  	[sflag:s0] =	ssyncset.done $0x0  }
0x30: {  	[sflag:s0] =	ssyncadd.s32 $0xFFFFD800  }
0x31: {  	[spmem:s2] =	stream.indirect.scatter.add.f32 [tilespmem:s30], [sflag:$0x3], $0x80, s16, s1, $0xb8;
	[tilespmem:$0x1CC00] =	vst v63  }
0x32: {  	_ =	swait.ge [sflag:s3], $0x2800  }
0x33: {  	[sflag:s3] =	ssyncset.done $0x0  }
0x34: {  	s12 =	rddreg [dreg:$0xa];
	[sflag:s3] =	ssyncadd.s32 $0xFFFFD800  }
0x35: {  	[tilespmem:s30], [sflag:$0x1] =	stream.linear.gather [hbm4b:s12+s16], $0x2800, $0x38;
	[tilespmem:$0x1CC00] =	vst v63  }
0x36: {  	_ =	swait.ge [sflag:s4], $0x2800  }
0x37: {  	[sflag:s4] =	ssyncset.done $0x0  }
0x38: {  	[sflag:s4] =	ssyncadd.s32 $0xFFFFD800  }
0x39: {  	[spmem:s2] =	stream.indirect.scatter.add.f32 [tilespmem:s31], [sflag:$0x4], $0x80, s5, s1, $0xb8;
	[tilespmem:$0x1CC00] =	vst v63  }
0x3a: {  	_ =	swait.ge [sflag:s6], $0x2800  }
0x3b: {  	[sflag:s6] =	ssyncset.done $0x0  }
0x3c: {  	[sflag:s6] =	ssyncadd.s32 $0xFFFFD800  }
0x3d: {  	[tilespmem:s31], [sflag:$0x2] =	stream.linear.gather [hbm4b:s24+s16], $0x2800, $0x38;
	[tilespmem:$0x1CC00] =	vst v63  }
0x3e: {  	_ =	swait.ge [sflag:s0], $0x2800  }
0x3f: {  	[sflag:s0] =	ssyncset.done $0x0  }
0x40: {  	s13 =	simm.s32 $0x100;
	[sflag:s0] =	ssyncadd.s32 $0xFFFFD800  }
0x41: {  	[spmem:s2] =	stream.indirect.scatter.add.f32 [tilespmem:s30], [sflag:$0x3], $0x80, s13, s1, $0xb8;
	[tilespmem:$0x1CC00] =	vst v63  }
0x42: {  	_ =	swait.ge [sflag:s3], $0x2800  }
0x43: {  	[sflag:s3] =	ssyncset.done $0x0  }
0x44: {  	s14 =	sadd.s32 $0x500, s24;
	[sflag:s3] =	ssyncadd.s32 $0xFFFFD800  }
0x45: {  	[tilespmem:s30], [sflag:$0x1] =	stream.linear.gather [hbm4b:s14+s16], $0x2800, $0x38;
	[tilespmem:$0x1CC00] =	vst v63  }
0x46: {  	_ =	swait.ge [sflag:s4], $0x2800  }
0x47: {  	s11 =	simm.s32 $0x400;
	[sflag:s4] =	ssyncset.done $0x0  }
0x48: {  	s12 =	sadd.s32 $0xA00, s24;
	s13 =	simm.s32 $0x180;
	[sflag:s4] =	ssyncadd.s32 $0xFFFFD800  }
.LBB2_2:
0x49: {  	[spmem:s2] =	stream.indirect.scatter.add.f32 [tilespmem:s31], [sflag:$0x4], $0x80, s13, s1, $0xb8;
	[tilespmem:$0x1CC00] =	vst v63  }
0x4a: {  	s13 =	smov.u32 s11  }
0x4b: {  	p0 =	sne.s32 s11, $0xF000;
	s11 =	sadd.s32 $0x400, s11;
	_ =	swait.ge [sflag:s6], $0x2800  }
0x4c: {  	[sflag:s6] =	ssyncset.done $0x0  }
0x4d: {  	[sflag:s6] =	ssyncadd.s32 $0xFFFFD800  }
0x4e: {  	[tilespmem:s31], [sflag:$0x2] =	stream.linear.gather [hbm4b:s12+s16], $0x2800, $0x38;
	[tilespmem:$0x1CC00] =	vst v63  }
0x4f: {  	_ =	swait.ge [sflag:s0], $0x2800  }
0x50: {  	s13 =	sshra.s32 s13, $0x2;
	[sflag:s0] =	ssyncset.done $0x0  }
0x51: {  	s14 =	sadd.s32 $0x100, s13;
	[sflag:s0] =	ssyncadd.s32 $0xFFFFD800  }
0x52: {  	[spmem:s2] =	stream.indirect.scatter.add.f32 [tilespmem:s30], [sflag:$0x3], $0x80, s14, s1, $0xb8;
	[tilespmem:$0x1CC00] =	vst v63  }
0x53: {  	_ =	swait.ge [sflag:s3], $0x2800  }
0x54: {  	[sflag:s3] =	ssyncset.done $0x0  }
.Ltmp0:
0x55: {  	s14 =	sadd.s32 $0x500, s12;
	[sflag:s3] =	ssyncadd.s32 $0xFFFFD800;
	(pc) =	sbr.rel @p0 .LBB2_2-.Ltmp0, $4  }
0x56: {  	[tilespmem:s30], [sflag:$0x1] =	stream.linear.gather [hbm4b:s14+s16], $0x2800, $0x38;
	[tilespmem:$0x1CC00] =	vst v63  }
0x57: {  	_ =	swait.ge [sflag:s4], $0x2800  }
0x58: {  	[sflag:s4] =	ssyncset.done $0x0  }
0x59: {  	s13 =	sadd.s32 $0x180, s13;
	s12 =	sadd.s32 $0xA00, s12;
	[sflag:s4] =	ssyncadd.s32 $0xFFFFD800  }
0x5a: {  	[spmem:s2] =	stream.indirect.scatter.add.f32 [tilespmem:s31], [sflag:$0x4], $0x80, s13, s1, $0xb8;
	[tilespmem:$0x1CC00] =	vst v63  }
0x5b: {  	_ =	swait.ge [sflag:s0], $0x2800  }
0x5c: {  	[sflag:s0] =	ssyncset.done $0x0  }
0x5d: {  	[sflag:s0] =	ssyncadd.s32 $0xFFFFD800  }
0x5e: {  	[spmem:s2] =	stream.indirect.scatter.add.f32 [tilespmem:s30], [sflag:$0x3], $0x80, s7, s1, $0xb8;
	[tilespmem:$0x1CC00] =	vst v63  }
0x5f: {  	_ =	swait.ge [sflag:s3], $0x2800  }
0x60: {  	[sflag:s3] =	ssyncset.done $0x0  }
0x61: {  	[sflag:s3] =	ssyncadd.s32 $0xFFFFD800  }
0x62: {  	_ =	swait.ge [sflag:s6], $0x2800  }
0x63: {  	[sflag:s6] =	ssyncset.done $0x0  }
0x64: {  	[sflag:s6] =	ssyncadd.s32 $0xFFFFD800  }
0x65: {  	[bflag:$0x0] =	sbarrier.arrive $0xFFFF  }
0x66: {  	s11 =	rddreg [dreg:$0x5]  }
0x67: {  	[hbm:s11], [sflag:s9] =	dma.local [spmem:s10], $0x2780  }
0x68: {  	_ =	swait.ge [sflag:s29], $0x2780  }
0x69: {  	[sflag:s29] =	ssyncset.done $0x0  }
0x6a: {  	[sflag:s29] =	ssyncadd.s32 $0xFFFFD880  }
0x6b: {  	[bflag:$0x0] =	sbarrier.arrive $0xFFFF  }
0x6c: {  	[spmem:s10], [sflag:s9] =	dma.local [hbm:s19], $0x2780  }
0x6d: {  	_ =	swait.ge [sflag:s29], $0x2780  }
0x6e: {  	[sflag:s29] =	ssyncset.done $0x0  }
0x6f: {  	[sflag:s29] =	ssyncadd.s32 $0xFFFFD880  }
0x70: {  	[bflag:$0x0] =	sbarrier.arrive $0xFFFF  }
0x71: {  	s11 =	simm.s32 $0x0;
	s12 =	rddreg [dreg:$0x6]  }
0x72: {  	[tilespmem:s30], [sflag:$0x1] =	stream.linear.gather [hbm4b:s12+s11], $0x2800, $0x38;
	[tilespmem:$0x1CC00] =	vst v63  }
0x73: {  	s13 =	rddreg [dreg:$0xb]  }
0x74: {  	[tilespmem:s31], [sflag:$0x2] =	stream.linear.gather [hbm4b:s13+s11], $0x2800, $0x38;
	[tilespmem:$0x1CC00] =	vst v63  }
0x75: {  	_ =	swait.ge [sflag:s0], $0x2800  }
0x76: {  	[sflag:s0] =	ssyncset.done $0x0  }
0x77: {  	[sflag:s0] =	ssyncadd.s32 $0xFFFFD800  }
0x78: {  	[spmem:s2] =	stream.indirect.scatter.add.f32 [tilespmem:s30], [sflag:$0x3], $0x80, s11, s1, $0xb8;
	[tilespmem:$0x1CC00] =	vst v63  }
0x79: {  	_ =	swait.ge [sflag:s3], $0x2800  }
0x7a: {  	[sflag:s3] =	ssyncset.done $0x0  }
0x7b: {  	s14 =	rddreg [dreg:$0xc];
	[sflag:s3] =	ssyncadd.s32 $0xFFFFD800  }
0x7c: {  	[tilespmem:s30], [sflag:$0x1] =	stream.linear.gather [hbm4b:s14+s11], $0x2800, $0x38;
	[tilespmem:$0x1CC00] =	vst v63  }
0x7d: {  	_ =	swait.ge [sflag:s4], $0x2800  }
0x7e: {  	[sflag:s4] =	ssyncset.done $0x0  }
0x7f: {  	[sflag:s4] =	ssyncadd.s32 $0xFFFFD800  }
0x80: {  	[spmem:s2] =	stream.indirect.scatter.add.f32 [tilespmem:s31], [sflag:$0x4], $0x80, s5, s1, $0xb8;
	[tilespmem:$0x1CC00] =	vst v63  }
0x81: {  	_ =	swait.ge [sflag:s6], $0x2800  }
0x82: {  	[sflag:s6] =	ssyncset.done $0x0  }
0x83: {  	[sflag:s6] =	ssyncadd.s32 $0xFFFFD800  }
0x84: {  	[tilespmem:s31], [sflag:$0x2] =	stream.linear.gather [hbm4b:s25+s16], $0x2800, $0x38;
	[tilespmem:$0x1CC00] =	vst v63  }
0x85: {  	_ =	swait.ge [sflag:s0], $0x2800  }
0x86: {  	[sflag:s0] =	ssyncset.done $0x0  }
0x87: {  	s13 =	simm.s32 $0x100;
	[sflag:s0] =	ssyncadd.s32 $0xFFFFD800  }
0x88: {  	[spmem:s2] =	stream.indirect.scatter.add.f32 [tilespmem:s30], [sflag:$0x3], $0x80, s13, s1, $0xb8;
	[tilespmem:$0x1CC00] =	vst v63  }
0x89: {  	_ =	swait.ge [sflag:s3], $0x2800  }
0x8a: {  	[sflag:s3] =	ssyncset.done $0x0  }
0x8b: {  	s14 =	sadd.s32 $0x500, s25;
	[sflag:s3] =	ssyncadd.s32 $0xFFFFD800  }
0x8c: {  	[tilespmem:s30], [sflag:$0x1] =	stream.linear.gather [hbm4b:s14+s16], $0x2800, $0x38;
	[tilespmem:$0x1CC00] =	vst v63  }
0x8d: {  	_ =	swait.ge [sflag:s4], $0x2800  }
0x8e: {  	s12 =	sadd.s32 $0xA00, s25;
	[sflag:s4] =	ssyncset.done $0x0  }
0x8f: {  	s11 =	simm.s32 $0x400;
	s13 =	simm.s32 $0x180;
	[sflag:s4] =	ssyncadd.s32 $0xFFFFD800  }
.LBB2_4:
0x90: {  	[spmem:s2] =	stream.indirect.scatter.add.f32 [tilespmem:s31], [sflag:$0x4], $0x80, s13, s1, $0xb8;
	[tilespmem:$0x1CC00] =	vst v63  }
0x91: {  	s13 =	smov.u32 s11  }
0x92: {  	p0 =	sne.s32 s11, $0xF000;
	s11 =	sadd.s32 $0x400, s11;
	_ =	swait.ge [sflag:s6], $0x2800  }
0x93: {  	[sflag:s6] =	ssyncset.done $0x0  }
0x94: {  	[sflag:s6] =	ssyncadd.s32 $0xFFFFD800  }
0x95: {  	[tilespmem:s31], [sflag:$0x2] =	stream.linear.gather [hbm4b:s12+s16], $0x2800, $0x38;
	[tilespmem:$0x1CC00] =	vst v63  }
0x96: {  	_ =	swait.ge [sflag:s0], $0x2800  }
0x97: {  	s13 =	sshra.s32 s13, $0x2;
	[sflag:s0] =	ssyncset.done $0x0  }
0x98: {  	s14 =	sadd.s32 $0x100, s13;
	[sflag:s0] =	ssyncadd.s32 $0xFFFFD800  }
0x99: {  	[spmem:s2] =	stream.indirect.scatter.add.f32 [tilespmem:s30], [sflag:$0x3], $0x80, s14, s1, $0xb8;
	[tilespmem:$0x1CC00] =	vst v63  }
0x9a: {  	_ =	swait.ge [sflag:s3], $0x2800  }
0x9b: {  	[sflag:s3] =	ssyncset.done $0x0  }
.Ltmp1:
0x9c: {  	s14 =	sadd.s32 $0x500, s12;
	[sflag:s3] =	ssyncadd.s32 $0xFFFFD800;
	(pc) =	sbr.rel @p0 .LBB2_4-.Ltmp1, $4  }
0x9d: {  	[tilespmem:s30], [sflag:$0x1] =	stream.linear.gather [hbm4b:s14+s16], $0x2800, $0x38;
	[tilespmem:$0x1CC00] =	vst v63  }
0x9e: {  	_ =	swait.ge [sflag:s4], $0x2800  }
0x9f: {  	[sflag:s4] =	ssyncset.done $0x0  }
0xa0: {  	s13 =	sadd.s32 $0x180, s13;
	s12 =	sadd.s32 $0xA00, s12;
	[sflag:s4] =	ssyncadd.s32 $0xFFFFD800  }
0xa1: {  	[spmem:s2] =	stream.indirect.scatter.add.f32 [tilespmem:s31], [sflag:$0x4], $0x80, s13, s1, $0xb8;
	[tilespmem:$0x1CC00] =	vst v63  }
0xa2: {  	_ =	swait.ge [sflag:s0], $0x2800  }
0xa3: {  	[sflag:s0] =	ssyncset.done $0x0  }
0xa4: {  	[sflag:s0] =	ssyncadd.s32 $0xFFFFD800  }
0xa5: {  	[spmem:s2] =	stream.indirect.scatter.add.f32 [tilespmem:s30], [sflag:$0x3], $0x80, s7, s1, $0xb8;
	[tilespmem:$0x1CC00] =	vst v63  }
0xa6: {  	_ =	swait.ge [sflag:s3], $0x2800  }
0xa7: {  	[sflag:s3] =	ssyncset.done $0x0  }
0xa8: {  	[sflag:s3] =	ssyncadd.s32 $0xFFFFD800  }
0xa9: {  	_ =	swait.ge [sflag:s6], $0x2800  }
0xaa: {  	[sflag:s6] =	ssyncset.done $0x0  }
0xab: {  	[sflag:s6] =	ssyncadd.s32 $0xFFFFD800  }
0xac: {  	[bflag:$0x0] =	sbarrier.arrive $0xFFFF  }
0xad: {  	[hbm:s20], [sflag:s9] =	dma.local [spmem:s10], $0x2780  }
0xae: {  	_ =	swait.ge [sflag:s29], $0x2780  }
0xaf: {  	[sflag:s29] =	ssyncset.done $0x0  }
0xb0: {  	[sflag:s29] =	ssyncadd.s32 $0xFFFFD880  }
0xb1: {  	[bflag:$0x0] =	sbarrier.arrive $0xFFFF  }
0xb2: {  	[spmem:s10], [sflag:s9] =	dma.local [hbm:s19], $0x2780  }
0xb3: {  	_ =	swait.ge [sflag:s29], $0x2780  }
0xb4: {  	[sflag:s29] =	ssyncset.done $0x0  }
0xb5: {  	[sflag:s29] =	ssyncadd.s32 $0xFFFFD880  }
0xb6: {  	[bflag:$0x0] =	sbarrier.arrive $0xFFFF  }
0xb7: {  	s11 =	simm.s32 $0x0;
	s12 =	rddreg [dreg:$0x7]  }
0xb8: {  	[tilespmem:s30], [sflag:$0x1] =	stream.linear.gather [hbm4b:s12+s11], $0x2800, $0x38;
	[tilespmem:$0x1CC00] =	vst v63  }
0xb9: {  	s13 =	rddreg [dreg:$0xd]  }
0xba: {  	[tilespmem:s31], [sflag:$0x2] =	stream.linear.gather [hbm4b:s13+s11], $0x2800, $0x38;
	[tilespmem:$0x1CC00] =	vst v63  }
0xbb: {  	_ =	swait.ge [sflag:s0], $0x2800  }
0xbc: {  	[sflag:s0] =	ssyncset.done $0x0  }
0xbd: {  	[sflag:s0] =	ssyncadd.s32 $0xFFFFD800  }
0xbe: {  	[spmem:s2] =	stream.indirect.scatter.add.f32 [tilespmem:s30], [sflag:$0x3], $0x80, s11, s1, $0xb8;
	[tilespmem:$0x1CC00] =	vst v63  }
0xbf: {  	_ =	swait.ge [sflag:s3], $0x2800  }
0xc0: {  	[sflag:s3] =	ssyncset.done $0x0  }
0xc1: {  	s14 =	rddreg [dreg:$0xe];
	[sflag:s3] =	ssyncadd.s32 $0xFFFFD800  }
0xc2: {  	[tilespmem:s30], [sflag:$0x1] =	stream.linear.gather [hbm4b:s14+s11], $0x2800, $0x38;
	[tilespmem:$0x1CC00] =	vst v63  }
0xc3: {  	_ =	swait.ge [sflag:s4], $0x2800  }
0xc4: {  	[sflag:s4] =	ssyncset.done $0x0  }
0xc5: {  	[sflag:s4] =	ssyncadd.s32 $0xFFFFD800  }
0xc6: {  	[spmem:s2] =	stream.indirect.scatter.add.f32 [tilespmem:s31], [sflag:$0x4], $0x80, s5, s1, $0xb8;
	[tilespmem:$0x1CC00] =	vst v63  }
0xc7: {  	_ =	swait.ge [sflag:s6], $0x2800  }
0xc8: {  	[sflag:s6] =	ssyncset.done $0x0  }
0xc9: {  	[sflag:s6] =	ssyncadd.s32 $0xFFFFD800  }
0xca: {  	[tilespmem:s31], [sflag:$0x2] =	stream.linear.gather [hbm4b:s26+s16], $0x2800, $0x38;
	[tilespmem:$0x1CC00] =	vst v63  }
0xcb: {  	_ =	swait.ge [sflag:s0], $0x2800  }
0xcc: {  	[sflag:s0] =	ssyncset.done $0x0  }
0xcd: {  	s13 =	simm.s32 $0x100;
	[sflag:s0] =	ssyncadd.s32 $0xFFFFD800  }
0xce: {  	[spmem:s2] =	stream.indirect.scatter.add.f32 [tilespmem:s30], [sflag:$0x3], $0x80, s13, s1, $0xb8;
	[tilespmem:$0x1CC00] =	vst v63  }
0xcf: {  	_ =	swait.ge [sflag:s3], $0x2800  }
0xd0: {  	[sflag:s3] =	ssyncset.done $0x0  }
0xd1: {  	s14 =	sadd.s32 $0x500, s26;
	[sflag:s3] =	ssyncadd.s32 $0xFFFFD800  }
0xd2: {  	[tilespmem:s30], [sflag:$0x1] =	stream.linear.gather [hbm4b:s14+s16], $0x2800, $0x38;
	[tilespmem:$0x1CC00] =	vst v63  }
0xd3: {  	_ =	swait.ge [sflag:s4], $0x2800  }
0xd4: {  	s12 =	sadd.s32 $0xA00, s26;
	[sflag:s4] =	ssyncset.done $0x0  }
0xd5: {  	s11 =	simm.s32 $0x400;
	s13 =	simm.s32 $0x180;
	[sflag:s4] =	ssyncadd.s32 $0xFFFFD800  }
.LBB2_6:
0xd6: {  	[spmem:s2] =	stream.indirect.scatter.add.f32 [tilespmem:s31], [sflag:$0x4], $0x80, s13, s1, $0xb8;
	[tilespmem:$0x1CC00] =	vst v63  }
0xd7: {  	s13 =	smov.u32 s11  }
0xd8: {  	p0 =	sne.s32 s11, $0xF000;
	s11 =	sadd.s32 $0x400, s11;
	_ =	swait.ge [sflag:s6], $0x2800  }
0xd9: {  	[sflag:s6] =	ssyncset.done $0x0  }
0xda: {  	[sflag:s6] =	ssyncadd.s32 $0xFFFFD800  }
0xdb: {  	[tilespmem:s31], [sflag:$0x2] =	stream.linear.gather [hbm4b:s12+s16], $0x2800, $0x38;
	[tilespmem:$0x1CC00] =	vst v63  }
0xdc: {  	_ =	swait.ge [sflag:s0], $0x2800  }
0xdd: {  	s13 =	sshra.s32 s13, $0x2;
	[sflag:s0] =	ssyncset.done $0x0  }
0xde: {  	s14 =	sadd.s32 $0x100, s13;
	[sflag:s0] =	ssyncadd.s32 $0xFFFFD800  }
0xdf: {  	[spmem:s2] =	stream.indirect.scatter.add.f32 [tilespmem:s30], [sflag:$0x3], $0x80, s14, s1, $0xb8;
	[tilespmem:$0x1CC00] =	vst v63  }
0xe0: {  	_ =	swait.ge [sflag:s3], $0x2800  }
0xe1: {  	[sflag:s3] =	ssyncset.done $0x0  }
.Ltmp2:
0xe2: {  	s14 =	sadd.s32 $0x500, s12;
	[sflag:s3] =	ssyncadd.s32 $0xFFFFD800;
	(pc) =	sbr.rel @p0 .LBB2_6-.Ltmp2, $4  }
0xe3: {  	[tilespmem:s30], [sflag:$0x1] =	stream.linear.gather [hbm4b:s14+s16], $0x2800, $0x38;
	[tilespmem:$0x1CC00] =	vst v63  }
0xe4: {  	_ =	swait.ge [sflag:s4], $0x2800  }
0xe5: {  	[sflag:s4] =	ssyncset.done $0x0  }
0xe6: {  	s13 =	sadd.s32 $0x180, s13;
	s12 =	sadd.s32 $0xA00, s12;
	[sflag:s4] =	ssyncadd.s32 $0xFFFFD800  }
0xe7: {  	[spmem:s2] =	stream.indirect.scatter.add.f32 [tilespmem:s31], [sflag:$0x4], $0x80, s13, s1, $0xb8;
	[tilespmem:$0x1CC00] =	vst v63  }
0xe8: {  	_ =	swait.ge [sflag:s0], $0x2800  }
0xe9: {  	[sflag:s0] =	ssyncset.done $0x0  }
0xea: {  	[sflag:s0] =	ssyncadd.s32 $0xFFFFD800  }
0xeb: {  	[spmem:s2] =	stream.indirect.scatter.add.f32 [tilespmem:s30], [sflag:$0x3], $0x80, s7, s1, $0xb8;
	[tilespmem:$0x1CC00] =	vst v63  }
0xec: {  	_ =	swait.ge [sflag:s3], $0x2800  }
0xed: {  	[sflag:s3] =	ssyncset.done $0x0  }
0xee: {  	[sflag:s3] =	ssyncadd.s32 $0xFFFFD800  }
0xef: {  	_ =	swait.ge [sflag:s6], $0x2800  }
0xf0: {  	[sflag:s6] =	ssyncset.done $0x0  }
0xf1: {  	[sflag:s6] =	ssyncadd.s32 $0xFFFFD800  }
0xf2: {  	[bflag:$0x0] =	sbarrier.arrive $0xFFFF  }
0xf3: {  	[hbm:s21], [sflag:s9] =	dma.local [spmem:s10], $0x2780  }
0xf4: {  	_ =	swait.ge [sflag:s29], $0x2780  }
0xf5: {  	[sflag:s29] =	ssyncset.done $0x0  }
0xf6: {  	[sflag:s29] =	ssyncadd.s32 $0xFFFFD880  }
0xf7: {  	[bflag:$0x0] =	sbarrier.arrive $0xFFFF  }
0xf8: {  	[spmem:s10], [sflag:s9] =	dma.local [hbm:s19], $0x2780  }
0xf9: {  	_ =	swait.ge [sflag:s29], $0x2780  }
0xfa: {  	[sflag:s29] =	ssyncset.done $0x0  }
0xfb: {  	[sflag:s29] =	ssyncadd.s32 $0xFFFFD880  }
0xfc: {  	[bflag:$0x0] =	sbarrier.arrive $0xFFFF  }
0xfd: {  	s11 =	simm.s32 $0x0;
	s12 =	rddreg [dreg:$0x8]  }
0xfe: {  	[tilespmem:s30], [sflag:$0x1] =	stream.linear.gather [hbm4b:s12+s11], $0x2800, $0x38;
	[tilespmem:$0x1CC00] =	vst v63  }
0xff: {  	s14 =	rddreg [dreg:$0xf]  }
0x100: {  	[tilespmem:s31], [sflag:$0x2] =	stream.linear.gather [hbm4b:s14+s11], $0x2800, $0x38;
	[tilespmem:$0x1CC00] =	vst v63  }
0x101: {  	_ =	swait.ge [sflag:s0], $0x2800  }
0x102: {  	[sflag:s0] =	ssyncset.done $0x0  }
0x103: {  	[sflag:s0] =	ssyncadd.s32 $0xFFFFD800  }
0x104: {  	[spmem:s2] =	stream.indirect.scatter.add.f32 [tilespmem:s30], [sflag:$0x3], $0x80, s11, s1, $0xb8;
	[tilespmem:$0x1CC00] =	vst v63  }
0x105: {  	_ =	swait.ge [sflag:s3], $0x2800  }
0x106: {  	[sflag:s3] =	ssyncset.done $0x0  }
0x107: {  	[sflag:s3] =	ssyncadd.s32 $0xFFFFD800  }
0x108: {  	[tilespmem:s30], [sflag:$0x1] =	stream.linear.gather [hbm4b:s15+s11], $0x2800, $0x38;
	[tilespmem:$0x1CC00] =	vst v63  }
0x109: {  	_ =	swait.ge [sflag:s4], $0x2800  }
0x10a: {  	[sflag:s4] =	ssyncset.done $0x0  }
0x10b: {  	[sflag:s4] =	ssyncadd.s32 $0xFFFFD800  }
0x10c: {  	[spmem:s2] =	stream.indirect.scatter.add.f32 [tilespmem:s31], [sflag:$0x4], $0x80, s5, s1, $0xb8;
	[tilespmem:$0x1CC00] =	vst v63  }
0x10d: {  	_ =	swait.ge [sflag:s6], $0x2800  }
0x10e: {  	[sflag:s6] =	ssyncset.done $0x0  }
0x10f: {  	[sflag:s6] =	ssyncadd.s32 $0xFFFFD800  }
0x110: {  	[tilespmem:s31], [sflag:$0x2] =	stream.linear.gather [hbm4b:s28+s16], $0x2800, $0x38;
	[tilespmem:$0x1CC00] =	vst v63  }
0x111: {  	_ =	swait.ge [sflag:s0], $0x2800  }
0x112: {  	[sflag:s0] =	ssyncset.done $0x0  }
0x113: {  	s13 =	simm.s32 $0x100;
	[sflag:s0] =	ssyncadd.s32 $0xFFFFD800  }
0x114: {  	[spmem:s2] =	stream.indirect.scatter.add.f32 [tilespmem:s30], [sflag:$0x3], $0x80, s13, s1, $0xb8;
	[tilespmem:$0x1CC00] =	vst v63  }
0x115: {  	_ =	swait.ge [sflag:s3], $0x2800  }
0x116: {  	[sflag:s3] =	ssyncset.done $0x0  }
0x117: {  	s14 =	sadd.s32 $0x500, s28;
	[sflag:s3] =	ssyncadd.s32 $0xFFFFD800  }
0x118: {  	[tilespmem:s30], [sflag:$0x1] =	stream.linear.gather [hbm4b:s14+s16], $0x2800, $0x38;
	[tilespmem:$0x1CC00] =	vst v63  }
0x119: {  	_ =	swait.ge [sflag:s4], $0x2800  }
0x11a: {  	s12 =	sadd.s32 $0xA00, s28;
	[sflag:s4] =	ssyncset.done $0x0  }
0x11b: {  	s11 =	simm.s32 $0x400;
	s13 =	simm.s32 $0x180;
	[sflag:s4] =	ssyncadd.s32 $0xFFFFD800  }
.LBB2_8:
0x11c: {  	[spmem:s2] =	stream.indirect.scatter.add.f32 [tilespmem:s31], [sflag:$0x4], $0x80, s13, s1, $0xb8;
	[tilespmem:$0x1CC00] =	vst v63  }
0x11d: {  	s13 =	smov.u32 s11  }
0x11e: {  	p0 =	sne.s32 s11, $0xF000;
	s11 =	sadd.s32 $0x400, s11;
	_ =	swait.ge [sflag:s6], $0x2800  }
0x11f: {  	[sflag:s6] =	ssyncset.done $0x0  }
0x120: {  	[sflag:s6] =	ssyncadd.s32 $0xFFFFD800  }
0x121: {  	[tilespmem:s31], [sflag:$0x2] =	stream.linear.gather [hbm4b:s12+s16], $0x2800, $0x38;
	[tilespmem:$0x1CC00] =	vst v63  }
0x122: {  	_ =	swait.ge [sflag:s0], $0x2800  }
0x123: {  	s13 =	sshra.s32 s13, $0x2;
	[sflag:s0] =	ssyncset.done $0x0  }
0x124: {  	s14 =	sadd.s32 $0x100, s13;
	[sflag:s0] =	ssyncadd.s32 $0xFFFFD800  }
0x125: {  	[spmem:s2] =	stream.indirect.scatter.add.f32 [tilespmem:s30], [sflag:$0x3], $0x80, s14, s1, $0xb8;
	[tilespmem:$0x1CC00] =	vst v63  }
0x126: {  	_ =	swait.ge [sflag:s3], $0x2800  }
0x127: {  	[sflag:s3] =	ssyncset.done $0x0  }
.Ltmp3:
0x128: {  	s14 =	sadd.s32 $0x500, s12;
	[sflag:s3] =	ssyncadd.s32 $0xFFFFD800;
	(pc) =	sbr.rel @p0 .LBB2_8-.Ltmp3, $4  }
0x129: {  	[tilespmem:s30], [sflag:$0x1] =	stream.linear.gather [hbm4b:s14+s16], $0x2800, $0x38;
	[tilespmem:$0x1CC00] =	vst v63  }
0x12a: {  	_ =	swait.ge [sflag:s4], $0x2800  }
0x12b: {  	[sflag:s4] =	ssyncset.done $0x0  }
0x12c: {  	s13 =	sadd.s32 $0x180, s13;
	s12 =	sadd.s32 $0xA00, s12;
	[sflag:s4] =	ssyncadd.s32 $0xFFFFD800  }
0x12d: {  	[spmem:s2] =	stream.indirect.scatter.add.f32 [tilespmem:s31], [sflag:$0x4], $0x80, s13, s1, $0xb8;
	[tilespmem:$0x1CC00] =	vst v63  }
0x12e: {  	_ =	swait.ge [sflag:s0], $0x2800  }
0x12f: {  	[sflag:s0] =	ssyncset.done $0x0  }
0x130: {  	[sflag:s0] =	ssyncadd.s32 $0xFFFFD800  }
0x131: {  	[spmem:s2] =	stream.indirect.scatter.add.f32 [tilespmem:s30], [sflag:$0x3], $0x80, s7, s1, $0xb8;
	[tilespmem:$0x1CC00] =	vst v63  }
0x132: {  	_ =	swait.ge [sflag:s3], $0x2800  }
0x133: {  	[sflag:s3] =	ssyncset.done $0x0  }
0x134: {  	[sflag:s3] =	ssyncadd.s32 $0xFFFFD800  }
0x135: {  	_ =	swait.ge [sflag:s6], $0x2800  }
0x136: {  	[sflag:s6] =	ssyncset.done $0x0  }
0x137: {  	s8 =	sadd.s32 $0x1, s8;
	[sflag:s6] =	ssyncadd.s32 $0xFFFFD800  }
0x138: {  	p0 =	sne.s32 s8, s23;
	[bflag:$0x0] =	sbarrier.arrive $0xFFFF  }
0x139: {  	[hbm:s22], [sflag:s9] =	dma.local [spmem:s10], $0x2780  }
.Ltmp4:
0x13a: {  	_ =	swait.ge [sflag:s29], $0x2780;
	(pc) =	sbr.rel @p0 .LBB2_1-.Ltmp4, $3  }
0x13b: {  	[sflag:s29] =	ssyncset.done $0x0  }
0x13c: {  	[sflag:s29] =	ssyncadd.s32 $0xFFFFD880  }
0x13d: {  	[bflag:$0x0] =	sbarrier.arrive $0xFFFF;
	_ =	sdelay $0x1  }
0x13e: {  	_ =	sfence.sel $0x180000  }
0x13f: {  	[bflag:$0x0] =	sbarrier.arrive $0xFFFF  }
0x140: {  	_ =	strace $0x9000004A  }
0x141: {  	s0 =	stileid.u32;
	[bflag:$0x2] =	sbarrier.arrive $0xFFFF  }
0x142: {  	p0 =	sne.s32 s0, $0x0;
	s0 =	rddreg [dreg:$0x3]  }
0x143: {  	s0 =	sadd.s32 @!p0 $0x100000, s0  }
0x144: {  	[sflag:s0] =	ssyncadd.tile.s32 @!p0 $0x1;
	_ =	shalt  }
.Lfunc_end2:
_tile_overlayer_lowered:
.L_overlay_start_2:
0x145: {  	(tag) =	ssettag $0x2  }
0x146: {  	s0 =	rddreg [dreg:$0x0];
	s2 =	stileid.u32  }
0x147: {  	s1 =	rddreg [dreg:$0x1];
	p0 =	sne.s32 s2, $0x0  }
0x148: {  	s3 =	rddreg [dreg:$0x2];
	[bflag:$0x3] =	sbarrier.arrive $0xFFFF;
	s2 =	simm.s32 @!p0 $0x1C05  }
0x149: {  	[timem:s3], [sflag:s2] =	dma.local @!p0 [hbm:s0], s1  }
0x14a: {  	s0 =	simm.s32 @!p0 $0x5  }
0x14b: {  	_ =	swait.ge @!p0 [sflag:s0], s1  }
0x14c: {  	s1 =	ssub.s32 @!p0 $0x0, s1;
	[sflag:s0] =	ssyncset.done @!p0 $0x0  }
0x14d: {  	[sflag:s0] =	ssyncadd.s32 @!p0 s1  }
0x14e: {  	[bflag:$0x3] =	sbarrier.arrive $0xFFFF  }
0x14f: {  	_ =	shalt  }

// kernel: kernel.7.cloned.1.call-start
scs
__scs_entry_jumppad:
0x0: {  	(pc) =	sbr.rel $0x88, $3  }
0x1: {  	(tag) =	ssettag $0x0;
	lr =	simm.s32 $0x1  }
0x2: {  	[smem:$0x3F86] =	sst lr;
	_ =	strace $0xD0000000  }
0x3: {  	_ = 	snop  }
0x4: {  	_ = 	snop  }
0x5: {  	_ = 	snop  }
0x6: {  	_ = 	snop  }
0x7: {  	_ = 	snop  }
__scs_overlays_trampoline_lowered:
0x8: {  	[smem:$0x3F95] =	sst s0  }
0x9: {  	[smem:$0x3F96] =	sst s1  }
0xa: {  	[smem:$0x3F97] =	sst s2  }
0xb: {  	[smem:$0x3F98] =	sst s3  }
0xc: {  	[smem:$0x3F99] =	sst s4  }
0xd: {  	[smem:$0x3F9A] =	sst s5  }
0xe: {  	[smem:$0x3F9B] =	sst s6  }
0xf: {  	[smem:$0x3F9C] =	sst s7  }
0x10: {  	[smem:$0x3F9D] =	sst s8  }
0x11: {  	[smem:$0x3F9E] =	sst s9;
	s0 =	simm.s32 @!p0 $0x0  }
0x12: {  	s1 =	sld [smem:$0x3F84];
	s0 =	simm.s32 @p0 $0x1  }
0x13: {  	[smem:$0x3F9F] =	sst s0;
	s0 =	simm.s32 @!p1 $0x0  }
0x14: {  	s2 =	sld [smem:$0x3F83];
	s0 =	simm.s32 @p1 $0x1  }
0x15: {  	[smem:$0x3FA0] =	sst s0;
	s0 =	simm.s32 @!p2 $0x0  }
0x16: {  	s3 =	sld [smem:$0x3FDB];
	s0 =	simm.s32 @p2 $0x1  }
0x17: {  	s4 =	simm.s32 $0x1BF5;
	[smem:$0x3FA2] =	sst s0  }
0x18: {  	s0 =	sld [smem:$0x3F85];
	_ =	swait.ge [sflag:s4], $0x0  }
0x19: {  	s7 =	sld [smem:$0x3F86]  }
0x1a: {  	s8 =	sadd.s32 $0xFFFFE003, lr  }
0x1b: {  	s9 =	sadd.s32 $0xFFFFFEF7, lr;
	s5 =	simm.s32 $0xFFFFFFFF;
	p2 =	slt.u32 s8, $0xFFFFF086  }
0x1c: {  	p1 =	slt.u32 s9, $0xF7A;
	s5 =	simm.s32 @!p2 $0x0  }
0x1d: {  	s5 =	simm.s32 @p1 $0x1;
	p0 =	seq.s32 s7, s2  }
0x1e: {  	s7 =	smul.u32 @!p0 $0xF7A, s2;
	p2 =	seq.s32 @!p0 s5, $0x0  }
0x1f: {  	s9 =	smul.u32 $0xF7A, s1;
	s8 =	simm.s32 @!p0 $0x1BF5;
	p2 =	por !p2, p0  }
0x20: {  	[sflag:s8] =	ssyncset.s32 @!p0 $0xFFFFF086;
	s6 =	sadd.s32 @!p0 s3, s7;
	s7 =	simm.s32 @!p0 $0x108  }
0x21: {  	s3 =	sadd.s32 s3, s9;
	s6 =	sadd.s32 @!p0 $0x88, s6;
	s7 =	simm.s32 @p2 $0x1082  }
0x22: {  	[simem:s7], [sflag:s8] =	dma.local @!p0 [hbm:s6], $0xF7A  }
0x23: {  	s9 =	sor.u32 $0xD0000000, s2;
	s6 =	simm.s32 $0x108;
	_ =	swait.ge @!p0 [sflag:s8], $0x0  }
0x24: {  	s3 =	sadd.s32 $0x88, s3;
	s6 =	simm.s32 @!p1 $0x1082;
	[sflag:s4] =	ssyncset.s32 $0xFFFFF086  }
0x25: {  	[simem:s6], [sflag:s4] =	dma.local [hbm:s3], $0xF7A  }
0x26: {  	[smem:$0x3F86] =	sst s1;
	(tag) =	ssettag s2;
	_ =	strace s9  }
0x27: {  	s1 =	sld [smem:$0x3F96]  }
0x28: {  	s2 =	sld [smem:$0x3F97]  }
0x29: {  	s4 =	sld [smem:$0x3F99]  }
0x2a: {  	p0 =	seq.s32 s5, $0x0;
	s5 =	sld [smem:$0x3F9A]  }
0x2b: {  	s6 =	sld [smem:$0x3F9B]  }
0x2c: {  	s7 =	sld [smem:$0x3F9C]  }
0x2d: {  	s3 =	simm.s32 $0x108;
	s8 =	sld [smem:$0x3F9D]  }
0x2e: {  	s3 =	simm.s32 @!p0 $0x1082;
	s9 =	sld [smem:$0x3F9E]  }
0x2f: {  	lr =	sadd.s32 s0, s3;
	s0 =	sld [smem:$0x3F95]  }
0x30: {  	s3 =	sld [smem:$0x3F98]  }
0x31: {  	[smem:$0x3FA1] =	sst s10  }
0x32: {  	s10 =	sld [smem:$0x3F9F];
	_ =	sdelay $0x3  }
0x33: {  	p0 =	seq.s32 s10, $0x1;
	s10 =	sld [smem:$0x3FA1];
	_ =	sdelay $0x3  }
0x34: {  	[smem:$0x3FA1] =	sst s10  }
0x35: {  	s10 =	sld [smem:$0x3FA0];
	_ =	sdelay $0x3  }
0x36: {  	p1 =	seq.s32 s10, $0x1;
	s10 =	sld [smem:$0x3FA1];
	_ =	sdelay $0x3  }
0x37: {  	[smem:$0x3FA1] =	sst s10  }
0x38: {  	s10 =	sld [smem:$0x3FA2]  }
0x39: {  	_ = 	snop;
	(pc) =	sbr.ind lr, $3  }
0x3a: {  	_ = 	snop  }
0x3b: {  	_ = 	snop  }
0x3c: {  	p2 =	seq.s32 s10, $0x1;
	s10 =	sld [smem:$0x3FA1]  }
0x3d: {  	_ =	shalt  }
0x3e: {  	_ =	shalt  }
0x3f: {  	_ =	shalt  }
0x40: {  	_ =	shalt  }
0x41: {  	_ =	shalt  }
0x42: {  	_ =	shalt  }
0x43: {  	_ =	shalt  }
0x44: {  	_ =	shalt  }
0x45: {  	_ =	shalt  }
0x46: {  	_ =	shalt  }
0x47: {  	_ =	shalt  }
0x48: {  	_ =	shalt  }
0x49: {  	_ =	shalt  }
0x4a: {  	_ =	shalt  }
0x4b: {  	_ =	shalt  }
0x4c: {  	_ =	shalt  }
0x4d: {  	_ =	shalt  }
0x4e: {  	_ =	shalt  }
0x4f: {  	_ =	shalt  }
0x50: {  	_ =	shalt  }
0x51: {  	_ =	shalt  }
0x52: {  	_ =	shalt  }
0x53: {  	_ =	shalt  }
0x54: {  	_ =	shalt  }
0x55: {  	_ =	shalt  }
0x56: {  	_ =	shalt  }
0x57: {  	_ =	shalt  }
0x58: {  	_ =	shalt  }
0x59: {  	_ =	shalt  }
0x5a: {  	_ =	shalt  }
0x5b: {  	_ =	shalt  }
0x5c: {  	_ =	shalt  }
0x5d: {  	_ =	shalt  }
0x5e: {  	_ =	shalt  }
0x5f: {  	_ =	shalt  }
0x60: {  	_ =	shalt  }
0x61: {  	_ =	shalt  }
0x62: {  	_ =	shalt  }
0x63: {  	_ =	shalt  }
0x64: {  	_ =	shalt  }
0x65: {  	_ =	shalt  }
0x66: {  	_ =	shalt  }
0x67: {  	_ =	shalt  }
0x68: {  	_ =	shalt  }
0x69: {  	_ =	shalt  }
0x6a: {  	_ =	shalt  }
0x6b: {  	_ =	shalt  }
0x6c: {  	_ =	shalt  }
0x6d: {  	_ =	shalt  }
0x6e: {  	_ =	shalt  }
0x6f: {  	_ =	shalt  }
0x70: {  	_ =	shalt  }
0x71: {  	_ =	shalt  }
0x72: {  	_ =	shalt  }
0x73: {  	_ =	shalt  }
0x74: {  	_ =	shalt  }
0x75: {  	_ =	shalt  }
0x76: {  	_ =	shalt  }
0x77: {  	_ =	shalt  }
0x78: {  	_ =	shalt  }
0x79: {  	_ =	shalt  }
0x7a: {  	_ =	shalt  }
0x7b: {  	_ =	shalt  }
0x7c: {  	_ =	shalt  }
0x7d: {  	_ =	shalt  }
0x7e: {  	_ =	shalt  }
0x7f: {  	_ =	shalt  }
0x80: {  	_ =	shalt  }
0x81: {  	_ =	shalt  }
0x82: {  	_ =	shalt  }
0x83: {  	_ =	shalt  }
0x84: {  	_ =	shalt  }
0x85: {  	_ =	shalt  }
0x86: {  	_ =	shalt  }
0x87: {  	_ =	shalt  }
.Lfunc_end0:
.L_simem_size_0:
called_computation_lowered:
.L_overlay_start_0:
0x88: {  	s2 =	sld [smem:$0x3FD9]  }
0x89: {  	s3 =	sld [smem:$0x3FFE];
	_ =	sdelay $0x1  }
0x8a: {  	s1 =	srdreg.scid  }
0x8b: {  	s0 =	sand.u32 $0x1, s1  }
0x8c: {  	s14 =	sshll.u32 s0, $0xA;
	s2 =	sadd.s32 s3, s2  }
0x8d: {  	s2 =	sadd.s32 s2, s14  }
0x8e: {  	[smem:$0x3FAD] =	sst s2  }
0x8f: {  	_ = 	snop  }
0x90: {  	s2 =	sld [smem:$0x3FD0];
	_ =	sdelay $0x2  }
0x91: {  	s15 =	simm.s32 $0xA;
	s4 =	simm.s32 $0x10  }
0x92: {  	[smem:s4], [sflag:s15] =	dma.local [hbm:s2], $0x1  }
0x93: {  	_ =	swait.eq [sflag:s15], $0x1  }
0x94: {  	[sflag:s15] =	ssyncset.done $0x0  }
0x95: {  	[sflag:s15] =	ssyncadd.s32 $0xFFFFFFFF  }
0x96: {  	s16 =	sld [smem:$0x10];
	(tm) =	ssettm $0x1  }
0x97: {  	s17 =	sld [smem:$0x3FFB];
	_ =	sdelay $0x3  }
0x98: {  	_ =	strace s17  }
0x99: {  	s3 =	sld [smem:$0x3FFC];
	_ =	sdelay $0x3  }
0x9a: {  	_ =	strace s3  }
0x9b: {  	s3 =	sld [smem:$0x3FFD];
	_ =	sdelay $0x3  }
0x9c: {  	_ =	strace s3  }
0x9d: {  	_ =	strace $0x8FFFFFFF  }
0x9e: {  	s18 =	sld [smem:$0x3FDB];
	_ =	sdelay $0x1  }
0x9f: {  	s19 =	simm.s32 $_scs_section_size  }
0xa0: {  	s5 =	simm.s32 $_size__tile_overlayer_lowered;
	s6 =	simm.s32 $_tile_overlayer_lowered  }
0xa1: {  	s22 =	simm.s32 $0x1BFF;
	s21 =	sshll.u32 s6, $0x1;
	s3 =	sadd.s32 s19, s18  }
0xa2: {  	s7 =	simm.s32 $0x0;
	s20 =	sshll.u32 s5, $0x1;
	s5 =	sadd.s32 s21, s3  }
0xa3: {  	[timem:s7], [sflag:s22] =	dma.local [hbm:s5], s20  }
0xa4: {  	_ =	swait.ge [sflag:s22], s20  }
0xa5: {  	s4 =	ssub.s32 $0x0, s20;
	[sflag:s22] =	ssyncset.done $0x0  }
0xa6: {  	[sflag:s22] =	ssyncadd.s32 s4;
	_ =	sdelay $0x1  }
0xa7: {  	s23 =	simm.s32 $0x1B8B  }
0xa8: {  	_ =	swait.ge [sflag:s23], $0x1  }
0xa9: {  	[sflag:s23] =	ssyncset.done $0x0  }
0xaa: {  	s25 =	simm.s32 $0x1B8E;
	s24 =	sld [smem:$0x3FFE];
	[sflag:s23] =	ssyncadd.s32 $0xFFFFFFFF  }
0xab: {  	s26 =	simm.s32 $execute0_lowered;
	[smem:$0x3FD2] =	sst s25  }
0xac: {  	s5 =	sshll.u32 s26, $0x1;
	_ =	strace $0x80000046;
	[dreg:$0x1] =	wrdreg $0xFFFFFFFF  }
0xad: {  	s28 =	simm.s32 $_size_execute0_lowered;
	s3 =	sadd.s32 s3, s5;
	[dreg:$0x0] =	wrdreg $0x0  }
0xae: {  	s5 =	sshll.u32 s28, $0x1;
	[dreg:$0x2] =	wrdreg s3  }
0xaf: {  	[dreg:$0x3] =	wrdreg s5  }
0xb0: {  	[dreg:$0x4] =	wrdreg $0xC0  }
0xb1: {  	_ =	task [dreg:s7], $0x5FFFF  }
0xb2: {  	[dreg:$0x1] =	wrdreg $0xFFFFFFFF  }
0xb3: {  	[dreg:$0x0] =	wrdreg $0x60  }
0xb4: {  	[dreg:$0x2] =	wrdreg s16  }
0xb5: {  	[dreg:$0x3] =	wrdreg s24  }
0xb6: {  	[dreg:$0x4] =	wrdreg $0x9  }
0xb7: {  	_ =	task.clear_ibuf [dreg:s7], $0x5FFFF;
	_ =	strace $0x90000046  }
0xb8: {  	s29 =	simm.s32 $0x9;
	_ =	strace $0x80000048  }
0xb9: {  	_ =	swait.ge [sflag:s29], $0x1  }
0xba: {  	[sflag:s29] =	ssyncadd.s32 $0xFFFFFFFF  }
0xbb: {  	_ =	strace $0x90000048  }
0xbc: {  	_ =	sfence  }
0xbd: {  	s30 =	sld [smem:$0x0];
	_ =	sdelay $0x2  }
0xbe: {  	s31 =	sshll.u32 s1, $0xD;
	s1 =	sshrl.u32 s1, $0x2  }
0xbf: {  	s3 =	sand.u32 $0x4000, s31;
	s1 =	sadd.s32 s1, s30  }
0xc0: {  	s0 =	sor.u32 s3, s0;
	s1 =	sshll.u32 s1, $0x11  }
0xc1: {  	s0 =	sor.u32 s1, s0  }
0xc2: {  	s0 =	sadd.s32 $0x8F2B, s0  }
0xc3: {  	[sflag:s0] =	ssyncadd.remote.s32 $0x1  }
0xc4: {  	_ =	sfence.sel $0xFFFF  }
0xc5: {  	[dreg:$0x0] =	wrdreg $0xFFFFFFFF;
	(pc) =	sbr.abs _section_cstart, $3  }
0xc6: {  	[dreg:$0x1] =	wrdreg $0xFFFFFFFF  }
0xc7: {  	_ =	task.clear_ibuf [dreg:s7], $0x2FFFF;
	_ =	strace $0x9FFFFFFF  }
0xc8: {  	(tm) =	ssettm $0x7FFFFFFF  }
0xc9: {  	_ =	shalt  }
tec
execute0_lowered:
.L_overlay_start_1:
0x0: {  	(tag) =	ssettag $0x1  }
0x1: {  	s18 =	rddreg [dreg:$0x0]  }
0x2: {  	s0 =	srdreg.scid;
	s11 =	stileid.u32  }
0x3: {  	s1 =	rddreg [dreg:$0x1];
	s3 =	simm.s32 $0x0;
	s19 =	simm.s32 $0x14700  }
0x4: {  	s20 =	simm.s32 $0x14F00;
	s21 =	simm.s32 $0x15700;
	s23 =	simm.s32 $0x15F00  }
0x5: {  	s24 =	simm.s32 $0x16700;
	s25 =	simm.s32 $0x16F00;
	s26 =	simm.s32 $0x17700  }
0x6: {  	s2 =	simm.s32 $0x17F00;
	s28 =	simm.s32 $0xD700;
	[smem:$0x7FF] =	sst s3  }
0x7: {  	s29 =	simm.s32 $0xDF00;
	_ =	strace $0x80000047;
	[dreg:$0x3] =	wrdreg s19  }
0x8: {  	s30 =	simm.s32 $0xE700;
	s31 =	simm.s32 $0xEF00;
	[dreg:$0x4] =	wrdreg s20  }
0x9: {  	s0 =	sand.u32 $0x1, s0;
	s4 =	sshll.u32 s11, $0x1;
	[dreg:$0x5] =	wrdreg s21  }
0xa: {  	s8 =	sadd.s32 $0x152600, s1;
	s14 =	smul.u32 $0x4E200, s11;
	[dreg:$0x6] =	wrdreg s23  }
0xb: {  	s10 =	sadd.s32 $0x634600, s1;
	s22 =	smul.u32 $0x138800, s11;
	[dreg:$0x7] =	wrdreg s24  }
0xc: {  	s11 =	simm.s32 $0x1AF00;
	s4 =	sor.u32 s0, s4;
	[dreg:$0x8] =	wrdreg s25  }
0xd: {  	s7 =	ssub.s32 $0x2, s0;
	s15 =	smul.u32 $0x27100, s0;
	[dreg:$0x9] =	wrdreg s26  }
0xe: {  	s0 =	smul.u32 $0x9C400, s0;
	[dreg:$0xa] =	wrdreg s2;
	s23 =	simm.s32 $0xAF00  }
0xf: {  	[dreg:$0x10] =	wrdreg s11;
	s21 =	simm.s32 $0xB700;
	s24 =	simm.s32 $0xBF00  }
0x10: {  	s25 =	simm.s32 $0xC700;
	s19 =	simm.s32 $0x1CF00;
	s26 =	simm.s32 $0xCF00  }
0x11: {  	s20 =	simm.s32 $0x1D700;
	s2 =	simm.s32 $0x11F00;
	s11 =	simm.s32 $0x13F00  }
0x12: {  	s5 =	smul.u32 $0x2710, s4;
	s4 =	sadd.s32 $0x67E00, s1;
	s9 =	sshrl.u32 s7, $0x1  }
0x13: {  	s17 =	sadd.s32 s14, s8;
	s14 =	simm.s32 $0x1C700;
	[dreg:$0x14] =	wrdreg s19  }
0x14: {  	[dreg:$0x15] =	wrdreg s20;
	s19 =	simm.s32 $0x0;
	s9 =	ssub.s32 s7, s9  }
0x15: {  	s7 =	sadd.s32 $0x67F00, s1;
	[dreg:$0x13] =	wrdreg s14;
	s6 =	sshrl.u32 s5, $0x3  }
0x16: {  	s13 =	sadd.s32 $0x26C0, s5;
	s16 =	smax.u32 s9, $0x1;
	s9 =	simm.s32 $0x19F00  }
0x17: {  	s6 =	sadd.s32 s6, s1;
	s5 =	sshll.u32 s13, $0x4;
	[dreg:$0x1a] =	wrdreg s16  }
0x18: {  	s1 =	sshll.u32 s13, $0x6;
	[dreg:$0xe] =	wrdreg s9;
	s13 =	simm.s32 $0x1BF00  }
0x19: {  	s14 =	simm.s32 $0x1;
	s12 =	sadd.s32 $0x5E000, s6;
	[dreg:$0x12] =	wrdreg s13  }
0x1a: {  	s16 =	simm.s32 $0x4F00;
	s6 =	sadd.s32 $0x54200, s6;
	[dreg:$0x16] =	wrdreg s12  }
0x1b: {  	s9 =	simm.s32 $0x11700;
	s5 =	sadd.s32 s8, s5;
	[dreg:$0x17] =	wrdreg s6  }
0x1c: {  	s1 =	sadd.s32 s10, s1;
	s8 =	simm.s32 $0x19700;
	[dreg:$0x18] =	wrdreg s5  }
0x1d: {  	s13 =	simm.s32 $0x2;
	[dreg:$0x19] =	wrdreg s1;
	s1 =	sadd.s32 s15, s17  }
0x1e: {  	s5 =	sadd.s32 s22, s10;
	s6 =	simm.s32 $0x18F00;
	s15 =	simm.s32 $0x50  }
0x1f: {  	[dreg:$0xd] =	wrdreg s8;
	s17 =	simm.s32 $0x9F00;
	s10 =	simm.s32 $0x1A700  }
0x20: {  	s22 =	simm.s32 $0xA700;
	s12 =	simm.s32 $0x1B700;
	[dreg:$0xc] =	wrdreg s6  }
0x21: {  	s8 =	simm.s32 $0x10F00;
	s1 =	sadd.s32 $0x500, s1;
	[dreg:$0xf] =	wrdreg s10  }
0x22: {  	s0 =	sadd.s32 s0, s5;
	s5 =	simm.s32 $0x18700;
	[dreg:$0x11] =	wrdreg s12  }
0x23: {  	v2 =	vlaneseq.u32;
	s6 =	simm.s32 $0x10700;
	s10 =	simm.s32 $0x7700;
	[dreg:$0x1b] =	wrdreg s1  }
0x24: {  	vm0 =	vmmov $0xffff;
	v1 =	vshrl.u32 v2, $0x3;
	s12 =	simm.s32 $0x3;
	s0 =	sadd.s32 $0x1400, s0;
	[dreg:$0xb] =	wrdreg s5  }
0x25: {  	v0 =	vand.u32 $0x7, v2;
	v2 =	vor.u32 $0x8, v2;
	v1 =	vmul.u32 $0x8, v1;
	s5 =	simm.s32 $0xFF00;
	[dreg:$0x1c] =	wrdreg s0;
	s0 =	simm.s32 $0xF700  }
.LBB2_1:
0x26: {  	[dreg:$0x1d] =	wrdreg s19  }
0x27: {  	s20 =	rddreg [dreg:$0x16];
	s19 =	simm.s32 $0x5  }
0x28: {  	[tilespmem:s3], [sflag:$0x5] =	stream.linear.gather [hbm4b:s20+s3], $0x2710, $0x38;
	[tilespmem:$0x1DF00] =	vst v63  }
0x29: {  	_ =	swait.ge [sflag:s19], $0x2710  }
0x2a: {  	s1 =	smov.u32 s18;
	[sflag:s19] =	ssyncset.done $0x0  }
0x2b: {  	s20 =	simm.s32 $0x2780;
	s18 =	rddreg [dreg:$0x17];
	[sflag:s19] =	ssyncadd.s32 $0xFFFFD8F0  }
0x2c: {  	[tilespmem:s20], [sflag:$0x5] =	stream.linear.gather [hbm4b:s18+s3], $0x2710, $0x38;
	[tilespmem:$0x1DF00] =	vst v63  }
0x2d: {  	_ =	swait.ge [sflag:s19], $0x2710  }
0x2e: {  	[sflag:s19] =	ssyncset.done $0x0  }
0x2f: {  	[sflag:s19] =	ssyncadd.s32 $0xFFFFD8F0  }
0x30: {  	[tilespmem:s16], [sflag:$0x1] =	stream.indirect.gather [hbm4b:s1+s15], $0x80, s20, s15, $0xb8;
	[tilespmem:$0x1DF00] =	vst v63  }
0x31: {  	v3 =	vld [tilespmem:$0x0];
	_ =	sdelay $0x4  }
0x32: {  	v4 =	vshll.u32 v3, $0x2  }
0x33: {  	v3 =	vand.u32 $0x7, v3;
	v4 =	vand.u32 $0xFFFFFFE0, v4  }
0x34: {  	v3 =	vor.u32 v3, v4  }
0x35: {  	v4 =	vperm.xlane v3, v0;
	_ =	sdelay $0x1  }
0x36: {  	v4 =	vadd.s32 v1, v4;
	_ =	sdelay $0x1  }
0x37: {  	v3 =	vperm.xlane v3, v2;
	_ =	sdelay $0x1  }
0x38: {  	v3 =	vadd.s32 v1, v3  }
0x39: {  	[tilespmem:s17], [sflag:$0x1] =	stream.indirect_vreg.gather [hbm4b:s4+s3], $0x80, v4, vm0, $0xb8;
	[tilespmem:$0x1DF00] =	vst v63  }
0x3a: {  	_ = 	snop  }
0x3b: {  	[tilespmem:s22], [sflag:$0x1] =	stream.indirect_vreg.gather [hbm4b:s7+s3], $0x80, v4, vm0, $0xb8;
	[tilespmem:$0x1DF00] =	vst v63  }
0x3c: {  	_ = 	snop  }
0x3d: {  	[tilespmem:s23], [sflag:$0x1] =	stream.indirect_vreg.gather [hbm4b:s4+s3], $0x80, v3, vm0, $0xb8;
	[tilespmem:$0x1DF00] =	vst v63  }
0x3e: {  	_ = 	snop  }
0x3f: {  	[tilespmem:s21], [sflag:$0x1] =	stream.indirect_vreg.gather [hbm4b:s7+s3], $0x80, v3, vm0, $0xb8;
	[tilespmem:$0x1DF00] =	vst v63  }
0x40: {  	v3 =	vld [tilespmem:$0x10];
	_ =	sdelay $0x4  }
0x41: {  	v60 =	vshll.u32 v3, $0x2  }
0x42: {  	v3 =	vand.u32 $0x7, v3;
	v4 =	vand.u32 $0xFFFFFFE0, v60  }
0x43: {  	v3 =	vor.u32 v3, v4  }
0x44: {  	v4 =	vperm.xlane v3, v0;
	_ =	sdelay $0x1  }
0x45: {  	v4 =	vadd.s32 v1, v4;
	_ =	sdelay $0x1  }
0x46: {  	v3 =	vperm.xlane v3, v2;
	_ =	sdelay $0x1  }
0x47: {  	v3 =	vadd.s32 v1, v3  }
0x48: {  	[tilespmem:s24], [sflag:$0x1] =	stream.indirect_vreg.gather [hbm4b:s4+s3], $0x80, v4, vm0, $0xb8;
	[tilespmem:$0x1DF00] =	vst v63  }
0x49: {  	_ = 	snop  }
0x4a: {  	[tilespmem:s25], [sflag:$0x1] =	stream.indirect_vreg.gather [hbm4b:s7+s3], $0x80, v4, vm0, $0xb8;
	[tilespmem:$0x1DF00] =	vst v63  }
0x4b: {  	_ = 	snop  }
0x4c: {  	[tilespmem:s26], [sflag:$0x1] =	stream.indirect_vreg.gather [hbm4b:s4+s3], $0x80, v3, vm0, $0xb8;
	[tilespmem:$0x1DF00] =	vst v63  }
0x4d: {  	_ = 	snop  }
0x4e: {  	[tilespmem:s28], [sflag:$0x1] =	stream.indirect_vreg.gather [hbm4b:s7+s3], $0x80, v3, vm0, $0xb8;
	[tilespmem:$0x1DF00] =	vst v63  }
0x4f: {  	v3 =	vld [tilespmem:$0x20];
	_ =	sdelay $0x4  }
0x50: {  	v61 =	vshll.u32 v3, $0x2  }
0x51: {  	v3 =	vand.u32 $0x7, v3;
	v4 =	vand.u32 $0xFFFFFFE0, v61  }
0x52: {  	v3 =	vor.u32 v3, v4  }
0x53: {  	v4 =	vperm.xlane v3, v0;
	_ =	sdelay $0x1  }
0x54: {  	v4 =	vadd.s32 v1, v4;
	_ =	sdelay $0x1  }
0x55: {  	v3 =	vperm.xlane v3, v2;
	_ =	sdelay $0x1  }
0x56: {  	v3 =	vadd.s32 v1, v3  }
0x57: {  	[tilespmem:s29], [sflag:$0x1] =	stream.indirect_vreg.gather [hbm4b:s4+s3], $0x80, v4, vm0, $0xb8;
	[tilespmem:$0x1DF00] =	vst v63  }
0x58: {  	_ = 	snop  }
0x59: {  	[tilespmem:s30], [sflag:$0x1] =	stream.indirect_vreg.gather [hbm4b:s7+s3], $0x80, v4, vm0, $0xb8;
	[tilespmem:$0x1DF00] =	vst v63  }
0x5a: {  	_ = 	snop  }
0x5b: {  	[tilespmem:s31], [sflag:$0x1] =	stream.indirect_vreg.gather [hbm4b:s4+s3], $0x80, v3, vm0, $0xb8;
	[tilespmem:$0x1DF00] =	vst v63  }
0x5c: {  	_ = 	snop  }
0x5d: {  	[tilespmem:s0], [sflag:$0x1] =	stream.indirect_vreg.gather [hbm4b:s7+s3], $0x80, v3, vm0, $0xb8;
	[tilespmem:$0x1DF00] =	vst v63  }
0x5e: {  	v3 =	vld [tilespmem:$0x30];
	_ =	sdelay $0x4  }
0x5f: {  	v62 =	vshll.u32 v3, $0x2  }
0x60: {  	v3 =	vand.u32 $0x7, v3;
	v4 =	vand.u32 $0xFFFFFFE0, v62  }
0x61: {  	v3 =	vor.u32 v3, v4  }
0x62: {  	v4 =	vperm.xlane v3, v0;
	_ =	sdelay $0x1  }
0x63: {  	v4 =	vadd.s32 v1, v4;
	_ =	sdelay $0x1  }
0x64: {  	v3 =	vperm.xlane v3, v2;
	_ =	sdelay $0x1  }
0x65: {  	v3 =	vadd.s32 v1, v3  }
0x66: {  	[tilespmem:s5], [sflag:$0x1] =	stream.indirect_vreg.gather [hbm4b:s4+s3], $0x80, v4, vm0, $0xb8;
	[tilespmem:$0x1DF00] =	vst v63  }
0x67: {  	_ = 	snop  }
0x68: {  	[tilespmem:s6], [sflag:$0x1] =	stream.indirect_vreg.gather [hbm4b:s7+s3], $0x80, v4, vm0, $0xb8;
	[tilespmem:$0x1DF00] =	vst v63  }
0x69: {  	_ = 	snop  }
0x6a: {  	[tilespmem:s8], [sflag:$0x1] =	stream.indirect_vreg.gather [hbm4b:s4+s3], $0x80, v3, vm0, $0xb8;
	[tilespmem:$0x1DF00] =	vst v63  }
0x6b: {  	_ = 	snop  }
0x6c: {  	[tilespmem:s9], [sflag:$0x1] =	stream.indirect_vreg.gather [hbm4b:s7+s3], $0x80, v3, vm0, $0xb8;
	[tilespmem:$0x1DF00] =	vst v63  }
0x6d: {  	v3 =	vld [tilespmem:$0x40];
	_ =	sdelay $0x4  }
0x6e: {  	v63 =	vshll.u32 v3, $0x2  }
0x6f: {  	v3 =	vand.u32 $0x7, v3;
	v4 =	vand.u32 $0xFFFFFFE0, v63  }
0x70: {  	v3 =	vor.u32 v3, v4  }
0x71: {  	v4 =	vperm.xlane v3, v0;
	_ =	sdelay $0x1  }
0x72: {  	v4 =	vadd.s32 v1, v4;
	_ =	sdelay $0x1  }
0x73: {  	s18 =	rddreg [dreg:$0x1c];
	v3 =	vperm.xlane v3, v2  }
0x74: {  	s19 =	rddreg [dreg:$0x1b];
	s20 =	simm.s32 $0x0;
	s25 =	simm.s32 $0x12700  }
0x75: {  	s26 =	simm.s32 $0x12700;
	s28 =	simm.s32 $0x12F00;
	s29 =	simm.s32 $0xD700;
	v3 =	vadd.s32 v1, v3  }
0x76: {  	[tilespmem:s2], [sflag:$0x1] =	stream.indirect_vreg.gather [hbm4b:s4+s3], $0x80, v4, vm0, $0xb8;
	[tilespmem:$0x1DF00] =	vst v63  }
0x77: {  	s30 =	simm.s32 $0x13700;
	s31 =	simm.s32 $0xE700;
	s0 =	simm.s32 $0xF700  }
0x78: {  	[tilespmem:s26], [sflag:$0x1] =	stream.indirect_vreg.gather [hbm4b:s7+s3], $0x80, v4, vm0, $0xb8;
	[tilespmem:$0x1DF00] =	vst v63  }
0x79: {  	s5 =	simm.s32 $0xFF00;
	s6 =	simm.s32 $0x10700;
	s8 =	simm.s32 $0x10F00  }
0x7a: {  	[tilespmem:s28], [sflag:$0x1] =	stream.indirect_vreg.gather [hbm4b:s4+s3], $0x80, v3, vm0, $0xb8;
	[tilespmem:$0x1DF00] =	vst v63  }
0x7b: {  	s9 =	simm.s32 $0x11700;
	s2 =	simm.s32 $0x11F00;
	s26 =	simm.s32 $0xC700  }
0x7c: {  	[tilespmem:s30], [sflag:$0x1] =	stream.indirect_vreg.gather [hbm4b:s7+s3], $0x80, v3, vm0, $0xb8;
	[tilespmem:$0x1DF00] =	vst v63  }
.LBB2_2:
0x7d: {  	p0 =	seq.s32 s20, $0x0  }
0x7e: {  	s22 =	simm.s32 @!p0 $0x4  }
0x7f: {  	_ =	swait.ge @!p0 [sflag:s22], $0x2800  }
0x80: {  	[sflag:s22] =	ssyncset.done @!p0 $0x0  }
0x81: {  	[sflag:s22] =	ssyncadd.s32 @!p0 $0xFFFFD800  }
0x82: {  	_ =	swait.ge @!p0 [sflag:s22], $0xA000  }
0x83: {  	s21 =	sshra.s32 s20, $0x2;
	[sflag:s22] =	ssyncset.done @!p0 $0x0  }
0x84: {  	s23 =	sadd.s32 $0x27D0, s21;
	[sflag:s22] =	ssyncadd.s32 @!p0 $0xFFFF6000  }
0x85: {  	[tilespmem:s10], [sflag:$0x2] =	stream.indirect.gather [hbm4b:s1+s15], $0x80, s23, s15, $0xb8;
	[tilespmem:$0x1DF00] =	vst v63  }
0x86: {  	v3 =	vld [tilespmem:s21+$0x50];
	_ =	sdelay $0x4  }
0x87: {  	v4 =	vshll.u32 v3, $0x2  }
0x88: {  	v3 =	vand.u32 $0x7, v3;
	v4 =	vand.u32 $0xFFFFFFE0, v4  }
0x89: {  	v3 =	vor.u32 v3, v4  }
0x8a: {  	v4 =	vperm.xlane v3, v0;
	_ =	sdelay $0x1  }
0x8b: {  	v4 =	vadd.s32 v1, v4;
	_ =	sdelay $0x1  }
0x8c: {  	v3 =	vperm.xlane v3, v2;
	_ =	sdelay $0x1  }
0x8d: {  	v3 =	vadd.s32 v1, v3  }
0x8e: {  	[tilespmem:s11], [sflag:$0x2] =	stream.indirect_vreg.gather [hbm4b:s4+s3], $0x80, v4, vm0, $0xb8;
	[tilespmem:$0x1DF00] =	vst v63  }
0x8f: {  	s24 =	rddreg [dreg:$0x3]  }
0x90: {  	[tilespmem:s24], [sflag:$0x2] =	stream.indirect_vreg.gather [hbm4b:s7+s3], $0x80, v4, vm0, $0xb8;
	[tilespmem:$0x1DF00] =	vst v63  }
0x91: {  	s23 =	rddreg [dreg:$0x4]  }
0x92: {  	[tilespmem:s23], [sflag:$0x2] =	stream.indirect_vreg.gather [hbm4b:s4+s3], $0x80, v3, vm0, $0xb8;
	[tilespmem:$0x1DF00] =	vst v63  }
0x93: {  	s24 =	rddreg [dreg:$0x5]  }
0x94: {  	[tilespmem:s24], [sflag:$0x2] =	stream.indirect_vreg.gather [hbm4b:s7+s3], $0x80, v3, vm0, $0xb8;
	[tilespmem:$0x1DF00] =	vst v63  }
0x95: {  	v3 =	vld [tilespmem:s21+$0x60];
	_ =	sdelay $0x4  }
0x96: {  	v55 =	vshll.u32 v3, $0x2  }
0x97: {  	v3 =	vand.u32 $0x7, v3;
	v4 =	vand.u32 $0xFFFFFFE0, v55  }
0x98: {  	v3 =	vor.u32 v3, v4  }
0x99: {  	v4 =	vperm.xlane v3, v0;
	_ =	sdelay $0x1  }
0x9a: {  	v4 =	vadd.s32 v1, v4;
	_ =	sdelay $0x1  }
0x9b: {  	v3 =	vperm.xlane v3, v2;
	_ =	sdelay $0x1  }
0x9c: {  	s23 =	rddreg [dreg:$0x6];
	v3 =	vadd.s32 v1, v3  }
0x9d: {  	[tilespmem:s23], [sflag:$0x2] =	stream.indirect_vreg.gather [hbm4b:s4+s3], $0x80, v4, vm0, $0xb8;
	[tilespmem:$0x1DF00] =	vst v63  }
0x9e: {  	s24 =	rddreg [dreg:$0x7]  }
0x9f: {  	[tilespmem:s24], [sflag:$0x2] =	stream.indirect_vreg.gather [hbm4b:s7+s3], $0x80, v4, vm0, $0xb8;
	[tilespmem:$0x1DF00] =	vst v63  }
0xa0: {  	s22 =	rddreg [dreg:$0x8]  }
0xa1: {  	[tilespmem:s22], [sflag:$0x2] =	stream.indirect_vreg.gather [hbm4b:s4+s3], $0x80, v3, vm0, $0xb8;
	[tilespmem:$0x1DF00] =	vst v63  }
0xa2: {  	s24 =	rddreg [dreg:$0x9]  }
0xa3: {  	[tilespmem:s24], [sflag:$0x2] =	stream.indirect_vreg.gather [hbm4b:s7+s3], $0x80, v3, vm0, $0xb8;
	[tilespmem:$0x1DF00] =	vst v63  }
0xa4: {  	v3 =	vld [tilespmem:s21+$0x70];
	_ =	sdelay $0x4  }
0xa5: {  	v56 =	vshll.u32 v3, $0x2  }
0xa6: {  	v3 =	vand.u32 $0x7, v3;
	v4 =	vand.u32 $0xFFFFFFE0, v56  }
0xa7: {  	v3 =	vor.u32 v3, v4  }
0xa8: {  	v4 =	vperm.xlane v3, v0;
	_ =	sdelay $0x1  }
0xa9: {  	v4 =	vadd.s32 v1, v4;
	_ =	sdelay $0x1  }
0xaa: {  	v3 =	vperm.xlane v3, v2;
	_ =	sdelay $0x1  }
0xab: {  	s23 =	rddreg [dreg:$0xa];
	v3 =	vadd.s32 v1, v3  }
0xac: {  	[tilespmem:s23], [sflag:$0x2] =	stream.indirect_vreg.gather [hbm4b:s4+s3], $0x80, v4, vm0, $0xb8;
	[tilespmem:$0x1DF00] =	vst v63  }
0xad: {  	s24 =	rddreg [dreg:$0xb]  }
0xae: {  	[tilespmem:s24], [sflag:$0x2] =	stream.indirect_vreg.gather [hbm4b:s7+s3], $0x80, v4, vm0, $0xb8;
	[tilespmem:$0x1DF00] =	vst v63  }
0xaf: {  	s22 =	rddreg [dreg:$0xc]  }
0xb0: {  	[tilespmem:s22], [sflag:$0x2] =	stream.indirect_vreg.gather [hbm4b:s4+s3], $0x80, v3, vm0, $0xb8;
	[tilespmem:$0x1DF00] =	vst v63  }
0xb1: {  	s24 =	rddreg [dreg:$0xd]  }
0xb2: {  	[tilespmem:s24], [sflag:$0x2] =	stream.indirect_vreg.gather [hbm4b:s7+s3], $0x80, v3, vm0, $0xb8;
	[tilespmem:$0x1DF00] =	vst v63  }
0xb3: {  	v3 =	vld [tilespmem:s21+$0x80];
	_ =	sdelay $0x4  }
0xb4: {  	v57 =	vshll.u32 v3, $0x2  }
0xb5: {  	v3 =	vand.u32 $0x7, v3;
	v4 =	vand.u32 $0xFFFFFFE0, v57  }
0xb6: {  	v3 =	vor.u32 v3, v4  }
0xb7: {  	v4 =	vperm.xlane v3, v0;
	_ =	sdelay $0x1  }
0xb8: {  	v4 =	vadd.s32 v1, v4;
	_ =	sdelay $0x1  }
0xb9: {  	v3 =	vperm.xlane v3, v2;
	_ =	sdelay $0x1  }
0xba: {  	s23 =	rddreg [dreg:$0xe];
	v3 =	vadd.s32 v1, v3  }
0xbb: {  	[tilespmem:s23], [sflag:$0x2] =	stream.indirect_vreg.gather [hbm4b:s4+s3], $0x80, v4, vm0, $0xb8;
	[tilespmem:$0x1DF00] =	vst v63  }
0xbc: {  	s24 =	rddreg [dreg:$0xf]  }
0xbd: {  	[tilespmem:s24], [sflag:$0x2] =	stream.indirect_vreg.gather [hbm4b:s7+s3], $0x80, v4, vm0, $0xb8;
	[tilespmem:$0x1DF00] =	vst v63  }
0xbe: {  	s22 =	rddreg [dreg:$0x10]  }
0xbf: {  	[tilespmem:s22], [sflag:$0x2] =	stream.indirect_vreg.gather [hbm4b:s4+s3], $0x80, v3, vm0, $0xb8;
	[tilespmem:$0x1DF00] =	vst v63  }
0xc0: {  	s24 =	rddreg [dreg:$0x11]  }
0xc1: {  	[tilespmem:s24], [sflag:$0x2] =	stream.indirect_vreg.gather [hbm4b:s7+s3], $0x80, v3, vm0, $0xb8;
	[tilespmem:$0x1DF00] =	vst v63  }
0xc2: {  	v3 =	vld [tilespmem:s21+$0x90];
	_ =	sdelay $0x4  }
0xc3: {  	v58 =	vshll.u32 v3, $0x2  }
0xc4: {  	v3 =	vand.u32 $0x7, v3;
	v4 =	vand.u32 $0xFFFFFFE0, v58  }
0xc5: {  	v3 =	vor.u32 v3, v4  }
0xc6: {  	v4 =	vperm.xlane v3, v0;
	_ =	sdelay $0x1  }
0xc7: {  	v4 =	vadd.s32 v1, v4;
	_ =	sdelay $0x1  }
0xc8: {  	v3 =	vperm.xlane v3, v2;
	_ =	sdelay $0x1  }
0xc9: {  	s23 =	rddreg [dreg:$0x12];
	v3 =	vadd.s32 v1, v3  }
0xca: {  	[tilespmem:s23], [sflag:$0x2] =	stream.indirect_vreg.gather [hbm4b:s4+s3], $0x80, v4, vm0, $0xb8;
	[tilespmem:$0x1DF00] =	vst v63  }
0xcb: {  	s24 =	rddreg [dreg:$0x13]  }
0xcc: {  	[tilespmem:s24], [sflag:$0x2] =	stream.indirect_vreg.gather [hbm4b:s7+s3], $0x80, v4, vm0, $0xb8;
	[tilespmem:$0x1DF00] =	vst v63  }
0xcd: {  	s22 =	rddreg [dreg:$0x14]  }
0xce: {  	[tilespmem:s22], [sflag:$0x2] =	stream.indirect_vreg.gather [hbm4b:s4+s3], $0x80, v3, vm0, $0xb8;
	[tilespmem:$0x1DF00] =	vst v63  }
0xcf: {  	s24 =	rddreg [dreg:$0x15]  }
0xd0: {  	[tilespmem:s24], [sflag:$0x2] =	stream.indirect_vreg.gather [hbm4b:s7+s3], $0x80, v3, vm0, $0xb8;
	[tilespmem:$0x1DF00] =	vst v63  }
0xd1: {  	_ =	swait.ge [sflag:s14], $0x2800  }
0xd2: {  	[sflag:s14] =	ssyncset.done $0x0  }
0xd3: {  	[sflag:s14] =	ssyncadd.s32 $0xFFFFD800  }
0xd4: {  	_ =	swait.ge [sflag:s14], $0xA000  }
0xd5: {  	[sflag:s14] =	ssyncset.done $0x0  }
0xd6: {  	s24 =	sadd.s32 $0xFFFFFB00, s19;
	[sflag:s14] =	ssyncadd.s32 $0xFFFF6000  }
0xd7: {  	[hbm4b:s24+s3] =	stream.linear.scatter [tilespmem:s16], [sflag:$0x3], $0x2800, $0x38;
	[tilespmem:$0x1DF00] =	vst v63  }
0xd8: {  	s24 =	sadd.s32 $0xFFFFEC00, s18  }
0xd9: {  	[hbm4b:s24+s3] =	stream.linear.scatter [tilespmem:s17], [sflag:$0x3], $0xA000, $0x38;
	[tilespmem:$0x1DF00] =	vst v63  }
0xda: {  	_ =	swait.ge [sflag:s12], $0x2800  }
0xdb: {  	[sflag:s12] =	ssyncset.done $0x0  }
0xdc: {  	[sflag:s12] =	ssyncadd.s32 $0xFFFFD800  }
0xdd: {  	_ =	swait.ge [sflag:s12], $0xA000  }
0xde: {  	[sflag:s12] =	ssyncset.done $0x0  }
0xdf: {  	s24 =	sadd.s32 $0x2820, s21;
	[sflag:s12] =	ssyncadd.s32 $0xFFFF6000  }
0xe0: {  	[tilespmem:s16], [sflag:$0x1] =	stream.indirect.gather [hbm4b:s1+s15], $0x80, s24, s15, $0xb8;
	[tilespmem:$0x1DF00] =	vst v63  }
0xe1: {  	v3 =	vld [tilespmem:s21+$0xA0];
	_ =	sdelay $0x4  }
0xe2: {  	v59 =	vshll.u32 v3, $0x2  }
0xe3: {  	v3 =	vand.u32 $0x7, v3;
	v4 =	vand.u32 $0xFFFFFFE0, v59  }
0xe4: {  	v3 =	vor.u32 v3, v4  }
0xe5: {  	v4 =	vperm.xlane v3, v0;
	_ =	sdelay $0x1  }
0xe6: {  	v4 =	vadd.s32 v1, v4;
	_ =	sdelay $0x1  }
0xe7: {  	v3 =	vperm.xlane v3, v2;
	_ =	sdelay $0x1  }
0xe8: {  	v3 =	vadd.s32 v1, v3  }
0xe9: {  	[tilespmem:s17], [sflag:$0x1] =	stream.indirect_vreg.gather [hbm4b:s4+s3], $0x80, v4, vm0, $0xb8;
	[tilespmem:$0x1DF00] =	vst v63  }
0xea: {  	s22 =	simm.s32 $0xA700  }
0xeb: {  	[tilespmem:s22], [sflag:$0x1] =	stream.indirect_vreg.gather [hbm4b:s7+s3], $0x80, v4, vm0, $0xb8;
	[tilespmem:$0x1DF00] =	vst v63  }
0xec: {  	s23 =	simm.s32 $0xAF00  }
0xed: {  	[tilespmem:s23], [sflag:$0x1] =	stream.indirect_vreg.gather [hbm4b:s4+s3], $0x80, v3, vm0, $0xb8;
	[tilespmem:$0x1DF00] =	vst v63  }
0xee: {  	s24 =	simm.s32 $0xB700  }
0xef: {  	[tilespmem:s24], [sflag:$0x1] =	stream.indirect_vreg.gather [hbm4b:s7+s3], $0x80, v3, vm0, $0xb8;
	[tilespmem:$0x1DF00] =	vst v63  }
0xf0: {  	v3 =	vld [tilespmem:s21+$0xB0];
	_ =	sdelay $0x4  }
0xf1: {  	v60 =	vshll.u32 v3, $0x2  }
0xf2: {  	v3 =	vand.u32 $0x7, v3;
	v4 =	vand.u32 $0xFFFFFFE0, v60  }
0xf3: {  	v3 =	vor.u32 v3, v4  }
0xf4: {  	v4 =	vperm.xlane v3, v0;
	_ =	sdelay $0x1  }
0xf5: {  	v4 =	vadd.s32 v1, v4;
	_ =	sdelay $0x1  }
0xf6: {  	v3 =	vperm.xlane v3, v2;
	_ =	sdelay $0x1  }
0xf7: {  	s24 =	simm.s32 $0xBF00;
	v3 =	vadd.s32 v1, v3  }
0xf8: {  	[tilespmem:s24], [sflag:$0x1] =	stream.indirect_vreg.gather [hbm4b:s4+s3], $0x80, v4, vm0, $0xb8;
	[tilespmem:$0x1DF00] =	vst v63  }
0xf9: {  	_ = 	snop  }
0xfa: {  	[tilespmem:s26], [sflag:$0x1] =	stream.indirect_vreg.gather [hbm4b:s7+s3], $0x80, v4, vm0, $0xb8;
	[tilespmem:$0x1DF00] =	vst v63  }
0xfb: {  	s24 =	simm.s32 $0xCF00  }
0xfc: {  	[tilespmem:s24], [sflag:$0x1] =	stream.indirect_vreg.gather [hbm4b:s4+s3], $0x80, v3, vm0, $0xb8;
	[tilespmem:$0x1DF00] =	vst v63  }
0xfd: {  	_ = 	snop  }
0xfe: {  	[tilespmem:s29], [sflag:$0x1] =	stream.indirect_vreg.gather [hbm4b:s7+s3], $0x80, v3, vm0, $0xb8;
	[tilespmem:$0x1DF00] =	vst v63  }
0xff: {  	v3 =	vld [tilespmem:s21+$0xC0];
	_ =	sdelay $0x4  }
0x100: {  	v61 =	vshll.u32 v3, $0x2  }
0x101: {  	v3 =	vand.u32 $0x7, v3;
	v4 =	vand.u32 $0xFFFFFFE0, v61  }
0x102: {  	v3 =	vor.u32 v3, v4  }
0x103: {  	v4 =	vperm.xlane v3, v0;
	_ =	sdelay $0x1  }
0x104: {  	v4 =	vadd.s32 v1, v4;
	_ =	sdelay $0x1  }
0x105: {  	v3 =	vperm.xlane v3, v2;
	_ =	sdelay $0x1  }
0x106: {  	s24 =	simm.s32 $0xDF00;
	v3 =	vadd.s32 v1, v3  }
0x107: {  	[tilespmem:s24], [sflag:$0x1] =	stream.indirect_vreg.gather [hbm4b:s4+s3], $0x80, v4, vm0, $0xb8;
	[tilespmem:$0x1DF00] =	vst v63  }
0x108: {  	_ = 	snop  }
0x109: {  	[tilespmem:s31], [sflag:$0x1] =	stream.indirect_vreg.gather [hbm4b:s7+s3], $0x80, v4, vm0, $0xb8;
	[tilespmem:$0x1DF00] =	vst v63  }
0x10a: {  	s24 =	simm.s32 $0xEF00  }
0x10b: {  	[tilespmem:s24], [sflag:$0x1] =	stream.indirect_vreg.gather [hbm4b:s4+s3], $0x80, v3, vm0, $0xb8;
	[tilespmem:$0x1DF00] =	vst v63  }
0x10c: {  	_ = 	snop  }
0x10d: {  	[tilespmem:s0], [sflag:$0x1] =	stream.indirect_vreg.gather [hbm4b:s7+s3], $0x80, v3, vm0, $0xb8;
	[tilespmem:$0x1DF00] =	vst v63  }
0x10e: {  	v3 =	vld [tilespmem:s21+$0xD0];
	_ =	sdelay $0x4  }
0x10f: {  	v62 =	vshll.u32 v3, $0x2  }
0x110: {  	v3 =	vand.u32 $0x7, v3;
	v4 =	vand.u32 $0xFFFFFFE0, v62  }
0x111: {  	v3 =	vor.u32 v3, v4  }
0x112: {  	v4 =	vperm.xlane v3, v0;
	_ =	sdelay $0x1  }
0x113: {  	v4 =	vadd.s32 v1, v4;
	_ =	sdelay $0x1  }
0x114: {  	v3 =	vperm.xlane v3, v2;
	_ =	sdelay $0x1  }
0x115: {  	v3 =	vadd.s32 v1, v3  }
0x116: {  	[tilespmem:s5], [sflag:$0x1] =	stream.indirect_vreg.gather [hbm4b:s4+s3], $0x80, v4, vm0, $0xb8;
	[tilespmem:$0x1DF00] =	vst v63  }
0x117: {  	_ = 	snop  }
0x118: {  	[tilespmem:s6], [sflag:$0x1] =	stream.indirect_vreg.gather [hbm4b:s7+s3], $0x80, v4, vm0, $0xb8;
	[tilespmem:$0x1DF00] =	vst v63  }
0x119: {  	_ = 	snop  }
0x11a: {  	[tilespmem:s8], [sflag:$0x1] =	stream.indirect_vreg.gather [hbm4b:s4+s3], $0x80, v3, vm0, $0xb8;
	[tilespmem:$0x1DF00] =	vst v63  }
0x11b: {  	_ = 	snop  }
0x11c: {  	[tilespmem:s9], [sflag:$0x1] =	stream.indirect_vreg.gather [hbm4b:s7+s3], $0x80, v3, vm0, $0xb8;
	[tilespmem:$0x1DF00] =	vst v63  }
0x11d: {  	v3 =	vld [tilespmem:s21+$0xE0];
	_ =	sdelay $0x4  }
0x11e: {  	v63 =	vshll.u32 v3, $0x2  }
0x11f: {  	v3 =	vand.u32 $0x7, v3;
	v4 =	vand.u32 $0xFFFFFFE0, v63  }
0x120: {  	v3 =	vor.u32 v3, v4  }
0x121: {  	v4 =	vperm.xlane v3, v0;
	_ =	sdelay $0x1  }
0x122: {  	v4 =	vadd.s32 v1, v4;
	_ =	sdelay $0x1  }
0x123: {  	v3 =	vperm.xlane v3, v2;
	_ =	sdelay $0x1  }
0x124: {  	v3 =	vadd.s32 v1, v3  }
0x125: {  	[tilespmem:s2], [sflag:$0x1] =	stream.indirect_vreg.gather [hbm4b:s4+s3], $0x80, v4, vm0, $0xb8;
	[tilespmem:$0x1DF00] =	vst v63  }
0x126: {  	_ = 	snop  }
0x127: {  	[tilespmem:s25], [sflag:$0x1] =	stream.indirect_vreg.gather [hbm4b:s7+s3], $0x80, v4, vm0, $0xb8;
	[tilespmem:$0x1DF00] =	vst v63  }
0x128: {  	_ = 	snop  }
0x129: {  	[tilespmem:s28], [sflag:$0x1] =	stream.indirect_vreg.gather [hbm4b:s4+s3], $0x80, v3, vm0, $0xb8;
	[tilespmem:$0x1DF00] =	vst v63  }
0x12a: {  	_ = 	snop  }
0x12b: {  	[tilespmem:s30], [sflag:$0x1] =	stream.indirect_vreg.gather [hbm4b:s7+s3], $0x80, v3, vm0, $0xb8;
	[tilespmem:$0x1DF00] =	vst v63  }
0x12c: {  	_ =	swait.ge [sflag:s13], $0x2800  }
0x12d: {  	[sflag:s13] =	ssyncset.done $0x0  }
0x12e: {  	[sflag:s13] =	ssyncadd.s32 $0xFFFFD800  }
0x12f: {  	s20 =	sadd.s32 $0x280, s20;
	_ =	swait.ge [sflag:s13], $0xA000  }
0x130: {  	p0 =	sne.s32 s20, $0x9B00;
	[sflag:s13] =	ssyncset.done $0x0  }
.Ltmp0:
0x131: {  	[sflag:s13] =	ssyncadd.s32 $0xFFFF6000;
	(pc) =	sbr.rel @p0 .LBB2_2-.Ltmp0, $4  }
0x132: {  	[hbm4b:s19+s3] =	stream.linear.scatter [tilespmem:s10], [sflag:$0x4], $0x2800, $0x38;
	[tilespmem:$0x1DF00] =	vst v63  }
0x133: {  	_ = 	snop  }
0x134: {  	[hbm4b:s18+s3] =	stream.linear.scatter [tilespmem:s11], [sflag:$0x4], $0xA000, $0x38;
	[tilespmem:$0x1DF00] =	vst v63  }
0x135: {  	s19 =	sadd.s32 $0xA00, s19;
	s18 =	sadd.s32 $0x2800, s18  }
0x136: {  	_ =	swait.ge [sflag:s14], $0x2800  }
0x137: {  	[sflag:s14] =	ssyncset.done $0x0  }
0x138: {  	[sflag:s14] =	ssyncadd.s32 $0xFFFFD800  }
0x139: {  	_ =	swait.ge [sflag:s14], $0xA000  }
0x13a: {  	[sflag:s14] =	ssyncset.done $0x0  }
0x13b: {  	s18 =	rddreg [dreg:$0x18];
	[sflag:s14] =	ssyncadd.s32 $0xFFFF6000  }
0x13c: {  	[hbm4b:s18+s3] =	stream.linear.scatter [tilespmem:s16], [sflag:$0x3], $0x2800, $0x38;
	[tilespmem:$0x1DF00] =	vst v63  }
0x13d: {  	s25 =	rddreg [dreg:$0x19]  }
0x13e: {  	[hbm4b:s25+s3] =	stream.linear.scatter [tilespmem:s17], [sflag:$0x3], $0xA000, $0x38;
	[tilespmem:$0x1DF00] =	vst v63  }
0x13f: {  	_ =	swait.ge [sflag:s12], $0x2800  }
0x140: {  	[sflag:s12] =	ssyncset.done $0x0  }
0x141: {  	[sflag:s12] =	ssyncadd.s32 $0xFFFFD800  }
0x142: {  	_ =	swait.ge [sflag:s12], $0xA000  }
0x143: {  	[sflag:s12] =	ssyncset.done $0x0  }
0x144: {  	s0 =	simm.s32 $0x4;
	[sflag:s12] =	ssyncadd.s32 $0xFFFF6000  }
0x145: {  	_ =	swait.ge [sflag:s0], $0x2800  }
0x146: {  	[sflag:s0] =	ssyncset.done $0x0  }
0x147: {  	[sflag:s0] =	ssyncadd.s32 $0xFFFFD800  }
0x148: {  	_ =	swait.ge [sflag:s0], $0xA000  }
0x149: {  	s19 =	rddreg [dreg:$0x1d]  }
0x14a: {  	s21 =	simm.s32 $0xB700;
	s26 =	rddreg [dreg:$0x1a];
	s19 =	sadd.s32 $0x1, s19  }
0x14b: {  	s24 =	simm.s32 $0xBF00;
	s28 =	simm.s32 $0xD700;
	p0 =	sne.s32 s19, s26  }
.Ltmp1:
0x14c: {  	s29 =	simm.s32 $0xDF00;
	s30 =	simm.s32 $0xE700;
	(pc) =	sbr.rel @p0 .LBB2_1-.Ltmp1, $4  }
0x14d: {  	s31 =	simm.s32 $0xEF00;
	s5 =	simm.s32 $0xFF00;
	s6 =	simm.s32 $0x10700  }
0x14e: {  	s8 =	simm.s32 $0x10F00;
	s9 =	simm.s32 $0x11700;
	s2 =	simm.s32 $0x11F00  }
0x14f: {  	s18 =	smov.u32 s1;
	s25 =	simm.s32 $0xC700;
	[sflag:s0] =	ssyncset.done $0x0  }
0x150: {  	[sflag:s0] =	ssyncadd.s32 $0xFFFF6000;
	s0 =	simm.s32 $0xF700;
	s26 =	simm.s32 $0xCF00  }
0x151: {  	_ =	sfence.sel $0x180000  }
0x152: {  	[bflag:$0x0] =	sbarrier.arrive $0xFFFF  }
0x153: {  	_ =	strace $0x90000047  }
0x154: {  	s0 =	stileid.u32;
	[bflag:$0x2] =	sbarrier.arrive $0xFFFF  }
0x155: {  	p0 =	sne.s32 s0, $0x0;
	s0 =	rddreg [dreg:$0x2]  }
0x156: {  	s0 =	sadd.s32 @!p0 $0x100000, s0  }
0x157: {  	[sflag:s0] =	ssyncadd.tile.s32 @!p0 $0x1;
	_ =	shalt  }
.Lfunc_end2:
_tile_overlayer_lowered:
.L_overlay_start_2:
0x158: {  	(tag) =	ssettag $0x2  }
0x159: {  	s0 =	rddreg [dreg:$0x0];
	s2 =	stileid.u32  }
0x15a: {  	s1 =	rddreg [dreg:$0x1];
	p0 =	sne.s32 s2, $0x0  }
0x15b: {  	s3 =	rddreg [dreg:$0x2];
	[bflag:$0x3] =	sbarrier.arrive $0xFFFF;
	s2 =	simm.s32 @!p0 $0x1C05  }
0x15c: {  	[timem:s3], [sflag:s2] =	dma.local @!p0 [hbm:s0], s1  }
0x15d: {  	s0 =	simm.s32 @!p0 $0x5  }
0x15e: {  	_ =	swait.ge @!p0 [sflag:s0], s1  }
0x15f: {  	s1 =	ssub.s32 @!p0 $0x0, s1;
	[sflag:s0] =	ssyncset.done @!p0 $0x0  }
0x160: {  	[sflag:s0] =	ssyncadd.s32 @!p0 s1  }
0x161: {  	[bflag:$0x3] =	sbarrier.arrive $0xFFFF  }
0x162: {  	_ =	shalt  }

</sc_bundles>
